<compile_context>
chip_gen: v7x
topology: tpu7x:2x2x1
jax: 0.10.2.dev20260603
libtpu: 0.0.44.dev20260713+nightly
codegen_flags: <defaults>
</compile_context>

<pallas_src>
import functools
import jax
import jax.numpy as jnp
from jax import lax
from jax.experimental import pallas as pl
from jax.experimental.pallas import tpu as pltpu
from jax.experimental.pallas import tpu_sc as plsc

NV = 10000
E = 320000
DEMB = 128
DIN = 128
B = 4096
HID = 500
NLAB = 2

NC = 2
NS = 16
NW = NC * NS
K = 128
HD = DEMB // 2
NB2 = 160
PH = 40
PHIT = PH // 2
NPH = NB2 // PH
EP = NS * NB2 * K
NB = 80
NVP = 10240
RPT = NVP // NS
NPB = B // NS // K

_mesh = plsc.VectorSubcoreMesh(core_axis_name="c", subcore_axis_name="s")



@functools.partial(
    pl.kernel,
    out_type=(
        jax.ShapeDtypeStruct((NC, NVP, 16), jnp.float32),
        jax.ShapeDtypeStruct((NC, B, 16), jnp.float32),
    ),
    mesh=_mesh,
    scratch_types=[
        pltpu.VMEM_SHARED((NVP, 16), jnp.float32),
        pltpu.VMEM((NB, K), jnp.int32),
        pltpu.VMEM((K, 16), jnp.float32),
        pltpu.VMEM((RPT, 16), jnp.float32),
        pltpu.VMEM((NPB, K), jnp.int32),
        pltpu.SemaphoreType.DMA,
    ],
)
def _deg_sc(src_hbm, zeros_hbm, ones_hbm, node_hbm, out_hbm, dgn_hbm,
            acc, idx_v, ones_v, zb, nidx, sem0):
    cid = lax.axis_index("c")
    sid = lax.axis_index("s")
    pltpu.sync_copy(zeros_hbm, zb)
    pltpu.sync_copy(zb, acc.at[pl.ds(sid * RPT, RPT)])
    pltpu.sync_copy(ones_hbm, ones_v)
    pltpu.sync_copy(src_hbm.at[sid, pl.ds(cid * NB, NB)], idx_v)
    plsc.subcore_barrier()

    def body(b, carry):
        pltpu.sync_copy(ones_v, acc.at[idx_v.at[b]], add=True)
        return carry

    lax.fori_loop(0, NB, body, 0)
    plsc.subcore_barrier()
    pltpu.sync_copy(acc.at[pl.ds(sid * RPT, RPT)], zb)
    pltpu.sync_copy(zb, out_hbm.at[cid, pl.ds(sid * RPT, RPT)])

    pltpu.sync_copy(node_hbm.at[sid], nidx)
    for t in range(NPB):
        pltpu.async_copy(acc.at[nidx.at[t]], ones_v, sem0).wait()
        pltpu.sync_copy(ones_v, dgn_hbm.at[cid, pl.ds(sid * (NPB * K) + t * K, K)])



def _spmm_core(cid, sid, z_hbm, src_hbm, dst_hbm, zeros_hbm,
               zsh, acc, srcv, dstv, rows0, rows1, sem0, sem1):
    pltpu.sync_copy(zeros_hbm, rows1)
    for q in range(RPT // K):
        pltpu.sync_copy(z_hbm.at[cid, pl.ds(sid * RPT + q * K, K)], rows0)
        pltpu.sync_copy(rows0, zsh.at[pl.ds(sid * RPT + q * K, K)])
        pltpu.sync_copy(rows1, acc.at[pl.ds(sid * RPT + q * K, K)])
    plsc.subcore_barrier()

    def body(i, carry):
        b0 = 2 * i
        b1 = b0 + 1
        pltpu.make_async_copy(zsh.at[dstv.at[b0]], rows0, sem0).wait()
        pltpu.async_copy(zsh.at[dstv.at[b1]], rows1, sem1)
        pltpu.sync_copy(rows0, acc.at[srcv.at[b0]], add=True)
        pltpu.make_async_copy(zsh.at[dstv.at[b1]], rows1, sem1).wait()

        @pl.when(i < PHIT - 1)
        def _():
            pltpu.async_copy(zsh.at[dstv.at[b0 + 2]], rows0, sem0)

        pltpu.sync_copy(rows1, acc.at[srcv.at[b1]], add=True)
        return carry

    for p in range(NPH):
        pltpu.sync_copy(src_hbm.at[sid, pl.ds(p * PH, PH)], srcv)
        pltpu.sync_copy(dst_hbm.at[sid, pl.ds(p * PH, PH)], dstv)
        pltpu.async_copy(zsh.at[dstv.at[0]], rows0, sem0)
        lax.fori_loop(0, PHIT, body, 0)
    plsc.subcore_barrier()



@functools.partial(
    pl.kernel,
    out_type=jax.ShapeDtypeStruct((NC, NVP, HD), jnp.float32),
    mesh=_mesh,
    scratch_types=[
        pltpu.VMEM_SHARED((NVP, HD), jnp.float32),
        pltpu.VMEM_SHARED((NVP, HD), jnp.float32),
        pltpu.VMEM((PH, K), jnp.int32),
        pltpu.VMEM((PH, K), jnp.int32),
        pltpu.VMEM((K, HD), jnp.float32),
        pltpu.VMEM((K, HD), jnp.float32),
        pltpu.SemaphoreType.DMA,
        pltpu.SemaphoreType.DMA,
    ],
)
def _spmm_full_sc(z_hbm, src_hbm, dst_hbm, zeros_hbm,
                  out_hbm,
                  zsh, acc, srcv, dstv, rows0, rows1, sem0, sem1):
    cid = lax.axis_index("c")
    sid = lax.axis_index("s")
    _spmm_core(cid, sid, z_hbm, src_hbm, dst_hbm, zeros_hbm,
               zsh, acc, srcv, dstv, rows0, rows1, sem0, sem1)

    for q in range(RPT // K):
        pltpu.sync_copy(acc.at[pl.ds(sid * RPT + q * K, K)], rows0)
        pltpu.sync_copy(rows0, out_hbm.at[cid, pl.ds(sid * RPT + q * K, K)])



@functools.partial(
    pl.kernel,
    out_type=jax.ShapeDtypeStruct((NC, B, HD), jnp.float32),
    mesh=_mesh,
    scratch_types=[
        pltpu.VMEM_SHARED((NVP, HD), jnp.float32),
        pltpu.VMEM_SHARED((NVP, HD), jnp.float32),
        pltpu.VMEM((PH, K), jnp.int32),
        pltpu.VMEM((PH, K), jnp.int32),
        pltpu.VMEM((K, HD), jnp.float32),
        pltpu.VMEM((K, HD), jnp.float32),
        pltpu.VMEM((NPB, K), jnp.int32),
        pltpu.SemaphoreType.DMA,
        pltpu.SemaphoreType.DMA,
    ],
)
def _spmm_gather_sc(z_hbm, src_hbm, dst_hbm, zeros_hbm, node_hbm,
                    g_hbm,
                    zsh, acc, srcv, dstv, rows0, rows1, nidx, sem0, sem1):
    cid = lax.axis_index("c")
    sid = lax.axis_index("s")
    _spmm_core(cid, sid, z_hbm, src_hbm, dst_hbm, zeros_hbm,
               zsh, acc, srcv, dstv, rows0, rows1, sem0, sem1)

    pltpu.sync_copy(node_hbm.at[sid], nidx)
    for t in range(NPB):
        pltpu.async_copy(acc.at[nidx.at[t]], rows0, sem0).wait()
        pltpu.sync_copy(rows0, g_hbm.at[cid, pl.ds(sid * (NPB * K) + t * K, K)])



_RB = 2560


def _tc_b_body(degp_ref, h0_ref, w1_ref, z1_ref):
    d = degp_ref[0, :, 0:1] + degp_ref[1, :, 0:1]
    dhalf = lax.rsqrt(d)
    x1 = jnp.dot(h0_ref[...], w1_ref[...], preferred_element_type=jnp.float32)
    z = dhalf * x1
    z1_ref[0] = z[:, :HD]
    z1_ref[1] = z[:, HD:]


def _tc_b(degp, h0p, w1):
    return pl.pallas_call(
        _tc_b_body,
        grid=(NVP // _RB,),
        in_specs=[
            pl.BlockSpec((NC, _RB, 16), lambda i: (0, i, 0)),
            pl.BlockSpec((_RB, DEMB), lambda i: (i, 0)),
            pl.BlockSpec((DEMB, DEMB), lambda i: (0, 0)),
        ],
        out_specs=pl.BlockSpec((NC, _RB, HD), lambda i: (0, i, 0)),
        out_shape=jax.ShapeDtypeStruct((NC, NVP, HD), jnp.float32),
    )(degp, h0p, w1)


def _tc_d_body(sp_ref, degp_ref, w2_ref, z2_ref):
    dhalf = lax.rsqrt(degp_ref[0, :, 0:1] + degp_ref[1, :, 0:1])
    s = jnp.concatenate([sp_ref[0], sp_ref[1]], axis=1)
    h1 = jax.nn.sigmoid(dhalf * s)
    x2 = jnp.dot(h1, w2_ref[...], preferred_element_type=jnp.float32)
    z = dhalf * x2
    z2_ref[0] = z[:, :HD]
    z2_ref[1] = z[:, HD:]


def _tc_d(s1, degp, w2):
    return pl.pallas_call(
        _tc_d_body,
        grid=(NVP // _RB,),
        in_specs=[
            pl.BlockSpec((NC, _RB, HD), lambda i: (0, i, 0)),
            pl.BlockSpec((NC, _RB, 16), lambda i: (0, i, 0)),
            pl.BlockSpec((DEMB, DEMB), lambda i: (0, 0)),
        ],
        out_specs=pl.BlockSpec((NC, _RB, HD), lambda i: (0, i, 0)),
        out_shape=jax.ShapeDtypeStruct((NC, NVP, HD), jnp.float32),
    )(s1, degp, w2)


_FB = 512
_HP = 512


def _tc_f_body(g_ref, dgn_ref, x_ref, w1a_ref, w1b_ref, b1_ref,
               w2_ref, b2_ref, w3_ref, b3_ref, out_ref):
    dhn = lax.rsqrt(dgn_ref[0, :, 0:1] + dgn_ref[1, :, 0:1])
    g = jnp.concatenate([g_ref[0], g_ref[1]], axis=1)
    gcn = jax.nn.sigmoid(dhn * g)
    h = jnp.dot(gcn, w1a_ref[...], preferred_element_type=jnp.float32)
    h += jnp.dot(x_ref[...], w1b_ref[...], preferred_element_type=jnp.float32)
    h = jax.nn.sigmoid(h + b1_ref[...])
    h = jax.nn.sigmoid(
        jnp.dot(h, w2_ref[...], preferred_element_type=jnp.float32) + b2_ref[...])
    out_ref[...] = (
        jnp.dot(h, w3_ref[...], preferred_element_type=jnp.float32) + b3_ref[...])


def _tc_f(g, dgn, x, w1a, w1b, b1, w2, b2, w3, b3):
    return pl.pallas_call(
        _tc_f_body,
        grid=(B // _FB,),
        in_specs=[
            pl.BlockSpec((NC, _FB, HD), lambda i: (0, i, 0)),
            pl.BlockSpec((NC, _FB, 16), lambda i: (0, i, 0)),
            pl.BlockSpec((_FB, DIN), lambda i: (i, 0)),
            pl.BlockSpec((DEMB, _HP), lambda i: (0, 0)),
            pl.BlockSpec((DIN, _HP), lambda i: (0, 0)),
            pl.BlockSpec((1, _HP), lambda i: (0, 0)),
            pl.BlockSpec((_HP, _HP), lambda i: (0, 0)),
            pl.BlockSpec((1, _HP), lambda i: (0, 0)),
            pl.BlockSpec((_HP, DEMB), lambda i: (0, 0)),
            pl.BlockSpec((1, DEMB), lambda i: (0, 0)),
        ],
        out_specs=pl.BlockSpec((_FB, DEMB), lambda i: (i, 0)),
        out_shape=jax.ShapeDtypeStruct((B, DEMB), jnp.float32),
    )(g, dgn, x, w1a, w1b, b1, w2, b2, w3, b3)



def kernel(input_tensor, node, edge_index, H0, W1, W2, Wf1, bf1, Wf2, bf2, Wf3, bf3):
    src = edge_index[0].astype(jnp.int32)
    dst = edge_index[1].astype(jnp.int32)
    pad = EP - E
    srcp = (jnp.concatenate([src, jnp.full((pad,), NV, jnp.int32)])
            .reshape(NB2 * K, NS).T.reshape(NS, NB2, K))
    dstp = (jnp.concatenate([dst, jnp.zeros((pad,), jnp.int32)])
            .reshape(NB2 * K, NS).T.reshape(NS, NB2, K))
    nodep = node.astype(jnp.int32).reshape(NS, NPB, K)
    h0p = jnp.pad(H0, ((0, NVP - NV), (0, 0)))

    zeros16 = jnp.zeros((RPT, 16), jnp.float32)
    ones16 = jnp.ones((K, 16), jnp.float32)
    zeros64 = jnp.zeros((K, HD), jnp.float32)

    degp, dgn = _deg_sc(srcp, zeros16, ones16, nodep)
    z1 = _tc_b(degp, h0p, W1)
    s1 = _spmm_full_sc(z1, srcp, dstp, zeros64)
    z2 = _tc_d(s1, degp, W2)
    g = _spmm_gather_sc(z2, srcp, dstp, zeros64, nodep)

    hp = _HP - HID
    w1a = jnp.pad(Wf1[:DEMB], ((0, 0), (0, hp)))
    w1b = jnp.pad(Wf1[DEMB:], ((0, 0), (0, hp)))
    b1 = jnp.pad(bf1, (0, hp)).reshape(1, _HP)
    w2 = jnp.pad(Wf2, ((0, hp), (0, hp)))
    b2 = jnp.pad(bf2, (0, hp)).reshape(1, _HP)
    w3 = jnp.pad(Wf3, ((0, hp), (0, DEMB - NLAB)))
    b3 = jnp.pad(bf3, (0, DEMB - NLAB)).reshape(1, DEMB)

    scores = _tc_f(g, dgn, input_tensor, w1a, w1b, b1, w2, b2, w3, b3)
    return scores[:, :NLAB]

# --- scband reference (transcript-rebuilt; emitter-appended) ---
"""Pipeline reference for scband-gcn-fcnet-25692494365029 (READ-ONLY COPY).

The authoritative reference and input builder live on the scoring server;
editing this copy changes nothing except your own understanding.
"""

import jax, jax.numpy as jnp
import numpy as np

NV = 10000
E = 320000
DEMB = 128
DIN = 128
B = 4096
HID = 500
NLAB = 2


def _make_edges(key):
    # guarantee every node appears at least once as src and as dst (ring),
    # then fill the rest with random edges (avg_degree ~ 32)
    src0 = jnp.arange(NV, dtype=jnp.int64)
    dst0 = jnp.roll(src0, 1)
    k1, k2 = jax.random.split(key)
    src1 = jax.random.randint(k1, (E - NV,), 0, NV, dtype=jnp.int64)
    dst1 = jax.random.randint(k2, (E - NV,), 0, NV, dtype=jnp.int64)
    src = jnp.concatenate([src0, src1])
    dst = jnp.concatenate([dst0, dst1])
    return jnp.stack([src, dst])


def setup_inputs(seed: int = 0) -> dict:
    key = jax.random.key(seed)
    ks = jax.random.split(key, 12)
    edge_index = _make_edges(ks[0])
    input_tensor = jax.random.normal(ks[1], (B, DIN), dtype=jnp.float32)
    node = jax.random.randint(ks[2], (B,), 0, NV, dtype=jnp.int64)
    H0 = jax.random.normal(ks[3], (NV, DEMB), dtype=jnp.float32) * 1.0
    W1 = jax.random.normal(ks[4], (DEMB, DEMB), dtype=jnp.float32) * 0.01
    W2 = jax.random.normal(ks[5], (DEMB, DEMB), dtype=jnp.float32) * 0.01
    Wf1 = jax.random.normal(ks[6], (DIN + DEMB, HID), dtype=jnp.float32) * 0.05
    bf1 = jnp.zeros((HID,), dtype=jnp.float32)
    Wf2 = jax.random.normal(ks[7], (HID, HID), dtype=jnp.float32) * 0.05
    bf2 = jnp.zeros((HID,), dtype=jnp.float32)
    Wf3 = jax.random.normal(ks[8], (HID, NLAB), dtype=jnp.float32) * 0.05
    bf3 = jnp.zeros((NLAB,), dtype=jnp.float32)
    return {"input_tensor": input_tensor, "node": node, "edge_index": edge_index,
            "H0": H0, "W1": W1, "W2": W2,
            "Wf1": Wf1, "bf1": bf1, "Wf2": Wf2, "bf2": bf2, "Wf3": Wf3, "bf3": bf3}


def _spmm(src, dst, vals, X):
    # out[u] = sum_{(u,v) in E} vals_uv * X[v]   (LM @ X)
    msgs = X[dst] * vals[:, None]
    return jax.ops.segment_sum(msgs, src, num_segments=NV)


def reference(input_tensor, node, edge_index, H0, W1, W2, Wf1, bf1, Wf2, bf2, Wf3, bf3):
    src = edge_index[0]
    dst = edge_index[1]
    deg = jnp.bincount(src, length=NV).astype(jnp.float32)
    d_half = deg ** (-0.5)
    vals = d_half[src] * d_half[dst]  # D^{-1/2} A D^{-1/2} entry per edge
    H1 = jax.nn.sigmoid(_spmm(src, dst, vals, H0 @ W1))
    H2 = jax.nn.sigmoid(_spmm(src, dst, vals, H1 @ W2))
    gcn_out = H2[node]
    fc_input = jnp.concatenate([gcn_out, input_tensor], axis=1)
    h = jax.nn.sigmoid(fc_input @ Wf1 + bf1)
    h = jax.nn.sigmoid(h @ Wf2 + bf2)
    scores = h @ Wf3 + bf3
    return scores

if __name__ == "__main__":
    import jax
    _d = setup_inputs()
    print(jax.jit(kernel)(*tuple(_d.values())))

</pallas_src>

<mosaic_0001>
#map = affine_map<(d0, d1) -> (0, 0, 0)>
#map1 = affine_map<(d0, d1) -> (0, 0)>
module attributes {stable_mosaic.version = 14 : i64} {
  func.func @_spmm_gather_sc(%arg0: i32, %arg1: i32, %arg2: memref<2x10240x64xf32, #tpu.memory_space<hbm>>, %arg3: memref<16x160x128xi32, #tpu.memory_space<hbm>>, %arg4: memref<16x160x128xi32, #tpu.memory_space<hbm>>, %arg5: memref<128x64xf32, #tpu.memory_space<hbm>>, %arg6: memref<16x2x128xi32, #tpu.memory_space<hbm>>, %arg7: memref<2x4096x64xf32, #tpu.memory_space<hbm>>, %arg8: memref<10240x64xf32, #tpu.memory_space<vmem_shared>>, %arg9: memref<10240x64xf32, #tpu.memory_space<vmem_shared>>, %arg10: memref<40x128xi32, #tpu.memory_space<vmem>>, %arg11: memref<40x128xi32, #tpu.memory_space<vmem>>, %arg12: memref<128x64xf32, #tpu.memory_space<vmem>>, %arg13: memref<128x64xf32, #tpu.memory_space<vmem>>, %arg14: memref<2x128xi32, #tpu.memory_space<vmem>>, %arg15: memref<!tpu.dma_semaphore, #tpu.memory_space<semaphore_mem>>, %arg16: memref<!tpu.dma_semaphore, #tpu.memory_space<semaphore_mem>>) attributes {dimension_semantics = [#tpu.dimension_semantics<core_parallel>, #tpu.dimension_semantics<subcore_parallel>], iteration_bounds = array<i64: 2, 16>, scalar_prefetch = 0 : i64, scratch_operands = 9 : i64, tpu.core_type = #tpu.core_type<sc_vector_subcore>, window_params = [{transform_indices = #map}, {transform_indices = #map}, {transform_indices = #map}, {transform_indices = #map1}, {transform_indices = #map}, {transform_indices = #map}]} {
    "tpu.region"() ({
      %run_scoped3A = tpu.sem_alloc : memref<!tpu.dma_semaphore, #tpu.memory_space<semaphore_mem>>
      tpu.enqueue_dma source(%arg5 : memref<128x64xf32, #tpu.memory_space<hbm>>) target(%arg13 : memref<128x64xf32, #tpu.memory_space<vmem>>) target_semaphore(%run_scoped3A : memref<!tpu.dma_semaphore, #tpu.memory_space<semaphore_mem>>)
      tpu.wait_dma2 semaphore(%run_scoped3A : memref<!tpu.dma_semaphore, #tpu.memory_space<semaphore_mem>>) src(%arg5 : memref<128x64xf32, #tpu.memory_space<hbm>>) dst(%arg13 : memref<128x64xf32, #tpu.memory_space<vmem>>)
      tpu.yield
    }) : () -> ()
    %mul3A = arith.constant 640 : i32
    %mul3A_0 = arith.muli %arg1, %mul3A : i32
    %add3A = arith.constant 0 : i32
    %add3A_1 = arith.addi %mul3A_0, %add3A : i32
    "tpu.region"() ({
      %run_scoped3A = tpu.sem_alloc : memref<!tpu.dma_semaphore, #tpu.memory_space<semaphore_mem>>
      %dma_start3A_144 = arith.constant 0 : i32
      %dma_start3A_145 = tpu.memref_slice %arg2[%arg0, %add3A_1, %dma_start3A_144] : memref<2x10240x64xf32, #tpu.memory_space<hbm>> -> memref<1x128x64xf32, #tpu.memory_space<hbm>>
      %dma_start3A_146 = tpu.memref_squeeze %dma_start3A_145 : memref<1x128x64xf32, #tpu.memory_space<hbm>> -> memref<128x64xf32, #tpu.memory_space<hbm>>
      %dma_start3A_147 = arith.constant 0 : i32
      %dma_start3A_148 = tpu.memref_slice %arg2[%arg0, %add3A_1, %dma_start3A_147] : memref<2x10240x64xf32, #tpu.memory_space<hbm>> -> memref<1x128x64xf32, #tpu.memory_space<hbm>>
      %dma_start3A_149 = tpu.memref_squeeze %dma_start3A_148 : memref<1x128x64xf32, #tpu.memory_space<hbm>> -> memref<128x64xf32, #tpu.memory_space<hbm>>
      tpu.enqueue_dma source(%dma_start3A_149 : memref<128x64xf32, #tpu.memory_space<hbm>>) target(%arg12 : memref<128x64xf32, #tpu.memory_space<vmem>>) target_semaphore(%run_scoped3A : memref<!tpu.dma_semaphore, #tpu.memory_space<semaphore_mem>>)
      %dma_wait3A_150 = arith.constant 0 : i32
      %dma_wait3A_151 = tpu.memref_slice %arg2[%arg0, %add3A_1, %dma_wait3A_150] : memref<2x10240x64xf32, #tpu.memory_space<hbm>> -> memref<1x128x64xf32, #tpu.memory_space<hbm>>
      %dma_wait3A_152 = tpu.memref_squeeze %dma_wait3A_151 : memref<1x128x64xf32, #tpu.memory_space<hbm>> -> memref<128x64xf32, #tpu.memory_space<hbm>>
      %dma_wait3A_153 = arith.constant 0 : i32
      %dma_wait3A_154 = tpu.memref_slice %arg2[%arg0, %add3A_1, %dma_wait3A_153] : memref<2x10240x64xf32, #tpu.memory_space<hbm>> -> memref<1x128x64xf32, #tpu.memory_space<hbm>>
      %dma_wait3A_155 = tpu.memref_squeeze %dma_wait3A_154 : memref<1x128x64xf32, #tpu.memory_space<hbm>> -> memref<128x64xf32, #tpu.memory_space<hbm>>
      tpu.wait_dma2 semaphore(%run_scoped3A : memref<!tpu.dma_semaphore, #tpu.memory_space<semaphore_mem>>) src(%dma_wait3A_155 : memref<128x64xf32, #tpu.memory_space<hbm>>) dst(%arg12 : memref<128x64xf32, #tpu.memory_space<vmem>>)
      tpu.yield
    }) : () -> ()
    %mul3A_2 = arith.constant 640 : i32
    %mul3A_3 = arith.muli %arg1, %mul3A_2 : i32
    %add3A_4 = arith.constant 0 : i32
    %add3A_5 = arith.addi %mul3A_3, %add3A_4 : i32
    "tpu.region"() ({
      %run_scoped3A = tpu.sem_alloc : memref<!tpu.dma_semaphore, #tpu.memory_space<semaphore_mem>>
      %dma_start3A_144 = arith.constant 0 : i32
      %dma_start3A_145 = tpu.memref_slice %arg8[%add3A_5, %dma_start3A_144] : memref<10240x64xf32, #tpu.memory_space<vmem_shared>> -> memref<128x64xf32, #tpu.memory_space<vmem_shared>>
      %dma_start3A_146 = arith.constant 0 : i32
      %dma_start3A_147 = tpu.memref_slice %arg8[%add3A_5, %dma_start3A_146] : memref<10240x64xf32, #tpu.memory_space<vmem_shared>> -> memref<128x64xf32, #tpu.memory_space<vmem_shared>>
      tpu.enqueue_dma source(%arg12 : memref<128x64xf32, #tpu.memory_space<vmem>>) target(%dma_start3A_147 : memref<128x64xf32, #tpu.memory_space<vmem_shared>>) target_semaphore(%run_scoped3A : memref<!tpu.dma_semaphore, #tpu.memory_space<semaphore_mem>>)
      %dma_wait3A_148 = arith.constant 0 : i32
      %dma_wait3A_149 = tpu.memref_slice %arg8[%add3A_5, %dma_wait3A_148] : memref<10240x64xf32, #tpu.memory_space<vmem_shared>> -> memref<128x64xf32, #tpu.memory_space<vmem_shared>>
      %dma_wait3A_150 = arith.constant 0 : i32
      %dma_wait3A_151 = tpu.memref_slice %arg8[%add3A_5, %dma_wait3A_150] : memref<10240x64xf32, #tpu.memory_space<vmem_shared>> -> memref<128x64xf32, #tpu.memory_space<vmem_shared>>
      tpu.wait_dma2 semaphore(%run_scoped3A : memref<!tpu.dma_semaphore, #tpu.memory_space<semaphore_mem>>) src(%arg12 : memref<128x64xf32, #tpu.memory_space<vmem>>) dst(%dma_wait3A_151 : memref<128x64xf32, #tpu.memory_space<vmem_shared>>)
      tpu.yield
    }) : () -> ()
    %mul3A_6 = arith.constant 640 : i32
    %mul3A_7 = arith.muli %arg1, %mul3A_6 : i32
    %add3A_8 = arith.constant 0 : i32
    %add3A_9 = arith.addi %mul3A_7, %add3A_8 : i32
    "tpu.region"() ({
      %run_scoped3A = tpu.sem_alloc : memref<!tpu.dma_semaphore, #tpu.memory_space<semaphore_mem>>
      %dma_start3A_144 = arith.constant 0 : i32
      %dma_start3A_145 = tpu.memref_slice %arg9[%add3A_9, %dma_start3A_144] : memref<10240x64xf32, #tpu.memory_space<vmem_shared>> -> memref<128x64xf32, #tpu.memory_space<vmem_shared>>
      %dma_start3A_146 = arith.constant 0 : i32
      %dma_start3A_147 = tpu.memref_slice %arg9[%add3A_9, %dma_start3A_146] : memref<10240x64xf32, #tpu.memory_space<vmem_shared>> -> memref<128x64xf32, #tpu.memory_space<vmem_shared>>
      tpu.enqueue_dma source(%arg13 : memref<128x64xf32, #tpu.memory_space<vmem>>) target(%dma_start3A_147 : memref<128x64xf32, #tpu.memory_space<vmem_shared>>) target_semaphore(%run_scoped3A : memref<!tpu.dma_semaphore, #tpu.memory_space<semaphore_mem>>)
      %dma_wait3A_148 = arith.constant 0 : i32
      %dma_wait3A_149 = tpu.memref_slice %arg9[%add3A_9, %dma_wait3A_148] : memref<10240x64xf32, #tpu.memory_space<vmem_shared>> -> memref<128x64xf32, #tpu.memory_space<vmem_shared>>
      %dma_wait3A_150 = arith.constant 0 : i32
      %dma_wait3A_151 = tpu.memref_slice %arg9[%add3A_9, %dma_wait3A_150] : memref<10240x64xf32, #tpu.memory_space<vmem_shared>> -> memref<128x64xf32, #tpu.memory_space<vmem_shared>>
      tpu.wait_dma2 semaphore(%run_scoped3A : memref<!tpu.dma_semaphore, #tpu.memory_space<semaphore_mem>>) src(%arg13 : memref<128x64xf32, #tpu.memory_space<vmem>>) dst(%dma_wait3A_151 : memref<128x64xf32, #tpu.memory_space<vmem_shared>>)
      tpu.yield
    }) : () -> ()
    %mul3A_10 = arith.constant 640 : i32
    %mul3A_11 = arith.muli %arg1, %mul3A_10 : i32
    %add3A_12 = arith.constant 128 : i32
    %add3A_13 = arith.addi %mul3A_11, %add3A_12 : i32
    "tpu.region"() ({
      %run_scoped3A = tpu.sem_alloc : memref<!tpu.dma_semaphore, #tpu.memory_space<semaphore_mem>>
      %dma_start3A_144 = arith.constant 0 : i32
      %dma_start3A_145 = tpu.memref_slice %arg2[%arg0, %add3A_13, %dma_start3A_144] : memref<2x10240x64xf32, #tpu.memory_space<hbm>> -> memref<1x128x64xf32, #tpu.memory_space<hbm>>
      %dma_start3A_146 = tpu.memref_squeeze %dma_start3A_145 : memref<1x128x64xf32, #tpu.memory_space<hbm>> -> memref<128x64xf32, #tpu.memory_space<hbm>>
      %dma_start3A_147 = arith.constant 0 : i32
      %dma_start3A_148 = tpu.memref_slice %arg2[%arg0, %add3A_13, %dma_start3A_147] : memref<2x10240x64xf32, #tpu.memory_space<hbm>> -> memref<1x128x64xf32, #tpu.memory_space<hbm>>
      %dma_start3A_149 = tpu.memref_squeeze %dma_start3A_148 : memref<1x128x64xf32, #tpu.memory_space<hbm>> -> memref<128x64xf32, #tpu.memory_space<hbm>>
      tpu.enqueue_dma source(%dma_start3A_149 : memref<128x64xf32, #tpu.memory_space<hbm>>) target(%arg12 : memref<128x64xf32, #tpu.memory_space<vmem>>) target_semaphore(%run_scoped3A : memref<!tpu.dma_semaphore, #tpu.memory_space<semaphore_mem>>)
      %dma_wait3A_150 = arith.constant 0 : i32
      %dma_wait3A_151 = tpu.memref_slice %arg2[%arg0, %add3A_13, %dma_wait3A_150] : memref<2x10240x64xf32, #tpu.memory_space<hbm>> -> memref<1x128x64xf32, #tpu.memory_space<hbm>>
      %dma_wait3A_152 = tpu.memref_squeeze %dma_wait3A_151 : memref<1x128x64xf32, #tpu.memory_space<hbm>> -> memref<128x64xf32, #tpu.memory_space<hbm>>
      %dma_wait3A_153 = arith.constant 0 : i32
      %dma_wait3A_154 = tpu.memref_slice %arg2[%arg0, %add3A_13, %dma_wait3A_153] : memref<2x10240x64xf32, #tpu.memory_space<hbm>> -> memref<1x128x64xf32, #tpu.memory_space<hbm>>
      %dma_wait3A_155 = tpu.memref_squeeze %dma_wait3A_154 : memref<1x128x64xf32, #tpu.memory_space<hbm>> -> memref<128x64xf32, #tpu.memory_space<hbm>>
      tpu.wait_dma2 semaphore(%run_scoped3A : memref<!tpu.dma_semaphore, #tpu.memory_space<semaphore_mem>>) src(%dma_wait3A_155 : memref<128x64xf32, #tpu.memory_space<hbm>>) dst(%arg12 : memref<128x64xf32, #tpu.memory_space<vmem>>)
      tpu.yield
    }) : () -> ()
    %mul3A_14 = arith.constant 640 : i32
    %mul3A_15 = arith.muli %arg1, %mul3A_14 : i32
    %add3A_16 = arith.constant 128 : i32
    %add3A_17 = arith.addi %mul3A_15, %add3A_16 : i32
    "tpu.region"() ({
      %run_scoped3A = tpu.sem_alloc : memref<!tpu.dma_semaphore, #tpu.memory_space<semaphore_mem>>
      %dma_start3A_144 = arith.constant 0 : i32
      %dma_start3A_145 = tpu.memref_slice %arg8[%add3A_17, %dma_start3A_144] : memref<10240x64xf32, #tpu.memory_space<vmem_shared>> -> memref<128x64xf32, #tpu.memory_space<vmem_shared>>
      %dma_start3A_146 = arith.constant 0 : i32
      %dma_start3A_147 = tpu.memref_slice %arg8[%add3A_17, %dma_start3A_146] : memref<10240x64xf32, #tpu.memory_space<vmem_shared>> -> memref<128x64xf32, #tpu.memory_space<vmem_shared>>
      tpu.enqueue_dma source(%arg12 : memref<128x64xf32, #tpu.memory_space<vmem>>) target(%dma_start3A_147 : memref<128x64xf32, #tpu.memory_space<vmem_shared>>) target_semaphore(%run_scoped3A : memref<!tpu.dma_semaphore, #tpu.memory_space<semaphore_mem>>)
      %dma_wait3A_148 = arith.constant 0 : i32
      %dma_wait3A_149 = tpu.memref_slice %arg8[%add3A_17, %dma_wait3A_148] : memref<10240x64xf32, #tpu.memory_space<vmem_shared>> -> memref<128x64xf32, #tpu.memory_space<vmem_shared>>
      %dma_wait3A_150 = arith.constant 0 : i32
      %dma_wait3A_151 = tpu.memref_slice %arg8[%add3A_17, %dma_wait3A_150] : memref<10240x64xf32, #tpu.memory_space<vmem_shared>> -> memref<128x64xf32, #tpu.memory_space<vmem_shared>>
      tpu.wait_dma2 semaphore(%run_scoped3A : memref<!tpu.dma_semaphore, #tpu.memory_space<semaphore_mem>>) src(%arg12 : memref<128x64xf32, #tpu.memory_space<vmem>>) dst(%dma_wait3A_151 : memref<128x64xf32, #tpu.memory_space<vmem_shared>>)
      tpu.yield
    }) : () -> ()
    %mul3A_18 = arith.constant 640 : i32
    %mul3A_19 = arith.muli %arg1, %mul3A_18 : i32
    %add3A_20 = arith.constant 128 : i32
    %add3A_21 = arith.addi %mul3A_19, %add3A_20 : i32
    "tpu.region"() ({
      %run_scoped3A = tpu.sem_alloc : memref<!tpu.dma_semaphore, #tpu.memory_space<semaphore_mem>>
      %dma_start3A_144 = arith.constant 0 : i32
      %dma_start3A_145 = tpu.memref_slice %arg9[%add3A_21, %dma_start3A_144] : memref<10240x64xf32, #tpu.memory_space<vmem_shared>> -> memref<128x64xf32, #tpu.memory_space<vmem_shared>>
      %dma_start3A_146 = arith.constant 0 : i32
      %dma_start3A_147 = tpu.memref_slice %arg9[%add3A_21, %dma_start3A_146] : memref<10240x64xf32, #tpu.memory_space<vmem_shared>> -> memref<128x64xf32, #tpu.memory_space<vmem_shared>>
      tpu.enqueue_dma source(%arg13 : memref<128x64xf32, #tpu.memory_space<vmem>>) target(%dma_start3A_147 : memref<128x64xf32, #tpu.memory_space<vmem_shared>>) target_semaphore(%run_scoped3A : memref<!tpu.dma_semaphore, #tpu.memory_space<semaphore_mem>>)
      %dma_wait3A_148 = arith.constant 0 : i32
      %dma_wait3A_149 = tpu.memref_slice %arg9[%add3A_21, %dma_wait3A_148] : memref<10240x64xf32, #tpu.memory_space<vmem_shared>> -> memref<128x64xf32, #tpu.memory_space<vmem_shared>>
      %dma_wait3A_150 = arith.constant 0 : i32
      %dma_wait3A_151 = tpu.memref_slice %arg9[%add3A_21, %dma_wait3A_150] : memref<10240x64xf32, #tpu.memory_space<vmem_shared>> -> memref<128x64xf32, #tpu.memory_space<vmem_shared>>
      tpu.wait_dma2 semaphore(%run_scoped3A : memref<!tpu.dma_semaphore, #tpu.memory_space<semaphore_mem>>) src(%arg13 : memref<128x64xf32, #tpu.memory_space<vmem>>) dst(%dma_wait3A_151 : memref<128x64xf32, #tpu.memory_space<vmem_shared>>)
      tpu.yield
    }) : () -> ()
    %mul3A_22 = arith.constant 640 : i32
    %mul3A_23 = arith.muli %arg1, %mul3A_22 : i32
    %add3A_24 = arith.constant 256 : i32
    %add3A_25 = arith.addi %mul3A_23, %add3A_24 : i32
    "tpu.region"() ({
      %run_scoped3A = tpu.sem_alloc : memref<!tpu.dma_semaphore, #tpu.memory_space<semaphore_mem>>
      %dma_start3A_144 = arith.constant 0 : i32
      %dma_start3A_145 = tpu.memref_slice %arg2[%arg0, %add3A_25, %dma_start3A_144] : memref<2x10240x64xf32, #tpu.memory_space<hbm>> -> memref<1x128x64xf32, #tpu.memory_space<hbm>>
      %dma_start3A_146 = tpu.memref_squeeze %dma_start3A_145 : memref<1x128x64xf32, #tpu.memory_space<hbm>> -> memref<128x64xf32, #tpu.memory_space<hbm>>
      %dma_start3A_147 = arith.constant 0 : i32
      %dma_start3A_148 = tpu.memref_slice %arg2[%arg0, %add3A_25, %dma_start3A_147] : memref<2x10240x64xf32, #tpu.memory_space<hbm>> -> memref<1x128x64xf32, #tpu.memory_space<hbm>>
      %dma_start3A_149 = tpu.memref_squeeze %dma_start3A_148 : memref<1x128x64xf32, #tpu.memory_space<hbm>> -> memref<128x64xf32, #tpu.memory_space<hbm>>
      tpu.enqueue_dma source(%dma_start3A_149 : memref<128x64xf32, #tpu.memory_space<hbm>>) target(%arg12 : memref<128x64xf32, #tpu.memory_space<vmem>>) target_semaphore(%run_scoped3A : memref<!tpu.dma_semaphore, #tpu.memory_space<semaphore_mem>>)
      %dma_wait3A_150 = arith.constant 0 : i32
      %dma_wait3A_151 = tpu.memref_slice %arg2[%arg0, %add3A_25, %dma_wait3A_150] : memref<2x10240x64xf32, #tpu.memory_space<hbm>> -> memref<1x128x64xf32, #tpu.memory_space<hbm>>
      %dma_wait3A_152 = tpu.memref_squeeze %dma_wait3A_151 : memref<1x128x64xf32, #tpu.memory_space<hbm>> -> memref<128x64xf32, #tpu.memory_space<hbm>>
      %dma_wait3A_153 = arith.constant 0 : i32
      %dma_wait3A_154 = tpu.memref_slice %arg2[%arg0, %add3A_25, %dma_wait3A_153] : memref<2x10240x64xf32, #tpu.memory_space<hbm>> -> memref<1x128x64xf32, #tpu.memory_space<hbm>>
      %dma_wait3A_155 = tpu.memref_squeeze %dma_wait3A_154 : memref<1x128x64xf32, #tpu.memory_space<hbm>> -> memref<128x64xf32, #tpu.memory_space<hbm>>
      tpu.wait_dma2 semaphore(%run_scoped3A : memref<!tpu.dma_semaphore, #tpu.memory_space<semaphore_mem>>) src(%dma_wait3A_155 : memref<128x64xf32, #tpu.memory_space<hbm>>) dst(%arg12 : memref<128x64xf32, #tpu.memory_space<vmem>>)
      tpu.yield
    }) : () -> ()
    %mul3A_26 = arith.constant 640 : i32
    %mul3A_27 = arith.muli %arg1, %mul3A_26 : i32
    %add3A_28 = arith.constant 256 : i32
    %add3A_29 = arith.addi %mul3A_27, %add3A_28 : i32
    "tpu.region"() ({
      %run_scoped3A = tpu.sem_alloc : memref<!tpu.dma_semaphore, #tpu.memory_space<semaphore_mem>>
      %dma_start3A_144 = arith.constant 0 : i32
      %dma_start3A_145 = tpu.memref_slice %arg8[%add3A_29, %dma_start3A_144] : memref<10240x64xf32, #tpu.memory_space<vmem_shared>> -> memref<128x64xf32, #tpu.memory_space<vmem_shared>>
      %dma_start3A_146 = arith.constant 0 : i32
      %dma_start3A_147 = tpu.memref_slice %arg8[%add3A_29, %dma_start3A_146] : memref<10240x64xf32, #tpu.memory_space<vmem_shared>> -> memref<128x64xf32, #tpu.memory_space<vmem_shared>>
      tpu.enqueue_dma source(%arg12 : memref<128x64xf32, #tpu.memory_space<vmem>>) target(%dma_start3A_147 : memref<128x64xf32, #tpu.memory_space<vmem_shared>>) target_semaphore(%run_scoped3A : memref<!tpu.dma_semaphore, #tpu.memory_space<semaphore_mem>>)
      %dma_wait3A_148 = arith.constant 0 : i32
      %dma_wait3A_149 = tpu.memref_slice %arg8[%add3A_29, %dma_wait3A_148] : memref<10240x64xf32, #tpu.memory_space<vmem_shared>> -> memref<128x64xf32, #tpu.memory_space<vmem_shared>>
      %dma_wait3A_150 = arith.constant 0 : i32
      %dma_wait3A_151 = tpu.memref_slice %arg8[%add3A_29, %dma_wait3A_150] : memref<10240x64xf32, #tpu.memory_space<vmem_shared>> -> memref<128x64xf32, #tpu.memory_space<vmem_shared>>
      tpu.wait_dma2 semaphore(%run_scoped3A : memref<!tpu.dma_semaphore, #tpu.memory_space<semaphore_mem>>) src(%arg12 : memref<128x64xf32, #tpu.memory_space<vmem>>) dst(%dma_wait3A_151 : memref<128x64xf32, #tpu.memory_space<vmem_shared>>)
      tpu.yield
    }) : () -> ()
    %mul3A_30 = arith.constant 640 : i32
    %mul3A_31 = arith.muli %arg1, %mul3A_30 : i32
    %add3A_32 = arith.constant 256 : i32
    %add3A_33 = arith.addi %mul3A_31, %add3A_32 : i32
    "tpu.region"() ({
      %run_scoped3A = tpu.sem_alloc : memref<!tpu.dma_semaphore, #tpu.memory_space<semaphore_mem>>
      %dma_start3A_144 = arith.constant 0 : i32
      %dma_start3A_145 = tpu.memref_slice %arg9[%add3A_33, %dma_start3A_144] : memref<10240x64xf32, #tpu.memory_space<vmem_shared>> -> memref<128x64xf32, #tpu.memory_space<vmem_shared>>
      %dma_start3A_146 = arith.constant 0 : i32
      %dma_start3A_147 = tpu.memref_slice %arg9[%add3A_33, %dma_start3A_146] : memref<10240x64xf32, #tpu.memory_space<vmem_shared>> -> memref<128x64xf32, #tpu.memory_space<vmem_shared>>
      tpu.enqueue_dma source(%arg13 : memref<128x64xf32, #tpu.memory_space<vmem>>) target(%dma_start3A_147 : memref<128x64xf32, #tpu.memory_space<vmem_shared>>) target_semaphore(%run_scoped3A : memref<!tpu.dma_semaphore, #tpu.memory_space<semaphore_mem>>)
      %dma_wait3A_148 = arith.constant 0 : i32
      %dma_wait3A_149 = tpu.memref_slice %arg9[%add3A_33, %dma_wait3A_148] : memref<10240x64xf32, #tpu.memory_space<vmem_shared>> -> memref<128x64xf32, #tpu.memory_space<vmem_shared>>
      %dma_wait3A_150 = arith.constant 0 : i32
      %dma_wait3A_151 = tpu.memref_slice %arg9[%add3A_33, %dma_wait3A_150] : memref<10240x64xf32, #tpu.memory_space<vmem_shared>> -> memref<128x64xf32, #tpu.memory_space<vmem_shared>>
      tpu.wait_dma2 semaphore(%run_scoped3A : memref<!tpu.dma_semaphore, #tpu.memory_space<semaphore_mem>>) src(%arg13 : memref<128x64xf32, #tpu.memory_space<vmem>>) dst(%dma_wait3A_151 : memref<128x64xf32, #tpu.memory_space<vmem_shared>>)
      tpu.yield
    }) : () -> ()
    %mul3A_34 = arith.constant 640 : i32
    %mul3A_35 = arith.muli %arg1, %mul3A_34 : i32
    %add3A_36 = arith.constant 384 : i32
    %add3A_37 = arith.addi %mul3A_35, %add3A_36 : i32
    "tpu.region"() ({
      %run_scoped3A = tpu.sem_alloc : memref<!tpu.dma_semaphore, #tpu.memory_space<semaphore_mem>>
      %dma_start3A_144 = arith.constant 0 : i32
      %dma_start3A_145 = tpu.memref_slice %arg2[%arg0, %add3A_37, %dma_start3A_144] : memref<2x10240x64xf32, #tpu.memory_space<hbm>> -> memref<1x128x64xf32, #tpu.memory_space<hbm>>
      %dma_start3A_146 = tpu.memref_squeeze %dma_start3A_145 : memref<1x128x64xf32, #tpu.memory_space<hbm>> -> memref<128x64xf32, #tpu.memory_space<hbm>>
      %dma_start3A_147 = arith.constant 0 : i32
      %dma_start3A_148 = tpu.memref_slice %arg2[%arg0, %add3A_37, %dma_start3A_147] : memref<2x10240x64xf32, #tpu.memory_space<hbm>> -> memref<1x128x64xf32, #tpu.memory_space<hbm>>
      %dma_start3A_149 = tpu.memref_squeeze %dma_start3A_148 : memref<1x128x64xf32, #tpu.memory_space<hbm>> -> memref<128x64xf32, #tpu.memory_space<hbm>>
      tpu.enqueue_dma source(%dma_start3A_149 : memref<128x64xf32, #tpu.memory_space<hbm>>) target(%arg12 : memref<128x64xf32, #tpu.memory_space<vmem>>) target_semaphore(%run_scoped3A : memref<!tpu.dma_semaphore, #tpu.memory_space<semaphore_mem>>)
      %dma_wait3A_150 = arith.constant 0 : i32
      %dma_wait3A_151 = tpu.memref_slice %arg2[%arg0, %add3A_37, %dma_wait3A_150] : memref<2x10240x64xf32, #tpu.memory_space<hbm>> -> memref<1x128x64xf32, #tpu.memory_space<hbm>>
      %dma_wait3A_152 = tpu.memref_squeeze %dma_wait3A_151 : memref<1x128x64xf32, #tpu.memory_space<hbm>> -> memref<128x64xf32, #tpu.memory_space<hbm>>
      %dma_wait3A_153 = arith.constant 0 : i32
      %dma_wait3A_154 = tpu.memref_slice %arg2[%arg0, %add3A_37, %dma_wait3A_153] : memref<2x10240x64xf32, #tpu.memory_space<hbm>> -> memref<1x128x64xf32, #tpu.memory_space<hbm>>
      %dma_wait3A_155 = tpu.memref_squeeze %dma_wait3A_154 : memref<1x128x64xf32, #tpu.memory_space<hbm>> -> memref<128x64xf32, #tpu.memory_space<hbm>>
      tpu.wait_dma2 semaphore(%run_scoped3A : memref<!tpu.dma_semaphore, #tpu.memory_space<semaphore_mem>>) src(%dma_wait3A_155 : memref<128x64xf32, #tpu.memory_space<hbm>>) dst(%arg12 : memref<128x64xf32, #tpu.memory_space<vmem>>)
      tpu.yield
    }) : () -> ()
    %mul3A_38 = arith.constant 640 : i32
    %mul3A_39 = arith.muli %arg1, %mul3A_38 : i32
    %add3A_40 = arith.constant 384 : i32
    %add3A_41 = arith.addi %mul3A_39, %add3A_40 : i32
    "tpu.region"() ({
      %run_scoped3A = tpu.sem_alloc : memref<!tpu.dma_semaphore, #tpu.memory_space<semaphore_mem>>
      %dma_start3A_144 = arith.constant 0 : i32
      %dma_start3A_145 = tpu.memref_slice %arg8[%add3A_41, %dma_start3A_144] : memref<10240x64xf32, #tpu.memory_space<vmem_shared>> -> memref<128x64xf32, #tpu.memory_space<vmem_shared>>
      %dma_start3A_146 = arith.constant 0 : i32
      %dma_start3A_147 = tpu.memref_slice %arg8[%add3A_41, %dma_start3A_146] : memref<10240x64xf32, #tpu.memory_space<vmem_shared>> -> memref<128x64xf32, #tpu.memory_space<vmem_shared>>
      tpu.enqueue_dma source(%arg12 : memref<128x64xf32, #tpu.memory_space<vmem>>) target(%dma_start3A_147 : memref<128x64xf32, #tpu.memory_space<vmem_shared>>) target_semaphore(%run_scoped3A : memref<!tpu.dma_semaphore, #tpu.memory_space<semaphore_mem>>)
      %dma_wait3A_148 = arith.constant 0 : i32
      %dma_wait3A_149 = tpu.memref_slice %arg8[%add3A_41, %dma_wait3A_148] : memref<10240x64xf32, #tpu.memory_space<vmem_shared>> -> memref<128x64xf32, #tpu.memory_space<vmem_shared>>
      %dma_wait3A_150 = arith.constant 0 : i32
      %dma_wait3A_151 = tpu.memref_slice %arg8[%add3A_41, %dma_wait3A_150] : memref<10240x64xf32, #tpu.memory_space<vmem_shared>> -> memref<128x64xf32, #tpu.memory_space<vmem_shared>>
      tpu.wait_dma2 semaphore(%run_scoped3A : memref<!tpu.dma_semaphore, #tpu.memory_space<semaphore_mem>>) src(%arg12 : memref<128x64xf32, #tpu.memory_space<vmem>>) dst(%dma_wait3A_151 : memref<128x64xf32, #tpu.memory_space<vmem_shared>>)
      tpu.yield
    }) : () -> ()
    %mul3A_42 = arith.constant 640 : i32
    %mul3A_43 = arith.muli %arg1, %mul3A_42 : i32
    %add3A_44 = arith.constant 384 : i32
    %add3A_45 = arith.addi %mul3A_43, %add3A_44 : i32
    "tpu.region"() ({
      %run_scoped3A = tpu.sem_alloc : memref<!tpu.dma_semaphore, #tpu.memory_space<semaphore_mem>>
      %dma_start3A_144 = arith.constant 0 : i32
      %dma_start3A_145 = tpu.memref_slice %arg9[%add3A_45, %dma_start3A_144] : memref<10240x64xf32, #tpu.memory_space<vmem_shared>> -> memref<128x64xf32, #tpu.memory_space<vmem_shared>>
      %dma_start3A_146 = arith.constant 0 : i32
      %dma_start3A_147 = tpu.memref_slice %arg9[%add3A_45, %dma_start3A_146] : memref<10240x64xf32, #tpu.memory_space<vmem_shared>> -> memref<128x64xf32, #tpu.memory_space<vmem_shared>>
      tpu.enqueue_dma source(%arg13 : memref<128x64xf32, #tpu.memory_space<vmem>>) target(%dma_start3A_147 : memref<128x64xf32, #tpu.memory_space<vmem_shared>>) target_semaphore(%run_scoped3A : memref<!tpu.dma_semaphore, #tpu.memory_space<semaphore_mem>>)
      %dma_wait3A_148 = arith.constant 0 : i32
      %dma_wait3A_149 = tpu.memref_slice %arg9[%add3A_45, %dma_wait3A_148] : memref<10240x64xf32, #tpu.memory_space<vmem_shared>> -> memref<128x64xf32, #tpu.memory_space<vmem_shared>>
      %dma_wait3A_150 = arith.constant 0 : i32
      %dma_wait3A_151 = tpu.memref_slice %arg9[%add3A_45, %dma_wait3A_150] : memref<10240x64xf32, #tpu.memory_space<vmem_shared>> -> memref<128x64xf32, #tpu.memory_space<vmem_shared>>
      tpu.wait_dma2 semaphore(%run_scoped3A : memref<!tpu.dma_semaphore, #tpu.memory_space<semaphore_mem>>) src(%arg13 : memref<128x64xf32, #tpu.memory_space<vmem>>) dst(%dma_wait3A_151 : memref<128x64xf32, #tpu.memory_space<vmem_shared>>)
      tpu.yield
    }) : () -> ()
    %mul3A_46 = arith.constant 640 : i32
    %mul3A_47 = arith.muli %arg1, %mul3A_46 : i32
    %add3A_48 = arith.constant 512 : i32
    %add3A_49 = arith.addi %mul3A_47, %add3A_48 : i32
    "tpu.region"() ({
      %run_scoped3A = tpu.sem_alloc : memref<!tpu.dma_semaphore, #tpu.memory_space<semaphore_mem>>
      %dma_start3A_144 = arith.constant 0 : i32
      %dma_start3A_145 = tpu.memref_slice %arg2[%arg0, %add3A_49, %dma_start3A_144] : memref<2x10240x64xf32, #tpu.memory_space<hbm>> -> memref<1x128x64xf32, #tpu.memory_space<hbm>>
      %dma_start3A_146 = tpu.memref_squeeze %dma_start3A_145 : memref<1x128x64xf32, #tpu.memory_space<hbm>> -> memref<128x64xf32, #tpu.memory_space<hbm>>
      %dma_start3A_147 = arith.constant 0 : i32
      %dma_start3A_148 = tpu.memref_slice %arg2[%arg0, %add3A_49, %dma_start3A_147] : memref<2x10240x64xf32, #tpu.memory_space<hbm>> -> memref<1x128x64xf32, #tpu.memory_space<hbm>>
      %dma_start3A_149 = tpu.memref_squeeze %dma_start3A_148 : memref<1x128x64xf32, #tpu.memory_space<hbm>> -> memref<128x64xf32, #tpu.memory_space<hbm>>
      tpu.enqueue_dma source(%dma_start3A_149 : memref<128x64xf32, #tpu.memory_space<hbm>>) target(%arg12 : memref<128x64xf32, #tpu.memory_space<vmem>>) target_semaphore(%run_scoped3A : memref<!tpu.dma_semaphore, #tpu.memory_space<semaphore_mem>>)
      %dma_wait3A_150 = arith.constant 0 : i32
      %dma_wait3A_151 = tpu.memref_slice %arg2[%arg0, %add3A_49, %dma_wait3A_150] : memref<2x10240x64xf32, #tpu.memory_space<hbm>> -> memref<1x128x64xf32, #tpu.memory_space<hbm>>
      %dma_wait3A_152 = tpu.memref_squeeze %dma_wait3A_151 : memref<1x128x64xf32, #tpu.memory_space<hbm>> -> memref<128x64xf32, #tpu.memory_space<hbm>>
      %dma_wait3A_153 = arith.constant 0 : i32
      %dma_wait3A_154 = tpu.memref_slice %arg2[%arg0, %add3A_49, %dma_wait3A_153] : memref<2x10240x64xf32, #tpu.memory_space<hbm>> -> memref<1x128x64xf32, #tpu.memory_space<hbm>>
      %dma_wait3A_155 = tpu.memref_squeeze %dma_wait3A_154 : memref<1x128x64xf32, #tpu.memory_space<hbm>> -> memref<128x64xf32, #tpu.memory_space<hbm>>
      tpu.wait_dma2 semaphore(%run_scoped3A : memref<!tpu.dma_semaphore, #tpu.memory_space<semaphore_mem>>) src(%dma_wait3A_155 : memref<128x64xf32, #tpu.memory_space<hbm>>) dst(%arg12 : memref<128x64xf32, #tpu.memory_space<vmem>>)
      tpu.yield
    }) : () -> ()
    %mul3A_50 = arith.constant 640 : i32
    %mul3A_51 = arith.muli %arg1, %mul3A_50 : i32
    %add3A_52 = arith.constant 512 : i32
    %add3A_53 = arith.addi %mul3A_51, %add3A_52 : i32
    "tpu.region"() ({
      %run_scoped3A = tpu.sem_alloc : memref<!tpu.dma_semaphore, #tpu.memory_space<semaphore_mem>>
      %dma_start3A_144 = arith.constant 0 : i32
      %dma_start3A_145 = tpu.memref_slice %arg8[%add3A_53, %dma_start3A_144] : memref<10240x64xf32, #tpu.memory_space<vmem_shared>> -> memref<128x64xf32, #tpu.memory_space<vmem_shared>>
      %dma_start3A_146 = arith.constant 0 : i32
      %dma_start3A_147 = tpu.memref_slice %arg8[%add3A_53, %dma_start3A_146] : memref<10240x64xf32, #tpu.memory_space<vmem_shared>> -> memref<128x64xf32, #tpu.memory_space<vmem_shared>>
      tpu.enqueue_dma source(%arg12 : memref<128x64xf32, #tpu.memory_space<vmem>>) target(%dma_start3A_147 : memref<128x64xf32, #tpu.memory_space<vmem_shared>>) target_semaphore(%run_scoped3A : memref<!tpu.dma_semaphore, #tpu.memory_space<semaphore_mem>>)
      %dma_wait3A_148 = arith.constant 0 : i32
      %dma_wait3A_149 = tpu.memref_slice %arg8[%add3A_53, %dma_wait3A_148] : memref<10240x64xf32, #tpu.memory_space<vmem_shared>> -> memref<128x64xf32, #tpu.memory_space<vmem_shared>>
      %dma_wait3A_150 = arith.constant 0 : i32
      %dma_wait3A_151 = tpu.memref_slice %arg8[%add3A_53, %dma_wait3A_150] : memref<10240x64xf32, #tpu.memory_space<vmem_shared>> -> memref<128x64xf32, #tpu.memory_space<vmem_shared>>
      tpu.wait_dma2 semaphore(%run_scoped3A : memref<!tpu.dma_semaphore, #tpu.memory_space<semaphore_mem>>) src(%arg12 : memref<128x64xf32, #tpu.memory_space<vmem>>) dst(%dma_wait3A_151 : memref<128x64xf32, #tpu.memory_space<vmem_shared>>)
      tpu.yield
    }) : () -> ()
    %mul3A_54 = arith.constant 640 : i32
    %mul3A_55 = arith.muli %arg1, %mul3A_54 : i32
    %add3A_56 = arith.constant 512 : i32
    %add3A_57 = arith.addi %mul3A_55, %add3A_56 : i32
    "tpu.region"() ({
      %run_scoped3A = tpu.sem_alloc : memref<!tpu.dma_semaphore, #tpu.memory_space<semaphore_mem>>
      %dma_start3A_144 = arith.constant 0 : i32
      %dma_start3A_145 = tpu.memref_slice %arg9[%add3A_57, %dma_start3A_144] : memref<10240x64xf32, #tpu.memory_space<vmem_shared>> -> memref<128x64xf32, #tpu.memory_space<vmem_shared>>
      %dma_start3A_146 = arith.constant 0 : i32
      %dma_start3A_147 = tpu.memref_slice %arg9[%add3A_57, %dma_start3A_146] : memref<10240x64xf32, #tpu.memory_space<vmem_shared>> -> memref<128x64xf32, #tpu.memory_space<vmem_shared>>
      tpu.enqueue_dma source(%arg13 : memref<128x64xf32, #tpu.memory_space<vmem>>) target(%dma_start3A_147 : memref<128x64xf32, #tpu.memory_space<vmem_shared>>) target_semaphore(%run_scoped3A : memref<!tpu.dma_semaphore, #tpu.memory_space<semaphore_mem>>)
      %dma_wait3A_148 = arith.constant 0 : i32
      %dma_wait3A_149 = tpu.memref_slice %arg9[%add3A_57, %dma_wait3A_148] : memref<10240x64xf32, #tpu.memory_space<vmem_shared>> -> memref<128x64xf32, #tpu.memory_space<vmem_shared>>
      %dma_wait3A_150 = arith.constant 0 : i32
      %dma_wait3A_151 = tpu.memref_slice %arg9[%add3A_57, %dma_wait3A_150] : memref<10240x64xf32, #tpu.memory_space<vmem_shared>> -> memref<128x64xf32, #tpu.memory_space<vmem_shared>>
      tpu.wait_dma2 semaphore(%run_scoped3A : memref<!tpu.dma_semaphore, #tpu.memory_space<semaphore_mem>>) src(%arg13 : memref<128x64xf32, #tpu.memory_space<vmem>>) dst(%dma_wait3A_151 : memref<128x64xf32, #tpu.memory_space<vmem_shared>>)
      tpu.yield
    }) : () -> ()
    %barrier3A = arith.constant 0 : index
    tpu.barrier barrier_id(%barrier3A)
    "tpu.region"() ({
      %run_scoped3A = tpu.sem_alloc : memref<!tpu.dma_semaphore, #tpu.memory_space<semaphore_mem>>
      %dma_start3A_144 = arith.constant 0 : i32
      %dma_start3A_145 = arith.constant 0 : i32
      %dma_start3A_146 = tpu.memref_slice %arg3[%arg1, %dma_start3A_144, %dma_start3A_145] : memref<16x160x128xi32, #tpu.memory_space<hbm>> -> memref<1x40x128xi32, #tpu.memory_space<hbm>>
      %dma_start3A_147 = tpu.memref_squeeze %dma_start3A_146 : memref<1x40x128xi32, #tpu.memory_space<hbm>> -> memref<40x128xi32, #tpu.memory_space<hbm>>
      %dma_start3A_148 = arith.constant 0 : i32
      %dma_start3A_149 = arith.constant 0 : i32
      %dma_start3A_150 = tpu.memref_slice %arg3[%arg1, %dma_start3A_148, %dma_start3A_149] : memref<16x160x128xi32, #tpu.memory_space<hbm>> -> memref<1x40x128xi32, #tpu.memory_space<hbm>>
      %dma_start3A_151 = tpu.memref_squeeze %dma_start3A_150 : memref<1x40x128xi32, #tpu.memory_space<hbm>> -> memref<40x128xi32, #tpu.memory_space<hbm>>
      tpu.enqueue_dma source(%dma_start3A_151 : memref<40x128xi32, #tpu.memory_space<hbm>>) target(%arg10 : memref<40x128xi32, #tpu.memory_space<vmem>>) target_semaphore(%run_scoped3A : memref<!tpu.dma_semaphore, #tpu.memory_space<semaphore_mem>>)
      %dma_wait3A_152 = arith.constant 0 : i32
      %dma_wait3A_153 = arith.constant 0 : i32
      %dma_wait3A_154 = tpu.memref_slice %arg3[%arg1, %dma_wait3A_152, %dma_wait3A_153] : memref<16x160x128xi32, #tpu.memory_space<hbm>> -> memref<1x40x128xi32, #tpu.memory_space<hbm>>
      %dma_wait3A_155 = tpu.memref_squeeze %dma_wait3A_154 : memref<1x40x128xi32, #tpu.memory_space<hbm>> -> memref<40x128xi32, #tpu.memory_space<hbm>>
      %dma_wait3A_156 = arith.constant 0 : i32
      %dma_wait3A_157 = arith.constant 0 : i32
      %dma_wait3A_158 = tpu.memref_slice %arg3[%arg1, %dma_wait3A_156, %dma_wait3A_157] : memref<16x160x128xi32, #tpu.memory_space<hbm>> -> memref<1x40x128xi32, #tpu.memory_space<hbm>>
      %dma_wait3A_159 = tpu.memref_squeeze %dma_wait3A_158 : memref<1x40x128xi32, #tpu.memory_space<hbm>> -> memref<40x128xi32, #tpu.memory_space<hbm>>
      tpu.wait_dma2 semaphore(%run_scoped3A : memref<!tpu.dma_semaphore, #tpu.memory_space<semaphore_mem>>) src(%dma_wait3A_159 : memref<40x128xi32, #tpu.memory_space<hbm>>) dst(%arg10 : memref<40x128xi32, #tpu.memory_space<vmem>>)
      tpu.yield
    }) : () -> ()
    "tpu.region"() ({
      %run_scoped3A = tpu.sem_alloc : memref<!tpu.dma_semaphore, #tpu.memory_space<semaphore_mem>>
      %dma_start3A_144 = arith.constant 0 : i32
      %dma_start3A_145 = arith.constant 0 : i32
      %dma_start3A_146 = tpu.memref_slice %arg4[%arg1, %dma_start3A_144, %dma_start3A_145] : memref<16x160x128xi32, #tpu.memory_space<hbm>> -> memref<1x40x128xi32, #tpu.memory_space<hbm>>
      %dma_start3A_147 = tpu.memref_squeeze %dma_start3A_146 : memref<1x40x128xi32, #tpu.memory_space<hbm>> -> memref<40x128xi32, #tpu.memory_space<hbm>>
      %dma_start3A_148 = arith.constant 0 : i32
      %dma_start3A_149 = arith.constant 0 : i32
      %dma_start3A_150 = tpu.memref_slice %arg4[%arg1, %dma_start3A_148, %dma_start3A_149] : memref<16x160x128xi32, #tpu.memory_space<hbm>> -> memref<1x40x128xi32, #tpu.memory_space<hbm>>
      %dma_start3A_151 = tpu.memref_squeeze %dma_start3A_150 : memref<1x40x128xi32, #tpu.memory_space<hbm>> -> memref<40x128xi32, #tpu.memory_space<hbm>>
      tpu.enqueue_dma source(%dma_start3A_151 : memref<40x128xi32, #tpu.memory_space<hbm>>) target(%arg11 : memref<40x128xi32, #tpu.memory_space<vmem>>) target_semaphore(%run_scoped3A : memref<!tpu.dma_semaphore, #tpu.memory_space<semaphore_mem>>)
      %dma_wait3A_152 = arith.constant 0 : i32
      %dma_wait3A_153 = arith.constant 0 : i32
      %dma_wait3A_154 = tpu.memref_slice %arg4[%arg1, %dma_wait3A_152, %dma_wait3A_153] : memref<16x160x128xi32, #tpu.memory_space<hbm>> -> memref<1x40x128xi32, #tpu.memory_space<hbm>>
      %dma_wait3A_155 = tpu.memref_squeeze %dma_wait3A_154 : memref<1x40x128xi32, #tpu.memory_space<hbm>> -> memref<40x128xi32, #tpu.memory_space<hbm>>
      %dma_wait3A_156 = arith.constant 0 : i32
      %dma_wait3A_157 = arith.constant 0 : i32
      %dma_wait3A_158 = tpu.memref_slice %arg4[%arg1, %dma_wait3A_156, %dma_wait3A_157] : memref<16x160x128xi32, #tpu.memory_space<hbm>> -> memref<1x40x128xi32, #tpu.memory_space<hbm>>
      %dma_wait3A_159 = tpu.memref_squeeze %dma_wait3A_158 : memref<1x40x128xi32, #tpu.memory_space<hbm>> -> memref<40x128xi32, #tpu.memory_space<hbm>>
      tpu.wait_dma2 semaphore(%run_scoped3A : memref<!tpu.dma_semaphore, #tpu.memory_space<semaphore_mem>>) src(%dma_wait3A_159 : memref<40x128xi32, #tpu.memory_space<hbm>>) dst(%arg11 : memref<40x128xi32, #tpu.memory_space<vmem>>)
      tpu.yield
    }) : () -> ()
    %dma_start3A = arith.constant 0 : i32
    %dma_start3A_58 = arith.constant 0 : i32
    %dma_start3A_59 = tpu.memref_slice %arg11[%dma_start3A, %dma_start3A_58] : memref<40x128xi32, #tpu.memory_space<vmem>> -> memref<1x128xi32, #tpu.memory_space<vmem>>
    %dma_start3A_60 = tpu.memref_squeeze %dma_start3A_59 : memref<1x128xi32, #tpu.memory_space<vmem>> -> memref<128xi32, #tpu.memory_space<vmem>>
    %dma_start3A_61 = arith.constant 0 : i32
    %dma_start3A_62 = arith.constant 0 : i32
    %dma_start3A_63 = tpu.memref_slice %arg8[%dma_start3A_61, %dma_start3A_62] : memref<10240x64xf32, #tpu.memory_space<vmem_shared>> -> memref<10240x64xf32, #tpu.memory_space<vmem_shared>>
    tpu.enqueue_indirect_dma source(%dma_start3A_63 : memref<10240x64xf32, #tpu.memory_space<vmem_shared>>) target(%arg12 : memref<128x64xf32, #tpu.memory_space<vmem>>) offsets(%dma_start3A_60 : memref<128xi32, #tpu.memory_space<vmem>>) semaphore(%arg15 : memref<!tpu.dma_semaphore, #tpu.memory_space<semaphore_mem>>)
    %scan3A = arith.constant 0 : i32
    %scan3A_64 = arith.constant 0 : i32
    %scan3A_65 = arith.constant 20 : i32
    %scan3A_66 = arith.addi %scan3A_64, %scan3A_65 : i32
    %scan3A_67 = arith.constant 1 : i32
    scf.for %scan3A_144 = %scan3A_64 to %scan3A_66 step %scan3A_67  : i32 {
      %mul3A_145 = arith.constant 2 : i32
      %mul3A_146 = arith.muli %mul3A_145, %scan3A_144 : i32
      %add3A_147 = arith.constant 1 : i32
      %add3A_148 = arith.addi %mul3A_146, %add3A_147 : i32
      %dma_wait3A_149 = arith.constant 0 : i32
      %dma_wait3A_150 = tpu.memref_slice %arg11[%mul3A_146, %dma_wait3A_149] : memref<40x128xi32, #tpu.memory_space<vmem>> -> memref<1x128xi32, #tpu.memory_space<vmem>>
      %dma_wait3A_151 = tpu.memref_squeeze %dma_wait3A_150 : memref<1x128xi32, #tpu.memory_space<vmem>> -> memref<128xi32, #tpu.memory_space<vmem>>
      %dma_wait3A_152 = arith.constant 0 : i32
      %dma_wait3A_153 = arith.constant 0 : i32
      %dma_wait3A_154 = tpu.memref_slice %arg8[%dma_wait3A_152, %dma_wait3A_153] : memref<10240x64xf32, #tpu.memory_space<vmem_shared>> -> memref<10240x64xf32, #tpu.memory_space<vmem_shared>>
      tpu.wait_indirect_dma semaphore(%arg15 : memref<!tpu.dma_semaphore, #tpu.memory_space<semaphore_mem>>) src(%dma_wait3A_154 : memref<10240x64xf32, #tpu.memory_space<vmem_shared>>) dst(%arg12 : memref<128x64xf32, #tpu.memory_space<vmem>>)
      %dma_start3A_155 = arith.constant 0 : i32
      %dma_start3A_156 = tpu.memref_slice %arg11[%add3A_148, %dma_start3A_155] : memref<40x128xi32, #tpu.memory_space<vmem>> -> memref<1x128xi32, #tpu.memory_space<vmem>>
      %dma_start3A_157 = tpu.memref_squeeze %dma_start3A_156 : memref<1x128xi32, #tpu.memory_space<vmem>> -> memref<128xi32, #tpu.memory_space<vmem>>
      %dma_start3A_158 = arith.constant 0 : i32
      %dma_start3A_159 = arith.constant 0 : i32
      %dma_start3A_160 = tpu.memref_slice %arg8[%dma_start3A_158, %dma_start3A_159] : memref<10240x64xf32, #tpu.memory_space<vmem_shared>> -> memref<10240x64xf32, #tpu.memory_space<vmem_shared>>
      tpu.enqueue_indirect_dma source(%dma_start3A_160 : memref<10240x64xf32, #tpu.memory_space<vmem_shared>>) target(%arg13 : memref<128x64xf32, #tpu.memory_space<vmem>>) offsets(%dma_start3A_157 : memref<128xi32, #tpu.memory_space<vmem>>) semaphore(%arg16 : memref<!tpu.dma_semaphore, #tpu.memory_space<semaphore_mem>>)
      "tpu.region"() ({
        %run_scoped3A = tpu.sem_alloc : memref<!tpu.dma_semaphore, #tpu.memory_space<semaphore_mem>>
        %dma_start3A_169 = arith.constant 0 : i32
        %dma_start3A_170 = tpu.memref_slice %arg10[%mul3A_146, %dma_start3A_169] : memref<40x128xi32, #tpu.memory_space<vmem>> -> memref<1x128xi32, #tpu.memory_space<vmem>>
        %dma_start3A_171 = tpu.memref_squeeze %dma_start3A_170 : memref<1x128xi32, #tpu.memory_space<vmem>> -> memref<128xi32, #tpu.memory_space<vmem>>
        %dma_start3A_172 = arith.constant 0 : i32
        %dma_start3A_173 = arith.constant 0 : i32
        %dma_start3A_174 = tpu.memref_slice %arg9[%dma_start3A_172, %dma_start3A_173] : memref<10240x64xf32, #tpu.memory_space<vmem_shared>> -> memref<10240x64xf32, #tpu.memory_space<vmem_shared>>
        tpu.enqueue_indirect_dma source(%arg12 : memref<128x64xf32, #tpu.memory_space<vmem>>) target(%dma_start3A_174 : memref<10240x64xf32, #tpu.memory_space<vmem_shared>>) offsets(%dma_start3A_171 : memref<128xi32, #tpu.memory_space<vmem>>) semaphore(%run_scoped3A : memref<!tpu.dma_semaphore, #tpu.memory_space<semaphore_mem>>) {add = true}
        %dma_wait3A_175 = arith.constant 0 : i32
        %dma_wait3A_176 = tpu.memref_slice %arg10[%mul3A_146, %dma_wait3A_175] : memref<40x128xi32, #tpu.memory_space<vmem>> -> memref<1x128xi32, #tpu.memory_space<vmem>>
        %dma_wait3A_177 = tpu.memref_squeeze %dma_wait3A_176 : memref<1x128xi32, #tpu.memory_space<vmem>> -> memref<128xi32, #tpu.memory_space<vmem>>
        %dma_wait3A_178 = arith.constant 0 : i32
        %dma_wait3A_179 = arith.constant 0 : i32
        %dma_wait3A_180 = tpu.memref_slice %arg9[%dma_wait3A_178, %dma_wait3A_179] : memref<10240x64xf32, #tpu.memory_space<vmem_shared>> -> memref<10240x64xf32, #tpu.memory_space<vmem_shared>>
        tpu.wait_indirect_dma semaphore(%run_scoped3A : memref<!tpu.dma_semaphore, #tpu.memory_space<semaphore_mem>>) src(%arg12 : memref<128x64xf32, #tpu.memory_space<vmem>>) dst(%dma_wait3A_180 : memref<10240x64xf32, #tpu.memory_space<vmem_shared>>)
        tpu.yield
      }) : () -> ()
      %dma_wait3A_161 = arith.constant 0 : i32
      %dma_wait3A_162 = tpu.memref_slice %arg11[%add3A_148, %dma_wait3A_161] : memref<40x128xi32, #tpu.memory_space<vmem>> -> memref<1x128xi32, #tpu.memory_space<vmem>>
      %dma_wait3A_163 = tpu.memref_squeeze %dma_wait3A_162 : memref<1x128xi32, #tpu.memory_space<vmem>> -> memref<128xi32, #tpu.memory_space<vmem>>
      %dma_wait3A_164 = arith.constant 0 : i32
      %dma_wait3A_165 = arith.constant 0 : i32
      %dma_wait3A_166 = tpu.memref_slice %arg8[%dma_wait3A_164, %dma_wait3A_165] : memref<10240x64xf32, #tpu.memory_space<vmem_shared>> -> memref<10240x64xf32, #tpu.memory_space<vmem_shared>>
      tpu.wait_indirect_dma semaphore(%arg16 : memref<!tpu.dma_semaphore, #tpu.memory_space<semaphore_mem>>) src(%dma_wait3A_166 : memref<10240x64xf32, #tpu.memory_space<vmem_shared>>) dst(%arg13 : memref<128x64xf32, #tpu.memory_space<vmem>>)
      %lt3A = arith.constant 19 : i32
      %lt3A_167 = arith.cmpi slt, %scan3A_144, %lt3A : i32
      %convert_element_type3A = arith.extui %lt3A_167 : i1 to i32
      %cond3A = arith.constant 0 : i32
      %cond3A_168 = arith.cmpi ne, %convert_element_type3A, %cond3A : i32
      scf.if %cond3A_168 {
        %add3A_169 = arith.constant 2 : i32
        %add3A_170 = arith.addi %mul3A_146, %add3A_169 : i32
        %dma_start3A_171 = arith.constant 0 : i32
        %dma_start3A_172 = tpu.memref_slice %arg11[%add3A_170, %dma_start3A_171] : memref<40x128xi32, #tpu.memory_space<vmem>> -> memref<1x128xi32, #tpu.memory_space<vmem>>
        %dma_start3A_173 = tpu.memref_squeeze %dma_start3A_172 : memref<1x128xi32, #tpu.memory_space<vmem>> -> memref<128xi32, #tpu.memory_space<vmem>>
        %dma_start3A_174 = arith.constant 0 : i32
        %dma_start3A_175 = arith.constant 0 : i32
        %dma_start3A_176 = tpu.memref_slice %arg8[%dma_start3A_174, %dma_start3A_175] : memref<10240x64xf32, #tpu.memory_space<vmem_shared>> -> memref<10240x64xf32, #tpu.memory_space<vmem_shared>>
        tpu.enqueue_indirect_dma source(%dma_start3A_176 : memref<10240x64xf32, #tpu.memory_space<vmem_shared>>) target(%arg12 : memref<128x64xf32, #tpu.memory_space<vmem>>) offsets(%dma_start3A_173 : memref<128xi32, #tpu.memory_space<vmem>>) semaphore(%arg15 : memref<!tpu.dma_semaphore, #tpu.memory_space<semaphore_mem>>)
      } else {
      }
      "tpu.region"() ({
        %run_scoped3A = tpu.sem_alloc : memref<!tpu.dma_semaphore, #tpu.memory_space<semaphore_mem>>
        %dma_start3A_169 = arith.constant 0 : i32
        %dma_start3A_170 = tpu.memref_slice %arg10[%add3A_148, %dma_start3A_169] : memref<40x128xi32, #tpu.memory_space<vmem>> -> memref<1x128xi32, #tpu.memory_space<vmem>>
        %dma_start3A_171 = tpu.memref_squeeze %dma_start3A_170 : memref<1x128xi32, #tpu.memory_space<vmem>> -> memref<128xi32, #tpu.memory_space<vmem>>
        %dma_start3A_172 = arith.constant 0 : i32
        %dma_start3A_173 = arith.constant 0 : i32
        %dma_start3A_174 = tpu.memref_slice %arg9[%dma_start3A_172, %dma_start3A_173] : memref<10240x64xf32, #tpu.memory_space<vmem_shared>> -> memref<10240x64xf32, #tpu.memory_space<vmem_shared>>
        tpu.enqueue_indirect_dma source(%arg13 : memref<128x64xf32, #tpu.memory_space<vmem>>) target(%dma_start3A_174 : memref<10240x64xf32, #tpu.memory_space<vmem_shared>>) offsets(%dma_start3A_171 : memref<128xi32, #tpu.memory_space<vmem>>) semaphore(%run_scoped3A : memref<!tpu.dma_semaphore, #tpu.memory_space<semaphore_mem>>) {add = true}
        %dma_wait3A_175 = arith.constant 0 : i32
        %dma_wait3A_176 = tpu.memref_slice %arg10[%add3A_148, %dma_wait3A_175] : memref<40x128xi32, #tpu.memory_space<vmem>> -> memref<1x128xi32, #tpu.memory_space<vmem>>
        %dma_wait3A_177 = tpu.memref_squeeze %dma_wait3A_176 : memref<1x128xi32, #tpu.memory_space<vmem>> -> memref<128xi32, #tpu.memory_space<vmem>>
        %dma_wait3A_178 = arith.constant 0 : i32
        %dma_wait3A_179 = arith.constant 0 : i32
        %dma_wait3A_180 = tpu.memref_slice %arg9[%dma_wait3A_178, %dma_wait3A_179] : memref<10240x64xf32, #tpu.memory_space<vmem_shared>> -> memref<10240x64xf32, #tpu.memory_space<vmem_shared>>
        tpu.wait_indirect_dma semaphore(%run_scoped3A : memref<!tpu.dma_semaphore, #tpu.memory_space<semaphore_mem>>) src(%arg13 : memref<128x64xf32, #tpu.memory_space<vmem>>) dst(%dma_wait3A_180 : memref<10240x64xf32, #tpu.memory_space<vmem_shared>>)
        tpu.yield
      }) : () -> ()
    }
    %scan3A_68 = arith.constant 20 : i32
    "tpu.region"() ({
      %run_scoped3A = tpu.sem_alloc : memref<!tpu.dma_semaphore, #tpu.memory_space<semaphore_mem>>
      %dma_start3A_144 = arith.constant 40 : i32
      %dma_start3A_145 = arith.constant 0 : i32
      %dma_start3A_146 = tpu.memref_slice %arg3[%arg1, %dma_start3A_144, %dma_start3A_145] : memref<16x160x128xi32, #tpu.memory_space<hbm>> -> memref<1x40x128xi32, #tpu.memory_space<hbm>>
      %dma_start3A_147 = tpu.memref_squeeze %dma_start3A_146 : memref<1x40x128xi32, #tpu.memory_space<hbm>> -> memref<40x128xi32, #tpu.memory_space<hbm>>
      %dma_start3A_148 = arith.constant 40 : i32
      %dma_start3A_149 = arith.constant 0 : i32
      %dma_start3A_150 = tpu.memref_slice %arg3[%arg1, %dma_start3A_148, %dma_start3A_149] : memref<16x160x128xi32, #tpu.memory_space<hbm>> -> memref<1x40x128xi32, #tpu.memory_space<hbm>>
      %dma_start3A_151 = tpu.memref_squeeze %dma_start3A_150 : memref<1x40x128xi32, #tpu.memory_space<hbm>> -> memref<40x128xi32, #tpu.memory_space<hbm>>
      tpu.enqueue_dma source(%dma_start3A_151 : memref<40x128xi32, #tpu.memory_space<hbm>>) target(%arg10 : memref<40x128xi32, #tpu.memory_space<vmem>>) target_semaphore(%run_scoped3A : memref<!tpu.dma_semaphore, #tpu.memory_space<semaphore_mem>>)
      %dma_wait3A_152 = arith.constant 40 : i32
      %dma_wait3A_153 = arith.constant 0 : i32
      %dma_wait3A_154 = tpu.memref_slice %arg3[%arg1, %dma_wait3A_152, %dma_wait3A_153] : memref<16x160x128xi32, #tpu.memory_space<hbm>> -> memref<1x40x128xi32, #tpu.memory_space<hbm>>
      %dma_wait3A_155 = tpu.memref_squeeze %dma_wait3A_154 : memref<1x40x128xi32, #tpu.memory_space<hbm>> -> memref<40x128xi32, #tpu.memory_space<hbm>>
      %dma_wait3A_156 = arith.constant 40 : i32
      %dma_wait3A_157 = arith.constant 0 : i32
      %dma_wait3A_158 = tpu.memref_slice %arg3[%arg1, %dma_wait3A_156, %dma_wait3A_157] : memref<16x160x128xi32, #tpu.memory_space<hbm>> -> memref<1x40x128xi32, #tpu.memory_space<hbm>>
      %dma_wait3A_159 = tpu.memref_squeeze %dma_wait3A_158 : memref<1x40x128xi32, #tpu.memory_space<hbm>> -> memref<40x128xi32, #tpu.memory_space<hbm>>
      tpu.wait_dma2 semaphore(%run_scoped3A : memref<!tpu.dma_semaphore, #tpu.memory_space<semaphore_mem>>) src(%dma_wait3A_159 : memref<40x128xi32, #tpu.memory_space<hbm>>) dst(%arg10 : memref<40x128xi32, #tpu.memory_space<vmem>>)
      tpu.yield
    }) : () -> ()
    "tpu.region"() ({
      %run_scoped3A = tpu.sem_alloc : memref<!tpu.dma_semaphore, #tpu.memory_space<semaphore_mem>>
      %dma_start3A_144 = arith.constant 40 : i32
      %dma_start3A_145 = arith.constant 0 : i32
      %dma_start3A_146 = tpu.memref_slice %arg4[%arg1, %dma_start3A_144, %dma_start3A_145] : memref<16x160x128xi32, #tpu.memory_space<hbm>> -> memref<1x40x128xi32, #tpu.memory_space<hbm>>
      %dma_start3A_147 = tpu.memref_squeeze %dma_start3A_146 : memref<1x40x128xi32, #tpu.memory_space<hbm>> -> memref<40x128xi32, #tpu.memory_space<hbm>>
      %dma_start3A_148 = arith.constant 40 : i32
      %dma_start3A_149 = arith.constant 0 : i32
      %dma_start3A_150 = tpu.memref_slice %arg4[%arg1, %dma_start3A_148, %dma_start3A_149] : memref<16x160x128xi32, #tpu.memory_space<hbm>> -> memref<1x40x128xi32, #tpu.memory_space<hbm>>
      %dma_start3A_151 = tpu.memref_squeeze %dma_start3A_150 : memref<1x40x128xi32, #tpu.memory_space<hbm>> -> memref<40x128xi32, #tpu.memory_space<hbm>>
      tpu.enqueue_dma source(%dma_start3A_151 : memref<40x128xi32, #tpu.memory_space<hbm>>) target(%arg11 : memref<40x128xi32, #tpu.memory_space<vmem>>) target_semaphore(%run_scoped3A : memref<!tpu.dma_semaphore, #tpu.memory_space<semaphore_mem>>)
      %dma_wait3A_152 = arith.constant 40 : i32
      %dma_wait3A_153 = arith.constant 0 : i32
      %dma_wait3A_154 = tpu.memref_slice %arg4[%arg1, %dma_wait3A_152, %dma_wait3A_153] : memref<16x160x128xi32, #tpu.memory_space<hbm>> -> memref<1x40x128xi32, #tpu.memory_space<hbm>>
      %dma_wait3A_155 = tpu.memref_squeeze %dma_wait3A_154 : memref<1x40x128xi32, #tpu.memory_space<hbm>> -> memref<40x128xi32, #tpu.memory_space<hbm>>
      %dma_wait3A_156 = arith.constant 40 : i32
      %dma_wait3A_157 = arith.constant 0 : i32
      %dma_wait3A_158 = tpu.memref_slice %arg4[%arg1, %dma_wait3A_156, %dma_wait3A_157] : memref<16x160x128xi32, #tpu.memory_space<hbm>> -> memref<1x40x128xi32, #tpu.memory_space<hbm>>
      %dma_wait3A_159 = tpu.memref_squeeze %dma_wait3A_158 : memref<1x40x128xi32, #tpu.memory_space<hbm>> -> memref<40x128xi32, #tpu.memory_space<hbm>>
      tpu.wait_dma2 semaphore(%run_scoped3A : memref<!tpu.dma_semaphore, #tpu.memory_space<semaphore_mem>>) src(%dma_wait3A_159 : memref<40x128xi32, #tpu.memory_space<hbm>>) dst(%arg11 : memref<40x128xi32, #tpu.memory_space<vmem>>)
      tpu.yield
    }) : () -> ()
    %dma_start3A_69 = arith.constant 0 : i32
    %dma_start3A_70 = arith.constant 0 : i32
    %dma_start3A_71 = tpu.memref_slice %arg11[%dma_start3A_69, %dma_start3A_70] : memref<40x128xi32, #tpu.memory_space<vmem>> -> memref<1x128xi32, #tpu.memory_space<vmem>>
    %dma_start3A_72 = tpu.memref_squeeze %dma_start3A_71 : memref<1x128xi32, #tpu.memory_space<vmem>> -> memref<128xi32, #tpu.memory_space<vmem>>
    %dma_start3A_73 = arith.constant 0 : i32
    %dma_start3A_74 = arith.constant 0 : i32
    %dma_start3A_75 = tpu.memref_slice %arg8[%dma_start3A_73, %dma_start3A_74] : memref<10240x64xf32, #tpu.memory_space<vmem_shared>> -> memref<10240x64xf32, #tpu.memory_space<vmem_shared>>
    tpu.enqueue_indirect_dma source(%dma_start3A_75 : memref<10240x64xf32, #tpu.memory_space<vmem_shared>>) target(%arg12 : memref<128x64xf32, #tpu.memory_space<vmem>>) offsets(%dma_start3A_72 : memref<128xi32, #tpu.memory_space<vmem>>) semaphore(%arg15 : memref<!tpu.dma_semaphore, #tpu.memory_space<semaphore_mem>>)
    %scan3A_76 = arith.constant 0 : i32
    %scan3A_77 = arith.constant 0 : i32
    %scan3A_78 = arith.constant 20 : i32
    %scan3A_79 = arith.addi %scan3A_77, %scan3A_78 : i32
    %scan3A_80 = arith.constant 1 : i32
    scf.for %scan3A_144 = %scan3A_77 to %scan3A_79 step %scan3A_80  : i32 {
      %mul3A_145 = arith.constant 2 : i32
      %mul3A_146 = arith.muli %mul3A_145, %scan3A_144 : i32
      %add3A_147 = arith.constant 1 : i32
      %add3A_148 = arith.addi %mul3A_146, %add3A_147 : i32
      %dma_wait3A_149 = arith.constant 0 : i32
      %dma_wait3A_150 = tpu.memref_slice %arg11[%mul3A_146, %dma_wait3A_149] : memref<40x128xi32, #tpu.memory_space<vmem>> -> memref<1x128xi32, #tpu.memory_space<vmem>>
      %dma_wait3A_151 = tpu.memref_squeeze %dma_wait3A_150 : memref<1x128xi32, #tpu.memory_space<vmem>> -> memref<128xi32, #tpu.memory_space<vmem>>
      %dma_wait3A_152 = arith.constant 0 : i32
      %dma_wait3A_153 = arith.constant 0 : i32
      %dma_wait3A_154 = tpu.memref_slice %arg8[%dma_wait3A_152, %dma_wait3A_153] : memref<10240x64xf32, #tpu.memory_space<vmem_shared>> -> memref<10240x64xf32, #tpu.memory_space<vmem_shared>>
      tpu.wait_indirect_dma semaphore(%arg15 : memref<!tpu.dma_semaphore, #tpu.memory_space<semaphore_mem>>) src(%dma_wait3A_154 : memref<10240x64xf32, #tpu.memory_space<vmem_shared>>) dst(%arg12 : memref<128x64xf32, #tpu.memory_space<vmem>>)
      %dma_start3A_155 = arith.constant 0 : i32
      %dma_start3A_156 = tpu.memref_slice %arg11[%add3A_148, %dma_start3A_155] : memref<40x128xi32, #tpu.memory_space<vmem>> -> memref<1x128xi32, #tpu.memory_space<vmem>>
      %dma_start3A_157 = tpu.memref_squeeze %dma_start3A_156 : memref<1x128xi32, #tpu.memory_space<vmem>> -> memref<128xi32, #tpu.memory_space<vmem>>
      %dma_start3A_158 = arith.constant 0 : i32
      %dma_start3A_159 = arith.constant 0 : i32
      %dma_start3A_160 = tpu.memref_slice %arg8[%dma_start3A_158, %dma_start3A_159] : memref<10240x64xf32, #tpu.memory_space<vmem_shared>> -> memref<10240x64xf32, #tpu.memory_space<vmem_shared>>
      tpu.enqueue_indirect_dma source(%dma_start3A_160 : memref<10240x64xf32, #tpu.memory_space<vmem_shared>>) target(%arg13 : memref<128x64xf32, #tpu.memory_space<vmem>>) offsets(%dma_start3A_157 : memref<128xi32, #tpu.memory_space<vmem>>) semaphore(%arg16 : memref<!tpu.dma_semaphore, #tpu.memory_space<semaphore_mem>>)
      "tpu.region"() ({
        %run_scoped3A = tpu.sem_alloc : memref<!tpu.dma_semaphore, #tpu.memory_space<semaphore_mem>>
        %dma_start3A_169 = arith.constant 0 : i32
        %dma_start3A_170 = tpu.memref_slice %arg10[%mul3A_146, %dma_start3A_169] : memref<40x128xi32, #tpu.memory_space<vmem>> -> memref<1x128xi32, #tpu.memory_space<vmem>>
        %dma_start3A_171 = tpu.memref_squeeze %dma_start3A_170 : memref<1x128xi32, #tpu.memory_space<vmem>> -> memref<128xi32, #tpu.memory_space<vmem>>
        %dma_start3A_172 = arith.constant 0 : i32
        %dma_start3A_173 = arith.constant 0 : i32
        %dma_start3A_174 = tpu.memref_slice %arg9[%dma_start3A_172, %dma_start3A_173] : memref<10240x64xf32, #tpu.memory_space<vmem_shared>> -> memref<10240x64xf32, #tpu.memory_space<vmem_shared>>
        tpu.enqueue_indirect_dma source(%arg12 : memref<128x64xf32, #tpu.memory_space<vmem>>) target(%dma_start3A_174 : memref<10240x64xf32, #tpu.memory_space<vmem_shared>>) offsets(%dma_start3A_171 : memref<128xi32, #tpu.memory_space<vmem>>) semaphore(%run_scoped3A : memref<!tpu.dma_semaphore, #tpu.memory_space<semaphore_mem>>) {add = true}
        %dma_wait3A_175 = arith.constant 0 : i32
        %dma_wait3A_176 = tpu.memref_slice %arg10[%mul3A_146, %dma_wait3A_175] : memref<40x128xi32, #tpu.memory_space<vmem>> -> memref<1x128xi32, #tpu.memory_space<vmem>>
        %dma_wait3A_177 = tpu.memref_squeeze %dma_wait3A_176 : memref<1x128xi32, #tpu.memory_space<vmem>> -> memref<128xi32, #tpu.memory_space<vmem>>
        %dma_wait3A_178 = arith.constant 0 : i32
        %dma_wait3A_179 = arith.constant 0 : i32
        %dma_wait3A_180 = tpu.memref_slice %arg9[%dma_wait3A_178, %dma_wait3A_179] : memref<10240x64xf32, #tpu.memory_space<vmem_shared>> -> memref<10240x64xf32, #tpu.memory_space<vmem_shared>>
        tpu.wait_indirect_dma semaphore(%run_scoped3A : memref<!tpu.dma_semaphore, #tpu.memory_space<semaphore_mem>>) src(%arg12 : memref<128x64xf32, #tpu.memory_space<vmem>>) dst(%dma_wait3A_180 : memref<10240x64xf32, #tpu.memory_space<vmem_shared>>)
        tpu.yield
      }) : () -> ()
      %dma_wait3A_161 = arith.constant 0 : i32
      %dma_wait3A_162 = tpu.memref_slice %arg11[%add3A_148, %dma_wait3A_161] : memref<40x128xi32, #tpu.memory_space<vmem>> -> memref<1x128xi32, #tpu.memory_space<vmem>>
      %dma_wait3A_163 = tpu.memref_squeeze %dma_wait3A_162 : memref<1x128xi32, #tpu.memory_space<vmem>> -> memref<128xi32, #tpu.memory_space<vmem>>
      %dma_wait3A_164 = arith.constant 0 : i32
      %dma_wait3A_165 = arith.constant 0 : i32
      %dma_wait3A_166 = tpu.memref_slice %arg8[%dma_wait3A_164, %dma_wait3A_165] : memref<10240x64xf32, #tpu.memory_space<vmem_shared>> -> memref<10240x64xf32, #tpu.memory_space<vmem_shared>>
      tpu.wait_indirect_dma semaphore(%arg16 : memref<!tpu.dma_semaphore, #tpu.memory_space<semaphore_mem>>) src(%dma_wait3A_166 : memref<10240x64xf32, #tpu.memory_space<vmem_shared>>) dst(%arg13 : memref<128x64xf32, #tpu.memory_space<vmem>>)
      %lt3A = arith.constant 19 : i32
      %lt3A_167 = arith.cmpi slt, %scan3A_144, %lt3A : i32
      %convert_element_type3A = arith.extui %lt3A_167 : i1 to i32
      %cond3A = arith.constant 0 : i32
      %cond3A_168 = arith.cmpi ne, %convert_element_type3A, %cond3A : i32
      scf.if %cond3A_168 {
        %add3A_169 = arith.constant 2 : i32
        %add3A_170 = arith.addi %mul3A_146, %add3A_169 : i32
        %dma_start3A_171 = arith.constant 0 : i32
        %dma_start3A_172 = tpu.memref_slice %arg11[%add3A_170, %dma_start3A_171] : memref<40x128xi32, #tpu.memory_space<vmem>> -> memref<1x128xi32, #tpu.memory_space<vmem>>
        %dma_start3A_173 = tpu.memref_squeeze %dma_start3A_172 : memref<1x128xi32, #tpu.memory_space<vmem>> -> memref<128xi32, #tpu.memory_space<vmem>>
        %dma_start3A_174 = arith.constant 0 : i32
        %dma_start3A_175 = arith.constant 0 : i32
        %dma_start3A_176 = tpu.memref_slice %arg8[%dma_start3A_174, %dma_start3A_175] : memref<10240x64xf32, #tpu.memory_space<vmem_shared>> -> memref<10240x64xf32, #tpu.memory_space<vmem_shared>>
        tpu.enqueue_indirect_dma source(%dma_start3A_176 : memref<10240x64xf32, #tpu.memory_space<vmem_shared>>) target(%arg12 : memref<128x64xf32, #tpu.memory_space<vmem>>) offsets(%dma_start3A_173 : memref<128xi32, #tpu.memory_space<vmem>>) semaphore(%arg15 : memref<!tpu.dma_semaphore, #tpu.memory_space<semaphore_mem>>)
      } else {
      }
      "tpu.region"() ({
        %run_scoped3A = tpu.sem_alloc : memref<!tpu.dma_semaphore, #tpu.memory_space<semaphore_mem>>
        %dma_start3A_169 = arith.constant 0 : i32
        %dma_start3A_170 = tpu.memref_slice %arg10[%add3A_148, %dma_start3A_169] : memref<40x128xi32, #tpu.memory_space<vmem>> -> memref<1x128xi32, #tpu.memory_space<vmem>>
        %dma_start3A_171 = tpu.memref_squeeze %dma_start3A_170 : memref<1x128xi32, #tpu.memory_space<vmem>> -> memref<128xi32, #tpu.memory_space<vmem>>
        %dma_start3A_172 = arith.constant 0 : i32
        %dma_start3A_173 = arith.constant 0 : i32
        %dma_start3A_174 = tpu.memref_slice %arg9[%dma_start3A_172, %dma_start3A_173] : memref<10240x64xf32, #tpu.memory_space<vmem_shared>> -> memref<10240x64xf32, #tpu.memory_space<vmem_shared>>
        tpu.enqueue_indirect_dma source(%arg13 : memref<128x64xf32, #tpu.memory_space<vmem>>) target(%dma_start3A_174 : memref<10240x64xf32, #tpu.memory_space<vmem_shared>>) offsets(%dma_start3A_171 : memref<128xi32, #tpu.memory_space<vmem>>) semaphore(%run_scoped3A : memref<!tpu.dma_semaphore, #tpu.memory_space<semaphore_mem>>) {add = true}
        %dma_wait3A_175 = arith.constant 0 : i32
        %dma_wait3A_176 = tpu.memref_slice %arg10[%add3A_148, %dma_wait3A_175] : memref<40x128xi32, #tpu.memory_space<vmem>> -> memref<1x128xi32, #tpu.memory_space<vmem>>
        %dma_wait3A_177 = tpu.memref_squeeze %dma_wait3A_176 : memref<1x128xi32, #tpu.memory_space<vmem>> -> memref<128xi32, #tpu.memory_space<vmem>>
        %dma_wait3A_178 = arith.constant 0 : i32
        %dma_wait3A_179 = arith.constant 0 : i32
        %dma_wait3A_180 = tpu.memref_slice %arg9[%dma_wait3A_178, %dma_wait3A_179] : memref<10240x64xf32, #tpu.memory_space<vmem_shared>> -> memref<10240x64xf32, #tpu.memory_space<vmem_shared>>
        tpu.wait_indirect_dma semaphore(%run_scoped3A : memref<!tpu.dma_semaphore, #tpu.memory_space<semaphore_mem>>) src(%arg13 : memref<128x64xf32, #tpu.memory_space<vmem>>) dst(%dma_wait3A_180 : memref<10240x64xf32, #tpu.memory_space<vmem_shared>>)
        tpu.yield
      }) : () -> ()
    }
    %scan3A_81 = arith.constant 20 : i32
    "tpu.region"() ({
      %run_scoped3A = tpu.sem_alloc : memref<!tpu.dma_semaphore, #tpu.memory_space<semaphore_mem>>
      %dma_start3A_144 = arith.constant 80 : i32
      %dma_start3A_145 = arith.constant 0 : i32
      %dma_start3A_146 = tpu.memref_slice %arg3[%arg1, %dma_start3A_144, %dma_start3A_145] : memref<16x160x128xi32, #tpu.memory_space<hbm>> -> memref<1x40x128xi32, #tpu.memory_space<hbm>>
      %dma_start3A_147 = tpu.memref_squeeze %dma_start3A_146 : memref<1x40x128xi32, #tpu.memory_space<hbm>> -> memref<40x128xi32, #tpu.memory_space<hbm>>
      %dma_start3A_148 = arith.constant 80 : i32
      %dma_start3A_149 = arith.constant 0 : i32
      %dma_start3A_150 = tpu.memref_slice %arg3[%arg1, %dma_start3A_148, %dma_start3A_149] : memref<16x160x128xi32, #tpu.memory_space<hbm>> -> memref<1x40x128xi32, #tpu.memory_space<hbm>>
      %dma_start3A_151 = tpu.memref_squeeze %dma_start3A_150 : memref<1x40x128xi32, #tpu.memory_space<hbm>> -> memref<40x128xi32, #tpu.memory_space<hbm>>
      tpu.enqueue_dma source(%dma_start3A_151 : memref<40x128xi32, #tpu.memory_space<hbm>>) target(%arg10 : memref<40x128xi32, #tpu.memory_space<vmem>>) target_semaphore(%run_scoped3A : memref<!tpu.dma_semaphore, #tpu.memory_space<semaphore_mem>>)
      %dma_wait3A_152 = arith.constant 80 : i32
      %dma_wait3A_153 = arith.constant 0 : i32
      %dma_wait3A_154 = tpu.memref_slice %arg3[%arg1, %dma_wait3A_152, %dma_wait3A_153] : memref<16x160x128xi32, #tpu.memory_space<hbm>> -> memref<1x40x128xi32, #tpu.memory_space<hbm>>
      %dma_wait3A_155 = tpu.memref_squeeze %dma_wait3A_154 : memref<1x40x128xi32, #tpu.memory_space<hbm>> -> memref<40x128xi32, #tpu.memory_space<hbm>>
      %dma_wait3A_156 = arith.constant 80 : i32
      %dma_wait3A_157 = arith.constant 0 : i32
      %dma_wait3A_158 = tpu.memref_slice %arg3[%arg1, %dma_wait3A_156, %dma_wait3A_157] : memref<16x160x128xi32, #tpu.memory_space<hbm>> -> memref<1x40x128xi32, #tpu.memory_space<hbm>>
      %dma_wait3A_159 = tpu.memref_squeeze %dma_wait3A_158 : memref<1x40x128xi32, #tpu.memory_space<hbm>> -> memref<40x128xi32, #tpu.memory_space<hbm>>
      tpu.wait_dma2 semaphore(%run_scoped3A : memref<!tpu.dma_semaphore, #tpu.memory_space<semaphore_mem>>) src(%dma_wait3A_159 : memref<40x128xi32, #tpu.memory_space<hbm>>) dst(%arg10 : memref<40x128xi32, #tpu.memory_space<vmem>>)
      tpu.yield
    }) : () -> ()
    "tpu.region"() ({
      %run_scoped3A = tpu.sem_alloc : memref<!tpu.dma_semaphore, #tpu.memory_space<semaphore_mem>>
      %dma_start3A_144 = arith.constant 80 : i32
      %dma_start3A_145 = arith.constant 0 : i32
      %dma_start3A_146 = tpu.memref_slice %arg4[%arg1, %dma_start3A_144, %dma_start3A_145] : memref<16x160x128xi32, #tpu.memory_space<hbm>> -> memref<1x40x128xi32, #tpu.memory_space<hbm>>
      %dma_start3A_147 = tpu.memref_squeeze %dma_start3A_146 : memref<1x40x128xi32, #tpu.memory_space<hbm>> -> memref<40x128xi32, #tpu.memory_space<hbm>>
      %dma_start3A_148 = arith.constant 80 : i32
      %dma_start3A_149 = arith.constant 0 : i32
      %dma_start3A_150 = tpu.memref_slice %arg4[%arg1, %dma_start3A_148, %dma_start3A_149] : memref<16x160x128xi32, #tpu.memory_space<hbm>> -> memref<1x40x128xi32, #tpu.memory_space<hbm>>
      %dma_start3A_151 = tpu.memref_squeeze %dma_start3A_150 : memref<1x40x128xi32, #tpu.memory_space<hbm>> -> memref<40x128xi32, #tpu.memory_space<hbm>>
      tpu.enqueue_dma source(%dma_start3A_151 : memref<40x128xi32, #tpu.memory_space<hbm>>) target(%arg11 : memref<40x128xi32, #tpu.memory_space<vmem>>) target_semaphore(%run_scoped3A : memref<!tpu.dma_semaphore, #tpu.memory_space<semaphore_mem>>)
      %dma_wait3A_152 = arith.constant 80 : i32
      %dma_wait3A_153 = arith.constant 0 : i32
      %dma_wait3A_154 = tpu.memref_slice %arg4[%arg1, %dma_wait3A_152, %dma_wait3A_153] : memref<16x160x128xi32, #tpu.memory_space<hbm>> -> memref<1x40x128xi32, #tpu.memory_space<hbm>>
      %dma_wait3A_155 = tpu.memref_squeeze %dma_wait3A_154 : memref<1x40x128xi32, #tpu.memory_space<hbm>> -> memref<40x128xi32, #tpu.memory_space<hbm>>
      %dma_wait3A_156 = arith.constant 80 : i32
      %dma_wait3A_157 = arith.constant 0 : i32
      %dma_wait3A_158 = tpu.memref_slice %arg4[%arg1, %dma_wait3A_156, %dma_wait3A_157] : memref<16x160x128xi32, #tpu.memory_space<hbm>> -> memref<1x40x128xi32, #tpu.memory_space<hbm>>
      %dma_wait3A_159 = tpu.memref_squeeze %dma_wait3A_158 : memref<1x40x128xi32, #tpu.memory_space<hbm>> -> memref<40x128xi32, #tpu.memory_space<hbm>>
      tpu.wait_dma2 semaphore(%run_scoped3A : memref<!tpu.dma_semaphore, #tpu.memory_space<semaphore_mem>>) src(%dma_wait3A_159 : memref<40x128xi32, #tpu.memory_space<hbm>>) dst(%arg11 : memref<40x128xi32, #tpu.memory_space<vmem>>)
      tpu.yield
    }) : () -> ()
    %dma_start3A_82 = arith.constant 0 : i32
    %dma_start3A_83 = arith.constant 0 : i32
    %dma_start3A_84 = tpu.memref_slice %arg11[%dma_start3A_82, %dma_start3A_83] : memref<40x128xi32, #tpu.memory_space<vmem>> -> memref<1x128xi32, #tpu.memory_space<vmem>>
    %dma_start3A_85 = tpu.memref_squeeze %dma_start3A_84 : memref<1x128xi32, #tpu.memory_space<vmem>> -> memref<128xi32, #tpu.memory_space<vmem>>
    %dma_start3A_86 = arith.constant 0 : i32
    %dma_start3A_87 = arith.constant 0 : i32
    %dma_start3A_88 = tpu.memref_slice %arg8[%dma_start3A_86, %dma_start3A_87] : memref<10240x64xf32, #tpu.memory_space<vmem_shared>> -> memref<10240x64xf32, #tpu.memory_space<vmem_shared>>
    tpu.enqueue_indirect_dma source(%dma_start3A_88 : memref<10240x64xf32, #tpu.memory_space<vmem_shared>>) target(%arg12 : memref<128x64xf32, #tpu.memory_space<vmem>>) offsets(%dma_start3A_85 : memref<128xi32, #tpu.memory_space<vmem>>) semaphore(%arg15 : memref<!tpu.dma_semaphore, #tpu.memory_space<semaphore_mem>>)
    %scan3A_89 = arith.constant 0 : i32
    %scan3A_90 = arith.constant 0 : i32
    %scan3A_91 = arith.constant 20 : i32
    %scan3A_92 = arith.addi %scan3A_90, %scan3A_91 : i32
    %scan3A_93 = arith.constant 1 : i32
    scf.for %scan3A_144 = %scan3A_90 to %scan3A_92 step %scan3A_93  : i32 {
      %mul3A_145 = arith.constant 2 : i32
      %mul3A_146 = arith.muli %mul3A_145, %scan3A_144 : i32
      %add3A_147 = arith.constant 1 : i32
      %add3A_148 = arith.addi %mul3A_146, %add3A_147 : i32
      %dma_wait3A_149 = arith.constant 0 : i32
      %dma_wait3A_150 = tpu.memref_slice %arg11[%mul3A_146, %dma_wait3A_149] : memref<40x128xi32, #tpu.memory_space<vmem>> -> memref<1x128xi32, #tpu.memory_space<vmem>>
      %dma_wait3A_151 = tpu.memref_squeeze %dma_wait3A_150 : memref<1x128xi32, #tpu.memory_space<vmem>> -> memref<128xi32, #tpu.memory_space<vmem>>
      %dma_wait3A_152 = arith.constant 0 : i32
      %dma_wait3A_153 = arith.constant 0 : i32
      %dma_wait3A_154 = tpu.memref_slice %arg8[%dma_wait3A_152, %dma_wait3A_153] : memref<10240x64xf32, #tpu.memory_space<vmem_shared>> -> memref<10240x64xf32, #tpu.memory_space<vmem_shared>>
      tpu.wait_indirect_dma semaphore(%arg15 : memref<!tpu.dma_semaphore, #tpu.memory_space<semaphore_mem>>) src(%dma_wait3A_154 : memref<10240x64xf32, #tpu.memory_space<vmem_shared>>) dst(%arg12 : memref<128x64xf32, #tpu.memory_space<vmem>>)
      %dma_start3A_155 = arith.constant 0 : i32
      %dma_start3A_156 = tpu.memref_slice %arg11[%add3A_148, %dma_start3A_155] : memref<40x128xi32, #tpu.memory_space<vmem>> -> memref<1x128xi32, #tpu.memory_space<vmem>>
      %dma_start3A_157 = tpu.memref_squeeze %dma_start3A_156 : memref<1x128xi32, #tpu.memory_space<vmem>> -> memref<128xi32, #tpu.memory_space<vmem>>
      %dma_start3A_158 = arith.constant 0 : i32
      %dma_start3A_159 = arith.constant 0 : i32
      %dma_start3A_160 = tpu.memref_slice %arg8[%dma_start3A_158, %dma_start3A_159] : memref<10240x64xf32, #tpu.memory_space<vmem_shared>> -> memref<10240x64xf32, #tpu.memory_space<vmem_shared>>
      tpu.enqueue_indirect_dma source(%dma_start3A_160 : memref<10240x64xf32, #tpu.memory_space<vmem_shared>>) target(%arg13 : memref<128x64xf32, #tpu.memory_space<vmem>>) offsets(%dma_start3A_157 : memref<128xi32, #tpu.memory_space<vmem>>) semaphore(%arg16 : memref<!tpu.dma_semaphore, #tpu.memory_space<semaphore_mem>>)
      "tpu.region"() ({
        %run_scoped3A = tpu.sem_alloc : memref<!tpu.dma_semaphore, #tpu.memory_space<semaphore_mem>>
        %dma_start3A_169 = arith.constant 0 : i32
        %dma_start3A_170 = tpu.memref_slice %arg10[%mul3A_146, %dma_start3A_169] : memref<40x128xi32, #tpu.memory_space<vmem>> -> memref<1x128xi32, #tpu.memory_space<vmem>>
        %dma_start3A_171 = tpu.memref_squeeze %dma_start3A_170 : memref<1x128xi32, #tpu.memory_space<vmem>> -> memref<128xi32, #tpu.memory_space<vmem>>
        %dma_start3A_172 = arith.constant 0 : i32
        %dma_start3A_173 = arith.constant 0 : i32
        %dma_start3A_174 = tpu.memref_slice %arg9[%dma_start3A_172, %dma_start3A_173] : memref<10240x64xf32, #tpu.memory_space<vmem_shared>> -> memref<10240x64xf32, #tpu.memory_space<vmem_shared>>
        tpu.enqueue_indirect_dma source(%arg12 : memref<128x64xf32, #tpu.memory_space<vmem>>) target(%dma_start3A_174 : memref<10240x64xf32, #tpu.memory_space<vmem_shared>>) offsets(%dma_start3A_171 : memref<128xi32, #tpu.memory_space<vmem>>) semaphore(%run_scoped3A : memref<!tpu.dma_semaphore, #tpu.memory_space<semaphore_mem>>) {add = true}
        %dma_wait3A_175 = arith.constant 0 : i32
        %dma_wait3A_176 = tpu.memref_slice %arg10[%mul3A_146, %dma_wait3A_175] : memref<40x128xi32, #tpu.memory_space<vmem>> -> memref<1x128xi32, #tpu.memory_space<vmem>>
        %dma_wait3A_177 = tpu.memref_squeeze %dma_wait3A_176 : memref<1x128xi32, #tpu.memory_space<vmem>> -> memref<128xi32, #tpu.memory_space<vmem>>
        %dma_wait3A_178 = arith.constant 0 : i32
        %dma_wait3A_179 = arith.constant 0 : i32
        %dma_wait3A_180 = tpu.memref_slice %arg9[%dma_wait3A_178, %dma_wait3A_179] : memref<10240x64xf32, #tpu.memory_space<vmem_shared>> -> memref<10240x64xf32, #tpu.memory_space<vmem_shared>>
        tpu.wait_indirect_dma semaphore(%run_scoped3A : memref<!tpu.dma_semaphore, #tpu.memory_space<semaphore_mem>>) src(%arg12 : memref<128x64xf32, #tpu.memory_space<vmem>>) dst(%dma_wait3A_180 : memref<10240x64xf32, #tpu.memory_space<vmem_shared>>)
        tpu.yield
      }) : () -> ()
      %dma_wait3A_161 = arith.constant 0 : i32
      %dma_wait3A_162 = tpu.memref_slice %arg11[%add3A_148, %dma_wait3A_161] : memref<40x128xi32, #tpu.memory_space<vmem>> -> memref<1x128xi32, #tpu.memory_space<vmem>>
      %dma_wait3A_163 = tpu.memref_squeeze %dma_wait3A_162 : memref<1x128xi32, #tpu.memory_space<vmem>> -> memref<128xi32, #tpu.memory_space<vmem>>
      %dma_wait3A_164 = arith.constant 0 : i32
      %dma_wait3A_165 = arith.constant 0 : i32
      %dma_wait3A_166 = tpu.memref_slice %arg8[%dma_wait3A_164, %dma_wait3A_165] : memref<10240x64xf32, #tpu.memory_space<vmem_shared>> -> memref<10240x64xf32, #tpu.memory_space<vmem_shared>>
      tpu.wait_indirect_dma semaphore(%arg16 : memref<!tpu.dma_semaphore, #tpu.memory_space<semaphore_mem>>) src(%dma_wait3A_166 : memref<10240x64xf32, #tpu.memory_space<vmem_shared>>) dst(%arg13 : memref<128x64xf32, #tpu.memory_space<vmem>>)
      %lt3A = arith.constant 19 : i32
      %lt3A_167 = arith.cmpi slt, %scan3A_144, %lt3A : i32
      %convert_element_type3A = arith.extui %lt3A_167 : i1 to i32
      %cond3A = arith.constant 0 : i32
      %cond3A_168 = arith.cmpi ne, %convert_element_type3A, %cond3A : i32
      scf.if %cond3A_168 {
        %add3A_169 = arith.constant 2 : i32
        %add3A_170 = arith.addi %mul3A_146, %add3A_169 : i32
        %dma_start3A_171 = arith.constant 0 : i32
        %dma_start3A_172 = tpu.memref_slice %arg11[%add3A_170, %dma_start3A_171] : memref<40x128xi32, #tpu.memory_space<vmem>> -> memref<1x128xi32, #tpu.memory_space<vmem>>
        %dma_start3A_173 = tpu.memref_squeeze %dma_start3A_172 : memref<1x128xi32, #tpu.memory_space<vmem>> -> memref<128xi32, #tpu.memory_space<vmem>>
        %dma_start3A_174 = arith.constant 0 : i32
        %dma_start3A_175 = arith.constant 0 : i32
        %dma_start3A_176 = tpu.memref_slice %arg8[%dma_start3A_174, %dma_start3A_175] : memref<10240x64xf32, #tpu.memory_space<vmem_shared>> -> memref<10240x64xf32, #tpu.memory_space<vmem_shared>>
        tpu.enqueue_indirect_dma source(%dma_start3A_176 : memref<10240x64xf32, #tpu.memory_space<vmem_shared>>) target(%arg12 : memref<128x64xf32, #tpu.memory_space<vmem>>) offsets(%dma_start3A_173 : memref<128xi32, #tpu.memory_space<vmem>>) semaphore(%arg15 : memref<!tpu.dma_semaphore, #tpu.memory_space<semaphore_mem>>)
      } else {
      }
      "tpu.region"() ({
        %run_scoped3A = tpu.sem_alloc : memref<!tpu.dma_semaphore, #tpu.memory_space<semaphore_mem>>
        %dma_start3A_169 = arith.constant 0 : i32
        %dma_start3A_170 = tpu.memref_slice %arg10[%add3A_148, %dma_start3A_169] : memref<40x128xi32, #tpu.memory_space<vmem>> -> memref<1x128xi32, #tpu.memory_space<vmem>>
        %dma_start3A_171 = tpu.memref_squeeze %dma_start3A_170 : memref<1x128xi32, #tpu.memory_space<vmem>> -> memref<128xi32, #tpu.memory_space<vmem>>
        %dma_start3A_172 = arith.constant 0 : i32
        %dma_start3A_173 = arith.constant 0 : i32
        %dma_start3A_174 = tpu.memref_slice %arg9[%dma_start3A_172, %dma_start3A_173] : memref<10240x64xf32, #tpu.memory_space<vmem_shared>> -> memref<10240x64xf32, #tpu.memory_space<vmem_shared>>
        tpu.enqueue_indirect_dma source(%arg13 : memref<128x64xf32, #tpu.memory_space<vmem>>) target(%dma_start3A_174 : memref<10240x64xf32, #tpu.memory_space<vmem_shared>>) offsets(%dma_start3A_171 : memref<128xi32, #tpu.memory_space<vmem>>) semaphore(%run_scoped3A : memref<!tpu.dma_semaphore, #tpu.memory_space<semaphore_mem>>) {add = true}
        %dma_wait3A_175 = arith.constant 0 : i32
        %dma_wait3A_176 = tpu.memref_slice %arg10[%add3A_148, %dma_wait3A_175] : memref<40x128xi32, #tpu.memory_space<vmem>> -> memref<1x128xi32, #tpu.memory_space<vmem>>
        %dma_wait3A_177 = tpu.memref_squeeze %dma_wait3A_176 : memref<1x128xi32, #tpu.memory_space<vmem>> -> memref<128xi32, #tpu.memory_space<vmem>>
        %dma_wait3A_178 = arith.constant 0 : i32
        %dma_wait3A_179 = arith.constant 0 : i32
        %dma_wait3A_180 = tpu.memref_slice %arg9[%dma_wait3A_178, %dma_wait3A_179] : memref<10240x64xf32, #tpu.memory_space<vmem_shared>> -> memref<10240x64xf32, #tpu.memory_space<vmem_shared>>
        tpu.wait_indirect_dma semaphore(%run_scoped3A : memref<!tpu.dma_semaphore, #tpu.memory_space<semaphore_mem>>) src(%arg13 : memref<128x64xf32, #tpu.memory_space<vmem>>) dst(%dma_wait3A_180 : memref<10240x64xf32, #tpu.memory_space<vmem_shared>>)
        tpu.yield
      }) : () -> ()
    }
    %scan3A_94 = arith.constant 20 : i32
    "tpu.region"() ({
      %run_scoped3A = tpu.sem_alloc : memref<!tpu.dma_semaphore, #tpu.memory_space<semaphore_mem>>
      %dma_start3A_144 = arith.constant 120 : i32
      %dma_start3A_145 = arith.constant 0 : i32
      %dma_start3A_146 = tpu.memref_slice %arg3[%arg1, %dma_start3A_144, %dma_start3A_145] : memref<16x160x128xi32, #tpu.memory_space<hbm>> -> memref<1x40x128xi32, #tpu.memory_space<hbm>>
      %dma_start3A_147 = tpu.memref_squeeze %dma_start3A_146 : memref<1x40x128xi32, #tpu.memory_space<hbm>> -> memref<40x128xi32, #tpu.memory_space<hbm>>
      %dma_start3A_148 = arith.constant 120 : i32
      %dma_start3A_149 = arith.constant 0 : i32
      %dma_start3A_150 = tpu.memref_slice %arg3[%arg1, %dma_start3A_148, %dma_start3A_149] : memref<16x160x128xi32, #tpu.memory_space<hbm>> -> memref<1x40x128xi32, #tpu.memory_space<hbm>>
      %dma_start3A_151 = tpu.memref_squeeze %dma_start3A_150 : memref<1x40x128xi32, #tpu.memory_space<hbm>> -> memref<40x128xi32, #tpu.memory_space<hbm>>
      tpu.enqueue_dma source(%dma_start3A_151 : memref<40x128xi32, #tpu.memory_space<hbm>>) target(%arg10 : memref<40x128xi32, #tpu.memory_space<vmem>>) target_semaphore(%run_scoped3A : memref<!tpu.dma_semaphore, #tpu.memory_space<semaphore_mem>>)
      %dma_wait3A_152 = arith.constant 120 : i32
      %dma_wait3A_153 = arith.constant 0 : i32
      %dma_wait3A_154 = tpu.memref_slice %arg3[%arg1, %dma_wait3A_152, %dma_wait3A_153] : memref<16x160x128xi32, #tpu.memory_space<hbm>> -> memref<1x40x128xi32, #tpu.memory_space<hbm>>
      %dma_wait3A_155 = tpu.memref_squeeze %dma_wait3A_154 : memref<1x40x128xi32, #tpu.memory_space<hbm>> -> memref<40x128xi32, #tpu.memory_space<hbm>>
      %dma_wait3A_156 = arith.constant 120 : i32
      %dma_wait3A_157 = arith.constant 0 : i32
      %dma_wait3A_158 = tpu.memref_slice %arg3[%arg1, %dma_wait3A_156, %dma_wait3A_157] : memref<16x160x128xi32, #tpu.memory_space<hbm>> -> memref<1x40x128xi32, #tpu.memory_space<hbm>>
      %dma_wait3A_159 = tpu.memref_squeeze %dma_wait3A_158 : memref<1x40x128xi32, #tpu.memory_space<hbm>> -> memref<40x128xi32, #tpu.memory_space<hbm>>
      tpu.wait_dma2 semaphore(%run_scoped3A : memref<!tpu.dma_semaphore, #tpu.memory_space<semaphore_mem>>) src(%dma_wait3A_159 : memref<40x128xi32, #tpu.memory_space<hbm>>) dst(%arg10 : memref<40x128xi32, #tpu.memory_space<vmem>>)
      tpu.yield
    }) : () -> ()
    "tpu.region"() ({
      %run_scoped3A = tpu.sem_alloc : memref<!tpu.dma_semaphore, #tpu.memory_space<semaphore_mem>>
      %dma_start3A_144 = arith.constant 120 : i32
      %dma_start3A_145 = arith.constant 0 : i32
      %dma_start3A_146 = tpu.memref_slice %arg4[%arg1, %dma_start3A_144, %dma_start3A_145] : memref<16x160x128xi32, #tpu.memory_space<hbm>> -> memref<1x40x128xi32, #tpu.memory_space<hbm>>
      %dma_start3A_147 = tpu.memref_squeeze %dma_start3A_146 : memref<1x40x128xi32, #tpu.memory_space<hbm>> -> memref<40x128xi32, #tpu.memory_space<hbm>>
      %dma_start3A_148 = arith.constant 120 : i32
      %dma_start3A_149 = arith.constant 0 : i32
      %dma_start3A_150 = tpu.memref_slice %arg4[%arg1, %dma_start3A_148, %dma_start3A_149] : memref<16x160x128xi32, #tpu.memory_space<hbm>> -> memref<1x40x128xi32, #tpu.memory_space<hbm>>
      %dma_start3A_151 = tpu.memref_squeeze %dma_start3A_150 : memref<1x40x128xi32, #tpu.memory_space<hbm>> -> memref<40x128xi32, #tpu.memory_space<hbm>>
      tpu.enqueue_dma source(%dma_start3A_151 : memref<40x128xi32, #tpu.memory_space<hbm>>) target(%arg11 : memref<40x128xi32, #tpu.memory_space<vmem>>) target_semaphore(%run_scoped3A : memref<!tpu.dma_semaphore, #tpu.memory_space<semaphore_mem>>)
      %dma_wait3A_152 = arith.constant 120 : i32
      %dma_wait3A_153 = arith.constant 0 : i32
      %dma_wait3A_154 = tpu.memref_slice %arg4[%arg1, %dma_wait3A_152, %dma_wait3A_153] : memref<16x160x128xi32, #tpu.memory_space<hbm>> -> memref<1x40x128xi32, #tpu.memory_space<hbm>>
      %dma_wait3A_155 = tpu.memref_squeeze %dma_wait3A_154 : memref<1x40x128xi32, #tpu.memory_space<hbm>> -> memref<40x128xi32, #tpu.memory_space<hbm>>
      %dma_wait3A_156 = arith.constant 120 : i32
      %dma_wait3A_157 = arith.constant 0 : i32
      %dma_wait3A_158 = tpu.memref_slice %arg4[%arg1, %dma_wait3A_156, %dma_wait3A_157] : memref<16x160x128xi32, #tpu.memory_space<hbm>> -> memref<1x40x128xi32, #tpu.memory_space<hbm>>
      %dma_wait3A_159 = tpu.memref_squeeze %dma_wait3A_158 : memref<1x40x128xi32, #tpu.memory_space<hbm>> -> memref<40x128xi32, #tpu.memory_space<hbm>>
      tpu.wait_dma2 semaphore(%run_scoped3A : memref<!tpu.dma_semaphore, #tpu.memory_space<semaphore_mem>>) src(%dma_wait3A_159 : memref<40x128xi32, #tpu.memory_space<hbm>>) dst(%arg11 : memref<40x128xi32, #tpu.memory_space<vmem>>)
      tpu.yield
    }) : () -> ()
    %dma_start3A_95 = arith.constant 0 : i32
    %dma_start3A_96 = arith.constant 0 : i32
    %dma_start3A_97 = tpu.memref_slice %arg11[%dma_start3A_95, %dma_start3A_96] : memref<40x128xi32, #tpu.memory_space<vmem>> -> memref<1x128xi32, #tpu.memory_space<vmem>>
    %dma_start3A_98 = tpu.memref_squeeze %dma_start3A_97 : memref<1x128xi32, #tpu.memory_space<vmem>> -> memref<128xi32, #tpu.memory_space<vmem>>
    %dma_start3A_99 = arith.constant 0 : i32
    %dma_start3A_100 = arith.constant 0 : i32
    %dma_start3A_101 = tpu.memref_slice %arg8[%dma_start3A_99, %dma_start3A_100] : memref<10240x64xf32, #tpu.memory_space<vmem_shared>> -> memref<10240x64xf32, #tpu.memory_space<vmem_shared>>
    tpu.enqueue_indirect_dma source(%dma_start3A_101 : memref<10240x64xf32, #tpu.memory_space<vmem_shared>>) target(%arg12 : memref<128x64xf32, #tpu.memory_space<vmem>>) offsets(%dma_start3A_98 : memref<128xi32, #tpu.memory_space<vmem>>) semaphore(%arg15 : memref<!tpu.dma_semaphore, #tpu.memory_space<semaphore_mem>>)
    %scan3A_102 = arith.constant 0 : i32
    %scan3A_103 = arith.constant 0 : i32
    %scan3A_104 = arith.constant 20 : i32
    %scan3A_105 = arith.addi %scan3A_103, %scan3A_104 : i32
    %scan3A_106 = arith.constant 1 : i32
    scf.for %scan3A_144 = %scan3A_103 to %scan3A_105 step %scan3A_106  : i32 {
      %mul3A_145 = arith.constant 2 : i32
      %mul3A_146 = arith.muli %mul3A_145, %scan3A_144 : i32
      %add3A_147 = arith.constant 1 : i32
      %add3A_148 = arith.addi %mul3A_146, %add3A_147 : i32
      %dma_wait3A_149 = arith.constant 0 : i32
      %dma_wait3A_150 = tpu.memref_slice %arg11[%mul3A_146, %dma_wait3A_149] : memref<40x128xi32, #tpu.memory_space<vmem>> -> memref<1x128xi32, #tpu.memory_space<vmem>>
      %dma_wait3A_151 = tpu.memref_squeeze %dma_wait3A_150 : memref<1x128xi32, #tpu.memory_space<vmem>> -> memref<128xi32, #tpu.memory_space<vmem>>
      %dma_wait3A_152 = arith.constant 0 : i32
      %dma_wait3A_153 = arith.constant 0 : i32
      %dma_wait3A_154 = tpu.memref_slice %arg8[%dma_wait3A_152, %dma_wait3A_153] : memref<10240x64xf32, #tpu.memory_space<vmem_shared>> -> memref<10240x64xf32, #tpu.memory_space<vmem_shared>>
      tpu.wait_indirect_dma semaphore(%arg15 : memref<!tpu.dma_semaphore, #tpu.memory_space<semaphore_mem>>) src(%dma_wait3A_154 : memref<10240x64xf32, #tpu.memory_space<vmem_shared>>) dst(%arg12 : memref<128x64xf32, #tpu.memory_space<vmem>>)
      %dma_start3A_155 = arith.constant 0 : i32
      %dma_start3A_156 = tpu.memref_slice %arg11[%add3A_148, %dma_start3A_155] : memref<40x128xi32, #tpu.memory_space<vmem>> -> memref<1x128xi32, #tpu.memory_space<vmem>>
      %dma_start3A_157 = tpu.memref_squeeze %dma_start3A_156 : memref<1x128xi32, #tpu.memory_space<vmem>> -> memref<128xi32, #tpu.memory_space<vmem>>
      %dma_start3A_158 = arith.constant 0 : i32
      %dma_start3A_159 = arith.constant 0 : i32
      %dma_start3A_160 = tpu.memref_slice %arg8[%dma_start3A_158, %dma_start3A_159] : memref<10240x64xf32, #tpu.memory_space<vmem_shared>> -> memref<10240x64xf32, #tpu.memory_space<vmem_shared>>
      tpu.enqueue_indirect_dma source(%dma_start3A_160 : memref<10240x64xf32, #tpu.memory_space<vmem_shared>>) target(%arg13 : memref<128x64xf32, #tpu.memory_space<vmem>>) offsets(%dma_start3A_157 : memref<128xi32, #tpu.memory_space<vmem>>) semaphore(%arg16 : memref<!tpu.dma_semaphore, #tpu.memory_space<semaphore_mem>>)
      "tpu.region"() ({
        %run_scoped3A = tpu.sem_alloc : memref<!tpu.dma_semaphore, #tpu.memory_space<semaphore_mem>>
        %dma_start3A_169 = arith.constant 0 : i32
        %dma_start3A_170 = tpu.memref_slice %arg10[%mul3A_146, %dma_start3A_169] : memref<40x128xi32, #tpu.memory_space<vmem>> -> memref<1x128xi32, #tpu.memory_space<vmem>>
        %dma_start3A_171 = tpu.memref_squeeze %dma_start3A_170 : memref<1x128xi32, #tpu.memory_space<vmem>> -> memref<128xi32, #tpu.memory_space<vmem>>
        %dma_start3A_172 = arith.constant 0 : i32
        %dma_start3A_173 = arith.constant 0 : i32
        %dma_start3A_174 = tpu.memref_slice %arg9[%dma_start3A_172, %dma_start3A_173] : memref<10240x64xf32, #tpu.memory_space<vmem_shared>> -> memref<10240x64xf32, #tpu.memory_space<vmem_shared>>
        tpu.enqueue_indirect_dma source(%arg12 : memref<128x64xf32, #tpu.memory_space<vmem>>) target(%dma_start3A_174 : memref<10240x64xf32, #tpu.memory_space<vmem_shared>>) offsets(%dma_start3A_171 : memref<128xi32, #tpu.memory_space<vmem>>) semaphore(%run_scoped3A : memref<!tpu.dma_semaphore, #tpu.memory_space<semaphore_mem>>) {add = true}
        %dma_wait3A_175 = arith.constant 0 : i32
        %dma_wait3A_176 = tpu.memref_slice %arg10[%mul3A_146, %dma_wait3A_175] : memref<40x128xi32, #tpu.memory_space<vmem>> -> memref<1x128xi32, #tpu.memory_space<vmem>>
        %dma_wait3A_177 = tpu.memref_squeeze %dma_wait3A_176 : memref<1x128xi32, #tpu.memory_space<vmem>> -> memref<128xi32, #tpu.memory_space<vmem>>
        %dma_wait3A_178 = arith.constant 0 : i32
        %dma_wait3A_179 = arith.constant 0 : i32
        %dma_wait3A_180 = tpu.memref_slice %arg9[%dma_wait3A_178, %dma_wait3A_179] : memref<10240x64xf32, #tpu.memory_space<vmem_shared>> -> memref<10240x64xf32, #tpu.memory_space<vmem_shared>>
        tpu.wait_indirect_dma semaphore(%run_scoped3A : memref<!tpu.dma_semaphore, #tpu.memory_space<semaphore_mem>>) src(%arg12 : memref<128x64xf32, #tpu.memory_space<vmem>>) dst(%dma_wait3A_180 : memref<10240x64xf32, #tpu.memory_space<vmem_shared>>)
        tpu.yield
      }) : () -> ()
      %dma_wait3A_161 = arith.constant 0 : i32
      %dma_wait3A_162 = tpu.memref_slice %arg11[%add3A_148, %dma_wait3A_161] : memref<40x128xi32, #tpu.memory_space<vmem>> -> memref<1x128xi32, #tpu.memory_space<vmem>>
      %dma_wait3A_163 = tpu.memref_squeeze %dma_wait3A_162 : memref<1x128xi32, #tpu.memory_space<vmem>> -> memref<128xi32, #tpu.memory_space<vmem>>
      %dma_wait3A_164 = arith.constant 0 : i32
      %dma_wait3A_165 = arith.constant 0 : i32
      %dma_wait3A_166 = tpu.memref_slice %arg8[%dma_wait3A_164, %dma_wait3A_165] : memref<10240x64xf32, #tpu.memory_space<vmem_shared>> -> memref<10240x64xf32, #tpu.memory_space<vmem_shared>>
      tpu.wait_indirect_dma semaphore(%arg16 : memref<!tpu.dma_semaphore, #tpu.memory_space<semaphore_mem>>) src(%dma_wait3A_166 : memref<10240x64xf32, #tpu.memory_space<vmem_shared>>) dst(%arg13 : memref<128x64xf32, #tpu.memory_space<vmem>>)
      %lt3A = arith.constant 19 : i32
      %lt3A_167 = arith.cmpi slt, %scan3A_144, %lt3A : i32
      %convert_element_type3A = arith.extui %lt3A_167 : i1 to i32
      %cond3A = arith.constant 0 : i32
      %cond3A_168 = arith.cmpi ne, %convert_element_type3A, %cond3A : i32
      scf.if %cond3A_168 {
        %add3A_169 = arith.constant 2 : i32
        %add3A_170 = arith.addi %mul3A_146, %add3A_169 : i32
        %dma_start3A_171 = arith.constant 0 : i32
        %dma_start3A_172 = tpu.memref_slice %arg11[%add3A_170, %dma_start3A_171] : memref<40x128xi32, #tpu.memory_space<vmem>> -> memref<1x128xi32, #tpu.memory_space<vmem>>
        %dma_start3A_173 = tpu.memref_squeeze %dma_start3A_172 : memref<1x128xi32, #tpu.memory_space<vmem>> -> memref<128xi32, #tpu.memory_space<vmem>>
        %dma_start3A_174 = arith.constant 0 : i32
        %dma_start3A_175 = arith.constant 0 : i32
        %dma_start3A_176 = tpu.memref_slice %arg8[%dma_start3A_174, %dma_start3A_175] : memref<10240x64xf32, #tpu.memory_space<vmem_shared>> -> memref<10240x64xf32, #tpu.memory_space<vmem_shared>>
        tpu.enqueue_indirect_dma source(%dma_start3A_176 : memref<10240x64xf32, #tpu.memory_space<vmem_shared>>) target(%arg12 : memref<128x64xf32, #tpu.memory_space<vmem>>) offsets(%dma_start3A_173 : memref<128xi32, #tpu.memory_space<vmem>>) semaphore(%arg15 : memref<!tpu.dma_semaphore, #tpu.memory_space<semaphore_mem>>)
      } else {
      }
      "tpu.region"() ({
        %run_scoped3A = tpu.sem_alloc : memref<!tpu.dma_semaphore, #tpu.memory_space<semaphore_mem>>
        %dma_start3A_169 = arith.constant 0 : i32
        %dma_start3A_170 = tpu.memref_slice %arg10[%add3A_148, %dma_start3A_169] : memref<40x128xi32, #tpu.memory_space<vmem>> -> memref<1x128xi32, #tpu.memory_space<vmem>>
        %dma_start3A_171 = tpu.memref_squeeze %dma_start3A_170 : memref<1x128xi32, #tpu.memory_space<vmem>> -> memref<128xi32, #tpu.memory_space<vmem>>
        %dma_start3A_172 = arith.constant 0 : i32
        %dma_start3A_173 = arith.constant 0 : i32
        %dma_start3A_174 = tpu.memref_slice %arg9[%dma_start3A_172, %dma_start3A_173] : memref<10240x64xf32, #tpu.memory_space<vmem_shared>> -> memref<10240x64xf32, #tpu.memory_space<vmem_shared>>
        tpu.enqueue_indirect_dma source(%arg13 : memref<128x64xf32, #tpu.memory_space<vmem>>) target(%dma_start3A_174 : memref<10240x64xf32, #tpu.memory_space<vmem_shared>>) offsets(%dma_start3A_171 : memref<128xi32, #tpu.memory_space<vmem>>) semaphore(%run_scoped3A : memref<!tpu.dma_semaphore, #tpu.memory_space<semaphore_mem>>) {add = true}
        %dma_wait3A_175 = arith.constant 0 : i32
        %dma_wait3A_176 = tpu.memref_slice %arg10[%add3A_148, %dma_wait3A_175] : memref<40x128xi32, #tpu.memory_space<vmem>> -> memref<1x128xi32, #tpu.memory_space<vmem>>
        %dma_wait3A_177 = tpu.memref_squeeze %dma_wait3A_176 : memref<1x128xi32, #tpu.memory_space<vmem>> -> memref<128xi32, #tpu.memory_space<vmem>>
        %dma_wait3A_178 = arith.constant 0 : i32
        %dma_wait3A_179 = arith.constant 0 : i32
        %dma_wait3A_180 = tpu.memref_slice %arg9[%dma_wait3A_178, %dma_wait3A_179] : memref<10240x64xf32, #tpu.memory_space<vmem_shared>> -> memref<10240x64xf32, #tpu.memory_space<vmem_shared>>
        tpu.wait_indirect_dma semaphore(%run_scoped3A : memref<!tpu.dma_semaphore, #tpu.memory_space<semaphore_mem>>) src(%arg13 : memref<128x64xf32, #tpu.memory_space<vmem>>) dst(%dma_wait3A_180 : memref<10240x64xf32, #tpu.memory_space<vmem_shared>>)
        tpu.yield
      }) : () -> ()
    }
    %scan3A_107 = arith.constant 20 : i32
    %barrier3A_108 = arith.constant 0 : index
    tpu.barrier barrier_id(%barrier3A_108)
    "tpu.region"() ({
      %run_scoped3A = tpu.sem_alloc : memref<!tpu.dma_semaphore, #tpu.memory_space<semaphore_mem>>
      %dma_start3A_144 = arith.constant 0 : i32
      %dma_start3A_145 = arith.constant 0 : i32
      %dma_start3A_146 = tpu.memref_slice %arg6[%arg1, %dma_start3A_144, %dma_start3A_145] : memref<16x2x128xi32, #tpu.memory_space<hbm>> -> memref<1x2x128xi32, #tpu.memory_space<hbm>>
      %dma_start3A_147 = tpu.memref_squeeze %dma_start3A_146 : memref<1x2x128xi32, #tpu.memory_space<hbm>> -> memref<2x128xi32, #tpu.memory_space<hbm>>
      %dma_start3A_148 = arith.constant 0 : i32
      %dma_start3A_149 = arith.constant 0 : i32
      %dma_start3A_150 = tpu.memref_slice %arg6[%arg1, %dma_start3A_148, %dma_start3A_149] : memref<16x2x128xi32, #tpu.memory_space<hbm>> -> memref<1x2x128xi32, #tpu.memory_space<hbm>>
      %dma_start3A_151 = tpu.memref_squeeze %dma_start3A_150 : memref<1x2x128xi32, #tpu.memory_space<hbm>> -> memref<2x128xi32, #tpu.memory_space<hbm>>
      tpu.enqueue_dma source(%dma_start3A_151 : memref<2x128xi32, #tpu.memory_space<hbm>>) target(%arg14 : memref<2x128xi32, #tpu.memory_space<vmem>>) target_semaphore(%run_scoped3A : memref<!tpu.dma_semaphore, #tpu.memory_space<semaphore_mem>>)
      %dma_wait3A_152 = arith.constant 0 : i32
      %dma_wait3A_153 = arith.constant 0 : i32
      %dma_wait3A_154 = tpu.memref_slice %arg6[%arg1, %dma_wait3A_152, %dma_wait3A_153] : memref<16x2x128xi32, #tpu.memory_space<hbm>> -> memref<1x2x128xi32, #tpu.memory_space<hbm>>
      %dma_wait3A_155 = tpu.memref_squeeze %dma_wait3A_154 : memref<1x2x128xi32, #tpu.memory_space<hbm>> -> memref<2x128xi32, #tpu.memory_space<hbm>>
      %dma_wait3A_156 = arith.constant 0 : i32
      %dma_wait3A_157 = arith.constant 0 : i32
      %dma_wait3A_158 = tpu.memref_slice %arg6[%arg1, %dma_wait3A_156, %dma_wait3A_157] : memref<16x2x128xi32, #tpu.memory_space<hbm>> -> memref<1x2x128xi32, #tpu.memory_space<hbm>>
      %dma_wait3A_159 = tpu.memref_squeeze %dma_wait3A_158 : memref<1x2x128xi32, #tpu.memory_space<hbm>> -> memref<2x128xi32, #tpu.memory_space<hbm>>
      tpu.wait_dma2 semaphore(%run_scoped3A : memref<!tpu.dma_semaphore, #tpu.memory_space<semaphore_mem>>) src(%dma_wait3A_159 : memref<2x128xi32, #tpu.memory_space<hbm>>) dst(%arg14 : memref<2x128xi32, #tpu.memory_space<vmem>>)
      tpu.yield
    }) : () -> ()
    %dma_start3A_109 = arith.constant 0 : i32
    %dma_start3A_110 = arith.constant 0 : i32
    %dma_start3A_111 = tpu.memref_slice %arg14[%dma_start3A_109, %dma_start3A_110] : memref<2x128xi32, #tpu.memory_space<vmem>> -> memref<1x128xi32, #tpu.memory_space<vmem>>
    %dma_start3A_112 = tpu.memref_squeeze %dma_start3A_111 : memref<1x128xi32, #tpu.memory_space<vmem>> -> memref<128xi32, #tpu.memory_space<vmem>>
    %dma_start3A_113 = arith.constant 0 : i32
    %dma_start3A_114 = arith.constant 0 : i32
    %dma_start3A_115 = tpu.memref_slice %arg9[%dma_start3A_113, %dma_start3A_114] : memref<10240x64xf32, #tpu.memory_space<vmem_shared>> -> memref<10240x64xf32, #tpu.memory_space<vmem_shared>>
    tpu.enqueue_indirect_dma source(%dma_start3A_115 : memref<10240x64xf32, #tpu.memory_space<vmem_shared>>) target(%arg12 : memref<128x64xf32, #tpu.memory_space<vmem>>) offsets(%dma_start3A_112 : memref<128xi32, #tpu.memory_space<vmem>>) semaphore(%arg15 : memref<!tpu.dma_semaphore, #tpu.memory_space<semaphore_mem>>)
    %dma_wait3A = arith.constant 0 : i32
    %dma_wait3A_116 = arith.constant 0 : i32
    %dma_wait3A_117 = tpu.memref_slice %arg14[%dma_wait3A, %dma_wait3A_116] : memref<2x128xi32, #tpu.memory_space<vmem>> -> memref<1x128xi32, #tpu.memory_space<vmem>>
    %dma_wait3A_118 = tpu.memref_squeeze %dma_wait3A_117 : memref<1x128xi32, #tpu.memory_space<vmem>> -> memref<128xi32, #tpu.memory_space<vmem>>
    %dma_wait3A_119 = arith.constant 0 : i32
    %dma_wait3A_120 = arith.constant 0 : i32
    %dma_wait3A_121 = tpu.memref_slice %arg9[%dma_wait3A_119, %dma_wait3A_120] : memref<10240x64xf32, #tpu.memory_space<vmem_shared>> -> memref<10240x64xf32, #tpu.memory_space<vmem_shared>>
    tpu.wait_indirect_dma semaphore(%arg15 : memref<!tpu.dma_semaphore, #tpu.memory_space<semaphore_mem>>) src(%dma_wait3A_121 : memref<10240x64xf32, #tpu.memory_space<vmem_shared>>) dst(%arg12 : memref<128x64xf32, #tpu.memory_space<vmem>>)
    %mul3A_122 = arith.constant 256 : i32
    %mul3A_123 = arith.muli %arg1, %mul3A_122 : i32
    %add3A_124 = arith.constant 0 : i32
    %add3A_125 = arith.addi %mul3A_123, %add3A_124 : i32
    "tpu.region"() ({
      %run_scoped3A = tpu.sem_alloc : memref<!tpu.dma_semaphore, #tpu.memory_space<semaphore_mem>>
      %dma_start3A_144 = arith.constant 0 : i32
      %dma_start3A_145 = tpu.memref_slice %arg7[%arg0, %add3A_125, %dma_start3A_144] : memref<2x4096x64xf32, #tpu.memory_space<hbm>> -> memref<1x128x64xf32, #tpu.memory_space<hbm>>
      %dma_start3A_146 = tpu.memref_squeeze %dma_start3A_145 : memref<1x128x64xf32, #tpu.memory_space<hbm>> -> memref<128x64xf32, #tpu.memory_space<hbm>>
      %dma_start3A_147 = arith.constant 0 : i32
      %dma_start3A_148 = tpu.memref_slice %arg7[%arg0, %add3A_125, %dma_start3A_147] : memref<2x4096x64xf32, #tpu.memory_space<hbm>> -> memref<1x128x64xf32, #tpu.memory_space<hbm>>
      %dma_start3A_149 = tpu.memref_squeeze %dma_start3A_148 : memref<1x128x64xf32, #tpu.memory_space<hbm>> -> memref<128x64xf32, #tpu.memory_space<hbm>>
      tpu.enqueue_dma source(%arg12 : memref<128x64xf32, #tpu.memory_space<vmem>>) target(%dma_start3A_149 : memref<128x64xf32, #tpu.memory_space<hbm>>) target_semaphore(%run_scoped3A : memref<!tpu.dma_semaphore, #tpu.memory_space<semaphore_mem>>)
      %dma_wait3A_150 = arith.constant 0 : i32
      %dma_wait3A_151 = tpu.memref_slice %arg7[%arg0, %add3A_125, %dma_wait3A_150] : memref<2x4096x64xf32, #tpu.memory_space<hbm>> -> memref<1x128x64xf32, #tpu.memory_space<hbm>>
      %dma_wait3A_152 = tpu.memref_squeeze %dma_wait3A_151 : memref<1x128x64xf32, #tpu.memory_space<hbm>> -> memref<128x64xf32, #tpu.memory_space<hbm>>
      %dma_wait3A_153 = arith.constant 0 : i32
      %dma_wait3A_154 = tpu.memref_slice %arg7[%arg0, %add3A_125, %dma_wait3A_153] : memref<2x4096x64xf32, #tpu.memory_space<hbm>> -> memref<1x128x64xf32, #tpu.memory_space<hbm>>
      %dma_wait3A_155 = tpu.memref_squeeze %dma_wait3A_154 : memref<1x128x64xf32, #tpu.memory_space<hbm>> -> memref<128x64xf32, #tpu.memory_space<hbm>>
      tpu.wait_dma2 semaphore(%run_scoped3A : memref<!tpu.dma_semaphore, #tpu.memory_space<semaphore_mem>>) src(%arg12 : memref<128x64xf32, #tpu.memory_space<vmem>>) dst(%dma_wait3A_155 : memref<128x64xf32, #tpu.memory_space<hbm>>)
      tpu.yield
    }) : () -> ()
    %dma_start3A_126 = arith.constant 1 : i32
    %dma_start3A_127 = arith.constant 0 : i32
    %dma_start3A_128 = tpu.memref_slice %arg14[%dma_start3A_126, %dma_start3A_127] : memref<2x128xi32, #tpu.memory_space<vmem>> -> memref<1x128xi32, #tpu.memory_space<vmem>>
    %dma_start3A_129 = tpu.memref_squeeze %dma_start3A_128 : memref<1x128xi32, #tpu.memory_space<vmem>> -> memref<128xi32, #tpu.memory_space<vmem>>
    %dma_start3A_130 = arith.constant 0 : i32
    %dma_start3A_131 = arith.constant 0 : i32
    %dma_start3A_132 = tpu.memref_slice %arg9[%dma_start3A_130, %dma_start3A_131] : memref<10240x64xf32, #tpu.memory_space<vmem_shared>> -> memref<10240x64xf32, #tpu.memory_space<vmem_shared>>
    tpu.enqueue_indirect_dma source(%dma_start3A_132 : memref<10240x64xf32, #tpu.memory_space<vmem_shared>>) target(%arg12 : memref<128x64xf32, #tpu.memory_space<vmem>>) offsets(%dma_start3A_129 : memref<128xi32, #tpu.memory_space<vmem>>) semaphore(%arg15 : memref<!tpu.dma_semaphore, #tpu.memory_space<semaphore_mem>>)
    %dma_wait3A_133 = arith.constant 1 : i32
    %dma_wait3A_134 = arith.constant 0 : i32
    %dma_wait3A_135 = tpu.memref_slice %arg14[%dma_wait3A_133, %dma_wait3A_134] : memref<2x128xi32, #tpu.memory_space<vmem>> -> memref<1x128xi32, #tpu.memory_space<vmem>>
    %dma_wait3A_136 = tpu.memref_squeeze %dma_wait3A_135 : memref<1x128xi32, #tpu.memory_space<vmem>> -> memref<128xi32, #tpu.memory_space<vmem>>
    %dma_wait3A_137 = arith.constant 0 : i32
    %dma_wait3A_138 = arith.constant 0 : i32
    %dma_wait3A_139 = tpu.memref_slice %arg9[%dma_wait3A_137, %dma_wait3A_138] : memref<10240x64xf32, #tpu.memory_space<vmem_shared>> -> memref<10240x64xf32, #tpu.memory_space<vmem_shared>>
    tpu.wait_indirect_dma semaphore(%arg15 : memref<!tpu.dma_semaphore, #tpu.memory_space<semaphore_mem>>) src(%dma_wait3A_139 : memref<10240x64xf32, #tpu.memory_space<vmem_shared>>) dst(%arg12 : memref<128x64xf32, #tpu.memory_space<vmem>>)
    %mul3A_140 = arith.constant 256 : i32
    %mul3A_141 = arith.muli %arg1, %mul3A_140 : i32
    %add3A_142 = arith.constant 128 : i32
    %add3A_143 = arith.addi %mul3A_141, %add3A_142 : i32
    "tpu.region"() ({
      %run_scoped3A = tpu.sem_alloc : memref<!tpu.dma_semaphore, #tpu.memory_space<semaphore_mem>>
      %dma_start3A_144 = arith.constant 0 : i32
      %dma_start3A_145 = tpu.memref_slice %arg7[%arg0, %add3A_143, %dma_start3A_144] : memref<2x4096x64xf32, #tpu.memory_space<hbm>> -> memref<1x128x64xf32, #tpu.memory_space<hbm>>
      %dma_start3A_146 = tpu.memref_squeeze %dma_start3A_145 : memref<1x128x64xf32, #tpu.memory_space<hbm>> -> memref<128x64xf32, #tpu.memory_space<hbm>>
      %dma_start3A_147 = arith.constant 0 : i32
      %dma_start3A_148 = tpu.memref_slice %arg7[%arg0, %add3A_143, %dma_start3A_147] : memref<2x4096x64xf32, #tpu.memory_space<hbm>> -> memref<1x128x64xf32, #tpu.memory_space<hbm>>
      %dma_start3A_149 = tpu.memref_squeeze %dma_start3A_148 : memref<1x128x64xf32, #tpu.memory_space<hbm>> -> memref<128x64xf32, #tpu.memory_space<hbm>>
      tpu.enqueue_dma source(%arg12 : memref<128x64xf32, #tpu.memory_space<vmem>>) target(%dma_start3A_149 : memref<128x64xf32, #tpu.memory_space<hbm>>) target_semaphore(%run_scoped3A : memref<!tpu.dma_semaphore, #tpu.memory_space<semaphore_mem>>)
      %dma_wait3A_150 = arith.constant 0 : i32
      %dma_wait3A_151 = tpu.memref_slice %arg7[%arg0, %add3A_143, %dma_wait3A_150] : memref<2x4096x64xf32, #tpu.memory_space<hbm>> -> memref<1x128x64xf32, #tpu.memory_space<hbm>>
      %dma_wait3A_152 = tpu.memref_squeeze %dma_wait3A_151 : memref<1x128x64xf32, #tpu.memory_space<hbm>> -> memref<128x64xf32, #tpu.memory_space<hbm>>
      %dma_wait3A_153 = arith.constant 0 : i32
      %dma_wait3A_154 = tpu.memref_slice %arg7[%arg0, %add3A_143, %dma_wait3A_153] : memref<2x4096x64xf32, #tpu.memory_space<hbm>> -> memref<1x128x64xf32, #tpu.memory_space<hbm>>
      %dma_wait3A_155 = tpu.memref_squeeze %dma_wait3A_154 : memref<1x128x64xf32, #tpu.memory_space<hbm>> -> memref<128x64xf32, #tpu.memory_space<hbm>>
      tpu.wait_dma2 semaphore(%run_scoped3A : memref<!tpu.dma_semaphore, #tpu.memory_space<semaphore_mem>>) src(%arg12 : memref<128x64xf32, #tpu.memory_space<vmem>>) dst(%dma_wait3A_155 : memref<128x64xf32, #tpu.memory_space<hbm>>)
      tpu.yield
    }) : () -> ()
    return
  }
}

#map = affine_map<(d0, d1) -> (0, 0, 0)>
#map1 = affine_map<(d0, d1) -> (0, 0)>
module attributes {stable_mosaic.version = 14 : i64} {
  func.func @_deg_sc(%arg0: i32, %arg1: i32, %arg2: memref<16x160x128xi32, #tpu.memory_space<hbm>>, %arg3: memref<640x16xf32, #tpu.memory_space<hbm>>, %arg4: memref<128x16xf32, #tpu.memory_space<hbm>>, %arg5: memref<16x2x128xi32, #tpu.memory_space<hbm>>, %arg6: memref<2x10240x16xf32, #tpu.memory_space<hbm>>, %arg7: memref<2x4096x16xf32, #tpu.memory_space<hbm>>, %arg8: memref<10240x16xf32, #tpu.memory_space<vmem_shared>>, %arg9: memref<80x128xi32, #tpu.memory_space<vmem>>, %arg10: memref<128x16xf32, #tpu.memory_space<vmem>>, %arg11: memref<640x16xf32, #tpu.memory_space<vmem>>, %arg12: memref<2x128xi32, #tpu.memory_space<vmem>>, %arg13: memref<!tpu.dma_semaphore, #tpu.memory_space<semaphore_mem>>) attributes {dimension_semantics = [#tpu.dimension_semantics<core_parallel>, #tpu.dimension_semantics<subcore_parallel>], iteration_bounds = array<i64: 2, 16>, scalar_prefetch = 0 : i64, scratch_operands = 6 : i64, tpu.core_type = #tpu.core_type<sc_vector_subcore>, window_params = [{transform_indices = #map}, {transform_indices = #map1}, {transform_indices = #map1}, {transform_indices = #map}, {transform_indices = #map}, {transform_indices = #map}]} {
    "tpu.region"() ({
      %run_scoped3A = tpu.sem_alloc : memref<!tpu.dma_semaphore, #tpu.memory_space<semaphore_mem>>
      tpu.enqueue_dma source(%arg3 : memref<640x16xf32, #tpu.memory_space<hbm>>) target(%arg11 : memref<640x16xf32, #tpu.memory_space<vmem>>) target_semaphore(%run_scoped3A : memref<!tpu.dma_semaphore, #tpu.memory_space<semaphore_mem>>)
      tpu.wait_dma2 semaphore(%run_scoped3A : memref<!tpu.dma_semaphore, #tpu.memory_space<semaphore_mem>>) src(%arg3 : memref<640x16xf32, #tpu.memory_space<hbm>>) dst(%arg11 : memref<640x16xf32, #tpu.memory_space<vmem>>)
      tpu.yield
    }) : () -> ()
    %mul3A = arith.constant 640 : i32
    %mul3A_0 = arith.muli %arg1, %mul3A : i32
    "tpu.region"() ({
      %run_scoped3A = tpu.sem_alloc : memref<!tpu.dma_semaphore, #tpu.memory_space<semaphore_mem>>
      %dma_start3A_46 = arith.constant 0 : i32
      %dma_start3A_47 = tpu.memref_slice %arg8[%mul3A_0, %dma_start3A_46] : memref<10240x16xf32, #tpu.memory_space<vmem_shared>> -> memref<640x16xf32, #tpu.memory_space<vmem_shared>>
      %dma_start3A_48 = arith.constant 0 : i32
      %dma_start3A_49 = tpu.memref_slice %arg8[%mul3A_0, %dma_start3A_48] : memref<10240x16xf32, #tpu.memory_space<vmem_shared>> -> memref<640x16xf32, #tpu.memory_space<vmem_shared>>
      tpu.enqueue_dma source(%arg11 : memref<640x16xf32, #tpu.memory_space<vmem>>) target(%dma_start3A_49 : memref<640x16xf32, #tpu.memory_space<vmem_shared>>) target_semaphore(%run_scoped3A : memref<!tpu.dma_semaphore, #tpu.memory_space<semaphore_mem>>)
      %dma_wait3A_50 = arith.constant 0 : i32
      %dma_wait3A_51 = tpu.memref_slice %arg8[%mul3A_0, %dma_wait3A_50] : memref<10240x16xf32, #tpu.memory_space<vmem_shared>> -> memref<640x16xf32, #tpu.memory_space<vmem_shared>>
      %dma_wait3A_52 = arith.constant 0 : i32
      %dma_wait3A_53 = tpu.memref_slice %arg8[%mul3A_0, %dma_wait3A_52] : memref<10240x16xf32, #tpu.memory_space<vmem_shared>> -> memref<640x16xf32, #tpu.memory_space<vmem_shared>>
      tpu.wait_dma2 semaphore(%run_scoped3A : memref<!tpu.dma_semaphore, #tpu.memory_space<semaphore_mem>>) src(%arg11 : memref<640x16xf32, #tpu.memory_space<vmem>>) dst(%dma_wait3A_53 : memref<640x16xf32, #tpu.memory_space<vmem_shared>>)
      tpu.yield
    }) : () -> ()
    "tpu.region"() ({
      %run_scoped3A = tpu.sem_alloc : memref<!tpu.dma_semaphore, #tpu.memory_space<semaphore_mem>>
      tpu.enqueue_dma source(%arg4 : memref<128x16xf32, #tpu.memory_space<hbm>>) target(%arg10 : memref<128x16xf32, #tpu.memory_space<vmem>>) target_semaphore(%run_scoped3A : memref<!tpu.dma_semaphore, #tpu.memory_space<semaphore_mem>>)
      tpu.wait_dma2 semaphore(%run_scoped3A : memref<!tpu.dma_semaphore, #tpu.memory_space<semaphore_mem>>) src(%arg4 : memref<128x16xf32, #tpu.memory_space<hbm>>) dst(%arg10 : memref<128x16xf32, #tpu.memory_space<vmem>>)
      tpu.yield
    }) : () -> ()
    %mul3A_1 = arith.constant 80 : i32
    %mul3A_2 = arith.muli %arg0, %mul3A_1 : i32
    "tpu.region"() ({
      %run_scoped3A = tpu.sem_alloc : memref<!tpu.dma_semaphore, #tpu.memory_space<semaphore_mem>>
      %dma_start3A_46 = arith.constant 0 : i32
      %dma_start3A_47 = tpu.memref_slice %arg2[%arg1, %mul3A_2, %dma_start3A_46] : memref<16x160x128xi32, #tpu.memory_space<hbm>> -> memref<1x80x128xi32, #tpu.memory_space<hbm>>
      %dma_start3A_48 = tpu.memref_squeeze %dma_start3A_47 : memref<1x80x128xi32, #tpu.memory_space<hbm>> -> memref<80x128xi32, #tpu.memory_space<hbm>>
      %dma_start3A_49 = arith.constant 0 : i32
      %dma_start3A_50 = tpu.memref_slice %arg2[%arg1, %mul3A_2, %dma_start3A_49] : memref<16x160x128xi32, #tpu.memory_space<hbm>> -> memref<1x80x128xi32, #tpu.memory_space<hbm>>
      %dma_start3A_51 = tpu.memref_squeeze %dma_start3A_50 : memref<1x80x128xi32, #tpu.memory_space<hbm>> -> memref<80x128xi32, #tpu.memory_space<hbm>>
      tpu.enqueue_dma source(%dma_start3A_51 : memref<80x128xi32, #tpu.memory_space<hbm>>) target(%arg9 : memref<80x128xi32, #tpu.memory_space<vmem>>) target_semaphore(%run_scoped3A : memref<!tpu.dma_semaphore, #tpu.memory_space<semaphore_mem>>)
      %dma_wait3A_52 = arith.constant 0 : i32
      %dma_wait3A_53 = tpu.memref_slice %arg2[%arg1, %mul3A_2, %dma_wait3A_52] : memref<16x160x128xi32, #tpu.memory_space<hbm>> -> memref<1x80x128xi32, #tpu.memory_space<hbm>>
      %dma_wait3A_54 = tpu.memref_squeeze %dma_wait3A_53 : memref<1x80x128xi32, #tpu.memory_space<hbm>> -> memref<80x128xi32, #tpu.memory_space<hbm>>
      %dma_wait3A_55 = arith.constant 0 : i32
      %dma_wait3A_56 = tpu.memref_slice %arg2[%arg1, %mul3A_2, %dma_wait3A_55] : memref<16x160x128xi32, #tpu.memory_space<hbm>> -> memref<1x80x128xi32, #tpu.memory_space<hbm>>
      %dma_wait3A_57 = tpu.memref_squeeze %dma_wait3A_56 : memref<1x80x128xi32, #tpu.memory_space<hbm>> -> memref<80x128xi32, #tpu.memory_space<hbm>>
      tpu.wait_dma2 semaphore(%run_scoped3A : memref<!tpu.dma_semaphore, #tpu.memory_space<semaphore_mem>>) src(%dma_wait3A_57 : memref<80x128xi32, #tpu.memory_space<hbm>>) dst(%arg9 : memref<80x128xi32, #tpu.memory_space<vmem>>)
      tpu.yield
    }) : () -> ()
    %barrier3A = arith.constant 0 : index
    tpu.barrier barrier_id(%barrier3A)
    %scan3A = arith.constant 0 : i32
    %scan3A_3 = arith.constant 0 : i32
    %scan3A_4 = arith.constant 80 : i32
    %scan3A_5 = arith.addi %scan3A_3, %scan3A_4 : i32
    %scan3A_6 = arith.constant 1 : i32
    scf.for %scan3A_46 = %scan3A_3 to %scan3A_5 step %scan3A_6  : i32 {
      "tpu.region"() ({
        %run_scoped3A = tpu.sem_alloc : memref<!tpu.dma_semaphore, #tpu.memory_space<semaphore_mem>>
        %dma_start3A_47 = arith.constant 0 : i32
        %dma_start3A_48 = tpu.memref_slice %arg9[%scan3A_46, %dma_start3A_47] : memref<80x128xi32, #tpu.memory_space<vmem>> -> memref<1x128xi32, #tpu.memory_space<vmem>>
        %dma_start3A_49 = tpu.memref_squeeze %dma_start3A_48 : memref<1x128xi32, #tpu.memory_space<vmem>> -> memref<128xi32, #tpu.memory_space<vmem>>
        %dma_start3A_50 = arith.constant 0 : i32
        %dma_start3A_51 = arith.constant 0 : i32
        %dma_start3A_52 = tpu.memref_slice %arg8[%dma_start3A_50, %dma_start3A_51] : memref<10240x16xf32, #tpu.memory_space<vmem_shared>> -> memref<10240x16xf32, #tpu.memory_space<vmem_shared>>
        tpu.enqueue_indirect_dma source(%arg10 : memref<128x16xf32, #tpu.memory_space<vmem>>) target(%dma_start3A_52 : memref<10240x16xf32, #tpu.memory_space<vmem_shared>>) offsets(%dma_start3A_49 : memref<128xi32, #tpu.memory_space<vmem>>) semaphore(%run_scoped3A : memref<!tpu.dma_semaphore, #tpu.memory_space<semaphore_mem>>) {add = true}
        %dma_wait3A_53 = arith.constant 0 : i32
        %dma_wait3A_54 = tpu.memref_slice %arg9[%scan3A_46, %dma_wait3A_53] : memref<80x128xi32, #tpu.memory_space<vmem>> -> memref<1x128xi32, #tpu.memory_space<vmem>>
        %dma_wait3A_55 = tpu.memref_squeeze %dma_wait3A_54 : memref<1x128xi32, #tpu.memory_space<vmem>> -> memref<128xi32, #tpu.memory_space<vmem>>
        %dma_wait3A_56 = arith.constant 0 : i32
        %dma_wait3A_57 = arith.constant 0 : i32
        %dma_wait3A_58 = tpu.memref_slice %arg8[%dma_wait3A_56, %dma_wait3A_57] : memref<10240x16xf32, #tpu.memory_space<vmem_shared>> -> memref<10240x16xf32, #tpu.memory_space<vmem_shared>>
        tpu.wait_indirect_dma semaphore(%run_scoped3A : memref<!tpu.dma_semaphore, #tpu.memory_space<semaphore_mem>>) src(%arg10 : memref<128x16xf32, #tpu.memory_space<vmem>>) dst(%dma_wait3A_58 : memref<10240x16xf32, #tpu.memory_space<vmem_shared>>)
        tpu.yield
      }) : () -> ()
    }
    %scan3A_7 = arith.constant 80 : i32
    %barrier3A_8 = arith.constant 0 : index
    tpu.barrier barrier_id(%barrier3A_8)
    %mul3A_9 = arith.constant 640 : i32
    %mul3A_10 = arith.muli %arg1, %mul3A_9 : i32
    "tpu.region"() ({
      %run_scoped3A = tpu.sem_alloc : memref<!tpu.dma_semaphore, #tpu.memory_space<semaphore_mem>>
      %dma_start3A_46 = arith.constant 0 : i32
      %dma_start3A_47 = tpu.memref_slice %arg8[%mul3A_10, %dma_start3A_46] : memref<10240x16xf32, #tpu.memory_space<vmem_shared>> -> memref<640x16xf32, #tpu.memory_space<vmem_shared>>
      %dma_start3A_48 = arith.constant 0 : i32
      %dma_start3A_49 = tpu.memref_slice %arg8[%mul3A_10, %dma_start3A_48] : memref<10240x16xf32, #tpu.memory_space<vmem_shared>> -> memref<640x16xf32, #tpu.memory_space<vmem_shared>>
      tpu.enqueue_dma source(%dma_start3A_49 : memref<640x16xf32, #tpu.memory_space<vmem_shared>>) target(%arg11 : memref<640x16xf32, #tpu.memory_space<vmem>>) target_semaphore(%run_scoped3A : memref<!tpu.dma_semaphore, #tpu.memory_space<semaphore_mem>>)
      %dma_wait3A_50 = arith.constant 0 : i32
      %dma_wait3A_51 = tpu.memref_slice %arg8[%mul3A_10, %dma_wait3A_50] : memref<10240x16xf32, #tpu.memory_space<vmem_shared>> -> memref<640x16xf32, #tpu.memory_space<vmem_shared>>
      %dma_wait3A_52 = arith.constant 0 : i32
      %dma_wait3A_53 = tpu.memref_slice %arg8[%mul3A_10, %dma_wait3A_52] : memref<10240x16xf32, #tpu.memory_space<vmem_shared>> -> memref<640x16xf32, #tpu.memory_space<vmem_shared>>
      tpu.wait_dma2 semaphore(%run_scoped3A : memref<!tpu.dma_semaphore, #tpu.memory_space<semaphore_mem>>) src(%dma_wait3A_53 : memref<640x16xf32, #tpu.memory_space<vmem_shared>>) dst(%arg11 : memref<640x16xf32, #tpu.memory_space<vmem>>)
      tpu.yield
    }) : () -> ()
    %mul3A_11 = arith.constant 640 : i32
    %mul3A_12 = arith.muli %arg1, %mul3A_11 : i32
    "tpu.region"() ({
      %run_scoped3A = tpu.sem_alloc : memref<!tpu.dma_semaphore, #tpu.memory_space<semaphore_mem>>
      %dma_start3A_46 = arith.constant 0 : i32
      %dma_start3A_47 = tpu.memref_slice %arg6[%arg0, %mul3A_12, %dma_start3A_46] : memref<2x10240x16xf32, #tpu.memory_space<hbm>> -> memref<1x640x16xf32, #tpu.memory_space<hbm>>
      %dma_start3A_48 = tpu.memref_squeeze %dma_start3A_47 : memref<1x640x16xf32, #tpu.memory_space<hbm>> -> memref<640x16xf32, #tpu.memory_space<hbm>>
      %dma_start3A_49 = arith.constant 0 : i32
      %dma_start3A_50 = tpu.memref_slice %arg6[%arg0, %mul3A_12, %dma_start3A_49] : memref<2x10240x16xf32, #tpu.memory_space<hbm>> -> memref<1x640x16xf32, #tpu.memory_space<hbm>>
      %dma_start3A_51 = tpu.memref_squeeze %dma_start3A_50 : memref<1x640x16xf32, #tpu.memory_space<hbm>> -> memref<640x16xf32, #tpu.memory_space<hbm>>
      tpu.enqueue_dma source(%arg11 : memref<640x16xf32, #tpu.memory_space<vmem>>) target(%dma_start3A_51 : memref<640x16xf32, #tpu.memory_space<hbm>>) target_semaphore(%run_scoped3A : memref<!tpu.dma_semaphore, #tpu.memory_space<semaphore_mem>>)
      %dma_wait3A_52 = arith.constant 0 : i32
      %dma_wait3A_53 = tpu.memref_slice %arg6[%arg0, %mul3A_12, %dma_wait3A_52] : memref<2x10240x16xf32, #tpu.memory_space<hbm>> -> memref<1x640x16xf32, #tpu.memory_space<hbm>>
      %dma_wait3A_54 = tpu.memref_squeeze %dma_wait3A_53 : memref<1x640x16xf32, #tpu.memory_space<hbm>> -> memref<640x16xf32, #tpu.memory_space<hbm>>
      %dma_wait3A_55 = arith.constant 0 : i32
      %dma_wait3A_56 = tpu.memref_slice %arg6[%arg0, %mul3A_12, %dma_wait3A_55] : memref<2x10240x16xf32, #tpu.memory_space<hbm>> -> memref<1x640x16xf32, #tpu.memory_space<hbm>>
      %dma_wait3A_57 = tpu.memref_squeeze %dma_wait3A_56 : memref<1x640x16xf32, #tpu.memory_space<hbm>> -> memref<640x16xf32, #tpu.memory_space<hbm>>
      tpu.wait_dma2 semaphore(%run_scoped3A : memref<!tpu.dma_semaphore, #tpu.memory_space<semaphore_mem>>) src(%arg11 : memref<640x16xf32, #tpu.memory_space<vmem>>) dst(%dma_wait3A_57 : memref<640x16xf32, #tpu.memory_space<hbm>>)
      tpu.yield
    }) : () -> ()
    "tpu.region"() ({
      %run_scoped3A = tpu.sem_alloc : memref<!tpu.dma_semaphore, #tpu.memory_space<semaphore_mem>>
      %dma_start3A_46 = arith.constant 0 : i32
      %dma_start3A_47 = arith.constant 0 : i32
      %dma_start3A_48 = tpu.memref_slice %arg5[%arg1, %dma_start3A_46, %dma_start3A_47] : memref<16x2x128xi32, #tpu.memory_space<hbm>> -> memref<1x2x128xi32, #tpu.memory_space<hbm>>
      %dma_start3A_49 = tpu.memref_squeeze %dma_start3A_48 : memref<1x2x128xi32, #tpu.memory_space<hbm>> -> memref<2x128xi32, #tpu.memory_space<hbm>>
      %dma_start3A_50 = arith.constant 0 : i32
      %dma_start3A_51 = arith.constant 0 : i32
      %dma_start3A_52 = tpu.memref_slice %arg5[%arg1, %dma_start3A_50, %dma_start3A_51] : memref<16x2x128xi32, #tpu.memory_space<hbm>> -> memref<1x2x128xi32, #tpu.memory_space<hbm>>
      %dma_start3A_53 = tpu.memref_squeeze %dma_start3A_52 : memref<1x2x128xi32, #tpu.memory_space<hbm>> -> memref<2x128xi32, #tpu.memory_space<hbm>>
      tpu.enqueue_dma source(%dma_start3A_53 : memref<2x128xi32, #tpu.memory_space<hbm>>) target(%arg12 : memref<2x128xi32, #tpu.memory_space<vmem>>) target_semaphore(%run_scoped3A : memref<!tpu.dma_semaphore, #tpu.memory_space<semaphore_mem>>)
      %dma_wait3A_54 = arith.constant 0 : i32
      %dma_wait3A_55 = arith.constant 0 : i32
      %dma_wait3A_56 = tpu.memref_slice %arg5[%arg1, %dma_wait3A_54, %dma_wait3A_55] : memref<16x2x128xi32, #tpu.memory_space<hbm>> -> memref<1x2x128xi32, #tpu.memory_space<hbm>>
      %dma_wait3A_57 = tpu.memref_squeeze %dma_wait3A_56 : memref<1x2x128xi32, #tpu.memory_space<hbm>> -> memref<2x128xi32, #tpu.memory_space<hbm>>
      %dma_wait3A_58 = arith.constant 0 : i32
      %dma_wait3A_59 = arith.constant 0 : i32
      %dma_wait3A_60 = tpu.memref_slice %arg5[%arg1, %dma_wait3A_58, %dma_wait3A_59] : memref<16x2x128xi32, #tpu.memory_space<hbm>> -> memref<1x2x128xi32, #tpu.memory_space<hbm>>
      %dma_wait3A_61 = tpu.memref_squeeze %dma_wait3A_60 : memref<1x2x128xi32, #tpu.memory_space<hbm>> -> memref<2x128xi32, #tpu.memory_space<hbm>>
      tpu.wait_dma2 semaphore(%run_scoped3A : memref<!tpu.dma_semaphore, #tpu.memory_space<semaphore_mem>>) src(%dma_wait3A_61 : memref<2x128xi32, #tpu.memory_space<hbm>>) dst(%arg12 : memref<2x128xi32, #tpu.memory_space<vmem>>)
      tpu.yield
    }) : () -> ()
    %dma_start3A = arith.constant 0 : i32
    %dma_start3A_13 = arith.constant 0 : i32
    %dma_start3A_14 = tpu.memref_slice %arg12[%dma_start3A, %dma_start3A_13] : memref<2x128xi32, #tpu.memory_space<vmem>> -> memref<1x128xi32, #tpu.memory_space<vmem>>
    %dma_start3A_15 = tpu.memref_squeeze %dma_start3A_14 : memref<1x128xi32, #tpu.memory_space<vmem>> -> memref<128xi32, #tpu.memory_space<vmem>>
    %dma_start3A_16 = arith.constant 0 : i32
    %dma_start3A_17 = arith.constant 0 : i32
    %dma_start3A_18 = tpu.memref_slice %arg8[%dma_start3A_16, %dma_start3A_17] : memref<10240x16xf32, #tpu.memory_space<vmem_shared>> -> memref<10240x16xf32, #tpu.memory_space<vmem_shared>>
    tpu.enqueue_indirect_dma source(%dma_start3A_18 : memref<10240x16xf32, #tpu.memory_space<vmem_shared>>) target(%arg10 : memref<128x16xf32, #tpu.memory_space<vmem>>) offsets(%dma_start3A_15 : memref<128xi32, #tpu.memory_space<vmem>>) semaphore(%arg13 : memref<!tpu.dma_semaphore, #tpu.memory_space<semaphore_mem>>)
    %dma_wait3A = arith.constant 0 : i32
    %dma_wait3A_19 = arith.constant 0 : i32
    %dma_wait3A_20 = tpu.memref_slice %arg12[%dma_wait3A, %dma_wait3A_19] : memref<2x128xi32, #tpu.memory_space<vmem>> -> memref<1x128xi32, #tpu.memory_space<vmem>>
    %dma_wait3A_21 = tpu.memref_squeeze %dma_wait3A_20 : memref<1x128xi32, #tpu.memory_space<vmem>> -> memref<128xi32, #tpu.memory_space<vmem>>
    %dma_wait3A_22 = arith.constant 0 : i32
    %dma_wait3A_23 = arith.constant 0 : i32
    %dma_wait3A_24 = tpu.memref_slice %arg8[%dma_wait3A_22, %dma_wait3A_23] : memref<10240x16xf32, #tpu.memory_space<vmem_shared>> -> memref<10240x16xf32, #tpu.memory_space<vmem_shared>>
    tpu.wait_indirect_dma semaphore(%arg13 : memref<!tpu.dma_semaphore, #tpu.memory_space<semaphore_mem>>) src(%dma_wait3A_24 : memref<10240x16xf32, #tpu.memory_space<vmem_shared>>) dst(%arg10 : memref<128x16xf32, #tpu.memory_space<vmem>>)
    %mul3A_25 = arith.constant 256 : i32
    %mul3A_26 = arith.muli %arg1, %mul3A_25 : i32
    %add3A = arith.constant 0 : i32
    %add3A_27 = arith.addi %mul3A_26, %add3A : i32
    "tpu.region"() ({
      %run_scoped3A = tpu.sem_alloc : memref<!tpu.dma_semaphore, #tpu.memory_space<semaphore_mem>>
      %dma_start3A_46 = arith.constant 0 : i32
      %dma_start3A_47 = tpu.memref_slice %arg7[%arg0, %add3A_27, %dma_start3A_46] : memref<2x4096x16xf32, #tpu.memory_space<hbm>> -> memref<1x128x16xf32, #tpu.memory_space<hbm>>
      %dma_start3A_48 = tpu.memref_squeeze %dma_start3A_47 : memref<1x128x16xf32, #tpu.memory_space<hbm>> -> memref<128x16xf32, #tpu.memory_space<hbm>>
      %dma_start3A_49 = arith.constant 0 : i32
      %dma_start3A_50 = tpu.memref_slice %arg7[%arg0, %add3A_27, %dma_start3A_49] : memref<2x4096x16xf32, #tpu.memory_space<hbm>> -> memref<1x128x16xf32, #tpu.memory_space<hbm>>
      %dma_start3A_51 = tpu.memref_squeeze %dma_start3A_50 : memref<1x128x16xf32, #tpu.memory_space<hbm>> -> memref<128x16xf32, #tpu.memory_space<hbm>>
      tpu.enqueue_dma source(%arg10 : memref<128x16xf32, #tpu.memory_space<vmem>>) target(%dma_start3A_51 : memref<128x16xf32, #tpu.memory_space<hbm>>) target_semaphore(%run_scoped3A : memref<!tpu.dma_semaphore, #tpu.memory_space<semaphore_mem>>)
      %dma_wait3A_52 = arith.constant 0 : i32
      %dma_wait3A_53 = tpu.memref_slice %arg7[%arg0, %add3A_27, %dma_wait3A_52] : memref<2x4096x16xf32, #tpu.memory_space<hbm>> -> memref<1x128x16xf32, #tpu.memory_space<hbm>>
      %dma_wait3A_54 = tpu.memref_squeeze %dma_wait3A_53 : memref<1x128x16xf32, #tpu.memory_space<hbm>> -> memref<128x16xf32, #tpu.memory_space<hbm>>
      %dma_wait3A_55 = arith.constant 0 : i32
      %dma_wait3A_56 = tpu.memref_slice %arg7[%arg0, %add3A_27, %dma_wait3A_55] : memref<2x4096x16xf32, #tpu.memory_space<hbm>> -> memref<1x128x16xf32, #tpu.memory_space<hbm>>
      %dma_wait3A_57 = tpu.memref_squeeze %dma_wait3A_56 : memref<1x128x16xf32, #tpu.memory_space<hbm>> -> memref<128x16xf32, #tpu.memory_space<hbm>>
      tpu.wait_dma2 semaphore(%run_scoped3A : memref<!tpu.dma_semaphore, #tpu.memory_space<semaphore_mem>>) src(%arg10 : memref<128x16xf32, #tpu.memory_space<vmem>>) dst(%dma_wait3A_57 : memref<128x16xf32, #tpu.memory_space<hbm>>)
      tpu.yield
    }) : () -> ()
    %dma_start3A_28 = arith.constant 1 : i32
    %dma_start3A_29 = arith.constant 0 : i32
    %dma_start3A_30 = tpu.memref_slice %arg12[%dma_start3A_28, %dma_start3A_29] : memref<2x128xi32, #tpu.memory_space<vmem>> -> memref<1x128xi32, #tpu.memory_space<vmem>>
    %dma_start3A_31 = tpu.memref_squeeze %dma_start3A_30 : memref<1x128xi32, #tpu.memory_space<vmem>> -> memref<128xi32, #tpu.memory_space<vmem>>
    %dma_start3A_32 = arith.constant 0 : i32
    %dma_start3A_33 = arith.constant 0 : i32
    %dma_start3A_34 = tpu.memref_slice %arg8[%dma_start3A_32, %dma_start3A_33] : memref<10240x16xf32, #tpu.memory_space<vmem_shared>> -> memref<10240x16xf32, #tpu.memory_space<vmem_shared>>
    tpu.enqueue_indirect_dma source(%dma_start3A_34 : memref<10240x16xf32, #tpu.memory_space<vmem_shared>>) target(%arg10 : memref<128x16xf32, #tpu.memory_space<vmem>>) offsets(%dma_start3A_31 : memref<128xi32, #tpu.memory_space<vmem>>) semaphore(%arg13 : memref<!tpu.dma_semaphore, #tpu.memory_space<semaphore_mem>>)
    %dma_wait3A_35 = arith.constant 1 : i32
    %dma_wait3A_36 = arith.constant 0 : i32
    %dma_wait3A_37 = tpu.memref_slice %arg12[%dma_wait3A_35, %dma_wait3A_36] : memref<2x128xi32, #tpu.memory_space<vmem>> -> memref<1x128xi32, #tpu.memory_space<vmem>>
    %dma_wait3A_38 = tpu.memref_squeeze %dma_wait3A_37 : memref<1x128xi32, #tpu.memory_space<vmem>> -> memref<128xi32, #tpu.memory_space<vmem>>
    %dma_wait3A_39 = arith.constant 0 : i32
    %dma_wait3A_40 = arith.constant 0 : i32
    %dma_wait3A_41 = tpu.memref_slice %arg8[%dma_wait3A_39, %dma_wait3A_40] : memref<10240x16xf32, #tpu.memory_space<vmem_shared>> -> memref<10240x16xf32, #tpu.memory_space<vmem_shared>>
    tpu.wait_indirect_dma semaphore(%arg13 : memref<!tpu.dma_semaphore, #tpu.memory_space<semaphore_mem>>) src(%dma_wait3A_41 : memref<10240x16xf32, #tpu.memory_space<vmem_shared>>) dst(%arg10 : memref<128x16xf32, #tpu.memory_space<vmem>>)
    %mul3A_42 = arith.constant 256 : i32
    %mul3A_43 = arith.muli %arg1, %mul3A_42 : i32
    %add3A_44 = arith.constant 128 : i32
    %add3A_45 = arith.addi %mul3A_43, %add3A_44 : i32
    "tpu.region"() ({
      %run_scoped3A = tpu.sem_alloc : memref<!tpu.dma_semaphore, #tpu.memory_space<semaphore_mem>>
      %dma_start3A_46 = arith.constant 0 : i32
      %dma_start3A_47 = tpu.memref_slice %arg7[%arg0, %add3A_45, %dma_start3A_46] : memref<2x4096x16xf32, #tpu.memory_space<hbm>> -> memref<1x128x16xf32, #tpu.memory_space<hbm>>
      %dma_start3A_48 = tpu.memref_squeeze %dma_start3A_47 : memref<1x128x16xf32, #tpu.memory_space<hbm>> -> memref<128x16xf32, #tpu.memory_space<hbm>>
      %dma_start3A_49 = arith.constant 0 : i32
      %dma_start3A_50 = tpu.memref_slice %arg7[%arg0, %add3A_45, %dma_start3A_49] : memref<2x4096x16xf32, #tpu.memory_space<hbm>> -> memref<1x128x16xf32, #tpu.memory_space<hbm>>
      %dma_start3A_51 = tpu.memref_squeeze %dma_start3A_50 : memref<1x128x16xf32, #tpu.memory_space<hbm>> -> memref<128x16xf32, #tpu.memory_space<hbm>>
      tpu.enqueue_dma source(%arg10 : memref<128x16xf32, #tpu.memory_space<vmem>>) target(%dma_start3A_51 : memref<128x16xf32, #tpu.memory_space<hbm>>) target_semaphore(%run_scoped3A : memref<!tpu.dma_semaphore, #tpu.memory_space<semaphore_mem>>)
      %dma_wait3A_52 = arith.constant 0 : i32
      %dma_wait3A_53 = tpu.memref_slice %arg7[%arg0, %add3A_45, %dma_wait3A_52] : memref<2x4096x16xf32, #tpu.memory_space<hbm>> -> memref<1x128x16xf32, #tpu.memory_space<hbm>>
      %dma_wait3A_54 = tpu.memref_squeeze %dma_wait3A_53 : memref<1x128x16xf32, #tpu.memory_space<hbm>> -> memref<128x16xf32, #tpu.memory_space<hbm>>
      %dma_wait3A_55 = arith.constant 0 : i32
      %dma_wait3A_56 = tpu.memref_slice %arg7[%arg0, %add3A_45, %dma_wait3A_55] : memref<2x4096x16xf32, #tpu.memory_space<hbm>> -> memref<1x128x16xf32, #tpu.memory_space<hbm>>
      %dma_wait3A_57 = tpu.memref_squeeze %dma_wait3A_56 : memref<1x128x16xf32, #tpu.memory_space<hbm>> -> memref<128x16xf32, #tpu.memory_space<hbm>>
      tpu.wait_dma2 semaphore(%run_scoped3A : memref<!tpu.dma_semaphore, #tpu.memory_space<semaphore_mem>>) src(%arg10 : memref<128x16xf32, #tpu.memory_space<vmem>>) dst(%dma_wait3A_57 : memref<128x16xf32, #tpu.memory_space<hbm>>)
      tpu.yield
    }) : () -> ()
    return
  }
}

#map = affine_map<(d0, d1) -> (0, 0, 0)>
#map1 = affine_map<(d0, d1) -> (0, 0)>
module attributes {stable_mosaic.version = 14 : i64} {
  func.func @_spmm_full_sc(%arg0: i32, %arg1: i32, %arg2: memref<2x10240x64xf32, #tpu.memory_space<hbm>>, %arg3: memref<16x160x128xi32, #tpu.memory_space<hbm>>, %arg4: memref<16x160x128xi32, #tpu.memory_space<hbm>>, %arg5: memref<128x64xf32, #tpu.memory_space<hbm>>, %arg6: memref<2x10240x64xf32, #tpu.memory_space<hbm>>, %arg7: memref<10240x64xf32, #tpu.memory_space<vmem_shared>>, %arg8: memref<10240x64xf32, #tpu.memory_space<vmem_shared>>, %arg9: memref<40x128xi32, #tpu.memory_space<vmem>>, %arg10: memref<40x128xi32, #tpu.memory_space<vmem>>, %arg11: memref<128x64xf32, #tpu.memory_space<vmem>>, %arg12: memref<128x64xf32, #tpu.memory_space<vmem>>, %arg13: memref<!tpu.dma_semaphore, #tpu.memory_space<semaphore_mem>>, %arg14: memref<!tpu.dma_semaphore, #tpu.memory_space<semaphore_mem>>) attributes {dimension_semantics = [#tpu.dimension_semantics<core_parallel>, #tpu.dimension_semantics<subcore_parallel>], iteration_bounds = array<i64: 2, 16>, scalar_prefetch = 0 : i64, scratch_operands = 8 : i64, tpu.core_type = #tpu.core_type<sc_vector_subcore>, window_params = [{transform_indices = #map}, {transform_indices = #map}, {transform_indices = #map}, {transform_indices = #map1}, {transform_indices = #map}]} {
    "tpu.region"() ({
      %run_scoped3A = tpu.sem_alloc : memref<!tpu.dma_semaphore, #tpu.memory_space<semaphore_mem>>
      tpu.enqueue_dma source(%arg5 : memref<128x64xf32, #tpu.memory_space<hbm>>) target(%arg12 : memref<128x64xf32, #tpu.memory_space<vmem>>) target_semaphore(%run_scoped3A : memref<!tpu.dma_semaphore, #tpu.memory_space<semaphore_mem>>)
      tpu.wait_dma2 semaphore(%run_scoped3A : memref<!tpu.dma_semaphore, #tpu.memory_space<semaphore_mem>>) src(%arg5 : memref<128x64xf32, #tpu.memory_space<hbm>>) dst(%arg12 : memref<128x64xf32, #tpu.memory_space<vmem>>)
      tpu.yield
    }) : () -> ()
    %mul3A = arith.constant 640 : i32
    %mul3A_0 = arith.muli %arg1, %mul3A : i32
    %add3A = arith.constant 0 : i32
    %add3A_1 = arith.addi %mul3A_0, %add3A : i32
    "tpu.region"() ({
      %run_scoped3A = tpu.sem_alloc : memref<!tpu.dma_semaphore, #tpu.memory_space<semaphore_mem>>
      %dma_start3A_149 = arith.constant 0 : i32
      %dma_start3A_150 = tpu.memref_slice %arg2[%arg0, %add3A_1, %dma_start3A_149] : memref<2x10240x64xf32, #tpu.memory_space<hbm>> -> memref<1x128x64xf32, #tpu.memory_space<hbm>>
      %dma_start3A_151 = tpu.memref_squeeze %dma_start3A_150 : memref<1x128x64xf32, #tpu.memory_space<hbm>> -> memref<128x64xf32, #tpu.memory_space<hbm>>
      %dma_start3A_152 = arith.constant 0 : i32
      %dma_start3A_153 = tpu.memref_slice %arg2[%arg0, %add3A_1, %dma_start3A_152] : memref<2x10240x64xf32, #tpu.memory_space<hbm>> -> memref<1x128x64xf32, #tpu.memory_space<hbm>>
      %dma_start3A_154 = tpu.memref_squeeze %dma_start3A_153 : memref<1x128x64xf32, #tpu.memory_space<hbm>> -> memref<128x64xf32, #tpu.memory_space<hbm>>
      tpu.enqueue_dma source(%dma_start3A_154 : memref<128x64xf32, #tpu.memory_space<hbm>>) target(%arg11 : memref<128x64xf32, #tpu.memory_space<vmem>>) target_semaphore(%run_scoped3A : memref<!tpu.dma_semaphore, #tpu.memory_space<semaphore_mem>>)
      %dma_wait3A = arith.constant 0 : i32
      %dma_wait3A_155 = tpu.memref_slice %arg2[%arg0, %add3A_1, %dma_wait3A] : memref<2x10240x64xf32, #tpu.memory_space<hbm>> -> memref<1x128x64xf32, #tpu.memory_space<hbm>>
      %dma_wait3A_156 = tpu.memref_squeeze %dma_wait3A_155 : memref<1x128x64xf32, #tpu.memory_space<hbm>> -> memref<128x64xf32, #tpu.memory_space<hbm>>
      %dma_wait3A_157 = arith.constant 0 : i32
      %dma_wait3A_158 = tpu.memref_slice %arg2[%arg0, %add3A_1, %dma_wait3A_157] : memref<2x10240x64xf32, #tpu.memory_space<hbm>> -> memref<1x128x64xf32, #tpu.memory_space<hbm>>
      %dma_wait3A_159 = tpu.memref_squeeze %dma_wait3A_158 : memref<1x128x64xf32, #tpu.memory_space<hbm>> -> memref<128x64xf32, #tpu.memory_space<hbm>>
      tpu.wait_dma2 semaphore(%run_scoped3A : memref<!tpu.dma_semaphore, #tpu.memory_space<semaphore_mem>>) src(%dma_wait3A_159 : memref<128x64xf32, #tpu.memory_space<hbm>>) dst(%arg11 : memref<128x64xf32, #tpu.memory_space<vmem>>)
      tpu.yield
    }) : () -> ()
    %mul3A_2 = arith.constant 640 : i32
    %mul3A_3 = arith.muli %arg1, %mul3A_2 : i32
    %add3A_4 = arith.constant 0 : i32
    %add3A_5 = arith.addi %mul3A_3, %add3A_4 : i32
    "tpu.region"() ({
      %run_scoped3A = tpu.sem_alloc : memref<!tpu.dma_semaphore, #tpu.memory_space<semaphore_mem>>
      %dma_start3A_149 = arith.constant 0 : i32
      %dma_start3A_150 = tpu.memref_slice %arg7[%add3A_5, %dma_start3A_149] : memref<10240x64xf32, #tpu.memory_space<vmem_shared>> -> memref<128x64xf32, #tpu.memory_space<vmem_shared>>
      %dma_start3A_151 = arith.constant 0 : i32
      %dma_start3A_152 = tpu.memref_slice %arg7[%add3A_5, %dma_start3A_151] : memref<10240x64xf32, #tpu.memory_space<vmem_shared>> -> memref<128x64xf32, #tpu.memory_space<vmem_shared>>
      tpu.enqueue_dma source(%arg11 : memref<128x64xf32, #tpu.memory_space<vmem>>) target(%dma_start3A_152 : memref<128x64xf32, #tpu.memory_space<vmem_shared>>) target_semaphore(%run_scoped3A : memref<!tpu.dma_semaphore, #tpu.memory_space<semaphore_mem>>)
      %dma_wait3A = arith.constant 0 : i32
      %dma_wait3A_153 = tpu.memref_slice %arg7[%add3A_5, %dma_wait3A] : memref<10240x64xf32, #tpu.memory_space<vmem_shared>> -> memref<128x64xf32, #tpu.memory_space<vmem_shared>>
      %dma_wait3A_154 = arith.constant 0 : i32
      %dma_wait3A_155 = tpu.memref_slice %arg7[%add3A_5, %dma_wait3A_154] : memref<10240x64xf32, #tpu.memory_space<vmem_shared>> -> memref<128x64xf32, #tpu.memory_space<vmem_shared>>
      tpu.wait_dma2 semaphore(%run_scoped3A : memref<!tpu.dma_semaphore, #tpu.memory_space<semaphore_mem>>) src(%arg11 : memref<128x64xf32, #tpu.memory_space<vmem>>) dst(%dma_wait3A_155 : memref<128x64xf32, #tpu.memory_space<vmem_shared>>)
      tpu.yield
    }) : () -> ()
    %mul3A_6 = arith.constant 640 : i32
    %mul3A_7 = arith.muli %arg1, %mul3A_6 : i32
    %add3A_8 = arith.constant 0 : i32
    %add3A_9 = arith.addi %mul3A_7, %add3A_8 : i32
    "tpu.region"() ({
      %run_scoped3A = tpu.sem_alloc : memref<!tpu.dma_semaphore, #tpu.memory_space<semaphore_mem>>
      %dma_start3A_149 = arith.constant 0 : i32
      %dma_start3A_150 = tpu.memref_slice %arg8[%add3A_9, %dma_start3A_149] : memref<10240x64xf32, #tpu.memory_space<vmem_shared>> -> memref<128x64xf32, #tpu.memory_space<vmem_shared>>
      %dma_start3A_151 = arith.constant 0 : i32
      %dma_start3A_152 = tpu.memref_slice %arg8[%add3A_9, %dma_start3A_151] : memref<10240x64xf32, #tpu.memory_space<vmem_shared>> -> memref<128x64xf32, #tpu.memory_space<vmem_shared>>
      tpu.enqueue_dma source(%arg12 : memref<128x64xf32, #tpu.memory_space<vmem>>) target(%dma_start3A_152 : memref<128x64xf32, #tpu.memory_space<vmem_shared>>) target_semaphore(%run_scoped3A : memref<!tpu.dma_semaphore, #tpu.memory_space<semaphore_mem>>)
      %dma_wait3A = arith.constant 0 : i32
      %dma_wait3A_153 = tpu.memref_slice %arg8[%add3A_9, %dma_wait3A] : memref<10240x64xf32, #tpu.memory_space<vmem_shared>> -> memref<128x64xf32, #tpu.memory_space<vmem_shared>>
      %dma_wait3A_154 = arith.constant 0 : i32
      %dma_wait3A_155 = tpu.memref_slice %arg8[%add3A_9, %dma_wait3A_154] : memref<10240x64xf32, #tpu.memory_space<vmem_shared>> -> memref<128x64xf32, #tpu.memory_space<vmem_shared>>
      tpu.wait_dma2 semaphore(%run_scoped3A : memref<!tpu.dma_semaphore, #tpu.memory_space<semaphore_mem>>) src(%arg12 : memref<128x64xf32, #tpu.memory_space<vmem>>) dst(%dma_wait3A_155 : memref<128x64xf32, #tpu.memory_space<vmem_shared>>)
      tpu.yield
    }) : () -> ()
    %mul3A_10 = arith.constant 640 : i32
    %mul3A_11 = arith.muli %arg1, %mul3A_10 : i32
    %add3A_12 = arith.constant 128 : i32
    %add3A_13 = arith.addi %mul3A_11, %add3A_12 : i32
    "tpu.region"() ({
      %run_scoped3A = tpu.sem_alloc : memref<!tpu.dma_semaphore, #tpu.memory_space<semaphore_mem>>
      %dma_start3A_149 = arith.constant 0 : i32
      %dma_start3A_150 = tpu.memref_slice %arg2[%arg0, %add3A_13, %dma_start3A_149] : memref<2x10240x64xf32, #tpu.memory_space<hbm>> -> memref<1x128x64xf32, #tpu.memory_space<hbm>>
      %dma_start3A_151 = tpu.memref_squeeze %dma_start3A_150 : memref<1x128x64xf32, #tpu.memory_space<hbm>> -> memref<128x64xf32, #tpu.memory_space<hbm>>
      %dma_start3A_152 = arith.constant 0 : i32
      %dma_start3A_153 = tpu.memref_slice %arg2[%arg0, %add3A_13, %dma_start3A_152] : memref<2x10240x64xf32, #tpu.memory_space<hbm>> -> memref<1x128x64xf32, #tpu.memory_space<hbm>>
      %dma_start3A_154 = tpu.memref_squeeze %dma_start3A_153 : memref<1x128x64xf32, #tpu.memory_space<hbm>> -> memref<128x64xf32, #tpu.memory_space<hbm>>
      tpu.enqueue_dma source(%dma_start3A_154 : memref<128x64xf32, #tpu.memory_space<hbm>>) target(%arg11 : memref<128x64xf32, #tpu.memory_space<vmem>>) target_semaphore(%run_scoped3A : memref<!tpu.dma_semaphore, #tpu.memory_space<semaphore_mem>>)
      %dma_wait3A = arith.constant 0 : i32
      %dma_wait3A_155 = tpu.memref_slice %arg2[%arg0, %add3A_13, %dma_wait3A] : memref<2x10240x64xf32, #tpu.memory_space<hbm>> -> memref<1x128x64xf32, #tpu.memory_space<hbm>>
      %dma_wait3A_156 = tpu.memref_squeeze %dma_wait3A_155 : memref<1x128x64xf32, #tpu.memory_space<hbm>> -> memref<128x64xf32, #tpu.memory_space<hbm>>
      %dma_wait3A_157 = arith.constant 0 : i32
      %dma_wait3A_158 = tpu.memref_slice %arg2[%arg0, %add3A_13, %dma_wait3A_157] : memref<2x10240x64xf32, #tpu.memory_space<hbm>> -> memref<1x128x64xf32, #tpu.memory_space<hbm>>
      %dma_wait3A_159 = tpu.memref_squeeze %dma_wait3A_158 : memref<1x128x64xf32, #tpu.memory_space<hbm>> -> memref<128x64xf32, #tpu.memory_space<hbm>>
      tpu.wait_dma2 semaphore(%run_scoped3A : memref<!tpu.dma_semaphore, #tpu.memory_space<semaphore_mem>>) src(%dma_wait3A_159 : memref<128x64xf32, #tpu.memory_space<hbm>>) dst(%arg11 : memref<128x64xf32, #tpu.memory_space<vmem>>)
      tpu.yield
    }) : () -> ()
    %mul3A_14 = arith.constant 640 : i32
    %mul3A_15 = arith.muli %arg1, %mul3A_14 : i32
    %add3A_16 = arith.constant 128 : i32
    %add3A_17 = arith.addi %mul3A_15, %add3A_16 : i32
    "tpu.region"() ({
      %run_scoped3A = tpu.sem_alloc : memref<!tpu.dma_semaphore, #tpu.memory_space<semaphore_mem>>
      %dma_start3A_149 = arith.constant 0 : i32
      %dma_start3A_150 = tpu.memref_slice %arg7[%add3A_17, %dma_start3A_149] : memref<10240x64xf32, #tpu.memory_space<vmem_shared>> -> memref<128x64xf32, #tpu.memory_space<vmem_shared>>
      %dma_start3A_151 = arith.constant 0 : i32
      %dma_start3A_152 = tpu.memref_slice %arg7[%add3A_17, %dma_start3A_151] : memref<10240x64xf32, #tpu.memory_space<vmem_shared>> -> memref<128x64xf32, #tpu.memory_space<vmem_shared>>
      tpu.enqueue_dma source(%arg11 : memref<128x64xf32, #tpu.memory_space<vmem>>) target(%dma_start3A_152 : memref<128x64xf32, #tpu.memory_space<vmem_shared>>) target_semaphore(%run_scoped3A : memref<!tpu.dma_semaphore, #tpu.memory_space<semaphore_mem>>)
      %dma_wait3A = arith.constant 0 : i32
      %dma_wait3A_153 = tpu.memref_slice %arg7[%add3A_17, %dma_wait3A] : memref<10240x64xf32, #tpu.memory_space<vmem_shared>> -> memref<128x64xf32, #tpu.memory_space<vmem_shared>>
      %dma_wait3A_154 = arith.constant 0 : i32
      %dma_wait3A_155 = tpu.memref_slice %arg7[%add3A_17, %dma_wait3A_154] : memref<10240x64xf32, #tpu.memory_space<vmem_shared>> -> memref<128x64xf32, #tpu.memory_space<vmem_shared>>
      tpu.wait_dma2 semaphore(%run_scoped3A : memref<!tpu.dma_semaphore, #tpu.memory_space<semaphore_mem>>) src(%arg11 : memref<128x64xf32, #tpu.memory_space<vmem>>) dst(%dma_wait3A_155 : memref<128x64xf32, #tpu.memory_space<vmem_shared>>)
      tpu.yield
    }) : () -> ()
    %mul3A_18 = arith.constant 640 : i32
    %mul3A_19 = arith.muli %arg1, %mul3A_18 : i32
    %add3A_20 = arith.constant 128 : i32
    %add3A_21 = arith.addi %mul3A_19, %add3A_20 : i32
    "tpu.region"() ({
      %run_scoped3A = tpu.sem_alloc : memref<!tpu.dma_semaphore, #tpu.memory_space<semaphore_mem>>
      %dma_start3A_149 = arith.constant 0 : i32
      %dma_start3A_150 = tpu.memref_slice %arg8[%add3A_21, %dma_start3A_149] : memref<10240x64xf32, #tpu.memory_space<vmem_shared>> -> memref<128x64xf32, #tpu.memory_space<vmem_shared>>
      %dma_start3A_151 = arith.constant 0 : i32
      %dma_start3A_152 = tpu.memref_slice %arg8[%add3A_21, %dma_start3A_151] : memref<10240x64xf32, #tpu.memory_space<vmem_shared>> -> memref<128x64xf32, #tpu.memory_space<vmem_shared>>
      tpu.enqueue_dma source(%arg12 : memref<128x64xf32, #tpu.memory_space<vmem>>) target(%dma_start3A_152 : memref<128x64xf32, #tpu.memory_space<vmem_shared>>) target_semaphore(%run_scoped3A : memref<!tpu.dma_semaphore, #tpu.memory_space<semaphore_mem>>)
      %dma_wait3A = arith.constant 0 : i32
      %dma_wait3A_153 = tpu.memref_slice %arg8[%add3A_21, %dma_wait3A] : memref<10240x64xf32, #tpu.memory_space<vmem_shared>> -> memref<128x64xf32, #tpu.memory_space<vmem_shared>>
      %dma_wait3A_154 = arith.constant 0 : i32
      %dma_wait3A_155 = tpu.memref_slice %arg8[%add3A_21, %dma_wait3A_154] : memref<10240x64xf32, #tpu.memory_space<vmem_shared>> -> memref<128x64xf32, #tpu.memory_space<vmem_shared>>
      tpu.wait_dma2 semaphore(%run_scoped3A : memref<!tpu.dma_semaphore, #tpu.memory_space<semaphore_mem>>) src(%arg12 : memref<128x64xf32, #tpu.memory_space<vmem>>) dst(%dma_wait3A_155 : memref<128x64xf32, #tpu.memory_space<vmem_shared>>)
      tpu.yield
    }) : () -> ()
    %mul3A_22 = arith.constant 640 : i32
    %mul3A_23 = arith.muli %arg1, %mul3A_22 : i32
    %add3A_24 = arith.constant 256 : i32
    %add3A_25 = arith.addi %mul3A_23, %add3A_24 : i32
    "tpu.region"() ({
      %run_scoped3A = tpu.sem_alloc : memref<!tpu.dma_semaphore, #tpu.memory_space<semaphore_mem>>
      %dma_start3A_149 = arith.constant 0 : i32
      %dma_start3A_150 = tpu.memref_slice %arg2[%arg0, %add3A_25, %dma_start3A_149] : memref<2x10240x64xf32, #tpu.memory_space<hbm>> -> memref<1x128x64xf32, #tpu.memory_space<hbm>>
      %dma_start3A_151 = tpu.memref_squeeze %dma_start3A_150 : memref<1x128x64xf32, #tpu.memory_space<hbm>> -> memref<128x64xf32, #tpu.memory_space<hbm>>
      %dma_start3A_152 = arith.constant 0 : i32
      %dma_start3A_153 = tpu.memref_slice %arg2[%arg0, %add3A_25, %dma_start3A_152] : memref<2x10240x64xf32, #tpu.memory_space<hbm>> -> memref<1x128x64xf32, #tpu.memory_space<hbm>>
      %dma_start3A_154 = tpu.memref_squeeze %dma_start3A_153 : memref<1x128x64xf32, #tpu.memory_space<hbm>> -> memref<128x64xf32, #tpu.memory_space<hbm>>
      tpu.enqueue_dma source(%dma_start3A_154 : memref<128x64xf32, #tpu.memory_space<hbm>>) target(%arg11 : memref<128x64xf32, #tpu.memory_space<vmem>>) target_semaphore(%run_scoped3A : memref<!tpu.dma_semaphore, #tpu.memory_space<semaphore_mem>>)
      %dma_wait3A = arith.constant 0 : i32
      %dma_wait3A_155 = tpu.memref_slice %arg2[%arg0, %add3A_25, %dma_wait3A] : memref<2x10240x64xf32, #tpu.memory_space<hbm>> -> memref<1x128x64xf32, #tpu.memory_space<hbm>>
      %dma_wait3A_156 = tpu.memref_squeeze %dma_wait3A_155 : memref<1x128x64xf32, #tpu.memory_space<hbm>> -> memref<128x64xf32, #tpu.memory_space<hbm>>
      %dma_wait3A_157 = arith.constant 0 : i32
      %dma_wait3A_158 = tpu.memref_slice %arg2[%arg0, %add3A_25, %dma_wait3A_157] : memref<2x10240x64xf32, #tpu.memory_space<hbm>> -> memref<1x128x64xf32, #tpu.memory_space<hbm>>
      %dma_wait3A_159 = tpu.memref_squeeze %dma_wait3A_158 : memref<1x128x64xf32, #tpu.memory_space<hbm>> -> memref<128x64xf32, #tpu.memory_space<hbm>>
      tpu.wait_dma2 semaphore(%run_scoped3A : memref<!tpu.dma_semaphore, #tpu.memory_space<semaphore_mem>>) src(%dma_wait3A_159 : memref<128x64xf32, #tpu.memory_space<hbm>>) dst(%arg11 : memref<128x64xf32, #tpu.memory_space<vmem>>)
      tpu.yield
    }) : () -> ()
    %mul3A_26 = arith.constant 640 : i32
    %mul3A_27 = arith.muli %arg1, %mul3A_26 : i32
    %add3A_28 = arith.constant 256 : i32
    %add3A_29 = arith.addi %mul3A_27, %add3A_28 : i32
    "tpu.region"() ({
      %run_scoped3A = tpu.sem_alloc : memref<!tpu.dma_semaphore, #tpu.memory_space<semaphore_mem>>
      %dma_start3A_149 = arith.constant 0 : i32
      %dma_start3A_150 = tpu.memref_slice %arg7[%add3A_29, %dma_start3A_149] : memref<10240x64xf32, #tpu.memory_space<vmem_shared>> -> memref<128x64xf32, #tpu.memory_space<vmem_shared>>
      %dma_start3A_151 = arith.constant 0 : i32
      %dma_start3A_152 = tpu.memref_slice %arg7[%add3A_29, %dma_start3A_151] : memref<10240x64xf32, #tpu.memory_space<vmem_shared>> -> memref<128x64xf32, #tpu.memory_space<vmem_shared>>
      tpu.enqueue_dma source(%arg11 : memref<128x64xf32, #tpu.memory_space<vmem>>) target(%dma_start3A_152 : memref<128x64xf32, #tpu.memory_space<vmem_shared>>) target_semaphore(%run_scoped3A : memref<!tpu.dma_semaphore, #tpu.memory_space<semaphore_mem>>)
      %dma_wait3A = arith.constant 0 : i32
      %dma_wait3A_153 = tpu.memref_slice %arg7[%add3A_29, %dma_wait3A] : memref<10240x64xf32, #tpu.memory_space<vmem_shared>> -> memref<128x64xf32, #tpu.memory_space<vmem_shared>>
      %dma_wait3A_154 = arith.constant 0 : i32
      %dma_wait3A_155 = tpu.memref_slice %arg7[%add3A_29, %dma_wait3A_154] : memref<10240x64xf32, #tpu.memory_space<vmem_shared>> -> memref<128x64xf32, #tpu.memory_space<vmem_shared>>
      tpu.wait_dma2 semaphore(%run_scoped3A : memref<!tpu.dma_semaphore, #tpu.memory_space<semaphore_mem>>) src(%arg11 : memref<128x64xf32, #tpu.memory_space<vmem>>) dst(%dma_wait3A_155 : memref<128x64xf32, #tpu.memory_space<vmem_shared>>)
      tpu.yield
    }) : () -> ()
    %mul3A_30 = arith.constant 640 : i32
    %mul3A_31 = arith.muli %arg1, %mul3A_30 : i32
    %add3A_32 = arith.constant 256 : i32
    %add3A_33 = arith.addi %mul3A_31, %add3A_32 : i32
    "tpu.region"() ({
      %run_scoped3A = tpu.sem_alloc : memref<!tpu.dma_semaphore, #tpu.memory_space<semaphore_mem>>
      %dma_start3A_149 = arith.constant 0 : i32
      %dma_start3A_150 = tpu.memref_slice %arg8[%add3A_33, %dma_start3A_149] : memref<10240x64xf32, #tpu.memory_space<vmem_shared>> -> memref<128x64xf32, #tpu.memory_space<vmem_shared>>
      %dma_start3A_151 = arith.constant 0 : i32
      %dma_start3A_152 = tpu.memref_slice %arg8[%add3A_33, %dma_start3A_151] : memref<10240x64xf32, #tpu.memory_space<vmem_shared>> -> memref<128x64xf32, #tpu.memory_space<vmem_shared>>
      tpu.enqueue_dma source(%arg12 : memref<128x64xf32, #tpu.memory_space<vmem>>) target(%dma_start3A_152 : memref<128x64xf32, #tpu.memory_space<vmem_shared>>) target_semaphore(%run_scoped3A : memref<!tpu.dma_semaphore, #tpu.memory_space<semaphore_mem>>)
      %dma_wait3A = arith.constant 0 : i32
      %dma_wait3A_153 = tpu.memref_slice %arg8[%add3A_33, %dma_wait3A] : memref<10240x64xf32, #tpu.memory_space<vmem_shared>> -> memref<128x64xf32, #tpu.memory_space<vmem_shared>>
      %dma_wait3A_154 = arith.constant 0 : i32
      %dma_wait3A_155 = tpu.memref_slice %arg8[%add3A_33, %dma_wait3A_154] : memref<10240x64xf32, #tpu.memory_space<vmem_shared>> -> memref<128x64xf32, #tpu.memory_space<vmem_shared>>
      tpu.wait_dma2 semaphore(%run_scoped3A : memref<!tpu.dma_semaphore, #tpu.memory_space<semaphore_mem>>) src(%arg12 : memref<128x64xf32, #tpu.memory_space<vmem>>) dst(%dma_wait3A_155 : memref<128x64xf32, #tpu.memory_space<vmem_shared>>)
      tpu.yield
    }) : () -> ()
    %mul3A_34 = arith.constant 640 : i32
    %mul3A_35 = arith.muli %arg1, %mul3A_34 : i32
    %add3A_36 = arith.constant 384 : i32
    %add3A_37 = arith.addi %mul3A_35, %add3A_36 : i32
    "tpu.region"() ({
      %run_scoped3A = tpu.sem_alloc : memref<!tpu.dma_semaphore, #tpu.memory_space<semaphore_mem>>
      %dma_start3A_149 = arith.constant 0 : i32
      %dma_start3A_150 = tpu.memref_slice %arg2[%arg0, %add3A_37, %dma_start3A_149] : memref<2x10240x64xf32, #tpu.memory_space<hbm>> -> memref<1x128x64xf32, #tpu.memory_space<hbm>>
      %dma_start3A_151 = tpu.memref_squeeze %dma_start3A_150 : memref<1x128x64xf32, #tpu.memory_space<hbm>> -> memref<128x64xf32, #tpu.memory_space<hbm>>
      %dma_start3A_152 = arith.constant 0 : i32
      %dma_start3A_153 = tpu.memref_slice %arg2[%arg0, %add3A_37, %dma_start3A_152] : memref<2x10240x64xf32, #tpu.memory_space<hbm>> -> memref<1x128x64xf32, #tpu.memory_space<hbm>>
      %dma_start3A_154 = tpu.memref_squeeze %dma_start3A_153 : memref<1x128x64xf32, #tpu.memory_space<hbm>> -> memref<128x64xf32, #tpu.memory_space<hbm>>
      tpu.enqueue_dma source(%dma_start3A_154 : memref<128x64xf32, #tpu.memory_space<hbm>>) target(%arg11 : memref<128x64xf32, #tpu.memory_space<vmem>>) target_semaphore(%run_scoped3A : memref<!tpu.dma_semaphore, #tpu.memory_space<semaphore_mem>>)
      %dma_wait3A = arith.constant 0 : i32
      %dma_wait3A_155 = tpu.memref_slice %arg2[%arg0, %add3A_37, %dma_wait3A] : memref<2x10240x64xf32, #tpu.memory_space<hbm>> -> memref<1x128x64xf32, #tpu.memory_space<hbm>>
      %dma_wait3A_156 = tpu.memref_squeeze %dma_wait3A_155 : memref<1x128x64xf32, #tpu.memory_space<hbm>> -> memref<128x64xf32, #tpu.memory_space<hbm>>
      %dma_wait3A_157 = arith.constant 0 : i32
      %dma_wait3A_158 = tpu.memref_slice %arg2[%arg0, %add3A_37, %dma_wait3A_157] : memref<2x10240x64xf32, #tpu.memory_space<hbm>> -> memref<1x128x64xf32, #tpu.memory_space<hbm>>
      %dma_wait3A_159 = tpu.memref_squeeze %dma_wait3A_158 : memref<1x128x64xf32, #tpu.memory_space<hbm>> -> memref<128x64xf32, #tpu.memory_space<hbm>>
      tpu.wait_dma2 semaphore(%run_scoped3A : memref<!tpu.dma_semaphore, #tpu.memory_space<semaphore_mem>>) src(%dma_wait3A_159 : memref<128x64xf32, #tpu.memory_space<hbm>>) dst(%arg11 : memref<128x64xf32, #tpu.memory_space<vmem>>)
      tpu.yield
    }) : () -> ()
    %mul3A_38 = arith.constant 640 : i32
    %mul3A_39 = arith.muli %arg1, %mul3A_38 : i32
    %add3A_40 = arith.constant 384 : i32
    %add3A_41 = arith.addi %mul3A_39, %add3A_40 : i32
    "tpu.region"() ({
      %run_scoped3A = tpu.sem_alloc : memref<!tpu.dma_semaphore, #tpu.memory_space<semaphore_mem>>
      %dma_start3A_149 = arith.constant 0 : i32
      %dma_start3A_150 = tpu.memref_slice %arg7[%add3A_41, %dma_start3A_149] : memref<10240x64xf32, #tpu.memory_space<vmem_shared>> -> memref<128x64xf32, #tpu.memory_space<vmem_shared>>
      %dma_start3A_151 = arith.constant 0 : i32
      %dma_start3A_152 = tpu.memref_slice %arg7[%add3A_41, %dma_start3A_151] : memref<10240x64xf32, #tpu.memory_space<vmem_shared>> -> memref<128x64xf32, #tpu.memory_space<vmem_shared>>
      tpu.enqueue_dma source(%arg11 : memref<128x64xf32, #tpu.memory_space<vmem>>) target(%dma_start3A_152 : memref<128x64xf32, #tpu.memory_space<vmem_shared>>) target_semaphore(%run_scoped3A : memref<!tpu.dma_semaphore, #tpu.memory_space<semaphore_mem>>)
      %dma_wait3A = arith.constant 0 : i32
      %dma_wait3A_153 = tpu.memref_slice %arg7[%add3A_41, %dma_wait3A] : memref<10240x64xf32, #tpu.memory_space<vmem_shared>> -> memref<128x64xf32, #tpu.memory_space<vmem_shared>>
      %dma_wait3A_154 = arith.constant 0 : i32
      %dma_wait3A_155 = tpu.memref_slice %arg7[%add3A_41, %dma_wait3A_154] : memref<10240x64xf32, #tpu.memory_space<vmem_shared>> -> memref<128x64xf32, #tpu.memory_space<vmem_shared>>
      tpu.wait_dma2 semaphore(%run_scoped3A : memref<!tpu.dma_semaphore, #tpu.memory_space<semaphore_mem>>) src(%arg11 : memref<128x64xf32, #tpu.memory_space<vmem>>) dst(%dma_wait3A_155 : memref<128x64xf32, #tpu.memory_space<vmem_shared>>)
      tpu.yield
    }) : () -> ()
    %mul3A_42 = arith.constant 640 : i32
    %mul3A_43 = arith.muli %arg1, %mul3A_42 : i32
    %add3A_44 = arith.constant 384 : i32
    %add3A_45 = arith.addi %mul3A_43, %add3A_44 : i32
    "tpu.region"() ({
      %run_scoped3A = tpu.sem_alloc : memref<!tpu.dma_semaphore, #tpu.memory_space<semaphore_mem>>
      %dma_start3A_149 = arith.constant 0 : i32
      %dma_start3A_150 = tpu.memref_slice %arg8[%add3A_45, %dma_start3A_149] : memref<10240x64xf32, #tpu.memory_space<vmem_shared>> -> memref<128x64xf32, #tpu.memory_space<vmem_shared>>
      %dma_start3A_151 = arith.constant 0 : i32
      %dma_start3A_152 = tpu.memref_slice %arg8[%add3A_45, %dma_start3A_151] : memref<10240x64xf32, #tpu.memory_space<vmem_shared>> -> memref<128x64xf32, #tpu.memory_space<vmem_shared>>
      tpu.enqueue_dma source(%arg12 : memref<128x64xf32, #tpu.memory_space<vmem>>) target(%dma_start3A_152 : memref<128x64xf32, #tpu.memory_space<vmem_shared>>) target_semaphore(%run_scoped3A : memref<!tpu.dma_semaphore, #tpu.memory_space<semaphore_mem>>)
      %dma_wait3A = arith.constant 0 : i32
      %dma_wait3A_153 = tpu.memref_slice %arg8[%add3A_45, %dma_wait3A] : memref<10240x64xf32, #tpu.memory_space<vmem_shared>> -> memref<128x64xf32, #tpu.memory_space<vmem_shared>>
      %dma_wait3A_154 = arith.constant 0 : i32
      %dma_wait3A_155 = tpu.memref_slice %arg8[%add3A_45, %dma_wait3A_154] : memref<10240x64xf32, #tpu.memory_space<vmem_shared>> -> memref<128x64xf32, #tpu.memory_space<vmem_shared>>
      tpu.wait_dma2 semaphore(%run_scoped3A : memref<!tpu.dma_semaphore, #tpu.memory_space<semaphore_mem>>) src(%arg12 : memref<128x64xf32, #tpu.memory_space<vmem>>) dst(%dma_wait3A_155 : memref<128x64xf32, #tpu.memory_space<vmem_shared>>)
      tpu.yield
    }) : () -> ()
    %mul3A_46 = arith.constant 640 : i32
    %mul3A_47 = arith.muli %arg1, %mul3A_46 : i32
    %add3A_48 = arith.constant 512 : i32
    %add3A_49 = arith.addi %mul3A_47, %add3A_48 : i32
    "tpu.region"() ({
      %run_scoped3A = tpu.sem_alloc : memref<!tpu.dma_semaphore, #tpu.memory_space<semaphore_mem>>
      %dma_start3A_149 = arith.constant 0 : i32
      %dma_start3A_150 = tpu.memref_slice %arg2[%arg0, %add3A_49, %dma_start3A_149] : memref<2x10240x64xf32, #tpu.memory_space<hbm>> -> memref<1x128x64xf32, #tpu.memory_space<hbm>>
      %dma_start3A_151 = tpu.memref_squeeze %dma_start3A_150 : memref<1x128x64xf32, #tpu.memory_space<hbm>> -> memref<128x64xf32, #tpu.memory_space<hbm>>
      %dma_start3A_152 = arith.constant 0 : i32
      %dma_start3A_153 = tpu.memref_slice %arg2[%arg0, %add3A_49, %dma_start3A_152] : memref<2x10240x64xf32, #tpu.memory_space<hbm>> -> memref<1x128x64xf32, #tpu.memory_space<hbm>>
      %dma_start3A_154 = tpu.memref_squeeze %dma_start3A_153 : memref<1x128x64xf32, #tpu.memory_space<hbm>> -> memref<128x64xf32, #tpu.memory_space<hbm>>
      tpu.enqueue_dma source(%dma_start3A_154 : memref<128x64xf32, #tpu.memory_space<hbm>>) target(%arg11 : memref<128x64xf32, #tpu.memory_space<vmem>>) target_semaphore(%run_scoped3A : memref<!tpu.dma_semaphore, #tpu.memory_space<semaphore_mem>>)
      %dma_wait3A = arith.constant 0 : i32
      %dma_wait3A_155 = tpu.memref_slice %arg2[%arg0, %add3A_49, %dma_wait3A] : memref<2x10240x64xf32, #tpu.memory_space<hbm>> -> memref<1x128x64xf32, #tpu.memory_space<hbm>>
      %dma_wait3A_156 = tpu.memref_squeeze %dma_wait3A_155 : memref<1x128x64xf32, #tpu.memory_space<hbm>> -> memref<128x64xf32, #tpu.memory_space<hbm>>
      %dma_wait3A_157 = arith.constant 0 : i32
      %dma_wait3A_158 = tpu.memref_slice %arg2[%arg0, %add3A_49, %dma_wait3A_157] : memref<2x10240x64xf32, #tpu.memory_space<hbm>> -> memref<1x128x64xf32, #tpu.memory_space<hbm>>
      %dma_wait3A_159 = tpu.memref_squeeze %dma_wait3A_158 : memref<1x128x64xf32, #tpu.memory_space<hbm>> -> memref<128x64xf32, #tpu.memory_space<hbm>>
      tpu.wait_dma2 semaphore(%run_scoped3A : memref<!tpu.dma_semaphore, #tpu.memory_space<semaphore_mem>>) src(%dma_wait3A_159 : memref<128x64xf32, #tpu.memory_space<hbm>>) dst(%arg11 : memref<128x64xf32, #tpu.memory_space<vmem>>)
      tpu.yield
    }) : () -> ()
    %mul3A_50 = arith.constant 640 : i32
    %mul3A_51 = arith.muli %arg1, %mul3A_50 : i32
    %add3A_52 = arith.constant 512 : i32
    %add3A_53 = arith.addi %mul3A_51, %add3A_52 : i32
    "tpu.region"() ({
      %run_scoped3A = tpu.sem_alloc : memref<!tpu.dma_semaphore, #tpu.memory_space<semaphore_mem>>
      %dma_start3A_149 = arith.constant 0 : i32
      %dma_start3A_150 = tpu.memref_slice %arg7[%add3A_53, %dma_start3A_149] : memref<10240x64xf32, #tpu.memory_space<vmem_shared>> -> memref<128x64xf32, #tpu.memory_space<vmem_shared>>
      %dma_start3A_151 = arith.constant 0 : i32
      %dma_start3A_152 = tpu.memref_slice %arg7[%add3A_53, %dma_start3A_151] : memref<10240x64xf32, #tpu.memory_space<vmem_shared>> -> memref<128x64xf32, #tpu.memory_space<vmem_shared>>
      tpu.enqueue_dma source(%arg11 : memref<128x64xf32, #tpu.memory_space<vmem>>) target(%dma_start3A_152 : memref<128x64xf32, #tpu.memory_space<vmem_shared>>) target_semaphore(%run_scoped3A : memref<!tpu.dma_semaphore, #tpu.memory_space<semaphore_mem>>)
      %dma_wait3A = arith.constant 0 : i32
      %dma_wait3A_153 = tpu.memref_slice %arg7[%add3A_53, %dma_wait3A] : memref<10240x64xf32, #tpu.memory_space<vmem_shared>> -> memref<128x64xf32, #tpu.memory_space<vmem_shared>>
      %dma_wait3A_154 = arith.constant 0 : i32
      %dma_wait3A_155 = tpu.memref_slice %arg7[%add3A_53, %dma_wait3A_154] : memref<10240x64xf32, #tpu.memory_space<vmem_shared>> -> memref<128x64xf32, #tpu.memory_space<vmem_shared>>
      tpu.wait_dma2 semaphore(%run_scoped3A : memref<!tpu.dma_semaphore, #tpu.memory_space<semaphore_mem>>) src(%arg11 : memref<128x64xf32, #tpu.memory_space<vmem>>) dst(%dma_wait3A_155 : memref<128x64xf32, #tpu.memory_space<vmem_shared>>)
      tpu.yield
    }) : () -> ()
    %mul3A_54 = arith.constant 640 : i32
    %mul3A_55 = arith.muli %arg1, %mul3A_54 : i32
    %add3A_56 = arith.constant 512 : i32
    %add3A_57 = arith.addi %mul3A_55, %add3A_56 : i32
    "tpu.region"() ({
      %run_scoped3A = tpu.sem_alloc : memref<!tpu.dma_semaphore, #tpu.memory_space<semaphore_mem>>
      %dma_start3A_149 = arith.constant 0 : i32
      %dma_start3A_150 = tpu.memref_slice %arg8[%add3A_57, %dma_start3A_149] : memref<10240x64xf32, #tpu.memory_space<vmem_shared>> -> memref<128x64xf32, #tpu.memory_space<vmem_shared>>
      %dma_start3A_151 = arith.constant 0 : i32
      %dma_start3A_152 = tpu.memref_slice %arg8[%add3A_57, %dma_start3A_151] : memref<10240x64xf32, #tpu.memory_space<vmem_shared>> -> memref<128x64xf32, #tpu.memory_space<vmem_shared>>
      tpu.enqueue_dma source(%arg12 : memref<128x64xf32, #tpu.memory_space<vmem>>) target(%dma_start3A_152 : memref<128x64xf32, #tpu.memory_space<vmem_shared>>) target_semaphore(%run_scoped3A : memref<!tpu.dma_semaphore, #tpu.memory_space<semaphore_mem>>)
      %dma_wait3A = arith.constant 0 : i32
      %dma_wait3A_153 = tpu.memref_slice %arg8[%add3A_57, %dma_wait3A] : memref<10240x64xf32, #tpu.memory_space<vmem_shared>> -> memref<128x64xf32, #tpu.memory_space<vmem_shared>>
      %dma_wait3A_154 = arith.constant 0 : i32
      %dma_wait3A_155 = tpu.memref_slice %arg8[%add3A_57, %dma_wait3A_154] : memref<10240x64xf32, #tpu.memory_space<vmem_shared>> -> memref<128x64xf32, #tpu.memory_space<vmem_shared>>
      tpu.wait_dma2 semaphore(%run_scoped3A : memref<!tpu.dma_semaphore, #tpu.memory_space<semaphore_mem>>) src(%arg12 : memref<128x64xf32, #tpu.memory_space<vmem>>) dst(%dma_wait3A_155 : memref<128x64xf32, #tpu.memory_space<vmem_shared>>)
      tpu.yield
    }) : () -> ()
    %barrier3A = arith.constant 0 : index
    tpu.barrier barrier_id(%barrier3A)
    "tpu.region"() ({
      %run_scoped3A = tpu.sem_alloc : memref<!tpu.dma_semaphore, #tpu.memory_space<semaphore_mem>>
      %dma_start3A_149 = arith.constant 0 : i32
      %dma_start3A_150 = arith.constant 0 : i32
      %dma_start3A_151 = tpu.memref_slice %arg3[%arg1, %dma_start3A_149, %dma_start3A_150] : memref<16x160x128xi32, #tpu.memory_space<hbm>> -> memref<1x40x128xi32, #tpu.memory_space<hbm>>
      %dma_start3A_152 = tpu.memref_squeeze %dma_start3A_151 : memref<1x40x128xi32, #tpu.memory_space<hbm>> -> memref<40x128xi32, #tpu.memory_space<hbm>>
      %dma_start3A_153 = arith.constant 0 : i32
      %dma_start3A_154 = arith.constant 0 : i32
      %dma_start3A_155 = tpu.memref_slice %arg3[%arg1, %dma_start3A_153, %dma_start3A_154] : memref<16x160x128xi32, #tpu.memory_space<hbm>> -> memref<1x40x128xi32, #tpu.memory_space<hbm>>
      %dma_start3A_156 = tpu.memref_squeeze %dma_start3A_155 : memref<1x40x128xi32, #tpu.memory_space<hbm>> -> memref<40x128xi32, #tpu.memory_space<hbm>>
      tpu.enqueue_dma source(%dma_start3A_156 : memref<40x128xi32, #tpu.memory_space<hbm>>) target(%arg9 : memref<40x128xi32, #tpu.memory_space<vmem>>) target_semaphore(%run_scoped3A : memref<!tpu.dma_semaphore, #tpu.memory_space<semaphore_mem>>)
      %dma_wait3A = arith.constant 0 : i32
      %dma_wait3A_157 = arith.constant 0 : i32
      %dma_wait3A_158 = tpu.memref_slice %arg3[%arg1, %dma_wait3A, %dma_wait3A_157] : memref<16x160x128xi32, #tpu.memory_space<hbm>> -> memref<1x40x128xi32, #tpu.memory_space<hbm>>
      %dma_wait3A_159 = tpu.memref_squeeze %dma_wait3A_158 : memref<1x40x128xi32, #tpu.memory_space<hbm>> -> memref<40x128xi32, #tpu.memory_space<hbm>>
      %dma_wait3A_160 = arith.constant 0 : i32
      %dma_wait3A_161 = arith.constant 0 : i32
      %dma_wait3A_162 = tpu.memref_slice %arg3[%arg1, %dma_wait3A_160, %dma_wait3A_161] : memref<16x160x128xi32, #tpu.memory_space<hbm>> -> memref<1x40x128xi32, #tpu.memory_space<hbm>>
      %dma_wait3A_163 = tpu.memref_squeeze %dma_wait3A_162 : memref<1x40x128xi32, #tpu.memory_space<hbm>> -> memref<40x128xi32, #tpu.memory_space<hbm>>
      tpu.wait_dma2 semaphore(%run_scoped3A : memref<!tpu.dma_semaphore, #tpu.memory_space<semaphore_mem>>) src(%dma_wait3A_163 : memref<40x128xi32, #tpu.memory_space<hbm>>) dst(%arg9 : memref<40x128xi32, #tpu.memory_space<vmem>>)
      tpu.yield
    }) : () -> ()
    "tpu.region"() ({
      %run_scoped3A = tpu.sem_alloc : memref<!tpu.dma_semaphore, #tpu.memory_space<semaphore_mem>>
      %dma_start3A_149 = arith.constant 0 : i32
      %dma_start3A_150 = arith.constant 0 : i32
      %dma_start3A_151 = tpu.memref_slice %arg4[%arg1, %dma_start3A_149, %dma_start3A_150] : memref<16x160x128xi32, #tpu.memory_space<hbm>> -> memref<1x40x128xi32, #tpu.memory_space<hbm>>
      %dma_start3A_152 = tpu.memref_squeeze %dma_start3A_151 : memref<1x40x128xi32, #tpu.memory_space<hbm>> -> memref<40x128xi32, #tpu.memory_space<hbm>>
      %dma_start3A_153 = arith.constant 0 : i32
      %dma_start3A_154 = arith.constant 0 : i32
      %dma_start3A_155 = tpu.memref_slice %arg4[%arg1, %dma_start3A_153, %dma_start3A_154] : memref<16x160x128xi32, #tpu.memory_space<hbm>> -> memref<1x40x128xi32, #tpu.memory_space<hbm>>
      %dma_start3A_156 = tpu.memref_squeeze %dma_start3A_155 : memref<1x40x128xi32, #tpu.memory_space<hbm>> -> memref<40x128xi32, #tpu.memory_space<hbm>>
      tpu.enqueue_dma source(%dma_start3A_156 : memref<40x128xi32, #tpu.memory_space<hbm>>) target(%arg10 : memref<40x128xi32, #tpu.memory_space<vmem>>) target_semaphore(%run_scoped3A : memref<!tpu.dma_semaphore, #tpu.memory_space<semaphore_mem>>)
      %dma_wait3A = arith.constant 0 : i32
      %dma_wait3A_157 = arith.constant 0 : i32
      %dma_wait3A_158 = tpu.memref_slice %arg4[%arg1, %dma_wait3A, %dma_wait3A_157] : memref<16x160x128xi32, #tpu.memory_space<hbm>> -> memref<1x40x128xi32, #tpu.memory_space<hbm>>
      %dma_wait3A_159 = tpu.memref_squeeze %dma_wait3A_158 : memref<1x40x128xi32, #tpu.memory_space<hbm>> -> memref<40x128xi32, #tpu.memory_space<hbm>>
      %dma_wait3A_160 = arith.constant 0 : i32
      %dma_wait3A_161 = arith.constant 0 : i32
      %dma_wait3A_162 = tpu.memref_slice %arg4[%arg1, %dma_wait3A_160, %dma_wait3A_161] : memref<16x160x128xi32, #tpu.memory_space<hbm>> -> memref<1x40x128xi32, #tpu.memory_space<hbm>>
      %dma_wait3A_163 = tpu.memref_squeeze %dma_wait3A_162 : memref<1x40x128xi32, #tpu.memory_space<hbm>> -> memref<40x128xi32, #tpu.memory_space<hbm>>
      tpu.wait_dma2 semaphore(%run_scoped3A : memref<!tpu.dma_semaphore, #tpu.memory_space<semaphore_mem>>) src(%dma_wait3A_163 : memref<40x128xi32, #tpu.memory_space<hbm>>) dst(%arg10 : memref<40x128xi32, #tpu.memory_space<vmem>>)
      tpu.yield
    }) : () -> ()
    %dma_start3A = arith.constant 0 : i32
    %dma_start3A_58 = arith.constant 0 : i32
    %dma_start3A_59 = tpu.memref_slice %arg10[%dma_start3A, %dma_start3A_58] : memref<40x128xi32, #tpu.memory_space<vmem>> -> memref<1x128xi32, #tpu.memory_space<vmem>>
    %dma_start3A_60 = tpu.memref_squeeze %dma_start3A_59 : memref<1x128xi32, #tpu.memory_space<vmem>> -> memref<128xi32, #tpu.memory_space<vmem>>
    %dma_start3A_61 = arith.constant 0 : i32
    %dma_start3A_62 = arith.constant 0 : i32
    %dma_start3A_63 = tpu.memref_slice %arg7[%dma_start3A_61, %dma_start3A_62] : memref<10240x64xf32, #tpu.memory_space<vmem_shared>> -> memref<10240x64xf32, #tpu.memory_space<vmem_shared>>
    tpu.enqueue_indirect_dma source(%dma_start3A_63 : memref<10240x64xf32, #tpu.memory_space<vmem_shared>>) target(%arg11 : memref<128x64xf32, #tpu.memory_space<vmem>>) offsets(%dma_start3A_60 : memref<128xi32, #tpu.memory_space<vmem>>) semaphore(%arg13 : memref<!tpu.dma_semaphore, #tpu.memory_space<semaphore_mem>>)
    %scan3A = arith.constant 0 : i32
    %scan3A_64 = arith.constant 0 : i32
    %scan3A_65 = arith.constant 20 : i32
    %scan3A_66 = arith.addi %scan3A_64, %scan3A_65 : i32
    %scan3A_67 = arith.constant 1 : i32
    scf.for %scan3A_149 = %scan3A_64 to %scan3A_66 step %scan3A_67  : i32 {
      %mul3A_150 = arith.constant 2 : i32
      %mul3A_151 = arith.muli %mul3A_150, %scan3A_149 : i32
      %add3A_152 = arith.constant 1 : i32
      %add3A_153 = arith.addi %mul3A_151, %add3A_152 : i32
      %dma_wait3A = arith.constant 0 : i32
      %dma_wait3A_154 = tpu.memref_slice %arg10[%mul3A_151, %dma_wait3A] : memref<40x128xi32, #tpu.memory_space<vmem>> -> memref<1x128xi32, #tpu.memory_space<vmem>>
      %dma_wait3A_155 = tpu.memref_squeeze %dma_wait3A_154 : memref<1x128xi32, #tpu.memory_space<vmem>> -> memref<128xi32, #tpu.memory_space<vmem>>
      %dma_wait3A_156 = arith.constant 0 : i32
      %dma_wait3A_157 = arith.constant 0 : i32
      %dma_wait3A_158 = tpu.memref_slice %arg7[%dma_wait3A_156, %dma_wait3A_157] : memref<10240x64xf32, #tpu.memory_space<vmem_shared>> -> memref<10240x64xf32, #tpu.memory_space<vmem_shared>>
      tpu.wait_indirect_dma semaphore(%arg13 : memref<!tpu.dma_semaphore, #tpu.memory_space<semaphore_mem>>) src(%dma_wait3A_158 : memref<10240x64xf32, #tpu.memory_space<vmem_shared>>) dst(%arg11 : memref<128x64xf32, #tpu.memory_space<vmem>>)
      %dma_start3A_159 = arith.constant 0 : i32
      %dma_start3A_160 = tpu.memref_slice %arg10[%add3A_153, %dma_start3A_159] : memref<40x128xi32, #tpu.memory_space<vmem>> -> memref<1x128xi32, #tpu.memory_space<vmem>>
      %dma_start3A_161 = tpu.memref_squeeze %dma_start3A_160 : memref<1x128xi32, #tpu.memory_space<vmem>> -> memref<128xi32, #tpu.memory_space<vmem>>
      %dma_start3A_162 = arith.constant 0 : i32
      %dma_start3A_163 = arith.constant 0 : i32
      %dma_start3A_164 = tpu.memref_slice %arg7[%dma_start3A_162, %dma_start3A_163] : memref<10240x64xf32, #tpu.memory_space<vmem_shared>> -> memref<10240x64xf32, #tpu.memory_space<vmem_shared>>
      tpu.enqueue_indirect_dma source(%dma_start3A_164 : memref<10240x64xf32, #tpu.memory_space<vmem_shared>>) target(%arg12 : memref<128x64xf32, #tpu.memory_space<vmem>>) offsets(%dma_start3A_161 : memref<128xi32, #tpu.memory_space<vmem>>) semaphore(%arg14 : memref<!tpu.dma_semaphore, #tpu.memory_space<semaphore_mem>>)
      "tpu.region"() ({
        %run_scoped3A = tpu.sem_alloc : memref<!tpu.dma_semaphore, #tpu.memory_space<semaphore_mem>>
        %dma_start3A_173 = arith.constant 0 : i32
        %dma_start3A_174 = tpu.memref_slice %arg9[%mul3A_151, %dma_start3A_173] : memref<40x128xi32, #tpu.memory_space<vmem>> -> memref<1x128xi32, #tpu.memory_space<vmem>>
        %dma_start3A_175 = tpu.memref_squeeze %dma_start3A_174 : memref<1x128xi32, #tpu.memory_space<vmem>> -> memref<128xi32, #tpu.memory_space<vmem>>
        %dma_start3A_176 = arith.constant 0 : i32
        %dma_start3A_177 = arith.constant 0 : i32
        %dma_start3A_178 = tpu.memref_slice %arg8[%dma_start3A_176, %dma_start3A_177] : memref<10240x64xf32, #tpu.memory_space<vmem_shared>> -> memref<10240x64xf32, #tpu.memory_space<vmem_shared>>
        tpu.enqueue_indirect_dma source(%arg11 : memref<128x64xf32, #tpu.memory_space<vmem>>) target(%dma_start3A_178 : memref<10240x64xf32, #tpu.memory_space<vmem_shared>>) offsets(%dma_start3A_175 : memref<128xi32, #tpu.memory_space<vmem>>) semaphore(%run_scoped3A : memref<!tpu.dma_semaphore, #tpu.memory_space<semaphore_mem>>) {add = true}
        %dma_wait3A_179 = arith.constant 0 : i32
        %dma_wait3A_180 = tpu.memref_slice %arg9[%mul3A_151, %dma_wait3A_179] : memref<40x128xi32, #tpu.memory_space<vmem>> -> memref<1x128xi32, #tpu.memory_space<vmem>>
        %dma_wait3A_181 = tpu.memref_squeeze %dma_wait3A_180 : memref<1x128xi32, #tpu.memory_space<vmem>> -> memref<128xi32, #tpu.memory_space<vmem>>
        %dma_wait3A_182 = arith.constant 0 : i32
        %dma_wait3A_183 = arith.constant 0 : i32
        %dma_wait3A_184 = tpu.memref_slice %arg8[%dma_wait3A_182, %dma_wait3A_183] : memref<10240x64xf32, #tpu.memory_space<vmem_shared>> -> memref<10240x64xf32, #tpu.memory_space<vmem_shared>>
        tpu.wait_indirect_dma semaphore(%run_scoped3A : memref<!tpu.dma_semaphore, #tpu.memory_space<semaphore_mem>>) src(%arg11 : memref<128x64xf32, #tpu.memory_space<vmem>>) dst(%dma_wait3A_184 : memref<10240x64xf32, #tpu.memory_space<vmem_shared>>)
        tpu.yield
      }) : () -> ()
      %dma_wait3A_165 = arith.constant 0 : i32
      %dma_wait3A_166 = tpu.memref_slice %arg10[%add3A_153, %dma_wait3A_165] : memref<40x128xi32, #tpu.memory_space<vmem>> -> memref<1x128xi32, #tpu.memory_space<vmem>>
      %dma_wait3A_167 = tpu.memref_squeeze %dma_wait3A_166 : memref<1x128xi32, #tpu.memory_space<vmem>> -> memref<128xi32, #tpu.memory_space<vmem>>
      %dma_wait3A_168 = arith.constant 0 : i32
      %dma_wait3A_169 = arith.constant 0 : i32
      %dma_wait3A_170 = tpu.memref_slice %arg7[%dma_wait3A_168, %dma_wait3A_169] : memref<10240x64xf32, #tpu.memory_space<vmem_shared>> -> memref<10240x64xf32, #tpu.memory_space<vmem_shared>>
      tpu.wait_indirect_dma semaphore(%arg14 : memref<!tpu.dma_semaphore, #tpu.memory_space<semaphore_mem>>) src(%dma_wait3A_170 : memref<10240x64xf32, #tpu.memory_space<vmem_shared>>) dst(%arg12 : memref<128x64xf32, #tpu.memory_space<vmem>>)
      %lt3A = arith.constant 19 : i32
      %lt3A_171 = arith.cmpi slt, %scan3A_149, %lt3A : i32
      %convert_element_type3A = arith.extui %lt3A_171 : i1 to i32
      %cond3A = arith.constant 0 : i32
      %cond3A_172 = arith.cmpi ne, %convert_element_type3A, %cond3A : i32
      scf.if %cond3A_172 {
        %add3A_173 = arith.constant 2 : i32
        %add3A_174 = arith.addi %mul3A_151, %add3A_173 : i32
        %dma_start3A_175 = arith.constant 0 : i32
        %dma_start3A_176 = tpu.memref_slice %arg10[%add3A_174, %dma_start3A_175] : memref<40x128xi32, #tpu.memory_space<vmem>> -> memref<1x128xi32, #tpu.memory_space<vmem>>
        %dma_start3A_177 = tpu.memref_squeeze %dma_start3A_176 : memref<1x128xi32, #tpu.memory_space<vmem>> -> memref<128xi32, #tpu.memory_space<vmem>>
        %dma_start3A_178 = arith.constant 0 : i32
        %dma_start3A_179 = arith.constant 0 : i32
        %dma_start3A_180 = tpu.memref_slice %arg7[%dma_start3A_178, %dma_start3A_179] : memref<10240x64xf32, #tpu.memory_space<vmem_shared>> -> memref<10240x64xf32, #tpu.memory_space<vmem_shared>>
        tpu.enqueue_indirect_dma source(%dma_start3A_180 : memref<10240x64xf32, #tpu.memory_space<vmem_shared>>) target(%arg11 : memref<128x64xf32, #tpu.memory_space<vmem>>) offsets(%dma_start3A_177 : memref<128xi32, #tpu.memory_space<vmem>>) semaphore(%arg13 : memref<!tpu.dma_semaphore, #tpu.memory_space<semaphore_mem>>)
      } else {
      }
      "tpu.region"() ({
        %run_scoped3A = tpu.sem_alloc : memref<!tpu.dma_semaphore, #tpu.memory_space<semaphore_mem>>
        %dma_start3A_173 = arith.constant 0 : i32
        %dma_start3A_174 = tpu.memref_slice %arg9[%add3A_153, %dma_start3A_173] : memref<40x128xi32, #tpu.memory_space<vmem>> -> memref<1x128xi32, #tpu.memory_space<vmem>>
        %dma_start3A_175 = tpu.memref_squeeze %dma_start3A_174 : memref<1x128xi32, #tpu.memory_space<vmem>> -> memref<128xi32, #tpu.memory_space<vmem>>
        %dma_start3A_176 = arith.constant 0 : i32
        %dma_start3A_177 = arith.constant 0 : i32
        %dma_start3A_178 = tpu.memref_slice %arg8[%dma_start3A_176, %dma_start3A_177] : memref<10240x64xf32, #tpu.memory_space<vmem_shared>> -> memref<10240x64xf32, #tpu.memory_space<vmem_shared>>
        tpu.enqueue_indirect_dma source(%arg12 : memref<128x64xf32, #tpu.memory_space<vmem>>) target(%dma_start3A_178 : memref<10240x64xf32, #tpu.memory_space<vmem_shared>>) offsets(%dma_start3A_175 : memref<128xi32, #tpu.memory_space<vmem>>) semaphore(%run_scoped3A : memref<!tpu.dma_semaphore, #tpu.memory_space<semaphore_mem>>) {add = true}
        %dma_wait3A_179 = arith.constant 0 : i32
        %dma_wait3A_180 = tpu.memref_slice %arg9[%add3A_153, %dma_wait3A_179] : memref<40x128xi32, #tpu.memory_space<vmem>> -> memref<1x128xi32, #tpu.memory_space<vmem>>
        %dma_wait3A_181 = tpu.memref_squeeze %dma_wait3A_180 : memref<1x128xi32, #tpu.memory_space<vmem>> -> memref<128xi32, #tpu.memory_space<vmem>>
        %dma_wait3A_182 = arith.constant 0 : i32
        %dma_wait3A_183 = arith.constant 0 : i32
        %dma_wait3A_184 = tpu.memref_slice %arg8[%dma_wait3A_182, %dma_wait3A_183] : memref<10240x64xf32, #tpu.memory_space<vmem_shared>> -> memref<10240x64xf32, #tpu.memory_space<vmem_shared>>
        tpu.wait_indirect_dma semaphore(%run_scoped3A : memref<!tpu.dma_semaphore, #tpu.memory_space<semaphore_mem>>) src(%arg12 : memref<128x64xf32, #tpu.memory_space<vmem>>) dst(%dma_wait3A_184 : memref<10240x64xf32, #tpu.memory_space<vmem_shared>>)
        tpu.yield
      }) : () -> ()
    }
    %scan3A_68 = arith.constant 20 : i32
    "tpu.region"() ({
      %run_scoped3A = tpu.sem_alloc : memref<!tpu.dma_semaphore, #tpu.memory_space<semaphore_mem>>
      %dma_start3A_149 = arith.constant 40 : i32
      %dma_start3A_150 = arith.constant 0 : i32
      %dma_start3A_151 = tpu.memref_slice %arg3[%arg1, %dma_start3A_149, %dma_start3A_150] : memref<16x160x128xi32, #tpu.memory_space<hbm>> -> memref<1x40x128xi32, #tpu.memory_space<hbm>>
      %dma_start3A_152 = tpu.memref_squeeze %dma_start3A_151 : memref<1x40x128xi32, #tpu.memory_space<hbm>> -> memref<40x128xi32, #tpu.memory_space<hbm>>
      %dma_start3A_153 = arith.constant 40 : i32
      %dma_start3A_154 = arith.constant 0 : i32
      %dma_start3A_155 = tpu.memref_slice %arg3[%arg1, %dma_start3A_153, %dma_start3A_154] : memref<16x160x128xi32, #tpu.memory_space<hbm>> -> memref<1x40x128xi32, #tpu.memory_space<hbm>>
      %dma_start3A_156 = tpu.memref_squeeze %dma_start3A_155 : memref<1x40x128xi32, #tpu.memory_space<hbm>> -> memref<40x128xi32, #tpu.memory_space<hbm>>
      tpu.enqueue_dma source(%dma_start3A_156 : memref<40x128xi32, #tpu.memory_space<hbm>>) target(%arg9 : memref<40x128xi32, #tpu.memory_space<vmem>>) target_semaphore(%run_scoped3A : memref<!tpu.dma_semaphore, #tpu.memory_space<semaphore_mem>>)
      %dma_wait3A = arith.constant 40 : i32
      %dma_wait3A_157 = arith.constant 0 : i32
      %dma_wait3A_158 = tpu.memref_slice %arg3[%arg1, %dma_wait3A, %dma_wait3A_157] : memref<16x160x128xi32, #tpu.memory_space<hbm>> -> memref<1x40x128xi32, #tpu.memory_space<hbm>>
      %dma_wait3A_159 = tpu.memref_squeeze %dma_wait3A_158 : memref<1x40x128xi32, #tpu.memory_space<hbm>> -> memref<40x128xi32, #tpu.memory_space<hbm>>
      %dma_wait3A_160 = arith.constant 40 : i32
      %dma_wait3A_161 = arith.constant 0 : i32
      %dma_wait3A_162 = tpu.memref_slice %arg3[%arg1, %dma_wait3A_160, %dma_wait3A_161] : memref<16x160x128xi32, #tpu.memory_space<hbm>> -> memref<1x40x128xi32, #tpu.memory_space<hbm>>
      %dma_wait3A_163 = tpu.memref_squeeze %dma_wait3A_162 : memref<1x40x128xi32, #tpu.memory_space<hbm>> -> memref<40x128xi32, #tpu.memory_space<hbm>>
      tpu.wait_dma2 semaphore(%run_scoped3A : memref<!tpu.dma_semaphore, #tpu.memory_space<semaphore_mem>>) src(%dma_wait3A_163 : memref<40x128xi32, #tpu.memory_space<hbm>>) dst(%arg9 : memref<40x128xi32, #tpu.memory_space<vmem>>)
      tpu.yield
    }) : () -> ()
    "tpu.region"() ({
      %run_scoped3A = tpu.sem_alloc : memref<!tpu.dma_semaphore, #tpu.memory_space<semaphore_mem>>
      %dma_start3A_149 = arith.constant 40 : i32
      %dma_start3A_150 = arith.constant 0 : i32
      %dma_start3A_151 = tpu.memref_slice %arg4[%arg1, %dma_start3A_149, %dma_start3A_150] : memref<16x160x128xi32, #tpu.memory_space<hbm>> -> memref<1x40x128xi32, #tpu.memory_space<hbm>>
      %dma_start3A_152 = tpu.memref_squeeze %dma_start3A_151 : memref<1x40x128xi32, #tpu.memory_space<hbm>> -> memref<40x128xi32, #tpu.memory_space<hbm>>
      %dma_start3A_153 = arith.constant 40 : i32
      %dma_start3A_154 = arith.constant 0 : i32
      %dma_start3A_155 = tpu.memref_slice %arg4[%arg1, %dma_start3A_153, %dma_start3A_154] : memref<16x160x128xi32, #tpu.memory_space<hbm>> -> memref<1x40x128xi32, #tpu.memory_space<hbm>>
      %dma_start3A_156 = tpu.memref_squeeze %dma_start3A_155 : memref<1x40x128xi32, #tpu.memory_space<hbm>> -> memref<40x128xi32, #tpu.memory_space<hbm>>
      tpu.enqueue_dma source(%dma_start3A_156 : memref<40x128xi32, #tpu.memory_space<hbm>>) target(%arg10 : memref<40x128xi32, #tpu.memory_space<vmem>>) target_semaphore(%run_scoped3A : memref<!tpu.dma_semaphore, #tpu.memory_space<semaphore_mem>>)
      %dma_wait3A = arith.constant 40 : i32
      %dma_wait3A_157 = arith.constant 0 : i32
      %dma_wait3A_158 = tpu.memref_slice %arg4[%arg1, %dma_wait3A, %dma_wait3A_157] : memref<16x160x128xi32, #tpu.memory_space<hbm>> -> memref<1x40x128xi32, #tpu.memory_space<hbm>>
      %dma_wait3A_159 = tpu.memref_squeeze %dma_wait3A_158 : memref<1x40x128xi32, #tpu.memory_space<hbm>> -> memref<40x128xi32, #tpu.memory_space<hbm>>
      %dma_wait3A_160 = arith.constant 40 : i32
      %dma_wait3A_161 = arith.constant 0 : i32
      %dma_wait3A_162 = tpu.memref_slice %arg4[%arg1, %dma_wait3A_160, %dma_wait3A_161] : memref<16x160x128xi32, #tpu.memory_space<hbm>> -> memref<1x40x128xi32, #tpu.memory_space<hbm>>
      %dma_wait3A_163 = tpu.memref_squeeze %dma_wait3A_162 : memref<1x40x128xi32, #tpu.memory_space<hbm>> -> memref<40x128xi32, #tpu.memory_space<hbm>>
      tpu.wait_dma2 semaphore(%run_scoped3A : memref<!tpu.dma_semaphore, #tpu.memory_space<semaphore_mem>>) src(%dma_wait3A_163 : memref<40x128xi32, #tpu.memory_space<hbm>>) dst(%arg10 : memref<40x128xi32, #tpu.memory_space<vmem>>)
      tpu.yield
    }) : () -> ()
    %dma_start3A_69 = arith.constant 0 : i32
    %dma_start3A_70 = arith.constant 0 : i32
    %dma_start3A_71 = tpu.memref_slice %arg10[%dma_start3A_69, %dma_start3A_70] : memref<40x128xi32, #tpu.memory_space<vmem>> -> memref<1x128xi32, #tpu.memory_space<vmem>>
    %dma_start3A_72 = tpu.memref_squeeze %dma_start3A_71 : memref<1x128xi32, #tpu.memory_space<vmem>> -> memref<128xi32, #tpu.memory_space<vmem>>
    %dma_start3A_73 = arith.constant 0 : i32
    %dma_start3A_74 = arith.constant 0 : i32
    %dma_start3A_75 = tpu.memref_slice %arg7[%dma_start3A_73, %dma_start3A_74] : memref<10240x64xf32, #tpu.memory_space<vmem_shared>> -> memref<10240x64xf32, #tpu.memory_space<vmem_shared>>
    tpu.enqueue_indirect_dma source(%dma_start3A_75 : memref<10240x64xf32, #tpu.memory_space<vmem_shared>>) target(%arg11 : memref<128x64xf32, #tpu.memory_space<vmem>>) offsets(%dma_start3A_72 : memref<128xi32, #tpu.memory_space<vmem>>) semaphore(%arg13 : memref<!tpu.dma_semaphore, #tpu.memory_space<semaphore_mem>>)
    %scan3A_76 = arith.constant 0 : i32
    %scan3A_77 = arith.constant 0 : i32
    %scan3A_78 = arith.constant 20 : i32
    %scan3A_79 = arith.addi %scan3A_77, %scan3A_78 : i32
    %scan3A_80 = arith.constant 1 : i32
    scf.for %scan3A_149 = %scan3A_77 to %scan3A_79 step %scan3A_80  : i32 {
      %mul3A_150 = arith.constant 2 : i32
      %mul3A_151 = arith.muli %mul3A_150, %scan3A_149 : i32
      %add3A_152 = arith.constant 1 : i32
      %add3A_153 = arith.addi %mul3A_151, %add3A_152 : i32
      %dma_wait3A = arith.constant 0 : i32
      %dma_wait3A_154 = tpu.memref_slice %arg10[%mul3A_151, %dma_wait3A] : memref<40x128xi32, #tpu.memory_space<vmem>> -> memref<1x128xi32, #tpu.memory_space<vmem>>
      %dma_wait3A_155 = tpu.memref_squeeze %dma_wait3A_154 : memref<1x128xi32, #tpu.memory_space<vmem>> -> memref<128xi32, #tpu.memory_space<vmem>>
      %dma_wait3A_156 = arith.constant 0 : i32
      %dma_wait3A_157 = arith.constant 0 : i32
      %dma_wait3A_158 = tpu.memref_slice %arg7[%dma_wait3A_156, %dma_wait3A_157] : memref<10240x64xf32, #tpu.memory_space<vmem_shared>> -> memref<10240x64xf32, #tpu.memory_space<vmem_shared>>
      tpu.wait_indirect_dma semaphore(%arg13 : memref<!tpu.dma_semaphore, #tpu.memory_space<semaphore_mem>>) src(%dma_wait3A_158 : memref<10240x64xf32, #tpu.memory_space<vmem_shared>>) dst(%arg11 : memref<128x64xf32, #tpu.memory_space<vmem>>)
      %dma_start3A_159 = arith.constant 0 : i32
      %dma_start3A_160 = tpu.memref_slice %arg10[%add3A_153, %dma_start3A_159] : memref<40x128xi32, #tpu.memory_space<vmem>> -> memref<1x128xi32, #tpu.memory_space<vmem>>
      %dma_start3A_161 = tpu.memref_squeeze %dma_start3A_160 : memref<1x128xi32, #tpu.memory_space<vmem>> -> memref<128xi32, #tpu.memory_space<vmem>>
      %dma_start3A_162 = arith.constant 0 : i32
      %dma_start3A_163 = arith.constant 0 : i32
      %dma_start3A_164 = tpu.memref_slice %arg7[%dma_start3A_162, %dma_start3A_163] : memref<10240x64xf32, #tpu.memory_space<vmem_shared>> -> memref<10240x64xf32, #tpu.memory_space<vmem_shared>>
      tpu.enqueue_indirect_dma source(%dma_start3A_164 : memref<10240x64xf32, #tpu.memory_space<vmem_shared>>) target(%arg12 : memref<128x64xf32, #tpu.memory_space<vmem>>) offsets(%dma_start3A_161 : memref<128xi32, #tpu.memory_space<vmem>>) semaphore(%arg14 : memref<!tpu.dma_semaphore, #tpu.memory_space<semaphore_mem>>)
      "tpu.region"() ({
        %run_scoped3A = tpu.sem_alloc : memref<!tpu.dma_semaphore, #tpu.memory_space<semaphore_mem>>
        %dma_start3A_173 = arith.constant 0 : i32
        %dma_start3A_174 = tpu.memref_slice %arg9[%mul3A_151, %dma_start3A_173] : memref<40x128xi32, #tpu.memory_space<vmem>> -> memref<1x128xi32, #tpu.memory_space<vmem>>
        %dma_start3A_175 = tpu.memref_squeeze %dma_start3A_174 : memref<1x128xi32, #tpu.memory_space<vmem>> -> memref<128xi32, #tpu.memory_space<vmem>>
        %dma_start3A_176 = arith.constant 0 : i32
        %dma_start3A_177 = arith.constant 0 : i32
        %dma_start3A_178 = tpu.memref_slice %arg8[%dma_start3A_176, %dma_start3A_177] : memref<10240x64xf32, #tpu.memory_space<vmem_shared>> -> memref<10240x64xf32, #tpu.memory_space<vmem_shared>>
        tpu.enqueue_indirect_dma source(%arg11 : memref<128x64xf32, #tpu.memory_space<vmem>>) target(%dma_start3A_178 : memref<10240x64xf32, #tpu.memory_space<vmem_shared>>) offsets(%dma_start3A_175 : memref<128xi32, #tpu.memory_space<vmem>>) semaphore(%run_scoped3A : memref<!tpu.dma_semaphore, #tpu.memory_space<semaphore_mem>>) {add = true}
        %dma_wait3A_179 = arith.constant 0 : i32
        %dma_wait3A_180 = tpu.memref_slice %arg9[%mul3A_151, %dma_wait3A_179] : memref<40x128xi32, #tpu.memory_space<vmem>> -> memref<1x128xi32, #tpu.memory_space<vmem>>
        %dma_wait3A_181 = tpu.memref_squeeze %dma_wait3A_180 : memref<1x128xi32, #tpu.memory_space<vmem>> -> memref<128xi32, #tpu.memory_space<vmem>>
        %dma_wait3A_182 = arith.constant 0 : i32
        %dma_wait3A_183 = arith.constant 0 : i32
        %dma_wait3A_184 = tpu.memref_slice %arg8[%dma_wait3A_182, %dma_wait3A_183] : memref<10240x64xf32, #tpu.memory_space<vmem_shared>> -> memref<10240x64xf32, #tpu.memory_space<vmem_shared>>
        tpu.wait_indirect_dma semaphore(%run_scoped3A : memref<!tpu.dma_semaphore, #tpu.memory_space<semaphore_mem>>) src(%arg11 : memref<128x64xf32, #tpu.memory_space<vmem>>) dst(%dma_wait3A_184 : memref<10240x64xf32, #tpu.memory_space<vmem_shared>>)
        tpu.yield
      }) : () -> ()
      %dma_wait3A_165 = arith.constant 0 : i32
      %dma_wait3A_166 = tpu.memref_slice %arg10[%add3A_153, %dma_wait3A_165] : memref<40x128xi32, #tpu.memory_space<vmem>> -> memref<1x128xi32, #tpu.memory_space<vmem>>
      %dma_wait3A_167 = tpu.memref_squeeze %dma_wait3A_166 : memref<1x128xi32, #tpu.memory_space<vmem>> -> memref<128xi32, #tpu.memory_space<vmem>>
      %dma_wait3A_168 = arith.constant 0 : i32
      %dma_wait3A_169 = arith.constant 0 : i32
      %dma_wait3A_170 = tpu.memref_slice %arg7[%dma_wait3A_168, %dma_wait3A_169] : memref<10240x64xf32, #tpu.memory_space<vmem_shared>> -> memref<10240x64xf32, #tpu.memory_space<vmem_shared>>
      tpu.wait_indirect_dma semaphore(%arg14 : memref<!tpu.dma_semaphore, #tpu.memory_space<semaphore_mem>>) src(%dma_wait3A_170 : memref<10240x64xf32, #tpu.memory_space<vmem_shared>>) dst(%arg12 : memref<128x64xf32, #tpu.memory_space<vmem>>)
      %lt3A = arith.constant 19 : i32
      %lt3A_171 = arith.cmpi slt, %scan3A_149, %lt3A : i32
      %convert_element_type3A = arith.extui %lt3A_171 : i1 to i32
      %cond3A = arith.constant 0 : i32
      %cond3A_172 = arith.cmpi ne, %convert_element_type3A, %cond3A : i32
      scf.if %cond3A_172 {
        %add3A_173 = arith.constant 2 : i32
        %add3A_174 = arith.addi %mul3A_151, %add3A_173 : i32
        %dma_start3A_175 = arith.constant 0 : i32
        %dma_start3A_176 = tpu.memref_slice %arg10[%add3A_174, %dma_start3A_175] : memref<40x128xi32, #tpu.memory_space<vmem>> -> memref<1x128xi32, #tpu.memory_space<vmem>>
        %dma_start3A_177 = tpu.memref_squeeze %dma_start3A_176 : memref<1x128xi32, #tpu.memory_space<vmem>> -> memref<128xi32, #tpu.memory_space<vmem>>
        %dma_start3A_178 = arith.constant 0 : i32
        %dma_start3A_179 = arith.constant 0 : i32
        %dma_start3A_180 = tpu.memref_slice %arg7[%dma_start3A_178, %dma_start3A_179] : memref<10240x64xf32, #tpu.memory_space<vmem_shared>> -> memref<10240x64xf32, #tpu.memory_space<vmem_shared>>
        tpu.enqueue_indirect_dma source(%dma_start3A_180 : memref<10240x64xf32, #tpu.memory_space<vmem_shared>>) target(%arg11 : memref<128x64xf32, #tpu.memory_space<vmem>>) offsets(%dma_start3A_177 : memref<128xi32, #tpu.memory_space<vmem>>) semaphore(%arg13 : memref<!tpu.dma_semaphore, #tpu.memory_space<semaphore_mem>>)
      } else {
      }
      "tpu.region"() ({
        %run_scoped3A = tpu.sem_alloc : memref<!tpu.dma_semaphore, #tpu.memory_space<semaphore_mem>>
        %dma_start3A_173 = arith.constant 0 : i32
        %dma_start3A_174 = tpu.memref_slice %arg9[%add3A_153, %dma_start3A_173] : memref<40x128xi32, #tpu.memory_space<vmem>> -> memref<1x128xi32, #tpu.memory_space<vmem>>
        %dma_start3A_175 = tpu.memref_squeeze %dma_start3A_174 : memref<1x128xi32, #tpu.memory_space<vmem>> -> memref<128xi32, #tpu.memory_space<vmem>>
        %dma_start3A_176 = arith.constant 0 : i32
        %dma_start3A_177 = arith.constant 0 : i32
        %dma_start3A_178 = tpu.memref_slice %arg8[%dma_start3A_176, %dma_start3A_177] : memref<10240x64xf32, #tpu.memory_space<vmem_shared>> -> memref<10240x64xf32, #tpu.memory_space<vmem_shared>>
        tpu.enqueue_indirect_dma source(%arg12 : memref<128x64xf32, #tpu.memory_space<vmem>>) target(%dma_start3A_178 : memref<10240x64xf32, #tpu.memory_space<vmem_shared>>) offsets(%dma_start3A_175 : memref<128xi32, #tpu.memory_space<vmem>>) semaphore(%run_scoped3A : memref<!tpu.dma_semaphore, #tpu.memory_space<semaphore_mem>>) {add = true}
        %dma_wait3A_179 = arith.constant 0 : i32
        %dma_wait3A_180 = tpu.memref_slice %arg9[%add3A_153, %dma_wait3A_179] : memref<40x128xi32, #tpu.memory_space<vmem>> -> memref<1x128xi32, #tpu.memory_space<vmem>>
        %dma_wait3A_181 = tpu.memref_squeeze %dma_wait3A_180 : memref<1x128xi32, #tpu.memory_space<vmem>> -> memref<128xi32, #tpu.memory_space<vmem>>
        %dma_wait3A_182 = arith.constant 0 : i32
        %dma_wait3A_183 = arith.constant 0 : i32
        %dma_wait3A_184 = tpu.memref_slice %arg8[%dma_wait3A_182, %dma_wait3A_183] : memref<10240x64xf32, #tpu.memory_space<vmem_shared>> -> memref<10240x64xf32, #tpu.memory_space<vmem_shared>>
        tpu.wait_indirect_dma semaphore(%run_scoped3A : memref<!tpu.dma_semaphore, #tpu.memory_space<semaphore_mem>>) src(%arg12 : memref<128x64xf32, #tpu.memory_space<vmem>>) dst(%dma_wait3A_184 : memref<10240x64xf32, #tpu.memory_space<vmem_shared>>)
        tpu.yield
      }) : () -> ()
    }
    %scan3A_81 = arith.constant 20 : i32
    "tpu.region"() ({
      %run_scoped3A = tpu.sem_alloc : memref<!tpu.dma_semaphore, #tpu.memory_space<semaphore_mem>>
      %dma_start3A_149 = arith.constant 80 : i32
      %dma_start3A_150 = arith.constant 0 : i32
      %dma_start3A_151 = tpu.memref_slice %arg3[%arg1, %dma_start3A_149, %dma_start3A_150] : memref<16x160x128xi32, #tpu.memory_space<hbm>> -> memref<1x40x128xi32, #tpu.memory_space<hbm>>
      %dma_start3A_152 = tpu.memref_squeeze %dma_start3A_151 : memref<1x40x128xi32, #tpu.memory_space<hbm>> -> memref<40x128xi32, #tpu.memory_space<hbm>>
      %dma_start3A_153 = arith.constant 80 : i32
      %dma_start3A_154 = arith.constant 0 : i32
      %dma_start3A_155 = tpu.memref_slice %arg3[%arg1, %dma_start3A_153, %dma_start3A_154] : memref<16x160x128xi32, #tpu.memory_space<hbm>> -> memref<1x40x128xi32, #tpu.memory_space<hbm>>
      %dma_start3A_156 = tpu.memref_squeeze %dma_start3A_155 : memref<1x40x128xi32, #tpu.memory_space<hbm>> -> memref<40x128xi32, #tpu.memory_space<hbm>>
      tpu.enqueue_dma source(%dma_start3A_156 : memref<40x128xi32, #tpu.memory_space<hbm>>) target(%arg9 : memref<40x128xi32, #tpu.memory_space<vmem>>) target_semaphore(%run_scoped3A : memref<!tpu.dma_semaphore, #tpu.memory_space<semaphore_mem>>)
      %dma_wait3A = arith.constant 80 : i32
      %dma_wait3A_157 = arith.constant 0 : i32
      %dma_wait3A_158 = tpu.memref_slice %arg3[%arg1, %dma_wait3A, %dma_wait3A_157] : memref<16x160x128xi32, #tpu.memory_space<hbm>> -> memref<1x40x128xi32, #tpu.memory_space<hbm>>
      %dma_wait3A_159 = tpu.memref_squeeze %dma_wait3A_158 : memref<1x40x128xi32, #tpu.memory_space<hbm>> -> memref<40x128xi32, #tpu.memory_space<hbm>>
      %dma_wait3A_160 = arith.constant 80 : i32
      %dma_wait3A_161 = arith.constant 0 : i32
      %dma_wait3A_162 = tpu.memref_slice %arg3[%arg1, %dma_wait3A_160, %dma_wait3A_161] : memref<16x160x128xi32, #tpu.memory_space<hbm>> -> memref<1x40x128xi32, #tpu.memory_space<hbm>>
      %dma_wait3A_163 = tpu.memref_squeeze %dma_wait3A_162 : memref<1x40x128xi32, #tpu.memory_space<hbm>> -> memref<40x128xi32, #tpu.memory_space<hbm>>
      tpu.wait_dma2 semaphore(%run_scoped3A : memref<!tpu.dma_semaphore, #tpu.memory_space<semaphore_mem>>) src(%dma_wait3A_163 : memref<40x128xi32, #tpu.memory_space<hbm>>) dst(%arg9 : memref<40x128xi32, #tpu.memory_space<vmem>>)
      tpu.yield
    }) : () -> ()
    "tpu.region"() ({
      %run_scoped3A = tpu.sem_alloc : memref<!tpu.dma_semaphore, #tpu.memory_space<semaphore_mem>>
      %dma_start3A_149 = arith.constant 80 : i32
      %dma_start3A_150 = arith.constant 0 : i32
      %dma_start3A_151 = tpu.memref_slice %arg4[%arg1, %dma_start3A_149, %dma_start3A_150] : memref<16x160x128xi32, #tpu.memory_space<hbm>> -> memref<1x40x128xi32, #tpu.memory_space<hbm>>
      %dma_start3A_152 = tpu.memref_squeeze %dma_start3A_151 : memref<1x40x128xi32, #tpu.memory_space<hbm>> -> memref<40x128xi32, #tpu.memory_space<hbm>>
      %dma_start3A_153 = arith.constant 80 : i32
      %dma_start3A_154 = arith.constant 0 : i32
      %dma_start3A_155 = tpu.memref_slice %arg4[%arg1, %dma_start3A_153, %dma_start3A_154] : memref<16x160x128xi32, #tpu.memory_space<hbm>> -> memref<1x40x128xi32, #tpu.memory_space<hbm>>
      %dma_start3A_156 = tpu.memref_squeeze %dma_start3A_155 : memref<1x40x128xi32, #tpu.memory_space<hbm>> -> memref<40x128xi32, #tpu.memory_space<hbm>>
      tpu.enqueue_dma source(%dma_start3A_156 : memref<40x128xi32, #tpu.memory_space<hbm>>) target(%arg10 : memref<40x128xi32, #tpu.memory_space<vmem>>) target_semaphore(%run_scoped3A : memref<!tpu.dma_semaphore, #tpu.memory_space<semaphore_mem>>)
      %dma_wait3A = arith.constant 80 : i32
      %dma_wait3A_157 = arith.constant 0 : i32
      %dma_wait3A_158 = tpu.memref_slice %arg4[%arg1, %dma_wait3A, %dma_wait3A_157] : memref<16x160x128xi32, #tpu.memory_space<hbm>> -> memref<1x40x128xi32, #tpu.memory_space<hbm>>
      %dma_wait3A_159 = tpu.memref_squeeze %dma_wait3A_158 : memref<1x40x128xi32, #tpu.memory_space<hbm>> -> memref<40x128xi32, #tpu.memory_space<hbm>>
      %dma_wait3A_160 = arith.constant 80 : i32
      %dma_wait3A_161 = arith.constant 0 : i32
      %dma_wait3A_162 = tpu.memref_slice %arg4[%arg1, %dma_wait3A_160, %dma_wait3A_161] : memref<16x160x128xi32, #tpu.memory_space<hbm>> -> memref<1x40x128xi32, #tpu.memory_space<hbm>>
      %dma_wait3A_163 = tpu.memref_squeeze %dma_wait3A_162 : memref<1x40x128xi32, #tpu.memory_space<hbm>> -> memref<40x128xi32, #tpu.memory_space<hbm>>
      tpu.wait_dma2 semaphore(%run_scoped3A : memref<!tpu.dma_semaphore, #tpu.memory_space<semaphore_mem>>) src(%dma_wait3A_163 : memref<40x128xi32, #tpu.memory_space<hbm>>) dst(%arg10 : memref<40x128xi32, #tpu.memory_space<vmem>>)
      tpu.yield
    }) : () -> ()
    %dma_start3A_82 = arith.constant 0 : i32
    %dma_start3A_83 = arith.constant 0 : i32
    %dma_start3A_84 = tpu.memref_slice %arg10[%dma_start3A_82, %dma_start3A_83] : memref<40x128xi32, #tpu.memory_space<vmem>> -> memref<1x128xi32, #tpu.memory_space<vmem>>
    %dma_start3A_85 = tpu.memref_squeeze %dma_start3A_84 : memref<1x128xi32, #tpu.memory_space<vmem>> -> memref<128xi32, #tpu.memory_space<vmem>>
    %dma_start3A_86 = arith.constant 0 : i32
    %dma_start3A_87 = arith.constant 0 : i32
    %dma_start3A_88 = tpu.memref_slice %arg7[%dma_start3A_86, %dma_start3A_87] : memref<10240x64xf32, #tpu.memory_space<vmem_shared>> -> memref<10240x64xf32, #tpu.memory_space<vmem_shared>>
    tpu.enqueue_indirect_dma source(%dma_start3A_88 : memref<10240x64xf32, #tpu.memory_space<vmem_shared>>) target(%arg11 : memref<128x64xf32, #tpu.memory_space<vmem>>) offsets(%dma_start3A_85 : memref<128xi32, #tpu.memory_space<vmem>>) semaphore(%arg13 : memref<!tpu.dma_semaphore, #tpu.memory_space<semaphore_mem>>)
    %scan3A_89 = arith.constant 0 : i32
    %scan3A_90 = arith.constant 0 : i32
    %scan3A_91 = arith.constant 20 : i32
    %scan3A_92 = arith.addi %scan3A_90, %scan3A_91 : i32
    %scan3A_93 = arith.constant 1 : i32
    scf.for %scan3A_149 = %scan3A_90 to %scan3A_92 step %scan3A_93  : i32 {
      %mul3A_150 = arith.constant 2 : i32
      %mul3A_151 = arith.muli %mul3A_150, %scan3A_149 : i32
      %add3A_152 = arith.constant 1 : i32
      %add3A_153 = arith.addi %mul3A_151, %add3A_152 : i32
      %dma_wait3A = arith.constant 0 : i32
      %dma_wait3A_154 = tpu.memref_slice %arg10[%mul3A_151, %dma_wait3A] : memref<40x128xi32, #tpu.memory_space<vmem>> -> memref<1x128xi32, #tpu.memory_space<vmem>>
      %dma_wait3A_155 = tpu.memref_squeeze %dma_wait3A_154 : memref<1x128xi32, #tpu.memory_space<vmem>> -> memref<128xi32, #tpu.memory_space<vmem>>
      %dma_wait3A_156 = arith.constant 0 : i32
      %dma_wait3A_157 = arith.constant 0 : i32
      %dma_wait3A_158 = tpu.memref_slice %arg7[%dma_wait3A_156, %dma_wait3A_157] : memref<10240x64xf32, #tpu.memory_space<vmem_shared>> -> memref<10240x64xf32, #tpu.memory_space<vmem_shared>>
      tpu.wait_indirect_dma semaphore(%arg13 : memref<!tpu.dma_semaphore, #tpu.memory_space<semaphore_mem>>) src(%dma_wait3A_158 : memref<10240x64xf32, #tpu.memory_space<vmem_shared>>) dst(%arg11 : memref<128x64xf32, #tpu.memory_space<vmem>>)
      %dma_start3A_159 = arith.constant 0 : i32
      %dma_start3A_160 = tpu.memref_slice %arg10[%add3A_153, %dma_start3A_159] : memref<40x128xi32, #tpu.memory_space<vmem>> -> memref<1x128xi32, #tpu.memory_space<vmem>>
      %dma_start3A_161 = tpu.memref_squeeze %dma_start3A_160 : memref<1x128xi32, #tpu.memory_space<vmem>> -> memref<128xi32, #tpu.memory_space<vmem>>
      %dma_start3A_162 = arith.constant 0 : i32
      %dma_start3A_163 = arith.constant 0 : i32
      %dma_start3A_164 = tpu.memref_slice %arg7[%dma_start3A_162, %dma_start3A_163] : memref<10240x64xf32, #tpu.memory_space<vmem_shared>> -> memref<10240x64xf32, #tpu.memory_space<vmem_shared>>
      tpu.enqueue_indirect_dma source(%dma_start3A_164 : memref<10240x64xf32, #tpu.memory_space<vmem_shared>>) target(%arg12 : memref<128x64xf32, #tpu.memory_space<vmem>>) offsets(%dma_start3A_161 : memref<128xi32, #tpu.memory_space<vmem>>) semaphore(%arg14 : memref<!tpu.dma_semaphore, #tpu.memory_space<semaphore_mem>>)
      "tpu.region"() ({
        %run_scoped3A = tpu.sem_alloc : memref<!tpu.dma_semaphore, #tpu.memory_space<semaphore_mem>>
        %dma_start3A_173 = arith.constant 0 : i32
        %dma_start3A_174 = tpu.memref_slice %arg9[%mul3A_151, %dma_start3A_173] : memref<40x128xi32, #tpu.memory_space<vmem>> -> memref<1x128xi32, #tpu.memory_space<vmem>>
        %dma_start3A_175 = tpu.memref_squeeze %dma_start3A_174 : memref<1x128xi32, #tpu.memory_space<vmem>> -> memref<128xi32, #tpu.memory_space<vmem>>
        %dma_start3A_176 = arith.constant 0 : i32
        %dma_start3A_177 = arith.constant 0 : i32
        %dma_start3A_178 = tpu.memref_slice %arg8[%dma_start3A_176, %dma_start3A_177] : memref<10240x64xf32, #tpu.memory_space<vmem_shared>> -> memref<10240x64xf32, #tpu.memory_space<vmem_shared>>
        tpu.enqueue_indirect_dma source(%arg11 : memref<128x64xf32, #tpu.memory_space<vmem>>) target(%dma_start3A_178 : memref<10240x64xf32, #tpu.memory_space<vmem_shared>>) offsets(%dma_start3A_175 : memref<128xi32, #tpu.memory_space<vmem>>) semaphore(%run_scoped3A : memref<!tpu.dma_semaphore, #tpu.memory_space<semaphore_mem>>) {add = true}
        %dma_wait3A_179 = arith.constant 0 : i32
        %dma_wait3A_180 = tpu.memref_slice %arg9[%mul3A_151, %dma_wait3A_179] : memref<40x128xi32, #tpu.memory_space<vmem>> -> memref<1x128xi32, #tpu.memory_space<vmem>>
        %dma_wait3A_181 = tpu.memref_squeeze %dma_wait3A_180 : memref<1x128xi32, #tpu.memory_space<vmem>> -> memref<128xi32, #tpu.memory_space<vmem>>
        %dma_wait3A_182 = arith.constant 0 : i32
        %dma_wait3A_183 = arith.constant 0 : i32
        %dma_wait3A_184 = tpu.memref_slice %arg8[%dma_wait3A_182, %dma_wait3A_183] : memref<10240x64xf32, #tpu.memory_space<vmem_shared>> -> memref<10240x64xf32, #tpu.memory_space<vmem_shared>>
        tpu.wait_indirect_dma semaphore(%run_scoped3A : memref<!tpu.dma_semaphore, #tpu.memory_space<semaphore_mem>>) src(%arg11 : memref<128x64xf32, #tpu.memory_space<vmem>>) dst(%dma_wait3A_184 : memref<10240x64xf32, #tpu.memory_space<vmem_shared>>)
        tpu.yield
      }) : () -> ()
      %dma_wait3A_165 = arith.constant 0 : i32
      %dma_wait3A_166 = tpu.memref_slice %arg10[%add3A_153, %dma_wait3A_165] : memref<40x128xi32, #tpu.memory_space<vmem>> -> memref<1x128xi32, #tpu.memory_space<vmem>>
      %dma_wait3A_167 = tpu.memref_squeeze %dma_wait3A_166 : memref<1x128xi32, #tpu.memory_space<vmem>> -> memref<128xi32, #tpu.memory_space<vmem>>
      %dma_wait3A_168 = arith.constant 0 : i32
      %dma_wait3A_169 = arith.constant 0 : i32
      %dma_wait3A_170 = tpu.memref_slice %arg7[%dma_wait3A_168, %dma_wait3A_169] : memref<10240x64xf32, #tpu.memory_space<vmem_shared>> -> memref<10240x64xf32, #tpu.memory_space<vmem_shared>>
      tpu.wait_indirect_dma semaphore(%arg14 : memref<!tpu.dma_semaphore, #tpu.memory_space<semaphore_mem>>) src(%dma_wait3A_170 : memref<10240x64xf32, #tpu.memory_space<vmem_shared>>) dst(%arg12 : memref<128x64xf32, #tpu.memory_space<vmem>>)
      %lt3A = arith.constant 19 : i32
      %lt3A_171 = arith.cmpi slt, %scan3A_149, %lt3A : i32
      %convert_element_type3A = arith.extui %lt3A_171 : i1 to i32
      %cond3A = arith.constant 0 : i32
      %cond3A_172 = arith.cmpi ne, %convert_element_type3A, %cond3A : i32
      scf.if %cond3A_172 {
        %add3A_173 = arith.constant 2 : i32
        %add3A_174 = arith.addi %mul3A_151, %add3A_173 : i32
        %dma_start3A_175 = arith.constant 0 : i32
        %dma_start3A_176 = tpu.memref_slice %arg10[%add3A_174, %dma_start3A_175] : memref<40x128xi32, #tpu.memory_space<vmem>> -> memref<1x128xi32, #tpu.memory_space<vmem>>
        %dma_start3A_177 = tpu.memref_squeeze %dma_start3A_176 : memref<1x128xi32, #tpu.memory_space<vmem>> -> memref<128xi32, #tpu.memory_space<vmem>>
        %dma_start3A_178 = arith.constant 0 : i32
        %dma_start3A_179 = arith.constant 0 : i32
        %dma_start3A_180 = tpu.memref_slice %arg7[%dma_start3A_178, %dma_start3A_179] : memref<10240x64xf32, #tpu.memory_space<vmem_shared>> -> memref<10240x64xf32, #tpu.memory_space<vmem_shared>>
        tpu.enqueue_indirect_dma source(%dma_start3A_180 : memref<10240x64xf32, #tpu.memory_space<vmem_shared>>) target(%arg11 : memref<128x64xf32, #tpu.memory_space<vmem>>) offsets(%dma_start3A_177 : memref<128xi32, #tpu.memory_space<vmem>>) semaphore(%arg13 : memref<!tpu.dma_semaphore, #tpu.memory_space<semaphore_mem>>)
      } else {
      }
      "tpu.region"() ({
        %run_scoped3A = tpu.sem_alloc : memref<!tpu.dma_semaphore, #tpu.memory_space<semaphore_mem>>
        %dma_start3A_173 = arith.constant 0 : i32
        %dma_start3A_174 = tpu.memref_slice %arg9[%add3A_153, %dma_start3A_173] : memref<40x128xi32, #tpu.memory_space<vmem>> -> memref<1x128xi32, #tpu.memory_space<vmem>>
        %dma_start3A_175 = tpu.memref_squeeze %dma_start3A_174 : memref<1x128xi32, #tpu.memory_space<vmem>> -> memref<128xi32, #tpu.memory_space<vmem>>
        %dma_start3A_176 = arith.constant 0 : i32
        %dma_start3A_177 = arith.constant 0 : i32
        %dma_start3A_178 = tpu.memref_slice %arg8[%dma_start3A_176, %dma_start3A_177] : memref<10240x64xf32, #tpu.memory_space<vmem_shared>> -> memref<10240x64xf32, #tpu.memory_space<vmem_shared>>
        tpu.enqueue_indirect_dma source(%arg12 : memref<128x64xf32, #tpu.memory_space<vmem>>) target(%dma_start3A_178 : memref<10240x64xf32, #tpu.memory_space<vmem_shared>>) offsets(%dma_start3A_175 : memref<128xi32, #tpu.memory_space<vmem>>) semaphore(%run_scoped3A : memref<!tpu.dma_semaphore, #tpu.memory_space<semaphore_mem>>) {add = true}
        %dma_wait3A_179 = arith.constant 0 : i32
        %dma_wait3A_180 = tpu.memref_slice %arg9[%add3A_153, %dma_wait3A_179] : memref<40x128xi32, #tpu.memory_space<vmem>> -> memref<1x128xi32, #tpu.memory_space<vmem>>
        %dma_wait3A_181 = tpu.memref_squeeze %dma_wait3A_180 : memref<1x128xi32, #tpu.memory_space<vmem>> -> memref<128xi32, #tpu.memory_space<vmem>>
        %dma_wait3A_182 = arith.constant 0 : i32
        %dma_wait3A_183 = arith.constant 0 : i32
        %dma_wait3A_184 = tpu.memref_slice %arg8[%dma_wait3A_182, %dma_wait3A_183] : memref<10240x64xf32, #tpu.memory_space<vmem_shared>> -> memref<10240x64xf32, #tpu.memory_space<vmem_shared>>
        tpu.wait_indirect_dma semaphore(%run_scoped3A : memref<!tpu.dma_semaphore, #tpu.memory_space<semaphore_mem>>) src(%arg12 : memref<128x64xf32, #tpu.memory_space<vmem>>) dst(%dma_wait3A_184 : memref<10240x64xf32, #tpu.memory_space<vmem_shared>>)
        tpu.yield
      }) : () -> ()
    }
    %scan3A_94 = arith.constant 20 : i32
    "tpu.region"() ({
      %run_scoped3A = tpu.sem_alloc : memref<!tpu.dma_semaphore, #tpu.memory_space<semaphore_mem>>
      %dma_start3A_149 = arith.constant 120 : i32
      %dma_start3A_150 = arith.constant 0 : i32
      %dma_start3A_151 = tpu.memref_slice %arg3[%arg1, %dma_start3A_149, %dma_start3A_150] : memref<16x160x128xi32, #tpu.memory_space<hbm>> -> memref<1x40x128xi32, #tpu.memory_space<hbm>>
      %dma_start3A_152 = tpu.memref_squeeze %dma_start3A_151 : memref<1x40x128xi32, #tpu.memory_space<hbm>> -> memref<40x128xi32, #tpu.memory_space<hbm>>
      %dma_start3A_153 = arith.constant 120 : i32
      %dma_start3A_154 = arith.constant 0 : i32
      %dma_start3A_155 = tpu.memref_slice %arg3[%arg1, %dma_start3A_153, %dma_start3A_154] : memref<16x160x128xi32, #tpu.memory_space<hbm>> -> memref<1x40x128xi32, #tpu.memory_space<hbm>>
      %dma_start3A_156 = tpu.memref_squeeze %dma_start3A_155 : memref<1x40x128xi32, #tpu.memory_space<hbm>> -> memref<40x128xi32, #tpu.memory_space<hbm>>
      tpu.enqueue_dma source(%dma_start3A_156 : memref<40x128xi32, #tpu.memory_space<hbm>>) target(%arg9 : memref<40x128xi32, #tpu.memory_space<vmem>>) target_semaphore(%run_scoped3A : memref<!tpu.dma_semaphore, #tpu.memory_space<semaphore_mem>>)
      %dma_wait3A = arith.constant 120 : i32
      %dma_wait3A_157 = arith.constant 0 : i32
      %dma_wait3A_158 = tpu.memref_slice %arg3[%arg1, %dma_wait3A, %dma_wait3A_157] : memref<16x160x128xi32, #tpu.memory_space<hbm>> -> memref<1x40x128xi32, #tpu.memory_space<hbm>>
      %dma_wait3A_159 = tpu.memref_squeeze %dma_wait3A_158 : memref<1x40x128xi32, #tpu.memory_space<hbm>> -> memref<40x128xi32, #tpu.memory_space<hbm>>
      %dma_wait3A_160 = arith.constant 120 : i32
      %dma_wait3A_161 = arith.constant 0 : i32
      %dma_wait3A_162 = tpu.memref_slice %arg3[%arg1, %dma_wait3A_160, %dma_wait3A_161] : memref<16x160x128xi32, #tpu.memory_space<hbm>> -> memref<1x40x128xi32, #tpu.memory_space<hbm>>
      %dma_wait3A_163 = tpu.memref_squeeze %dma_wait3A_162 : memref<1x40x128xi32, #tpu.memory_space<hbm>> -> memref<40x128xi32, #tpu.memory_space<hbm>>
      tpu.wait_dma2 semaphore(%run_scoped3A : memref<!tpu.dma_semaphore, #tpu.memory_space<semaphore_mem>>) src(%dma_wait3A_163 : memref<40x128xi32, #tpu.memory_space<hbm>>) dst(%arg9 : memref<40x128xi32, #tpu.memory_space<vmem>>)
      tpu.yield
    }) : () -> ()
    "tpu.region"() ({
      %run_scoped3A = tpu.sem_alloc : memref<!tpu.dma_semaphore, #tpu.memory_space<semaphore_mem>>
      %dma_start3A_149 = arith.constant 120 : i32
      %dma_start3A_150 = arith.constant 0 : i32
      %dma_start3A_151 = tpu.memref_slice %arg4[%arg1, %dma_start3A_149, %dma_start3A_150] : memref<16x160x128xi32, #tpu.memory_space<hbm>> -> memref<1x40x128xi32, #tpu.memory_space<hbm>>
      %dma_start3A_152 = tpu.memref_squeeze %dma_start3A_151 : memref<1x40x128xi32, #tpu.memory_space<hbm>> -> memref<40x128xi32, #tpu.memory_space<hbm>>
      %dma_start3A_153 = arith.constant 120 : i32
      %dma_start3A_154 = arith.constant 0 : i32
      %dma_start3A_155 = tpu.memref_slice %arg4[%arg1, %dma_start3A_153, %dma_start3A_154] : memref<16x160x128xi32, #tpu.memory_space<hbm>> -> memref<1x40x128xi32, #tpu.memory_space<hbm>>
      %dma_start3A_156 = tpu.memref_squeeze %dma_start3A_155 : memref<1x40x128xi32, #tpu.memory_space<hbm>> -> memref<40x128xi32, #tpu.memory_space<hbm>>
      tpu.enqueue_dma source(%dma_start3A_156 : memref<40x128xi32, #tpu.memory_space<hbm>>) target(%arg10 : memref<40x128xi32, #tpu.memory_space<vmem>>) target_semaphore(%run_scoped3A : memref<!tpu.dma_semaphore, #tpu.memory_space<semaphore_mem>>)
      %dma_wait3A = arith.constant 120 : i32
      %dma_wait3A_157 = arith.constant 0 : i32
      %dma_wait3A_158 = tpu.memref_slice %arg4[%arg1, %dma_wait3A, %dma_wait3A_157] : memref<16x160x128xi32, #tpu.memory_space<hbm>> -> memref<1x40x128xi32, #tpu.memory_space<hbm>>
      %dma_wait3A_159 = tpu.memref_squeeze %dma_wait3A_158 : memref<1x40x128xi32, #tpu.memory_space<hbm>> -> memref<40x128xi32, #tpu.memory_space<hbm>>
      %dma_wait3A_160 = arith.constant 120 : i32
      %dma_wait3A_161 = arith.constant 0 : i32
      %dma_wait3A_162 = tpu.memref_slice %arg4[%arg1, %dma_wait3A_160, %dma_wait3A_161] : memref<16x160x128xi32, #tpu.memory_space<hbm>> -> memref<1x40x128xi32, #tpu.memory_space<hbm>>
      %dma_wait3A_163 = tpu.memref_squeeze %dma_wait3A_162 : memref<1x40x128xi32, #tpu.memory_space<hbm>> -> memref<40x128xi32, #tpu.memory_space<hbm>>
      tpu.wait_dma2 semaphore(%run_scoped3A : memref<!tpu.dma_semaphore, #tpu.memory_space<semaphore_mem>>) src(%dma_wait3A_163 : memref<40x128xi32, #tpu.memory_space<hbm>>) dst(%arg10 : memref<40x128xi32, #tpu.memory_space<vmem>>)
      tpu.yield
    }) : () -> ()
    %dma_start3A_95 = arith.constant 0 : i32
    %dma_start3A_96 = arith.constant 0 : i32
    %dma_start3A_97 = tpu.memref_slice %arg10[%dma_start3A_95, %dma_start3A_96] : memref<40x128xi32, #tpu.memory_space<vmem>> -> memref<1x128xi32, #tpu.memory_space<vmem>>
    %dma_start3A_98 = tpu.memref_squeeze %dma_start3A_97 : memref<1x128xi32, #tpu.memory_space<vmem>> -> memref<128xi32, #tpu.memory_space<vmem>>
    %dma_start3A_99 = arith.constant 0 : i32
    %dma_start3A_100 = arith.constant 0 : i32
    %dma_start3A_101 = tpu.memref_slice %arg7[%dma_start3A_99, %dma_start3A_100] : memref<10240x64xf32, #tpu.memory_space<vmem_shared>> -> memref<10240x64xf32, #tpu.memory_space<vmem_shared>>
    tpu.enqueue_indirect_dma source(%dma_start3A_101 : memref<10240x64xf32, #tpu.memory_space<vmem_shared>>) target(%arg11 : memref<128x64xf32, #tpu.memory_space<vmem>>) offsets(%dma_start3A_98 : memref<128xi32, #tpu.memory_space<vmem>>) semaphore(%arg13 : memref<!tpu.dma_semaphore, #tpu.memory_space<semaphore_mem>>)
    %scan3A_102 = arith.constant 0 : i32
    %scan3A_103 = arith.constant 0 : i32
    %scan3A_104 = arith.constant 20 : i32
    %scan3A_105 = arith.addi %scan3A_103, %scan3A_104 : i32
    %scan3A_106 = arith.constant 1 : i32
    scf.for %scan3A_149 = %scan3A_103 to %scan3A_105 step %scan3A_106  : i32 {
      %mul3A_150 = arith.constant 2 : i32
      %mul3A_151 = arith.muli %mul3A_150, %scan3A_149 : i32
      %add3A_152 = arith.constant 1 : i32
      %add3A_153 = arith.addi %mul3A_151, %add3A_152 : i32
      %dma_wait3A = arith.constant 0 : i32
      %dma_wait3A_154 = tpu.memref_slice %arg10[%mul3A_151, %dma_wait3A] : memref<40x128xi32, #tpu.memory_space<vmem>> -> memref<1x128xi32, #tpu.memory_space<vmem>>
      %dma_wait3A_155 = tpu.memref_squeeze %dma_wait3A_154 : memref<1x128xi32, #tpu.memory_space<vmem>> -> memref<128xi32, #tpu.memory_space<vmem>>
      %dma_wait3A_156 = arith.constant 0 : i32
      %dma_wait3A_157 = arith.constant 0 : i32
      %dma_wait3A_158 = tpu.memref_slice %arg7[%dma_wait3A_156, %dma_wait3A_157] : memref<10240x64xf32, #tpu.memory_space<vmem_shared>> -> memref<10240x64xf32, #tpu.memory_space<vmem_shared>>
      tpu.wait_indirect_dma semaphore(%arg13 : memref<!tpu.dma_semaphore, #tpu.memory_space<semaphore_mem>>) src(%dma_wait3A_158 : memref<10240x64xf32, #tpu.memory_space<vmem_shared>>) dst(%arg11 : memref<128x64xf32, #tpu.memory_space<vmem>>)
      %dma_start3A_159 = arith.constant 0 : i32
      %dma_start3A_160 = tpu.memref_slice %arg10[%add3A_153, %dma_start3A_159] : memref<40x128xi32, #tpu.memory_space<vmem>> -> memref<1x128xi32, #tpu.memory_space<vmem>>
      %dma_start3A_161 = tpu.memref_squeeze %dma_start3A_160 : memref<1x128xi32, #tpu.memory_space<vmem>> -> memref<128xi32, #tpu.memory_space<vmem>>
      %dma_start3A_162 = arith.constant 0 : i32
      %dma_start3A_163 = arith.constant 0 : i32
      %dma_start3A_164 = tpu.memref_slice %arg7[%dma_start3A_162, %dma_start3A_163] : memref<10240x64xf32, #tpu.memory_space<vmem_shared>> -> memref<10240x64xf32, #tpu.memory_space<vmem_shared>>
      tpu.enqueue_indirect_dma source(%dma_start3A_164 : memref<10240x64xf32, #tpu.memory_space<vmem_shared>>) target(%arg12 : memref<128x64xf32, #tpu.memory_space<vmem>>) offsets(%dma_start3A_161 : memref<128xi32, #tpu.memory_space<vmem>>) semaphore(%arg14 : memref<!tpu.dma_semaphore, #tpu.memory_space<semaphore_mem>>)
      "tpu.region"() ({
        %run_scoped3A = tpu.sem_alloc : memref<!tpu.dma_semaphore, #tpu.memory_space<semaphore_mem>>
        %dma_start3A_173 = arith.constant 0 : i32
        %dma_start3A_174 = tpu.memref_slice %arg9[%mul3A_151, %dma_start3A_173] : memref<40x128xi32, #tpu.memory_space<vmem>> -> memref<1x128xi32, #tpu.memory_space<vmem>>
        %dma_start3A_175 = tpu.memref_squeeze %dma_start3A_174 : memref<1x128xi32, #tpu.memory_space<vmem>> -> memref<128xi32, #tpu.memory_space<vmem>>
        %dma_start3A_176 = arith.constant 0 : i32
        %dma_start3A_177 = arith.constant 0 : i32
        %dma_start3A_178 = tpu.memref_slice %arg8[%dma_start3A_176, %dma_start3A_177] : memref<10240x64xf32, #tpu.memory_space<vmem_shared>> -> memref<10240x64xf32, #tpu.memory_space<vmem_shared>>
        tpu.enqueue_indirect_dma source(%arg11 : memref<128x64xf32, #tpu.memory_space<vmem>>) target(%dma_start3A_178 : memref<10240x64xf32, #tpu.memory_space<vmem_shared>>) offsets(%dma_start3A_175 : memref<128xi32, #tpu.memory_space<vmem>>) semaphore(%run_scoped3A : memref<!tpu.dma_semaphore, #tpu.memory_space<semaphore_mem>>) {add = true}
        %dma_wait3A_179 = arith.constant 0 : i32
        %dma_wait3A_180 = tpu.memref_slice %arg9[%mul3A_151, %dma_wait3A_179] : memref<40x128xi32, #tpu.memory_space<vmem>> -> memref<1x128xi32, #tpu.memory_space<vmem>>
        %dma_wait3A_181 = tpu.memref_squeeze %dma_wait3A_180 : memref<1x128xi32, #tpu.memory_space<vmem>> -> memref<128xi32, #tpu.memory_space<vmem>>
        %dma_wait3A_182 = arith.constant 0 : i32
        %dma_wait3A_183 = arith.constant 0 : i32
        %dma_wait3A_184 = tpu.memref_slice %arg8[%dma_wait3A_182, %dma_wait3A_183] : memref<10240x64xf32, #tpu.memory_space<vmem_shared>> -> memref<10240x64xf32, #tpu.memory_space<vmem_shared>>
        tpu.wait_indirect_dma semaphore(%run_scoped3A : memref<!tpu.dma_semaphore, #tpu.memory_space<semaphore_mem>>) src(%arg11 : memref<128x64xf32, #tpu.memory_space<vmem>>) dst(%dma_wait3A_184 : memref<10240x64xf32, #tpu.memory_space<vmem_shared>>)
        tpu.yield
      }) : () -> ()
      %dma_wait3A_165 = arith.constant 0 : i32
      %dma_wait3A_166 = tpu.memref_slice %arg10[%add3A_153, %dma_wait3A_165] : memref<40x128xi32, #tpu.memory_space<vmem>> -> memref<1x128xi32, #tpu.memory_space<vmem>>
      %dma_wait3A_167 = tpu.memref_squeeze %dma_wait3A_166 : memref<1x128xi32, #tpu.memory_space<vmem>> -> memref<128xi32, #tpu.memory_space<vmem>>
      %dma_wait3A_168 = arith.constant 0 : i32
      %dma_wait3A_169 = arith.constant 0 : i32
      %dma_wait3A_170 = tpu.memref_slice %arg7[%dma_wait3A_168, %dma_wait3A_169] : memref<10240x64xf32, #tpu.memory_space<vmem_shared>> -> memref<10240x64xf32, #tpu.memory_space<vmem_shared>>
      tpu.wait_indirect_dma semaphore(%arg14 : memref<!tpu.dma_semaphore, #tpu.memory_space<semaphore_mem>>) src(%dma_wait3A_170 : memref<10240x64xf32, #tpu.memory_space<vmem_shared>>) dst(%arg12 : memref<128x64xf32, #tpu.memory_space<vmem>>)
      %lt3A = arith.constant 19 : i32
      %lt3A_171 = arith.cmpi slt, %scan3A_149, %lt3A : i32
      %convert_element_type3A = arith.extui %lt3A_171 : i1 to i32
      %cond3A = arith.constant 0 : i32
      %cond3A_172 = arith.cmpi ne, %convert_element_type3A, %cond3A : i32
      scf.if %cond3A_172 {
        %add3A_173 = arith.constant 2 : i32
        %add3A_174 = arith.addi %mul3A_151, %add3A_173 : i32
        %dma_start3A_175 = arith.constant 0 : i32
        %dma_start3A_176 = tpu.memref_slice %arg10[%add3A_174, %dma_start3A_175] : memref<40x128xi32, #tpu.memory_space<vmem>> -> memref<1x128xi32, #tpu.memory_space<vmem>>
        %dma_start3A_177 = tpu.memref_squeeze %dma_start3A_176 : memref<1x128xi32, #tpu.memory_space<vmem>> -> memref<128xi32, #tpu.memory_space<vmem>>
        %dma_start3A_178 = arith.constant 0 : i32
        %dma_start3A_179 = arith.constant 0 : i32
        %dma_start3A_180 = tpu.memref_slice %arg7[%dma_start3A_178, %dma_start3A_179] : memref<10240x64xf32, #tpu.memory_space<vmem_shared>> -> memref<10240x64xf32, #tpu.memory_space<vmem_shared>>
        tpu.enqueue_indirect_dma source(%dma_start3A_180 : memref<10240x64xf32, #tpu.memory_space<vmem_shared>>) target(%arg11 : memref<128x64xf32, #tpu.memory_space<vmem>>) offsets(%dma_start3A_177 : memref<128xi32, #tpu.memory_space<vmem>>) semaphore(%arg13 : memref<!tpu.dma_semaphore, #tpu.memory_space<semaphore_mem>>)
      } else {
      }
      "tpu.region"() ({
        %run_scoped3A = tpu.sem_alloc : memref<!tpu.dma_semaphore, #tpu.memory_space<semaphore_mem>>
        %dma_start3A_173 = arith.constant 0 : i32
        %dma_start3A_174 = tpu.memref_slice %arg9[%add3A_153, %dma_start3A_173] : memref<40x128xi32, #tpu.memory_space<vmem>> -> memref<1x128xi32, #tpu.memory_space<vmem>>
        %dma_start3A_175 = tpu.memref_squeeze %dma_start3A_174 : memref<1x128xi32, #tpu.memory_space<vmem>> -> memref<128xi32, #tpu.memory_space<vmem>>
        %dma_start3A_176 = arith.constant 0 : i32
        %dma_start3A_177 = arith.constant 0 : i32
        %dma_start3A_178 = tpu.memref_slice %arg8[%dma_start3A_176, %dma_start3A_177] : memref<10240x64xf32, #tpu.memory_space<vmem_shared>> -> memref<10240x64xf32, #tpu.memory_space<vmem_shared>>
        tpu.enqueue_indirect_dma source(%arg12 : memref<128x64xf32, #tpu.memory_space<vmem>>) target(%dma_start3A_178 : memref<10240x64xf32, #tpu.memory_space<vmem_shared>>) offsets(%dma_start3A_175 : memref<128xi32, #tpu.memory_space<vmem>>) semaphore(%run_scoped3A : memref<!tpu.dma_semaphore, #tpu.memory_space<semaphore_mem>>) {add = true}
        %dma_wait3A_179 = arith.constant 0 : i32
        %dma_wait3A_180 = tpu.memref_slice %arg9[%add3A_153, %dma_wait3A_179] : memref<40x128xi32, #tpu.memory_space<vmem>> -> memref<1x128xi32, #tpu.memory_space<vmem>>
        %dma_wait3A_181 = tpu.memref_squeeze %dma_wait3A_180 : memref<1x128xi32, #tpu.memory_space<vmem>> -> memref<128xi32, #tpu.memory_space<vmem>>
        %dma_wait3A_182 = arith.constant 0 : i32
        %dma_wait3A_183 = arith.constant 0 : i32
        %dma_wait3A_184 = tpu.memref_slice %arg8[%dma_wait3A_182, %dma_wait3A_183] : memref<10240x64xf32, #tpu.memory_space<vmem_shared>> -> memref<10240x64xf32, #tpu.memory_space<vmem_shared>>
        tpu.wait_indirect_dma semaphore(%run_scoped3A : memref<!tpu.dma_semaphore, #tpu.memory_space<semaphore_mem>>) src(%arg12 : memref<128x64xf32, #tpu.memory_space<vmem>>) dst(%dma_wait3A_184 : memref<10240x64xf32, #tpu.memory_space<vmem_shared>>)
        tpu.yield
      }) : () -> ()
    }
    %scan3A_107 = arith.constant 20 : i32
    %barrier3A_108 = arith.constant 0 : index
    tpu.barrier barrier_id(%barrier3A_108)
    %mul3A_109 = arith.constant 640 : i32
    %mul3A_110 = arith.muli %arg1, %mul3A_109 : i32
    %add3A_111 = arith.constant 0 : i32
    %add3A_112 = arith.addi %mul3A_110, %add3A_111 : i32
    "tpu.region"() ({
      %run_scoped3A = tpu.sem_alloc : memref<!tpu.dma_semaphore, #tpu.memory_space<semaphore_mem>>
      %dma_start3A_149 = arith.constant 0 : i32
      %dma_start3A_150 = tpu.memref_slice %arg8[%add3A_112, %dma_start3A_149] : memref<10240x64xf32, #tpu.memory_space<vmem_shared>> -> memref<128x64xf32, #tpu.memory_space<vmem_shared>>
      %dma_start3A_151 = arith.constant 0 : i32
      %dma_start3A_152 = tpu.memref_slice %arg8[%add3A_112, %dma_start3A_151] : memref<10240x64xf32, #tpu.memory_space<vmem_shared>> -> memref<128x64xf32, #tpu.memory_space<vmem_shared>>
      tpu.enqueue_dma source(%dma_start3A_152 : memref<128x64xf32, #tpu.memory_space<vmem_shared>>) target(%arg11 : memref<128x64xf32, #tpu.memory_space<vmem>>) target_semaphore(%run_scoped3A : memref<!tpu.dma_semaphore, #tpu.memory_space<semaphore_mem>>)
      %dma_wait3A = arith.constant 0 : i32
      %dma_wait3A_153 = tpu.memref_slice %arg8[%add3A_112, %dma_wait3A] : memref<10240x64xf32, #tpu.memory_space<vmem_shared>> -> memref<128x64xf32, #tpu.memory_space<vmem_shared>>
      %dma_wait3A_154 = arith.constant 0 : i32
      %dma_wait3A_155 = tpu.memref_slice %arg8[%add3A_112, %dma_wait3A_154] : memref<10240x64xf32, #tpu.memory_space<vmem_shared>> -> memref<128x64xf32, #tpu.memory_space<vmem_shared>>
      tpu.wait_dma2 semaphore(%run_scoped3A : memref<!tpu.dma_semaphore, #tpu.memory_space<semaphore_mem>>) src(%dma_wait3A_155 : memref<128x64xf32, #tpu.memory_space<vmem_shared>>) dst(%arg11 : memref<128x64xf32, #tpu.memory_space<vmem>>)
      tpu.yield
    }) : () -> ()
    %mul3A_113 = arith.constant 640 : i32
    %mul3A_114 = arith.muli %arg1, %mul3A_113 : i32
    %add3A_115 = arith.constant 0 : i32
    %add3A_116 = arith.addi %mul3A_114, %add3A_115 : i32
    "tpu.region"() ({
      %run_scoped3A = tpu.sem_alloc : memref<!tpu.dma_semaphore, #tpu.memory_space<semaphore_mem>>
      %dma_start3A_149 = arith.constant 0 : i32
      %dma_start3A_150 = tpu.memref_slice %arg6[%arg0, %add3A_116, %dma_start3A_149] : memref<2x10240x64xf32, #tpu.memory_space<hbm>> -> memref<1x128x64xf32, #tpu.memory_space<hbm>>
      %dma_start3A_151 = tpu.memref_squeeze %dma_start3A_150 : memref<1x128x64xf32, #tpu.memory_space<hbm>> -> memref<128x64xf32, #tpu.memory_space<hbm>>
      %dma_start3A_152 = arith.constant 0 : i32
      %dma_start3A_153 = tpu.memref_slice %arg6[%arg0, %add3A_116, %dma_start3A_152] : memref<2x10240x64xf32, #tpu.memory_space<hbm>> -> memref<1x128x64xf32, #tpu.memory_space<hbm>>
      %dma_start3A_154 = tpu.memref_squeeze %dma_start3A_153 : memref<1x128x64xf32, #tpu.memory_space<hbm>> -> memref<128x64xf32, #tpu.memory_space<hbm>>
      tpu.enqueue_dma source(%arg11 : memref<128x64xf32, #tpu.memory_space<vmem>>) target(%dma_start3A_154 : memref<128x64xf32, #tpu.memory_space<hbm>>) target_semaphore(%run_scoped3A : memref<!tpu.dma_semaphore, #tpu.memory_space<semaphore_mem>>)
      %dma_wait3A = arith.constant 0 : i32
      %dma_wait3A_155 = tpu.memref_slice %arg6[%arg0, %add3A_116, %dma_wait3A] : memref<2x10240x64xf32, #tpu.memory_space<hbm>> -> memref<1x128x64xf32, #tpu.memory_space<hbm>>
      %dma_wait3A_156 = tpu.memref_squeeze %dma_wait3A_155 : memref<1x128x64xf32, #tpu.memory_space<hbm>> -> memref<128x64xf32, #tpu.memory_space<hbm>>
      %dma_wait3A_157 = arith.constant 0 : i32
      %dma_wait3A_158 = tpu.memref_slice %arg6[%arg0, %add3A_116, %dma_wait3A_157] : memref<2x10240x64xf32, #tpu.memory_space<hbm>> -> memref<1x128x64xf32, #tpu.memory_space<hbm>>
      %dma_wait3A_159 = tpu.memref_squeeze %dma_wait3A_158 : memref<1x128x64xf32, #tpu.memory_space<hbm>> -> memref<128x64xf32, #tpu.memory_space<hbm>>
      tpu.wait_dma2 semaphore(%run_scoped3A : memref<!tpu.dma_semaphore, #tpu.memory_space<semaphore_mem>>) src(%arg11 : memref<128x64xf32, #tpu.memory_space<vmem>>) dst(%dma_wait3A_159 : memref<128x64xf32, #tpu.memory_space<hbm>>)
      tpu.yield
    }) : () -> ()
    %mul3A_117 = arith.constant 640 : i32
    %mul3A_118 = arith.muli %arg1, %mul3A_117 : i32
    %add3A_119 = arith.constant 128 : i32
    %add3A_120 = arith.addi %mul3A_118, %add3A_119 : i32
    "tpu.region"() ({
      %run_scoped3A = tpu.sem_alloc : memref<!tpu.dma_semaphore, #tpu.memory_space<semaphore_mem>>
      %dma_start3A_149 = arith.constant 0 : i32
      %dma_start3A_150 = tpu.memref_slice %arg8[%add3A_120, %dma_start3A_149] : memref<10240x64xf32, #tpu.memory_space<vmem_shared>> -> memref<128x64xf32, #tpu.memory_space<vmem_shared>>
      %dma_start3A_151 = arith.constant 0 : i32
      %dma_start3A_152 = tpu.memref_slice %arg8[%add3A_120, %dma_start3A_151] : memref<10240x64xf32, #tpu.memory_space<vmem_shared>> -> memref<128x64xf32, #tpu.memory_space<vmem_shared>>
      tpu.enqueue_dma source(%dma_start3A_152 : memref<128x64xf32, #tpu.memory_space<vmem_shared>>) target(%arg11 : memref<128x64xf32, #tpu.memory_space<vmem>>) target_semaphore(%run_scoped3A : memref<!tpu.dma_semaphore, #tpu.memory_space<semaphore_mem>>)
      %dma_wait3A = arith.constant 0 : i32
      %dma_wait3A_153 = tpu.memref_slice %arg8[%add3A_120, %dma_wait3A] : memref<10240x64xf32, #tpu.memory_space<vmem_shared>> -> memref<128x64xf32, #tpu.memory_space<vmem_shared>>
      %dma_wait3A_154 = arith.constant 0 : i32
      %dma_wait3A_155 = tpu.memref_slice %arg8[%add3A_120, %dma_wait3A_154] : memref<10240x64xf32, #tpu.memory_space<vmem_shared>> -> memref<128x64xf32, #tpu.memory_space<vmem_shared>>
      tpu.wait_dma2 semaphore(%run_scoped3A : memref<!tpu.dma_semaphore, #tpu.memory_space<semaphore_mem>>) src(%dma_wait3A_155 : memref<128x64xf32, #tpu.memory_space<vmem_shared>>) dst(%arg11 : memref<128x64xf32, #tpu.memory_space<vmem>>)
      tpu.yield
    }) : () -> ()
    %mul3A_121 = arith.constant 640 : i32
    %mul3A_122 = arith.muli %arg1, %mul3A_121 : i32
    %add3A_123 = arith.constant 128 : i32
    %add3A_124 = arith.addi %mul3A_122, %add3A_123 : i32
    "tpu.region"() ({
      %run_scoped3A = tpu.sem_alloc : memref<!tpu.dma_semaphore, #tpu.memory_space<semaphore_mem>>
      %dma_start3A_149 = arith.constant 0 : i32
      %dma_start3A_150 = tpu.memref_slice %arg6[%arg0, %add3A_124, %dma_start3A_149] : memref<2x10240x64xf32, #tpu.memory_space<hbm>> -> memref<1x128x64xf32, #tpu.memory_space<hbm>>
      %dma_start3A_151 = tpu.memref_squeeze %dma_start3A_150 : memref<1x128x64xf32, #tpu.memory_space<hbm>> -> memref<128x64xf32, #tpu.memory_space<hbm>>
      %dma_start3A_152 = arith.constant 0 : i32
      %dma_start3A_153 = tpu.memref_slice %arg6[%arg0, %add3A_124, %dma_start3A_152] : memref<2x10240x64xf32, #tpu.memory_space<hbm>> -> memref<1x128x64xf32, #tpu.memory_space<hbm>>
      %dma_start3A_154 = tpu.memref_squeeze %dma_start3A_153 : memref<1x128x64xf32, #tpu.memory_space<hbm>> -> memref<128x64xf32, #tpu.memory_space<hbm>>
      tpu.enqueue_dma source(%arg11 : memref<128x64xf32, #tpu.memory_space<vmem>>) target(%dma_start3A_154 : memref<128x64xf32, #tpu.memory_space<hbm>>) target_semaphore(%run_scoped3A : memref<!tpu.dma_semaphore, #tpu.memory_space<semaphore_mem>>)
      %dma_wait3A = arith.constant 0 : i32
      %dma_wait3A_155 = tpu.memref_slice %arg6[%arg0, %add3A_124, %dma_wait3A] : memref<2x10240x64xf32, #tpu.memory_space<hbm>> -> memref<1x128x64xf32, #tpu.memory_space<hbm>>
      %dma_wait3A_156 = tpu.memref_squeeze %dma_wait3A_155 : memref<1x128x64xf32, #tpu.memory_space<hbm>> -> memref<128x64xf32, #tpu.memory_space<hbm>>
      %dma_wait3A_157 = arith.constant 0 : i32
      %dma_wait3A_158 = tpu.memref_slice %arg6[%arg0, %add3A_124, %dma_wait3A_157] : memref<2x10240x64xf32, #tpu.memory_space<hbm>> -> memref<1x128x64xf32, #tpu.memory_space<hbm>>
      %dma_wait3A_159 = tpu.memref_squeeze %dma_wait3A_158 : memref<1x128x64xf32, #tpu.memory_space<hbm>> -> memref<128x64xf32, #tpu.memory_space<hbm>>
      tpu.wait_dma2 semaphore(%run_scoped3A : memref<!tpu.dma_semaphore, #tpu.memory_space<semaphore_mem>>) src(%arg11 : memref<128x64xf32, #tpu.memory_space<vmem>>) dst(%dma_wait3A_159 : memref<128x64xf32, #tpu.memory_space<hbm>>)
      tpu.yield
    }) : () -> ()
    %mul3A_125 = arith.constant 640 : i32
    %mul3A_126 = arith.muli %arg1, %mul3A_125 : i32
    %add3A_127 = arith.constant 256 : i32
    %add3A_128 = arith.addi %mul3A_126, %add3A_127 : i32
    "tpu.region"() ({
      %run_scoped3A = tpu.sem_alloc : memref<!tpu.dma_semaphore, #tpu.memory_space<semaphore_mem>>
      %dma_start3A_149 = arith.constant 0 : i32
      %dma_start3A_150 = tpu.memref_slice %arg8[%add3A_128, %dma_start3A_149] : memref<10240x64xf32, #tpu.memory_space<vmem_shared>> -> memref<128x64xf32, #tpu.memory_space<vmem_shared>>
      %dma_start3A_151 = arith.constant 0 : i32
      %dma_start3A_152 = tpu.memref_slice %arg8[%add3A_128, %dma_start3A_151] : memref<10240x64xf32, #tpu.memory_space<vmem_shared>> -> memref<128x64xf32, #tpu.memory_space<vmem_shared>>
      tpu.enqueue_dma source(%dma_start3A_152 : memref<128x64xf32, #tpu.memory_space<vmem_shared>>) target(%arg11 : memref<128x64xf32, #tpu.memory_space<vmem>>) target_semaphore(%run_scoped3A : memref<!tpu.dma_semaphore, #tpu.memory_space<semaphore_mem>>)
      %dma_wait3A = arith.constant 0 : i32
      %dma_wait3A_153 = tpu.memref_slice %arg8[%add3A_128, %dma_wait3A] : memref<10240x64xf32, #tpu.memory_space<vmem_shared>> -> memref<128x64xf32, #tpu.memory_space<vmem_shared>>
      %dma_wait3A_154 = arith.constant 0 : i32
      %dma_wait3A_155 = tpu.memref_slice %arg8[%add3A_128, %dma_wait3A_154] : memref<10240x64xf32, #tpu.memory_space<vmem_shared>> -> memref<128x64xf32, #tpu.memory_space<vmem_shared>>
      tpu.wait_dma2 semaphore(%run_scoped3A : memref<!tpu.dma_semaphore, #tpu.memory_space<semaphore_mem>>) src(%dma_wait3A_155 : memref<128x64xf32, #tpu.memory_space<vmem_shared>>) dst(%arg11 : memref<128x64xf32, #tpu.memory_space<vmem>>)
      tpu.yield
    }) : () -> ()
    %mul3A_129 = arith.constant 640 : i32
    %mul3A_130 = arith.muli %arg1, %mul3A_129 : i32
    %add3A_131 = arith.constant 256 : i32
    %add3A_132 = arith.addi %mul3A_130, %add3A_131 : i32
    "tpu.region"() ({
      %run_scoped3A = tpu.sem_alloc : memref<!tpu.dma_semaphore, #tpu.memory_space<semaphore_mem>>
      %dma_start3A_149 = arith.constant 0 : i32
      %dma_start3A_150 = tpu.memref_slice %arg6[%arg0, %add3A_132, %dma_start3A_149] : memref<2x10240x64xf32, #tpu.memory_space<hbm>> -> memref<1x128x64xf32, #tpu.memory_space<hbm>>
      %dma_start3A_151 = tpu.memref_squeeze %dma_start3A_150 : memref<1x128x64xf32, #tpu.memory_space<hbm>> -> memref<128x64xf32, #tpu.memory_space<hbm>>
      %dma_start3A_152 = arith.constant 0 : i32
      %dma_start3A_153 = tpu.memref_slice %arg6[%arg0, %add3A_132, %dma_start3A_152] : memref<2x10240x64xf32, #tpu.memory_space<hbm>> -> memref<1x128x64xf32, #tpu.memory_space<hbm>>
      %dma_start3A_154 = tpu.memref_squeeze %dma_start3A_153 : memref<1x128x64xf32, #tpu.memory_space<hbm>> -> memref<128x64xf32, #tpu.memory_space<hbm>>
      tpu.enqueue_dma source(%arg11 : memref<128x64xf32, #tpu.memory_space<vmem>>) target(%dma_start3A_154 : memref<128x64xf32, #tpu.memory_space<hbm>>) target_semaphore(%run_scoped3A : memref<!tpu.dma_semaphore, #tpu.memory_space<semaphore_mem>>)
      %dma_wait3A = arith.constant 0 : i32
      %dma_wait3A_155 = tpu.memref_slice %arg6[%arg0, %add3A_132, %dma_wait3A] : memref<2x10240x64xf32, #tpu.memory_space<hbm>> -> memref<1x128x64xf32, #tpu.memory_space<hbm>>
      %dma_wait3A_156 = tpu.memref_squeeze %dma_wait3A_155 : memref<1x128x64xf32, #tpu.memory_space<hbm>> -> memref<128x64xf32, #tpu.memory_space<hbm>>
      %dma_wait3A_157 = arith.constant 0 : i32
      %dma_wait3A_158 = tpu.memref_slice %arg6[%arg0, %add3A_132, %dma_wait3A_157] : memref<2x10240x64xf32, #tpu.memory_space<hbm>> -> memref<1x128x64xf32, #tpu.memory_space<hbm>>
      %dma_wait3A_159 = tpu.memref_squeeze %dma_wait3A_158 : memref<1x128x64xf32, #tpu.memory_space<hbm>> -> memref<128x64xf32, #tpu.memory_space<hbm>>
      tpu.wait_dma2 semaphore(%run_scoped3A : memref<!tpu.dma_semaphore, #tpu.memory_space<semaphore_mem>>) src(%arg11 : memref<128x64xf32, #tpu.memory_space<vmem>>) dst(%dma_wait3A_159 : memref<128x64xf32, #tpu.memory_space<hbm>>)
      tpu.yield
    }) : () -> ()
    %mul3A_133 = arith.constant 640 : i32
    %mul3A_134 = arith.muli %arg1, %mul3A_133 : i32
    %add3A_135 = arith.constant 384 : i32
    %add3A_136 = arith.addi %mul3A_134, %add3A_135 : i32
    "tpu.region"() ({
      %run_scoped3A = tpu.sem_alloc : memref<!tpu.dma_semaphore, #tpu.memory_space<semaphore_mem>>
      %dma_start3A_149 = arith.constant 0 : i32
      %dma_start3A_150 = tpu.memref_slice %arg8[%add3A_136, %dma_start3A_149] : memref<10240x64xf32, #tpu.memory_space<vmem_shared>> -> memref<128x64xf32, #tpu.memory_space<vmem_shared>>
      %dma_start3A_151 = arith.constant 0 : i32
      %dma_start3A_152 = tpu.memref_slice %arg8[%add3A_136, %dma_start3A_151] : memref<10240x64xf32, #tpu.memory_space<vmem_shared>> -> memref<128x64xf32, #tpu.memory_space<vmem_shared>>
      tpu.enqueue_dma source(%dma_start3A_152 : memref<128x64xf32, #tpu.memory_space<vmem_shared>>) target(%arg11 : memref<128x64xf32, #tpu.memory_space<vmem>>) target_semaphore(%run_scoped3A : memref<!tpu.dma_semaphore, #tpu.memory_space<semaphore_mem>>)
      %dma_wait3A = arith.constant 0 : i32
      %dma_wait3A_153 = tpu.memref_slice %arg8[%add3A_136, %dma_wait3A] : memref<10240x64xf32, #tpu.memory_space<vmem_shared>> -> memref<128x64xf32, #tpu.memory_space<vmem_shared>>
      %dma_wait3A_154 = arith.constant 0 : i32
      %dma_wait3A_155 = tpu.memref_slice %arg8[%add3A_136, %dma_wait3A_154] : memref<10240x64xf32, #tpu.memory_space<vmem_shared>> -> memref<128x64xf32, #tpu.memory_space<vmem_shared>>
      tpu.wait_dma2 semaphore(%run_scoped3A : memref<!tpu.dma_semaphore, #tpu.memory_space<semaphore_mem>>) src(%dma_wait3A_155 : memref<128x64xf32, #tpu.memory_space<vmem_shared>>) dst(%arg11 : memref<128x64xf32, #tpu.memory_space<vmem>>)
      tpu.yield
    }) : () -> ()
    %mul3A_137 = arith.constant 640 : i32
    %mul3A_138 = arith.muli %arg1, %mul3A_137 : i32
    %add3A_139 = arith.constant 384 : i32
    %add3A_140 = arith.addi %mul3A_138, %add3A_139 : i32
    "tpu.region"() ({
      %run_scoped3A = tpu.sem_alloc : memref<!tpu.dma_semaphore, #tpu.memory_space<semaphore_mem>>
      %dma_start3A_149 = arith.constant 0 : i32
      %dma_start3A_150 = tpu.memref_slice %arg6[%arg0, %add3A_140, %dma_start3A_149] : memref<2x10240x64xf32, #tpu.memory_space<hbm>> -> memref<1x128x64xf32, #tpu.memory_space<hbm>>
      %dma_start3A_151 = tpu.memref_squeeze %dma_start3A_150 : memref<1x128x64xf32, #tpu.memory_space<hbm>> -> memref<128x64xf32, #tpu.memory_space<hbm>>
      %dma_start3A_152 = arith.constant 0 : i32
      %dma_start3A_153 = tpu.memref_slice %arg6[%arg0, %add3A_140, %dma_start3A_152] : memref<2x10240x64xf32, #tpu.memory_space<hbm>> -> memref<1x128x64xf32, #tpu.memory_space<hbm>>
      %dma_start3A_154 = tpu.memref_squeeze %dma_start3A_153 : memref<1x128x64xf32, #tpu.memory_space<hbm>> -> memref<128x64xf32, #tpu.memory_space<hbm>>
      tpu.enqueue_dma source(%arg11 : memref<128x64xf32, #tpu.memory_space<vmem>>) target(%dma_start3A_154 : memref<128x64xf32, #tpu.memory_space<hbm>>) target_semaphore(%run_scoped3A : memref<!tpu.dma_semaphore, #tpu.memory_space<semaphore_mem>>)
      %dma_wait3A = arith.constant 0 : i32
      %dma_wait3A_155 = tpu.memref_slice %arg6[%arg0, %add3A_140, %dma_wait3A] : memref<2x10240x64xf32, #tpu.memory_space<hbm>> -> memref<1x128x64xf32, #tpu.memory_space<hbm>>
      %dma_wait3A_156 = tpu.memref_squeeze %dma_wait3A_155 : memref<1x128x64xf32, #tpu.memory_space<hbm>> -> memref<128x64xf32, #tpu.memory_space<hbm>>
      %dma_wait3A_157 = arith.constant 0 : i32
      %dma_wait3A_158 = tpu.memref_slice %arg6[%arg0, %add3A_140, %dma_wait3A_157] : memref<2x10240x64xf32, #tpu.memory_space<hbm>> -> memref<1x128x64xf32, #tpu.memory_space<hbm>>
      %dma_wait3A_159 = tpu.memref_squeeze %dma_wait3A_158 : memref<1x128x64xf32, #tpu.memory_space<hbm>> -> memref<128x64xf32, #tpu.memory_space<hbm>>
      tpu.wait_dma2 semaphore(%run_scoped3A : memref<!tpu.dma_semaphore, #tpu.memory_space<semaphore_mem>>) src(%arg11 : memref<128x64xf32, #tpu.memory_space<vmem>>) dst(%dma_wait3A_159 : memref<128x64xf32, #tpu.memory_space<hbm>>)
      tpu.yield
    }) : () -> ()
    %mul3A_141 = arith.constant 640 : i32
    %mul3A_142 = arith.muli %arg1, %mul3A_141 : i32
    %add3A_143 = arith.constant 512 : i32
    %add3A_144 = arith.addi %mul3A_142, %add3A_143 : i32
    "tpu.region"() ({
      %run_scoped3A = tpu.sem_alloc : memref<!tpu.dma_semaphore, #tpu.memory_space<semaphore_mem>>
      %dma_start3A_149 = arith.constant 0 : i32
      %dma_start3A_150 = tpu.memref_slice %arg8[%add3A_144, %dma_start3A_149] : memref<10240x64xf32, #tpu.memory_space<vmem_shared>> -> memref<128x64xf32, #tpu.memory_space<vmem_shared>>
      %dma_start3A_151 = arith.constant 0 : i32
      %dma_start3A_152 = tpu.memref_slice %arg8[%add3A_144, %dma_start3A_151] : memref<10240x64xf32, #tpu.memory_space<vmem_shared>> -> memref<128x64xf32, #tpu.memory_space<vmem_shared>>
      tpu.enqueue_dma source(%dma_start3A_152 : memref<128x64xf32, #tpu.memory_space<vmem_shared>>) target(%arg11 : memref<128x64xf32, #tpu.memory_space<vmem>>) target_semaphore(%run_scoped3A : memref<!tpu.dma_semaphore, #tpu.memory_space<semaphore_mem>>)
      %dma_wait3A = arith.constant 0 : i32
      %dma_wait3A_153 = tpu.memref_slice %arg8[%add3A_144, %dma_wait3A] : memref<10240x64xf32, #tpu.memory_space<vmem_shared>> -> memref<128x64xf32, #tpu.memory_space<vmem_shared>>
      %dma_wait3A_154 = arith.constant 0 : i32
      %dma_wait3A_155 = tpu.memref_slice %arg8[%add3A_144, %dma_wait3A_154] : memref<10240x64xf32, #tpu.memory_space<vmem_shared>> -> memref<128x64xf32, #tpu.memory_space<vmem_shared>>
      tpu.wait_dma2 semaphore(%run_scoped3A : memref<!tpu.dma_semaphore, #tpu.memory_space<semaphore_mem>>) src(%dma_wait3A_155 : memref<128x64xf32, #tpu.memory_space<vmem_shared>>) dst(%arg11 : memref<128x64xf32, #tpu.memory_space<vmem>>)
      tpu.yield
    }) : () -> ()
    %mul3A_145 = arith.constant 640 : i32
    %mul3A_146 = arith.muli %arg1, %mul3A_145 : i32
    %add3A_147 = arith.constant 512 : i32
    %add3A_148 = arith.addi %mul3A_146, %add3A_147 : i32
    "tpu.region"() ({
      %run_scoped3A = tpu.sem_alloc : memref<!tpu.dma_semaphore, #tpu.memory_space<semaphore_mem>>
      %dma_start3A_149 = arith.constant 0 : i32
      %dma_start3A_150 = tpu.memref_slice %arg6[%arg0, %add3A_148, %dma_start3A_149] : memref<2x10240x64xf32, #tpu.memory_space<hbm>> -> memref<1x128x64xf32, #tpu.memory_space<hbm>>
      %dma_start3A_151 = tpu.memref_squeeze %dma_start3A_150 : memref<1x128x64xf32, #tpu.memory_space<hbm>> -> memref<128x64xf32, #tpu.memory_space<hbm>>
      %dma_start3A_152 = arith.constant 0 : i32
      %dma_start3A_153 = tpu.memref_slice %arg6[%arg0, %add3A_148, %dma_start3A_152] : memref<2x10240x64xf32, #tpu.memory_space<hbm>> -> memref<1x128x64xf32, #tpu.memory_space<hbm>>
      %dma_start3A_154 = tpu.memref_squeeze %dma_start3A_153 : memref<1x128x64xf32, #tpu.memory_space<hbm>> -> memref<128x64xf32, #tpu.memory_space<hbm>>
      tpu.enqueue_dma source(%arg11 : memref<128x64xf32, #tpu.memory_space<vmem>>) target(%dma_start3A_154 : memref<128x64xf32, #tpu.memory_space<hbm>>) target_semaphore(%run_scoped3A : memref<!tpu.dma_semaphore, #tpu.memory_space<semaphore_mem>>)
      %dma_wait3A = arith.constant 0 : i32
      %dma_wait3A_155 = tpu.memref_slice %arg6[%arg0, %add3A_148, %dma_wait3A] : memref<2x10240x64xf32, #tpu.memory_space<hbm>> -> memref<1x128x64xf32, #tpu.memory_space<hbm>>
      %dma_wait3A_156 = tpu.memref_squeeze %dma_wait3A_155 : memref<1x128x64xf32, #tpu.memory_space<hbm>> -> memref<128x64xf32, #tpu.memory_space<hbm>>
      %dma_wait3A_157 = arith.constant 0 : i32
      %dma_wait3A_158 = tpu.memref_slice %arg6[%arg0, %add3A_148, %dma_wait3A_157] : memref<2x10240x64xf32, #tpu.memory_space<hbm>> -> memref<1x128x64xf32, #tpu.memory_space<hbm>>
      %dma_wait3A_159 = tpu.memref_squeeze %dma_wait3A_158 : memref<1x128x64xf32, #tpu.memory_space<hbm>> -> memref<128x64xf32, #tpu.memory_space<hbm>>
      tpu.wait_dma2 semaphore(%run_scoped3A : memref<!tpu.dma_semaphore, #tpu.memory_space<semaphore_mem>>) src(%arg11 : memref<128x64xf32, #tpu.memory_space<vmem>>) dst(%dma_wait3A_159 : memref<128x64xf32, #tpu.memory_space<hbm>>)
      tpu.yield
    }) : () -> ()
    return
  }
}

module attributes {stable_mosaic.version = 14 : i64} {
  func.func @_tc_b_body(%arg0: i32, %arg1: memref<2x2560x16xf32, #tpu.memory_space<vmem>>, %arg2: memref<2560x128xf32, #tpu.memory_space<vmem>>, %arg3: memref<128x128xf32, #tpu.memory_space<vmem>>, %arg4: memref<2x2560x64xf32, #tpu.memory_space<vmem>>) attributes {dimension_semantics = [#tpu.dimension_semantics<arbitrary>], iteration_bounds = array<i64: 4>, scalar_prefetch = 0 : i64, scratch_operands = 0 : i64, tpu.core_type = #tpu.core_type<tc>, window_params = [{transform_indices = @transform_0, window_bounds = array<i64: 2, 2560, 16>}, {transform_indices = @transform_1, window_bounds = array<i64: 2560, 128>}, {pipeline_mode = #tpu.pipeline_mode<synchronous>, transform_indices = @transform_2, window_bounds = array<i64: 128, 128>}, {transform_indices = @transform_3, window_bounds = array<i64: 2, 2560, 64>}]} {
    %get3A = arith.constant 0 : index
    %get3A_0 = arith.constant 0 : index
    %get3A_1 = arith.constant 0 : index
    %get3A_2 = vector.load %arg1[%get3A, %get3A_0, %get3A_1] : memref<2x2560x16xf32, #tpu.memory_space<vmem>>, vector<1x2560x1xf32>
    %get3A_3 = vector.shape_cast %get3A_2 : vector<1x2560x1xf32> to vector<2560x1xf32>
    %get3A_4 = arith.constant 1 : index
    %get3A_5 = arith.constant 0 : index
    %get3A_6 = arith.constant 0 : index
    %get3A_7 = vector.load %arg1[%get3A_4, %get3A_5, %get3A_6] : memref<2x2560x16xf32, #tpu.memory_space<vmem>>, vector<1x2560x1xf32>
    %get3A_8 = vector.shape_cast %get3A_7 : vector<1x2560x1xf32> to vector<2560x1xf32>
    %add3A = arith.addf %get3A_3, %get3A_8 : vector<2560x1xf32>
    %rsqrt3A = math.rsqrt %add3A : vector<2560x1xf32>
    %get3A_9 = arith.constant 0 : index
    %get3A_10 = arith.constant 0 : index
    %get3A_11 = vector.load %arg2[%get3A_9, %get3A_10] : memref<2560x128xf32, #tpu.memory_space<vmem>>, vector<2560x128xf32>
    %get3A_12 = arith.constant 0 : index
    %get3A_13 = arith.constant 0 : index
    %get3A_14 = vector.load %arg3[%get3A_12, %get3A_13] : memref<128x128xf32, #tpu.memory_space<vmem>>, vector<128x128xf32>
    %dot_general3A = arith.constant dense<0.000000e+00> : vector<2560x128xf32>
    %dot_general3A_15 = tpu.matmul %get3A_11, %get3A_14, %dot_general3A {dimension_numbers = #tpu.dot_dimension_numbers<[1], [0], [0], [1], [0, 0, 1, 1], [], []>, transpose_lhs_hint = false} : vector<2560x128xf32>, vector<128x128xf32>, vector<2560x128xf32> -> vector<2560x128xf32>
    %mul3A = vector.broadcast %rsqrt3A : vector<2560x1xf32> to vector<2560x128xf32>
    %mul3A_16 = arith.mulf %mul3A, %dot_general3A_15 : vector<2560x128xf32>
    %slice3A = vector.extract_strided_slice %mul3A_16 {offsets = [0, 0], sizes = [2560, 64], strides = [1, 1]} : vector<2560x128xf32> to vector<2560x64xf32>
    %swap3A = arith.constant 0 : index
    %swap3A_17 = arith.constant 0 : index
    %swap3A_18 = arith.constant 0 : index
    %swap3A_19 = vector.load %arg4[%swap3A, %swap3A_17, %swap3A_18] : memref<2x2560x64xf32, #tpu.memory_space<vmem>>, vector<1x2560x64xf32>
    %swap3A_20 = vector.shape_cast %swap3A_19 : vector<1x2560x64xf32> to vector<2560x64xf32>
    %swap3A_21 = vector.shape_cast %slice3A : vector<2560x64xf32> to vector<1x2560x64xf32>
    tpu.vector_store %arg4[%swap3A, %swap3A_17, %swap3A_18], %swap3A_21 {strides = array<i32>} : memref<2x2560x64xf32, #tpu.memory_space<vmem>>, vector<1x2560x64xf32>,
    %slice3A_22 = vector.extract_strided_slice %mul3A_16 {offsets = [0, 64], sizes = [2560, 64], strides = [1, 1]} : vector<2560x128xf32> to vector<2560x64xf32>
    %swap3A_23 = arith.constant 1 : index
    %swap3A_24 = arith.constant 0 : index
    %swap3A_25 = arith.constant 0 : index
    %swap3A_26 = vector.load %arg4[%swap3A_23, %swap3A_24, %swap3A_25] : memref<2x2560x64xf32, #tpu.memory_space<vmem>>, vector<1x2560x64xf32>
    %swap3A_27 = vector.shape_cast %swap3A_26 : vector<1x2560x64xf32> to vector<2560x64xf32>
    %swap3A_28 = vector.shape_cast %slice3A_22 : vector<2560x64xf32> to vector<1x2560x64xf32>
    tpu.vector_store %arg4[%swap3A_23, %swap3A_24, %swap3A_25], %swap3A_28 {strides = array<i32>} : memref<2x2560x64xf32, #tpu.memory_space<vmem>>, vector<1x2560x64xf32>,
    return
  }
  func.func @transform_0(%arg0: i32) -> (i32, i32, i32) {
    %c0_i32 = arith.constant 0 : i32
    %c0_i32_0 = arith.constant 0 : i32
    %c0_i32_1 = arith.constant 0 : i32
    return %c0_i32, %arg0, %c0_i32_0 : i32, i32, i32
  }
  func.func @transform_1(%arg0: i32) -> (i32, i32) {
    %c0_i32 = arith.constant 0 : i32
    %c0_i32_0 = arith.constant 0 : i32
    return %arg0, %c0_i32 : i32, i32
  }
  func.func @transform_2(%arg0: i32) -> (i32, i32) {
    %c0_i32 = arith.constant 0 : i32
    %c0_i32_0 = arith.constant 0 : i32
    %c0_i32_1 = arith.constant 0 : i32
    return %c0_i32, %c0_i32_0 : i32, i32
  }
  func.func @transform_3(%arg0: i32) -> (i32, i32, i32) {
    %c0_i32 = arith.constant 0 : i32
    %c0_i32_0 = arith.constant 0 : i32
    %c0_i32_1 = arith.constant 0 : i32
    return %c0_i32, %arg0, %c0_i32_0 : i32, i32, i32
  }
}

module attributes {stable_mosaic.version = 14 : i64} {
  func.func @_tc_d_body(%arg0: i32, %arg1: memref<2x2560x64xf32, #tpu.memory_space<vmem>>, %arg2: memref<2x2560x16xf32, #tpu.memory_space<vmem>>, %arg3: memref<128x128xf32, #tpu.memory_space<vmem>>, %arg4: memref<2x2560x64xf32, #tpu.memory_space<vmem>>) attributes {dimension_semantics = [#tpu.dimension_semantics<arbitrary>], iteration_bounds = array<i64: 4>, scalar_prefetch = 0 : i64, scratch_operands = 0 : i64, tpu.core_type = #tpu.core_type<tc>, window_params = [{transform_indices = @transform_0, window_bounds = array<i64: 2, 2560, 64>}, {transform_indices = @transform_1, window_bounds = array<i64: 2, 2560, 16>}, {pipeline_mode = #tpu.pipeline_mode<synchronous>, transform_indices = @transform_2, window_bounds = array<i64: 128, 128>}, {transform_indices = @transform_3, window_bounds = array<i64: 2, 2560, 64>}]} {
    %get3A = arith.constant 0 : index
    %get3A_0 = arith.constant 0 : index
    %get3A_1 = arith.constant 0 : index
    %get3A_2 = vector.load %arg2[%get3A, %get3A_0, %get3A_1] : memref<2x2560x16xf32, #tpu.memory_space<vmem>>, vector<1x2560x1xf32>
    %get3A_3 = vector.shape_cast %get3A_2 : vector<1x2560x1xf32> to vector<2560x1xf32>
    %get3A_4 = arith.constant 1 : index
    %get3A_5 = arith.constant 0 : index
    %get3A_6 = arith.constant 0 : index
    %get3A_7 = vector.load %arg2[%get3A_4, %get3A_5, %get3A_6] : memref<2x2560x16xf32, #tpu.memory_space<vmem>>, vector<1x2560x1xf32>
    %get3A_8 = vector.shape_cast %get3A_7 : vector<1x2560x1xf32> to vector<2560x1xf32>
    %add3A = arith.addf %get3A_3, %get3A_8 : vector<2560x1xf32>
    %rsqrt3A = math.rsqrt %add3A : vector<2560x1xf32>
    %get3A_9 = arith.constant 0 : index
    %get3A_10 = arith.constant 0 : index
    %get3A_11 = arith.constant 0 : index
    %get3A_12 = vector.load %arg1[%get3A_9, %get3A_10, %get3A_11] : memref<2x2560x64xf32, #tpu.memory_space<vmem>>, vector<1x2560x64xf32>
    %get3A_13 = vector.shape_cast %get3A_12 : vector<1x2560x64xf32> to vector<2560x64xf32>
    %get3A_14 = arith.constant 1 : index
    %get3A_15 = arith.constant 0 : index
    %get3A_16 = arith.constant 0 : index
    %get3A_17 = vector.load %arg1[%get3A_14, %get3A_15, %get3A_16] : memref<2x2560x64xf32, #tpu.memory_space<vmem>>, vector<1x2560x64xf32>
    %get3A_18 = vector.shape_cast %get3A_17 : vector<1x2560x64xf32> to vector<2560x64xf32>
    %concatenate3A = tpu.concatenate %get3A_13, %get3A_18 in 1 : vector<2560x64xf32>, vector<2560x64xf32> -> vector<2560x128xf32>
    %mul3A = vector.broadcast %rsqrt3A : vector<2560x1xf32> to vector<2560x128xf32>
    %mul3A_19 = arith.mulf %mul3A, %concatenate3A : vector<2560x128xf32>
    %logistic3A = arith.negf %mul3A_19 : vector<2560x128xf32>
    %logistic3A_20 = math.exp %logistic3A : vector<2560x128xf32>
    %logistic3A_21 = arith.constant 1.000000e+00 : f32
    %logistic3A_22 = vector.broadcast %logistic3A_21 : f32 to vector<2560x128xf32>
    %logistic3A_23 = arith.addf %logistic3A_22, %logistic3A_20 : vector<2560x128xf32>
    %logistic3A_24 = arith.divf %logistic3A_22, %logistic3A_23 : vector<2560x128xf32>
    %get3A_25 = arith.constant 0 : index
    %get3A_26 = arith.constant 0 : index
    %get3A_27 = vector.load %arg3[%get3A_25, %get3A_26] : memref<128x128xf32, #tpu.memory_space<vmem>>, vector<128x128xf32>
    %dot_general3A = arith.constant dense<0.000000e+00> : vector<2560x128xf32>
    %dot_general3A_28 = tpu.matmul %logistic3A_24, %get3A_27, %dot_general3A {dimension_numbers = #tpu.dot_dimension_numbers<[1], [0], [0], [1], [0, 0, 1, 1], [], []>, transpose_lhs_hint = false} : vector<2560x128xf32>, vector<128x128xf32>, vector<2560x128xf32> -> vector<2560x128xf32>
    %mul3A_29 = vector.broadcast %rsqrt3A : vector<2560x1xf32> to vector<2560x128xf32>
    %mul3A_30 = arith.mulf %mul3A_29, %dot_general3A_28 : vector<2560x128xf32>
    %slice3A = vector.extract_strided_slice %mul3A_30 {offsets = [0, 0], sizes = [2560, 64], strides = [1, 1]} : vector<2560x128xf32> to vector<2560x64xf32>
    %swap3A = arith.constant 0 : index
    %swap3A_31 = arith.constant 0 : index
    %swap3A_32 = arith.constant 0 : index
    %swap3A_33 = vector.load %arg4[%swap3A, %swap3A_31, %swap3A_32] : memref<2x2560x64xf32, #tpu.memory_space<vmem>>, vector<1x2560x64xf32>
    %swap3A_34 = vector.shape_cast %swap3A_33 : vector<1x2560x64xf32> to vector<2560x64xf32>
    %swap3A_35 = vector.shape_cast %slice3A : vector<2560x64xf32> to vector<1x2560x64xf32>
    tpu.vector_store %arg4[%swap3A, %swap3A_31, %swap3A_32], %swap3A_35 {strides = array<i32>} : memref<2x2560x64xf32, #tpu.memory_space<vmem>>, vector<1x2560x64xf32>,
    %slice3A_36 = vector.extract_strided_slice %mul3A_30 {offsets = [0, 64], sizes = [2560, 64], strides = [1, 1]} : vector<2560x128xf32> to vector<2560x64xf32>
    %swap3A_37 = arith.constant 1 : index
    %swap3A_38 = arith.constant 0 : index
    %swap3A_39 = arith.constant 0 : index
    %swap3A_40 = vector.load %arg4[%swap3A_37, %swap3A_38, %swap3A_39] : memref<2x2560x64xf32, #tpu.memory_space<vmem>>, vector<1x2560x64xf32>
    %swap3A_41 = vector.shape_cast %swap3A_40 : vector<1x2560x64xf32> to vector<2560x64xf32>
    %swap3A_42 = vector.shape_cast %slice3A_36 : vector<2560x64xf32> to vector<1x2560x64xf32>
    tpu.vector_store %arg4[%swap3A_37, %swap3A_38, %swap3A_39], %swap3A_42 {strides = array<i32>} : memref<2x2560x64xf32, #tpu.memory_space<vmem>>, vector<1x2560x64xf32>,
    return
  }
  func.func @transform_0(%arg0: i32) -> (i32, i32, i32) {
    %c0_i32 = arith.constant 0 : i32
    %c0_i32_0 = arith.constant 0 : i32
    %c0_i32_1 = arith.constant 0 : i32
    return %c0_i32, %arg0, %c0_i32_0 : i32, i32, i32
  }
  func.func @transform_1(%arg0: i32) -> (i32, i32, i32) {
    %c0_i32 = arith.constant 0 : i32
    %c0_i32_0 = arith.constant 0 : i32
    %c0_i32_1 = arith.constant 0 : i32
    return %c0_i32, %arg0, %c0_i32_0 : i32, i32, i32
  }
  func.func @transform_2(%arg0: i32) -> (i32, i32) {
    %c0_i32 = arith.constant 0 : i32
    %c0_i32_0 = arith.constant 0 : i32
    %c0_i32_1 = arith.constant 0 : i32
    return %c0_i32, %c0_i32_0 : i32, i32
  }
  func.func @transform_3(%arg0: i32) -> (i32, i32, i32) {
    %c0_i32 = arith.constant 0 : i32
    %c0_i32_0 = arith.constant 0 : i32
    %c0_i32_1 = arith.constant 0 : i32
    return %c0_i32, %arg0, %c0_i32_0 : i32, i32, i32
  }
}

module attributes {stable_mosaic.version = 14 : i64} {
  func.func @_tc_f_body(%arg0: i32, %arg1: memref<2x512x64xf32, #tpu.memory_space<vmem>>, %arg2: memref<2x512x16xf32, #tpu.memory_space<vmem>>, %arg3: memref<512x128xf32, #tpu.memory_space<vmem>>, %arg4: memref<128x512xf32, #tpu.memory_space<vmem>>, %arg5: memref<128x512xf32, #tpu.memory_space<vmem>>, %arg6: memref<1x512xf32, #tpu.memory_space<vmem>>, %arg7: memref<512x512xf32, #tpu.memory_space<vmem>>, %arg8: memref<1x512xf32, #tpu.memory_space<vmem>>, %arg9: memref<512x128xf32, #tpu.memory_space<vmem>>, %arg10: memref<1x128xf32, #tpu.memory_space<vmem>>, %arg11: memref<512x128xf32, #tpu.memory_space<vmem>>) attributes {dimension_semantics = [#tpu.dimension_semantics<arbitrary>], iteration_bounds = array<i64: 8>, scalar_prefetch = 0 : i64, scratch_operands = 0 : i64, tpu.core_type = #tpu.core_type<tc>, window_params = [{transform_indices = @transform_0, window_bounds = array<i64: 2, 512, 64>}, {transform_indices = @transform_1, window_bounds = array<i64: 2, 512, 16>}, {transform_indices = @transform_2, window_bounds = array<i64: 512, 128>}, {pipeline_mode = #tpu.pipeline_mode<synchronous>, transform_indices = @transform_3, window_bounds = array<i64: 128, 512>}, {pipeline_mode = #tpu.pipeline_mode<synchronous>, transform_indices = @transform_4, window_bounds = array<i64: 128, 512>}, {pipeline_mode = #tpu.pipeline_mode<synchronous>, transform_indices = @transform_5, window_bounds = array<i64: 1, 512>}, {pipeline_mode = #tpu.pipeline_mode<synchronous>, transform_indices = @transform_6, window_bounds = array<i64: 512, 512>}, {pipeline_mode = #tpu.pipeline_mode<synchronous>, transform_indices = @transform_7, window_bounds = array<i64: 1, 512>}, {pipeline_mode = #tpu.pipeline_mode<synchronous>, transform_indices = @transform_8, window_bounds = array<i64: 512, 128>}, {pipeline_mode = #tpu.pipeline_mode<synchronous>, transform_indices = @transform_9, window_bounds = array<i64: 1, 128>}, {transform_indices = @transform_10, window_bounds = array<i64: 512, 128>}]} {
    %get3A = arith.constant 0 : index
    %get3A_0 = arith.constant 0 : index
    %get3A_1 = arith.constant 0 : index
    %get3A_2 = vector.load %arg2[%get3A, %get3A_0, %get3A_1] : memref<2x512x16xf32, #tpu.memory_space<vmem>>, vector<1x512x1xf32>
    %get3A_3 = vector.shape_cast %get3A_2 : vector<1x512x1xf32> to vector<512x1xf32>
    %get3A_4 = arith.constant 1 : index
    %get3A_5 = arith.constant 0 : index
    %get3A_6 = arith.constant 0 : index
    %get3A_7 = vector.load %arg2[%get3A_4, %get3A_5, %get3A_6] : memref<2x512x16xf32, #tpu.memory_space<vmem>>, vector<1x512x1xf32>
    %get3A_8 = vector.shape_cast %get3A_7 : vector<1x512x1xf32> to vector<512x1xf32>
    %add3A = arith.addf %get3A_3, %get3A_8 : vector<512x1xf32>
    %rsqrt3A = math.rsqrt %add3A : vector<512x1xf32>
    %get3A_9 = arith.constant 0 : index
    %get3A_10 = arith.constant 0 : index
    %get3A_11 = arith.constant 0 : index
    %get3A_12 = vector.load %arg1[%get3A_9, %get3A_10, %get3A_11] : memref<2x512x64xf32, #tpu.memory_space<vmem>>, vector<1x512x64xf32>
    %get3A_13 = vector.shape_cast %get3A_12 : vector<1x512x64xf32> to vector<512x64xf32>
    %get3A_14 = arith.constant 1 : index
    %get3A_15 = arith.constant 0 : index
    %get3A_16 = arith.constant 0 : index
    %get3A_17 = vector.load %arg1[%get3A_14, %get3A_15, %get3A_16] : memref<2x512x64xf32, #tpu.memory_space<vmem>>, vector<1x512x64xf32>
    %get3A_18 = vector.shape_cast %get3A_17 : vector<1x512x64xf32> to vector<512x64xf32>
    %concatenate3A = tpu.concatenate %get3A_13, %get3A_18 in 1 : vector<512x64xf32>, vector<512x64xf32> -> vector<512x128xf32>
    %mul3A = vector.broadcast %rsqrt3A : vector<512x1xf32> to vector<512x128xf32>
    %mul3A_19 = arith.mulf %mul3A, %concatenate3A : vector<512x128xf32>
    %logistic3A = arith.negf %mul3A_19 : vector<512x128xf32>
    %logistic3A_20 = math.exp %logistic3A : vector<512x128xf32>
    %logistic3A_21 = arith.constant 1.000000e+00 : f32
    %logistic3A_22 = vector.broadcast %logistic3A_21 : f32 to vector<512x128xf32>
    %logistic3A_23 = arith.addf %logistic3A_22, %logistic3A_20 : vector<512x128xf32>
    %logistic3A_24 = arith.divf %logistic3A_22, %logistic3A_23 : vector<512x128xf32>
    %get3A_25 = arith.constant 0 : index
    %get3A_26 = arith.constant 0 : index
    %get3A_27 = vector.load %arg4[%get3A_25, %get3A_26] : memref<128x512xf32, #tpu.memory_space<vmem>>, vector<128x512xf32>
    %dot_general3A = arith.constant dense<0.000000e+00> : vector<512x512xf32>
    %dot_general3A_28 = tpu.matmul %logistic3A_24, %get3A_27, %dot_general3A {dimension_numbers = #tpu.dot_dimension_numbers<[1], [0], [0], [1], [0, 0, 1, 1], [], []>, transpose_lhs_hint = false} : vector<512x128xf32>, vector<128x512xf32>, vector<512x512xf32> -> vector<512x512xf32>
    %get3A_29 = arith.constant 0 : index
    %get3A_30 = arith.constant 0 : index
    %get3A_31 = vector.load %arg3[%get3A_29, %get3A_30] : memref<512x128xf32, #tpu.memory_space<vmem>>, vector<512x128xf32>
    %get3A_32 = arith.constant 0 : index
    %get3A_33 = arith.constant 0 : index
    %get3A_34 = vector.load %arg5[%get3A_32, %get3A_33] : memref<128x512xf32, #tpu.memory_space<vmem>>, vector<128x512xf32>
    %dot_general3A_35 = arith.constant dense<0.000000e+00> : vector<512x512xf32>
    %dot_general3A_36 = tpu.matmul %get3A_31, %get3A_34, %dot_general3A_35 {dimension_numbers = #tpu.dot_dimension_numbers<[1], [0], [0], [1], [0, 0, 1, 1], [], []>, transpose_lhs_hint = false} : vector<512x128xf32>, vector<128x512xf32>, vector<512x512xf32> -> vector<512x512xf32>
    %add3A_37 = arith.addf %dot_general3A_28, %dot_general3A_36 : vector<512x512xf32>
    %get3A_38 = arith.constant 0 : index
    %get3A_39 = arith.constant 0 : index
    %get3A_40 = vector.load %arg6[%get3A_38, %get3A_39] : memref<1x512xf32, #tpu.memory_space<vmem>>, vector<1x512xf32>
    %add3A_41 = vector.broadcast %get3A_40 : vector<1x512xf32> to vector<512x512xf32>
    %add3A_42 = arith.addf %add3A_37, %add3A_41 : vector<512x512xf32>
    %logistic3A_43 = arith.negf %add3A_42 : vector<512x512xf32>
    %logistic3A_44 = math.exp %logistic3A_43 : vector<512x512xf32>
    %logistic3A_45 = arith.constant 1.000000e+00 : f32
    %logistic3A_46 = vector.broadcast %logistic3A_45 : f32 to vector<512x512xf32>
    %logistic3A_47 = arith.addf %logistic3A_46, %logistic3A_44 : vector<512x512xf32>
    %logistic3A_48 = arith.divf %logistic3A_46, %logistic3A_47 : vector<512x512xf32>
    %get3A_49 = arith.constant 0 : index
    %get3A_50 = arith.constant 0 : index
    %get3A_51 = vector.load %arg7[%get3A_49, %get3A_50] : memref<512x512xf32, #tpu.memory_space<vmem>>, vector<512x512xf32>
    %dot_general3A_52 = arith.constant dense<0.000000e+00> : vector<512x512xf32>
    %dot_general3A_53 = tpu.matmul %logistic3A_48, %get3A_51, %dot_general3A_52 {dimension_numbers = #tpu.dot_dimension_numbers<[1], [0], [0], [1], [0, 0, 1, 1], [], []>, transpose_lhs_hint = false} : vector<512x512xf32>, vector<512x512xf32>, vector<512x512xf32> -> vector<512x512xf32>
    %get3A_54 = arith.constant 0 : index
    %get3A_55 = arith.constant 0 : index
    %get3A_56 = vector.load %arg8[%get3A_54, %get3A_55] : memref<1x512xf32, #tpu.memory_space<vmem>>, vector<1x512xf32>
    %add3A_57 = vector.broadcast %get3A_56 : vector<1x512xf32> to vector<512x512xf32>
    %add3A_58 = arith.addf %dot_general3A_53, %add3A_57 : vector<512x512xf32>
    %logistic3A_59 = arith.negf %add3A_58 : vector<512x512xf32>
    %logistic3A_60 = math.exp %logistic3A_59 : vector<512x512xf32>
    %logistic3A_61 = arith.constant 1.000000e+00 : f32
    %logistic3A_62 = vector.broadcast %logistic3A_61 : f32 to vector<512x512xf32>
    %logistic3A_63 = arith.addf %logistic3A_62, %logistic3A_60 : vector<512x512xf32>
    %logistic3A_64 = arith.divf %logistic3A_62, %logistic3A_63 : vector<512x512xf32>
    %get3A_65 = arith.constant 0 : index
    %get3A_66 = arith.constant 0 : index
    %get3A_67 = vector.load %arg9[%get3A_65, %get3A_66] : memref<512x128xf32, #tpu.memory_space<vmem>>, vector<512x128xf32>
    %dot_general3A_68 = arith.constant dense<0.000000e+00> : vector<512x128xf32>
    %dot_general3A_69 = tpu.matmul %logistic3A_64, %get3A_67, %dot_general3A_68 {dimension_numbers = #tpu.dot_dimension_numbers<[1], [0], [0], [1], [0, 0, 1, 1], [], []>, transpose_lhs_hint = false} : vector<512x512xf32>, vector<512x128xf32>, vector<512x128xf32> -> vector<512x128xf32>
    %get3A_70 = arith.constant 0 : index
    %get3A_71 = arith.constant 0 : index
    %get3A_72 = vector.load %arg10[%get3A_70, %get3A_71] : memref<1x128xf32, #tpu.memory_space<vmem>>, vector<1x128xf32>
    %add3A_73 = vector.broadcast %get3A_72 : vector<1x128xf32> to vector<512x128xf32>
    %add3A_74 = arith.addf %dot_general3A_69, %add3A_73 : vector<512x128xf32>
    %swap3A = arith.constant 0 : index
    %swap3A_75 = arith.constant 0 : index
    %swap3A_76 = vector.load %arg11[%swap3A, %swap3A_75] : memref<512x128xf32, #tpu.memory_space<vmem>>, vector<512x128xf32>
    tpu.vector_store %arg11[%swap3A, %swap3A_75], %add3A_74 {strides = array<i32>} : memref<512x128xf32, #tpu.memory_space<vmem>>, vector<512x128xf32>,
    return
  }
  func.func @transform_0(%arg0: i32) -> (i32, i32, i32) {
    %c0_i32 = arith.constant 0 : i32
    %c0_i32_0 = arith.constant 0 : i32
    %c0_i32_1 = arith.constant 0 : i32
    return %c0_i32, %arg0, %c0_i32_0 : i32, i32, i32
  }
  func.func @transform_1(%arg0: i32) -> (i32, i32, i32) {
    %c0_i32 = arith.constant 0 : i32
    %c0_i32_0 = arith.constant 0 : i32
    %c0_i32_1 = arith.constant 0 : i32
    return %c0_i32, %arg0, %c0_i32_0 : i32, i32, i32
  }
  func.func @transform_2(%arg0: i32) -> (i32, i32) {
    %c0_i32 = arith.constant 0 : i32
    %c0_i32_0 = arith.constant 0 : i32
    return %arg0, %c0_i32 : i32, i32
  }
  func.func @transform_3(%arg0: i32) -> (i32, i32) {
    %c0_i32 = arith.constant 0 : i32
    %c0_i32_0 = arith.constant 0 : i32
    %c0_i32_1 = arith.constant 0 : i32
    return %c0_i32, %c0_i32_0 : i32, i32
  }
  func.func @transform_4(%arg0: i32) -> (i32, i32) {
    %c0_i32 = arith.constant 0 : i32
    %c0_i32_0 = arith.constant 0 : i32
    %c0_i32_1 = arith.constant 0 : i32
    return %c0_i32, %c0_i32_0 : i32, i32
  }
  func.func @transform_5(%arg0: i32) -> (i32, i32) {
    %c0_i32 = arith.constant 0 : i32
    %c0_i32_0 = arith.constant 0 : i32
    %c0_i32_1 = arith.constant 0 : i32
    return %c0_i32, %c0_i32_0 : i32, i32
  }
  func.func @transform_6(%arg0: i32) -> (i32, i32) {
    %c0_i32 = arith.constant 0 : i32
    %c0_i32_0 = arith.constant 0 : i32
    %c0_i32_1 = arith.constant 0 : i32
    return %c0_i32, %c0_i32_0 : i32, i32
  }
  func.func @transform_7(%arg0: i32) -> (i32, i32) {
    %c0_i32 = arith.constant 0 : i32
    %c0_i32_0 = arith.constant 0 : i32
    %c0_i32_1 = arith.constant 0 : i32
    return %c0_i32, %c0_i32_0 : i32, i32
  }
  func.func @transform_8(%arg0: i32) -> (i32, i32) {
    %c0_i32 = arith.constant 0 : i32
    %c0_i32_0 = arith.constant 0 : i32
    %c0_i32_1 = arith.constant 0 : i32
    return %c0_i32, %c0_i32_0 : i32, i32
  }
  func.func @transform_9(%arg0: i32) -> (i32, i32) {
    %c0_i32 = arith.constant 0 : i32
    %c0_i32_0 = arith.constant 0 : i32
    %c0_i32_1 = arith.constant 0 : i32
    return %c0_i32, %c0_i32_0 : i32, i32
  }
  func.func @transform_10(%arg0: i32) -> (i32, i32) {
    %c0_i32 = arith.constant 0 : i32
    %c0_i32_0 = arith.constant 0 : i32
    return %arg0, %c0_i32 : i32, i32
  }
}

</mosaic_0001>

<sc_bundles>
// kernel: kernel.11.cloned.1.call-start
scs
__scs_entry_jumppad:
0x0: {  	(pc) =	sbr.rel $0x88, $3  }
0x1: {  	(tag) =	ssettag $0x0;
	lr =	simm.s32 $0x1  }
0x2: {  	[smem:$0x3F95] =	sst lr;
	_ =	strace $0xD0000000  }
0x3: {  	_ = 	snop  }
0x4: {  	_ = 	snop  }
0x5: {  	_ = 	snop  }
0x6: {  	_ = 	snop  }
0x7: {  	_ = 	snop  }
__scs_overlays_trampoline_lowered:
0x8: {  	[smem:$0x3FA4] =	sst s0  }
0x9: {  	[smem:$0x3FA5] =	sst s1  }
0xa: {  	[smem:$0x3FA6] =	sst s2  }
0xb: {  	[smem:$0x3FA7] =	sst s3  }
0xc: {  	[smem:$0x3FA8] =	sst s4  }
0xd: {  	[smem:$0x3FA9] =	sst s5  }
0xe: {  	[smem:$0x3FAA] =	sst s6  }
0xf: {  	[smem:$0x3FAB] =	sst s7  }
0x10: {  	[smem:$0x3FAC] =	sst s8  }
0x11: {  	[smem:$0x3FAD] =	sst s9;
	s0 =	simm.s32 @!p0 $0x0  }
0x12: {  	s1 =	sld [smem:$0x3F93];
	s0 =	simm.s32 @p0 $0x1  }
0x13: {  	[smem:$0x3FAE] =	sst s0;
	s0 =	simm.s32 @!p1 $0x0  }
0x14: {  	s2 =	sld [smem:$0x3F92];
	s0 =	simm.s32 @p1 $0x1  }
0x15: {  	[smem:$0x3FAF] =	sst s0;
	s0 =	simm.s32 @!p2 $0x0  }
0x16: {  	s3 =	sld [smem:$0x3FDB];
	s0 =	simm.s32 @p2 $0x1  }
0x17: {  	s4 =	simm.s32 $0x1BF5;
	[smem:$0x3FB1] =	sst s0  }
0x18: {  	s0 =	sld [smem:$0x3F94];
	_ =	swait.ge [sflag:s4], $0x0  }
0x19: {  	s7 =	sld [smem:$0x3F95]  }
0x1a: {  	s8 =	sadd.s32 $0xFFFFE003, lr  }
0x1b: {  	s9 =	sadd.s32 $0xFFFFFEF7, lr;
	s5 =	simm.s32 $0xFFFFFFFF;
	p2 =	slt.u32 s8, $0xFFFFF086  }
0x1c: {  	p1 =	slt.u32 s9, $0xF7A;
	s5 =	simm.s32 @!p2 $0x0  }
0x1d: {  	s5 =	simm.s32 @p1 $0x1;
	p0 =	seq.s32 s7, s2  }
0x1e: {  	s7 =	smul.u32 @!p0 $0xF7A, s2;
	p2 =	seq.s32 @!p0 s5, $0x0  }
0x1f: {  	s9 =	smul.u32 $0xF7A, s1;
	s8 =	simm.s32 @!p0 $0x1BF5;
	p2 =	por !p2, p0  }
0x20: {  	[sflag:s8] =	ssyncset.s32 @!p0 $0xFFFFF086;
	s6 =	sadd.s32 @!p0 s3, s7;
	s7 =	simm.s32 @!p0 $0x108  }
0x21: {  	s3 =	sadd.s32 s3, s9;
	s6 =	sadd.s32 @!p0 $0x88, s6;
	s7 =	simm.s32 @p2 $0x1082  }
0x22: {  	[simem:s7], [sflag:s8] =	dma.local @!p0 [hbm:s6], $0xF7A  }
0x23: {  	s9 =	sor.u32 $0xD0000000, s2;
	s6 =	simm.s32 $0x108;
	_ =	swait.ge @!p0 [sflag:s8], $0x0  }
0x24: {  	s3 =	sadd.s32 $0x88, s3;
	s6 =	simm.s32 @!p1 $0x1082;
	[sflag:s4] =	ssyncset.s32 $0xFFFFF086  }
0x25: {  	[simem:s6], [sflag:s4] =	dma.local [hbm:s3], $0xF7A  }
0x26: {  	[smem:$0x3F95] =	sst s1;
	(tag) =	ssettag s2;
	_ =	strace s9  }
0x27: {  	s1 =	sld [smem:$0x3FA5]  }
0x28: {  	s2 =	sld [smem:$0x3FA6]  }
0x29: {  	s4 =	sld [smem:$0x3FA8]  }
0x2a: {  	p0 =	seq.s32 s5, $0x0;
	s5 =	sld [smem:$0x3FA9]  }
0x2b: {  	s6 =	sld [smem:$0x3FAA]  }
0x2c: {  	s7 =	sld [smem:$0x3FAB]  }
0x2d: {  	s3 =	simm.s32 $0x108;
	s8 =	sld [smem:$0x3FAC]  }
0x2e: {  	s3 =	simm.s32 @!p0 $0x1082;
	s9 =	sld [smem:$0x3FAD]  }
0x2f: {  	lr =	sadd.s32 s0, s3;
	s0 =	sld [smem:$0x3FA4]  }
0x30: {  	s3 =	sld [smem:$0x3FA7]  }
0x31: {  	[smem:$0x3FB0] =	sst s10  }
0x32: {  	s10 =	sld [smem:$0x3FAE];
	_ =	sdelay $0x3  }
0x33: {  	p0 =	seq.s32 s10, $0x1;
	s10 =	sld [smem:$0x3FB0];
	_ =	sdelay $0x3  }
0x34: {  	[smem:$0x3FB0] =	sst s10  }
0x35: {  	s10 =	sld [smem:$0x3FAF];
	_ =	sdelay $0x3  }
0x36: {  	p1 =	seq.s32 s10, $0x1;
	s10 =	sld [smem:$0x3FB0];
	_ =	sdelay $0x3  }
0x37: {  	[smem:$0x3FB0] =	sst s10  }
0x38: {  	s10 =	sld [smem:$0x3FB1]  }
0x39: {  	_ = 	snop;
	(pc) =	sbr.ind lr, $3  }
0x3a: {  	_ = 	snop  }
0x3b: {  	_ = 	snop  }
0x3c: {  	p2 =	seq.s32 s10, $0x1;
	s10 =	sld [smem:$0x3FB0]  }
0x3d: {  	_ =	shalt  }
0x3e: {  	_ =	shalt  }
0x3f: {  	_ =	shalt  }
0x40: {  	_ =	shalt  }
0x41: {  	_ =	shalt  }
0x42: {  	_ =	shalt  }
0x43: {  	_ =	shalt  }
0x44: {  	_ =	shalt  }
0x45: {  	_ =	shalt  }
0x46: {  	_ =	shalt  }
0x47: {  	_ =	shalt  }
0x48: {  	_ =	shalt  }
0x49: {  	_ =	shalt  }
0x4a: {  	_ =	shalt  }
0x4b: {  	_ =	shalt  }
0x4c: {  	_ =	shalt  }
0x4d: {  	_ =	shalt  }
0x4e: {  	_ =	shalt  }
0x4f: {  	_ =	shalt  }
0x50: {  	_ =	shalt  }
0x51: {  	_ =	shalt  }
0x52: {  	_ =	shalt  }
0x53: {  	_ =	shalt  }
0x54: {  	_ =	shalt  }
0x55: {  	_ =	shalt  }
0x56: {  	_ =	shalt  }
0x57: {  	_ =	shalt  }
0x58: {  	_ =	shalt  }
0x59: {  	_ =	shalt  }
0x5a: {  	_ =	shalt  }
0x5b: {  	_ =	shalt  }
0x5c: {  	_ =	shalt  }
0x5d: {  	_ =	shalt  }
0x5e: {  	_ =	shalt  }
0x5f: {  	_ =	shalt  }
0x60: {  	_ =	shalt  }
0x61: {  	_ =	shalt  }
0x62: {  	_ =	shalt  }
0x63: {  	_ =	shalt  }
0x64: {  	_ =	shalt  }
0x65: {  	_ =	shalt  }
0x66: {  	_ =	shalt  }
0x67: {  	_ =	shalt  }
0x68: {  	_ =	shalt  }
0x69: {  	_ =	shalt  }
0x6a: {  	_ =	shalt  }
0x6b: {  	_ =	shalt  }
0x6c: {  	_ =	shalt  }
0x6d: {  	_ =	shalt  }
0x6e: {  	_ =	shalt  }
0x6f: {  	_ =	shalt  }
0x70: {  	_ =	shalt  }
0x71: {  	_ =	shalt  }
0x72: {  	_ =	shalt  }
0x73: {  	_ =	shalt  }
0x74: {  	_ =	shalt  }
0x75: {  	_ =	shalt  }
0x76: {  	_ =	shalt  }
0x77: {  	_ =	shalt  }
0x78: {  	_ =	shalt  }
0x79: {  	_ =	shalt  }
0x7a: {  	_ =	shalt  }
0x7b: {  	_ =	shalt  }
0x7c: {  	_ =	shalt  }
0x7d: {  	_ =	shalt  }
0x7e: {  	_ =	shalt  }
0x7f: {  	_ =	shalt  }
0x80: {  	_ =	shalt  }
0x81: {  	_ =	shalt  }
0x82: {  	_ =	shalt  }
0x83: {  	_ =	shalt  }
0x84: {  	_ =	shalt  }
0x85: {  	_ =	shalt  }
0x86: {  	_ =	shalt  }
0x87: {  	_ =	shalt  }
.Lfunc_end0:
.L_simem_size_0:
called_computation.1_lowered:
.L_overlay_start_0:
0x88: {  	s2 =	sld [smem:$0x3FD9]  }
0x89: {  	s3 =	sld [smem:$0x3FFE];
	_ =	sdelay $0x1  }
0x8a: {  	s1 =	srdreg.scid  }
0x8b: {  	s0 =	sand.u32 $0x1, s1  }
0x8c: {  	s16 =	sshll.u32 s0, $0xA;
	s2 =	sadd.s32 s3, s2  }
0x8d: {  	s2 =	sadd.s32 s2, s16  }
0x8e: {  	[smem:$0x3FBC] =	sst s2  }
0x8f: {  	_ = 	snop  }
0x90: {  	(tm) =	ssettm $0x1  }
0x91: {  	s17 =	sld [smem:$0x3FFB];
	_ =	sdelay $0x3  }
0x92: {  	_ =	strace s17  }
0x93: {  	s2 =	sld [smem:$0x3FFC];
	_ =	sdelay $0x3  }
0x94: {  	_ =	strace s2  }
0x95: {  	s2 =	sld [smem:$0x3FFD];
	_ =	sdelay $0x3  }
0x96: {  	_ =	strace s2  }
0x97: {  	_ =	strace $0x8FFFFFFF  }
0x98: {  	s18 =	sld [smem:$0x3FDB];
	_ =	sdelay $0x1  }
0x99: {  	s19 =	simm.s32 $_scs_section_size  }
0x9a: {  	s4 =	simm.s32 $_size__tile_overlayer_lowered;
	s5 =	simm.s32 $_tile_overlayer_lowered  }
0x9b: {  	s22 =	simm.s32 $0x1BFF;
	s21 =	sshll.u32 s5, $0x1;
	s2 =	sadd.s32 s19, s18  }
0x9c: {  	s6 =	simm.s32 $0x0;
	s20 =	sshll.u32 s4, $0x1;
	s4 =	sadd.s32 s21, s2  }
0x9d: {  	[timem:s6], [sflag:s22] =	dma.local [hbm:s4], s20  }
0x9e: {  	_ =	swait.ge [sflag:s22], s20  }
0x9f: {  	s3 =	ssub.s32 $0x0, s20;
	[sflag:s22] =	ssyncset.done $0x0  }
0xa0: {  	[sflag:s22] =	ssyncadd.s32 s3;
	_ =	sdelay $0x1  }
0xa1: {  	s23 =	simm.s32 $0x1B8B  }
0xa2: {  	_ =	swait.ge [sflag:s23], $0x1  }
0xa3: {  	[sflag:s23] =	ssyncset.done $0x0  }
0xa4: {  	s25 =	simm.s32 $0x1B8E;
	s24 =	sld [smem:$0x3FFE];
	[sflag:s23] =	ssyncadd.s32 $0xFFFFFFFF  }
0xa5: {  	s26 =	simm.s32 $execute0_lowered;
	[smem:$0x3FD2] =	sst s25  }
0xa6: {  	s4 =	sshll.u32 s26, $0x1;
	_ =	strace $0x80000049;
	[dreg:$0x1] =	wrdreg $0xFFFFFFFF  }
0xa7: {  	s28 =	simm.s32 $_size_execute0_lowered;
	s2 =	sadd.s32 s2, s4;
	[dreg:$0x0] =	wrdreg $0x0  }
0xa8: {  	s4 =	sshll.u32 s28, $0x1;
	[dreg:$0x2] =	wrdreg s2  }
0xa9: {  	[dreg:$0x3] =	wrdreg s4  }
0xaa: {  	[dreg:$0x4] =	wrdreg $0xC0  }
0xab: {  	_ =	task [dreg:s6], $0x5FFFF  }
0xac: {  	[dreg:$0x1] =	wrdreg $0xFFFFFFFF  }
0xad: {  	[dreg:$0x0] =	wrdreg $0x60  }
0xae: {  	[dreg:$0x2] =	wrdreg s24  }
0xaf: {  	[dreg:$0x3] =	wrdreg $0x0  }
0xb0: {  	[dreg:$0x4] =	wrdreg $0xA0000  }
0xb1: {  	[dreg:$0x5] =	wrdreg $0x9  }
0xb2: {  	_ =	task.clear_ibuf [dreg:s6], $0x6FFFF;
	_ =	strace $0x90000049  }
0xb3: {  	s29 =	simm.s32 $0x9;
	_ =	strace $0x8000004B  }
0xb4: {  	_ =	swait.ge [sflag:s29], $0x1  }
0xb5: {  	[sflag:s29] =	ssyncadd.s32 $0xFFFFFFFF  }
0xb6: {  	_ =	strace $0x9000004B  }
0xb7: {  	_ =	sfence  }
0xb8: {  	s30 =	sld [smem:$0x0];
	_ =	sdelay $0x2  }
0xb9: {  	s31 =	sshll.u32 s1, $0xD;
	s1 =	sshrl.u32 s1, $0x2  }
0xba: {  	s3 =	sand.u32 $0x4000, s31;
	s1 =	sadd.s32 s1, s30  }
0xbb: {  	s0 =	sor.u32 s3, s0;
	s1 =	sshll.u32 s1, $0x11  }
0xbc: {  	s0 =	sor.u32 s1, s0  }
0xbd: {  	s0 =	sadd.s32 $0x8F2B, s0  }
0xbe: {  	[sflag:s0] =	ssyncadd.remote.s32 $0x1  }
0xbf: {  	_ =	sfence.sel $0xFFFF  }
0xc0: {  	[dreg:$0x0] =	wrdreg $0xFFFFFFFF;
	(pc) =	sbr.abs _section_cstart, $3  }
0xc1: {  	[dreg:$0x1] =	wrdreg $0xFFFFFFFF  }
0xc2: {  	_ =	task.clear_ibuf [dreg:s6], $0x2FFFF;
	_ =	strace $0x9FFFFFFF  }
0xc3: {  	(tm) =	ssettm $0x7FFFFFFF  }
tec
execute0_lowered:
.L_overlay_start_1:
0x0: {  	(tag) =	ssettag $0x1  }
0x1: {  	s1 =	rddreg [dreg:$0x0]  }
0x2: {  	s0 =	rddreg [dreg:$0x1];
	s2 =	simm.s32 $0x0;
	s3 =	srdreg.scid  }
0x3: {  	s12 =	stileid.u32;
	[smem:$0x7FF] =	sst s2  }
0x4: {  	s3 =	sand.u32 $0x1, s3;
	s5 =	sadd.s32 $0x89E00, s1;
	s6 =	smul.u32 $0x14000, s12  }
0x5: {  	s7 =	sadd.s32 $0x2E00, s1;
	s8 =	sadd.s32 $0x7FE00, s1;
	s12 =	smul.u32 $0x5000, s12  }
0x6: {  	s10 =	sadd.s32 $0xD9E00, s1;
	s4 =	smul.u32 $0x140000, s3;
	s3 =	ssub.s32 $0x2, s3  }
0x7: {  	s9 =	sshrl.u32 s3, $0x1;
	s11 =	sadd.s32 $0x4000, s6;
	s14 =	sadd.s32 $0x8000, s6  }
0x8: {  	s12 =	sshrl.u32 s12, $0x3;
	s16 =	sadd.s32 $0xC000, s6;
	s17 =	sadd.s32 $0x10000, s6  }
0x9: {  	s9 =	ssub.s32 s3, s9;
	s21 =	sadd.s32 s6, s4;
	s22 =	sadd.s32 s4, s11  }
0xa: {  	s15 =	sadd.s32 s4, s14;
	s18 =	sadd.s32 $0x280, s12;
	s19 =	sadd.s32 s7, s12  }
0xb: {  	s23 =	sadd.s32 s8, s12;
	s25 =	sadd.s32 $0x500, s12;
	s12 =	sadd.s32 $0x780, s12  }
0xc: {  	s29 =	sadd.s32 s14, s0;
	s31 =	sadd.s32 s16, s0;
	[dreg:$0x5] =	wrdreg s19  }
0xd: {  	s3 =	sshrl.u32 s21, $0x3;
	[dreg:$0x6] =	wrdreg s23;
	s24 =	sadd.s32 s7, s18  }
0xe: {  	s18 =	sadd.s32 s8, s18;
	s26 =	sadd.s32 s7, s25;
	[dreg:$0x7] =	wrdreg s24  }
0xf: {  	s7 =	sadd.s32 s7, s12;
	s19 =	sadd.s32 s4, s16;
	[dreg:$0x8] =	wrdreg s18  }
0x10: {  	s4 =	sadd.s32 s4, s17;
	s20 =	sshrl.u32 s15, $0x3;
	[dreg:$0x9] =	wrdreg s26  }
0x11: {  	s15 =	simm.s32 $0x15300;
	s13 =	sadd.s32 s5, s3;
	[dreg:$0xb] =	wrdreg s7  }
0x12: {  	s18 =	sadd.s32 s8, s25;
	s7 =	sshrl.u32 s19, $0x3;
	[dreg:$0x4] =	wrdreg s13  }
0x13: {  	s4 =	sshrl.u32 s4, $0x3;
	s3 =	sadd.s32 s10, s3;
	[dreg:$0xa] =	wrdreg s18  }
0x14: {  	s25 =	sadd.s32 s10, s20;
	s13 =	sshrl.u32 s22, $0x3;
	[dreg:$0x11] =	wrdreg s3  }
0x15: {  	s18 =	sadd.s32 s8, s12;
	s22 =	sadd.s32 s5, s20;
	[dreg:$0x13] =	wrdreg s25  }
0x16: {  	s23 =	sadd.s32 s5, s7;
	s26 =	sadd.s32 s10, s7;
	[dreg:$0xc] =	wrdreg s18  }
0x17: {  	s7 =	simm.s32 $0x16800;
	s8 =	simm.s32 $0x14000;
	[dreg:$0xe] =	wrdreg s22  }
0x18: {  	s12 =	simm.s32 $0x2;
	s21 =	sadd.s32 s5, s13;
	[dreg:$0xf] =	wrdreg s23  }
0x19: {  	s5 =	sadd.s32 s5, s4;
	s18 =	rddreg [dreg:$0x2];
	s24 =	sadd.s32 s10, s13  }
0x1a: {  	[dreg:$0x14] =	wrdreg s26;
	s22 =	sadd.s32 s10, s4;
	s23 =	sadd.s32 $0xCE00, s1  }
0x1b: {  	s26 =	sadd.s32 s11, s0;
	s1 =	sadd.s32 s17, s0;
	[dreg:$0xd] =	wrdreg s21  }
0x1c: {  	s4 =	smax.u32 s9, $0x1;
	s9 =	simm.s32 $0x15400;
	[dreg:$0x10] =	wrdreg s5  }
0x1d: {  	s10 =	simm.s32 $0x80;
	s13 =	simm.s32 $0x16780;
	[dreg:$0x12] =	wrdreg s24  }
0x1e: {  	s24 =	sadd.s32 s6, s0;
	s25 =	sadd.s32 s6, s18;
	s28 =	sadd.s32 s11, s18  }
0x1f: {  	s30 =	sadd.s32 s14, s18;
	s14 =	sadd.s32 s16, s18;
	s3 =	sadd.s32 s17, s18  }
0x20: {  	s5 =	simm.s32 $0x1A800;
	s6 =	simm.s32 $0x3;
	s11 =	simm.s32 $0x1  }
0x21: {  	s16 =	simm.s32 $0x15380;
	s17 =	simm.s32 $0x0;
	_ =	strace $0x8000004A  }
.LBB2_1:
0x22: {  	[tilespmem:s5], [sflag:$0x3] =	stream.linear.gather [hbm4b:s23+s2], $0x4000, $0x38;
	[tilespmem:$0x1E800] =	vst v63  }
0x23: {  	_ =	swait.ge [sflag:s6], $0x4000  }
0x24: {  	[sflag:s6] =	ssyncset.done $0x0  }
0x25: {  	s19 =	rddreg [dreg:$0x4];
	[sflag:s6] =	ssyncadd.s32 $0xFFFFC000  }
0x26: {  	[tilespmem:s7], [sflag:$0x3] =	stream.linear.gather [hbm4b:s19+s2], $0x4000, $0x38;
	[tilespmem:$0x1E800] =	vst v63  }
0x27: {  	_ =	swait.ge [sflag:s6], $0x4000  }
0x28: {  	[sflag:s6] =	ssyncset.done $0x0  }
0x29: {  	[sflag:s6] =	ssyncadd.s32 $0xFFFFC000  }
0x2a: {  	[spmem:s24] =	stream.linear.scatter [tilespmem:s7], [sflag:$0x3], $0x4000, $0x38;
	[tilespmem:$0x1E800] =	vst v63  }
0x2b: {  	_ =	swait.ge [sflag:s6], $0x4000  }
0x2c: {  	[sflag:s6] =	ssyncset.done $0x0  }
0x2d: {  	[sflag:s6] =	ssyncadd.s32 $0xFFFFC000  }
0x2e: {  	[spmem:s25] =	stream.linear.scatter [tilespmem:s5], [sflag:$0x3], $0x4000, $0x38;
	[tilespmem:$0x1E800] =	vst v63  }
0x2f: {  	_ =	swait.ge [sflag:s6], $0x4000  }
0x30: {  	[sflag:s6] =	ssyncset.done $0x0  }
0x31: {  	s20 =	rddreg [dreg:$0xd];
	[sflag:s6] =	ssyncadd.s32 $0xFFFFC000  }
0x32: {  	[tilespmem:s7], [sflag:$0x3] =	stream.linear.gather [hbm4b:s20+s2], $0x4000, $0x38;
	[tilespmem:$0x1E800] =	vst v63  }
0x33: {  	_ =	swait.ge [sflag:s6], $0x4000  }
0x34: {  	[sflag:s6] =	ssyncset.done $0x0  }
0x35: {  	[sflag:s6] =	ssyncadd.s32 $0xFFFFC000  }
0x36: {  	[spmem:s26] =	stream.linear.scatter [tilespmem:s7], [sflag:$0x3], $0x4000, $0x38;
	[tilespmem:$0x1E800] =	vst v63  }
0x37: {  	_ =	swait.ge [sflag:s6], $0x4000  }
0x38: {  	[sflag:s6] =	ssyncset.done $0x0  }
0x39: {  	[sflag:s6] =	ssyncadd.s32 $0xFFFFC000  }
0x3a: {  	[spmem:s28] =	stream.linear.scatter [tilespmem:s5], [sflag:$0x3], $0x4000, $0x38;
	[tilespmem:$0x1E800] =	vst v63  }
0x3b: {  	_ =	swait.ge [sflag:s6], $0x4000  }
0x3c: {  	[sflag:s6] =	ssyncset.done $0x0  }
0x3d: {  	s21 =	rddreg [dreg:$0xe];
	[sflag:s6] =	ssyncadd.s32 $0xFFFFC000  }
0x3e: {  	[tilespmem:s7], [sflag:$0x3] =	stream.linear.gather [hbm4b:s21+s2], $0x4000, $0x38;
	[tilespmem:$0x1E800] =	vst v63  }
0x3f: {  	_ =	swait.ge [sflag:s6], $0x4000  }
0x40: {  	[sflag:s6] =	ssyncset.done $0x0  }
0x41: {  	[sflag:s6] =	ssyncadd.s32 $0xFFFFC000  }
0x42: {  	[spmem:s29] =	stream.linear.scatter [tilespmem:s7], [sflag:$0x3], $0x4000, $0x38;
	[tilespmem:$0x1E800] =	vst v63  }
0x43: {  	_ =	swait.ge [sflag:s6], $0x4000  }
0x44: {  	[sflag:s6] =	ssyncset.done $0x0  }
0x45: {  	[sflag:s6] =	ssyncadd.s32 $0xFFFFC000  }
0x46: {  	[spmem:s30] =	stream.linear.scatter [tilespmem:s5], [sflag:$0x3], $0x4000, $0x38;
	[tilespmem:$0x1E800] =	vst v63  }
0x47: {  	_ =	swait.ge [sflag:s6], $0x4000  }
0x48: {  	[sflag:s6] =	ssyncset.done $0x0  }
0x49: {  	s20 =	rddreg [dreg:$0xf];
	[sflag:s6] =	ssyncadd.s32 $0xFFFFC000  }
0x4a: {  	[tilespmem:s7], [sflag:$0x3] =	stream.linear.gather [hbm4b:s20+s2], $0x4000, $0x38;
	[tilespmem:$0x1E800] =	vst v63  }
0x4b: {  	_ =	swait.ge [sflag:s6], $0x4000  }
0x4c: {  	[sflag:s6] =	ssyncset.done $0x0  }
0x4d: {  	[sflag:s6] =	ssyncadd.s32 $0xFFFFC000  }
0x4e: {  	[spmem:s31] =	stream.linear.scatter [tilespmem:s7], [sflag:$0x3], $0x4000, $0x38;
	[tilespmem:$0x1E800] =	vst v63  }
0x4f: {  	_ =	swait.ge [sflag:s6], $0x4000  }
0x50: {  	[sflag:s6] =	ssyncset.done $0x0  }
0x51: {  	[sflag:s6] =	ssyncadd.s32 $0xFFFFC000  }
0x52: {  	[spmem:s14] =	stream.linear.scatter [tilespmem:s5], [sflag:$0x3], $0x4000, $0x38;
	[tilespmem:$0x1E800] =	vst v63  }
0x53: {  	_ =	swait.ge [sflag:s6], $0x4000  }
0x54: {  	[sflag:s6] =	ssyncset.done $0x0  }
0x55: {  	s21 =	rddreg [dreg:$0x10];
	[sflag:s6] =	ssyncadd.s32 $0xFFFFC000  }
0x56: {  	[tilespmem:s7], [sflag:$0x3] =	stream.linear.gather [hbm4b:s21+s2], $0x4000, $0x38;
	[tilespmem:$0x1E800] =	vst v63  }
0x57: {  	_ =	swait.ge [sflag:s6], $0x4000  }
0x58: {  	[sflag:s6] =	ssyncset.done $0x0  }
0x59: {  	[sflag:s6] =	ssyncadd.s32 $0xFFFFC000  }
0x5a: {  	[spmem:s1] =	stream.linear.scatter [tilespmem:s7], [sflag:$0x3], $0x4000, $0x38;
	[tilespmem:$0x1E800] =	vst v63  }
0x5b: {  	_ =	swait.ge [sflag:s6], $0x4000  }
0x5c: {  	[sflag:s6] =	ssyncset.done $0x0  }
0x5d: {  	[sflag:s6] =	ssyncadd.s32 $0xFFFFC000  }
0x5e: {  	[spmem:s3] =	stream.linear.scatter [tilespmem:s5], [sflag:$0x3], $0x4000, $0x38;
	[tilespmem:$0x1E800] =	vst v63  }
0x5f: {  	_ =	swait.ge [sflag:s6], $0x4000  }
0x60: {  	[sflag:s6] =	ssyncset.done $0x0  }
0x61: {  	[sflag:s6] =	ssyncadd.s32 $0xFFFFC000  }
0x62: {  	[bflag:$0x0] =	sbarrier.arrive $0xFFFF  }
0x63: {  	s20 =	rddreg [dreg:$0x5]  }
0x64: {  	[tilespmem:s8], [sflag:$0x3] =	stream.linear.gather [hbm4b:s20+s2], $0x1400, $0x38;
	[tilespmem:$0x1E800] =	vst v63  }
0x65: {  	_ =	swait.ge [sflag:s6], $0x1400  }
0x66: {  	[sflag:s6] =	ssyncset.done $0x0  }
0x67: {  	s21 =	rddreg [dreg:$0x6];
	[sflag:s6] =	ssyncadd.s32 $0xFFFFEC00  }
0x68: {  	[tilespmem:s9], [sflag:$0x3] =	stream.linear.gather [hbm4b:s21+s2], $0x1400, $0x38;
	[tilespmem:$0x1E800] =	vst v63  }
0x69: {  	_ =	swait.ge [sflag:s6], $0x1400  }
0x6a: {  	[sflag:s6] =	ssyncset.done $0x0  }
0x6b: {  	[sflag:s6] =	ssyncadd.s32 $0xFFFFEC00  }
0x6c: {  	[tilespmem:s7], [sflag:$0x1] =	stream.indirect.gather [spmem:s0], $0x40, s9, s10, $0xb8;
	[tilespmem:$0x1E800] =	vst v63  }
0x6d: {  	_ =	swait.ge [sflag:s11], $0x2000  }
0x6e: {  	[sflag:s11] =	ssyncset.done $0x0  }
0x6f: {  	s20 =	simm.s32 $0x15480;
	[sflag:s11] =	ssyncadd.s32 $0xFFFFE000  }
0x70: {  	[tilespmem:s5], [sflag:$0x2] =	stream.indirect.gather [spmem:s0], $0x40, s20, s10, $0xb8;
	[tilespmem:$0x1E800] =	vst v63  }
0x71: {  	s21 =	simm.s32 $0x14000  }
0x72: {  	[spmem:s18] =	stream.indirect.scatter.add.f32 [tilespmem:s7], [sflag:$0x3], $0x40, s21, s10, $0xb8;
	[tilespmem:$0x1E800] =	vst v63  }
0x73: {  	_ =	swait.ge [sflag:s6], $0x2000  }
0x74: {  	[sflag:s6] =	ssyncset.done $0x0  }
0x75: {  	[sflag:s6] =	ssyncadd.s32 $0xFFFFE000  }
0x76: {  	_ =	swait.ge [sflag:s12], $0x2000  }
0x77: {  	[sflag:s12] =	ssyncset.done $0x0  }
0x78: {  	s20 =	simm.s32 $0x15500;
	[sflag:s12] =	ssyncadd.s32 $0xFFFFE000  }
0x79: {  	[tilespmem:s7], [sflag:$0x1] =	stream.indirect.gather [spmem:s0], $0x40, s20, s10, $0xb8;
	[tilespmem:$0x1E800] =	vst v63  }
0x7a: {  	s21 =	simm.s32 $0x14080  }
0x7b: {  	[spmem:s18] =	stream.indirect.scatter.add.f32 [tilespmem:s5], [sflag:$0x3], $0x40, s21, s10, $0xb8;
	[tilespmem:$0x1E800] =	vst v63  }
0x7c: {  	_ =	swait.ge [sflag:s6], $0x2000  }
0x7d: {  	s19 =	simm.s32 $0x400;
	[sflag:s6] =	ssyncset.done $0x0  }
.LBB2_2:
0x7e: {  	p0 =	sne.s32 s19, $0x4800  }
0x7f: {  	[sflag:s6] =	ssyncadd.s32 $0xFFFFE000;
	s20 =	smov.u32 s19;
	s19 =	sadd.s32 $0x400, s19  }
0x80: {  	_ = 	snop  }
0x81: {  	_ =	swait.ge [sflag:s11], $0x2000  }
0x82: {  	s20 =	sshra.s32 s20, $0x2;
	[sflag:s11] =	ssyncset.done $0x0  }
0x83: {  	s21 =	sadd.s32 $0x15480, s20;
	[sflag:s11] =	ssyncadd.s32 $0xFFFFE000  }
0x84: {  	[tilespmem:s5], [sflag:$0x2] =	stream.indirect.gather [spmem:s0], $0x40, s21, s10, $0xb8;
	[tilespmem:$0x1E800] =	vst v63  }
0x85: {  	s21 =	sadd.s32 $0x14000, s20  }
0x86: {  	[spmem:s18] =	stream.indirect.scatter.add.f32 [tilespmem:s7], [sflag:$0x3], $0x40, s21, s10, $0xb8;
	[tilespmem:$0x1E800] =	vst v63  }
0x87: {  	_ =	swait.ge [sflag:s6], $0x2000  }
0x88: {  	[sflag:s6] =	ssyncset.done $0x0  }
0x89: {  	[sflag:s6] =	ssyncadd.s32 $0xFFFFE000  }
0x8a: {  	_ =	swait.ge [sflag:s12], $0x2000  }
0x8b: {  	[sflag:s12] =	ssyncset.done $0x0  }
0x8c: {  	s21 =	sadd.s32 $0x15500, s20;
	[sflag:s12] =	ssyncadd.s32 $0xFFFFE000  }
0x8d: {  	[tilespmem:s7], [sflag:$0x1] =	stream.indirect.gather [spmem:s0], $0x40, s21, s10, $0xb8;
	[tilespmem:$0x1E800] =	vst v63  }
.Ltmp0:
0x8e: {  	_ = 	snop;
	(pc) =	sbr.rel @p0 .LBB2_2-.Ltmp0, $4  }
0x8f: {  	s20 =	sadd.s32 $0x14080, s20  }
0x90: {  	[spmem:s18] =	stream.indirect.scatter.add.f32 [tilespmem:s5], [sflag:$0x3], $0x40, s20, s10, $0xb8;
	[tilespmem:$0x1E800] =	vst v63  }
0x91: {  	_ =	swait.ge [sflag:s6], $0x2000  }
0x92: {  	[sflag:s6] =	ssyncset.done $0x0  }
0x93: {  	[sflag:s6] =	ssyncadd.s32 $0xFFFFE000  }
0x94: {  	_ =	swait.ge [sflag:s11], $0x2000  }
0x95: {  	[sflag:s11] =	ssyncset.done $0x0  }
0x96: {  	[sflag:s11] =	ssyncadd.s32 $0xFFFFE000  }
0x97: {  	[tilespmem:s5], [sflag:$0x2] =	stream.indirect.gather [spmem:s0], $0x40, s13, s10, $0xb8;
	[tilespmem:$0x1E800] =	vst v63  }
0x98: {  	_ = 	snop  }
0x99: {  	[spmem:s18] =	stream.indirect.scatter.add.f32 [tilespmem:s7], [sflag:$0x3], $0x40, s15, s10, $0xb8;
	[tilespmem:$0x1E800] =	vst v63  }
0x9a: {  	_ =	swait.ge [sflag:s6], $0x2000  }
0x9b: {  	[sflag:s6] =	ssyncset.done $0x0  }
0x9c: {  	[sflag:s6] =	ssyncadd.s32 $0xFFFFE000  }
0x9d: {  	_ =	swait.ge [sflag:s12], $0x2000  }
0x9e: {  	[sflag:s12] =	ssyncset.done $0x0  }
0x9f: {  	[sflag:s12] =	ssyncadd.s32 $0xFFFFE000  }
0xa0: {  	[spmem:s18] =	stream.indirect.scatter.add.f32 [tilespmem:s5], [sflag:$0x3], $0x40, s16, s10, $0xb8;
	[tilespmem:$0x1E800] =	vst v63  }
0xa1: {  	_ =	swait.ge [sflag:s6], $0x2000  }
0xa2: {  	[sflag:s6] =	ssyncset.done $0x0  }
0xa3: {  	s19 =	simm.s32 $0x0;
	s20 =	rddreg [dreg:$0x7];
	[sflag:s6] =	ssyncadd.s32 $0xFFFFE000  }
0xa4: {  	[tilespmem:s8], [sflag:$0x3] =	stream.linear.gather [hbm4b:s20+s19], $0x1400, $0x38;
	[tilespmem:$0x1E800] =	vst v63  }
0xa5: {  	_ =	swait.ge [sflag:s6], $0x1400  }
0xa6: {  	[sflag:s6] =	ssyncset.done $0x0  }
0xa7: {  	s21 =	rddreg [dreg:$0x8];
	[sflag:s6] =	ssyncadd.s32 $0xFFFFEC00  }
0xa8: {  	[tilespmem:s9], [sflag:$0x3] =	stream.linear.gather [hbm4b:s21+s19], $0x1400, $0x38;
	[tilespmem:$0x1E800] =	vst v63  }
0xa9: {  	_ =	swait.ge [sflag:s6], $0x1400  }
0xaa: {  	[sflag:s6] =	ssyncset.done $0x0  }
0xab: {  	[sflag:s6] =	ssyncadd.s32 $0xFFFFEC00  }
0xac: {  	[tilespmem:s7], [sflag:$0x1] =	stream.indirect.gather [spmem:s0], $0x40, s9, s10, $0xb8;
	[tilespmem:$0x1E800] =	vst v63  }
0xad: {  	_ =	swait.ge [sflag:s11], $0x2000  }
0xae: {  	[sflag:s11] =	ssyncset.done $0x0  }
0xaf: {  	s20 =	simm.s32 $0x15480;
	[sflag:s11] =	ssyncadd.s32 $0xFFFFE000  }
0xb0: {  	[tilespmem:s5], [sflag:$0x2] =	stream.indirect.gather [spmem:s0], $0x40, s20, s10, $0xb8;
	[tilespmem:$0x1E800] =	vst v63  }
0xb1: {  	s21 =	simm.s32 $0x14000  }
0xb2: {  	[spmem:s18] =	stream.indirect.scatter.add.f32 [tilespmem:s7], [sflag:$0x3], $0x40, s21, s10, $0xb8;
	[tilespmem:$0x1E800] =	vst v63  }
0xb3: {  	_ =	swait.ge [sflag:s6], $0x2000  }
0xb4: {  	[sflag:s6] =	ssyncset.done $0x0  }
0xb5: {  	[sflag:s6] =	ssyncadd.s32 $0xFFFFE000  }
0xb6: {  	_ =	swait.ge [sflag:s12], $0x2000  }
0xb7: {  	[sflag:s12] =	ssyncset.done $0x0  }
0xb8: {  	s20 =	simm.s32 $0x15500;
	[sflag:s12] =	ssyncadd.s32 $0xFFFFE000  }
0xb9: {  	[tilespmem:s7], [sflag:$0x1] =	stream.indirect.gather [spmem:s0], $0x40, s20, s10, $0xb8;
	[tilespmem:$0x1E800] =	vst v63  }
0xba: {  	s21 =	simm.s32 $0x14080  }
0xbb: {  	[spmem:s18] =	stream.indirect.scatter.add.f32 [tilespmem:s5], [sflag:$0x3], $0x40, s21, s10, $0xb8;
	[tilespmem:$0x1E800] =	vst v63  }
0xbc: {  	_ =	swait.ge [sflag:s6], $0x2000  }
0xbd: {  	s19 =	simm.s32 $0x400;
	[sflag:s6] =	ssyncset.done $0x0  }
.LBB2_4:
0xbe: {  	p0 =	sne.s32 s19, $0x4800  }
0xbf: {  	[sflag:s6] =	ssyncadd.s32 $0xFFFFE000;
	s20 =	smov.u32 s19;
	s19 =	sadd.s32 $0x400, s19  }
0xc0: {  	_ = 	snop  }
0xc1: {  	_ =	swait.ge [sflag:s11], $0x2000  }
0xc2: {  	s20 =	sshra.s32 s20, $0x2;
	[sflag:s11] =	ssyncset.done $0x0  }
0xc3: {  	s21 =	sadd.s32 $0x15480, s20;
	[sflag:s11] =	ssyncadd.s32 $0xFFFFE000  }
0xc4: {  	[tilespmem:s5], [sflag:$0x2] =	stream.indirect.gather [spmem:s0], $0x40, s21, s10, $0xb8;
	[tilespmem:$0x1E800] =	vst v63  }
0xc5: {  	s21 =	sadd.s32 $0x14000, s20  }
0xc6: {  	[spmem:s18] =	stream.indirect.scatter.add.f32 [tilespmem:s7], [sflag:$0x3], $0x40, s21, s10, $0xb8;
	[tilespmem:$0x1E800] =	vst v63  }
0xc7: {  	_ =	swait.ge [sflag:s6], $0x2000  }
0xc8: {  	[sflag:s6] =	ssyncset.done $0x0  }
0xc9: {  	[sflag:s6] =	ssyncadd.s32 $0xFFFFE000  }
0xca: {  	_ =	swait.ge [sflag:s12], $0x2000  }
0xcb: {  	[sflag:s12] =	ssyncset.done $0x0  }
0xcc: {  	s21 =	sadd.s32 $0x15500, s20;
	[sflag:s12] =	ssyncadd.s32 $0xFFFFE000  }
0xcd: {  	[tilespmem:s7], [sflag:$0x1] =	stream.indirect.gather [spmem:s0], $0x40, s21, s10, $0xb8;
	[tilespmem:$0x1E800] =	vst v63  }
.Ltmp1:
0xce: {  	_ = 	snop;
	(pc) =	sbr.rel @p0 .LBB2_4-.Ltmp1, $4  }
0xcf: {  	s20 =	sadd.s32 $0x14080, s20  }
0xd0: {  	[spmem:s18] =	stream.indirect.scatter.add.f32 [tilespmem:s5], [sflag:$0x3], $0x40, s20, s10, $0xb8;
	[tilespmem:$0x1E800] =	vst v63  }
0xd1: {  	_ =	swait.ge [sflag:s6], $0x2000  }
0xd2: {  	[sflag:s6] =	ssyncset.done $0x0  }
0xd3: {  	[sflag:s6] =	ssyncadd.s32 $0xFFFFE000  }
0xd4: {  	_ =	swait.ge [sflag:s11], $0x2000  }
0xd5: {  	[sflag:s11] =	ssyncset.done $0x0  }
0xd6: {  	[sflag:s11] =	ssyncadd.s32 $0xFFFFE000  }
0xd7: {  	[tilespmem:s5], [sflag:$0x2] =	stream.indirect.gather [spmem:s0], $0x40, s13, s10, $0xb8;
	[tilespmem:$0x1E800] =	vst v63  }
0xd8: {  	_ = 	snop  }
0xd9: {  	[spmem:s18] =	stream.indirect.scatter.add.f32 [tilespmem:s7], [sflag:$0x3], $0x40, s15, s10, $0xb8;
	[tilespmem:$0x1E800] =	vst v63  }
0xda: {  	_ =	swait.ge [sflag:s6], $0x2000  }
0xdb: {  	[sflag:s6] =	ssyncset.done $0x0  }
0xdc: {  	[sflag:s6] =	ssyncadd.s32 $0xFFFFE000  }
0xdd: {  	_ =	swait.ge [sflag:s12], $0x2000  }
0xde: {  	[sflag:s12] =	ssyncset.done $0x0  }
0xdf: {  	[sflag:s12] =	ssyncadd.s32 $0xFFFFE000  }
0xe0: {  	[spmem:s18] =	stream.indirect.scatter.add.f32 [tilespmem:s5], [sflag:$0x3], $0x40, s16, s10, $0xb8;
	[tilespmem:$0x1E800] =	vst v63  }
0xe1: {  	_ =	swait.ge [sflag:s6], $0x2000  }
0xe2: {  	[sflag:s6] =	ssyncset.done $0x0  }
0xe3: {  	s19 =	simm.s32 $0x0;
	s20 =	rddreg [dreg:$0x9];
	[sflag:s6] =	ssyncadd.s32 $0xFFFFE000  }
0xe4: {  	[tilespmem:s8], [sflag:$0x3] =	stream.linear.gather [hbm4b:s20+s19], $0x1400, $0x38;
	[tilespmem:$0x1E800] =	vst v63  }
0xe5: {  	_ =	swait.ge [sflag:s6], $0x1400  }
0xe6: {  	[sflag:s6] =	ssyncset.done $0x0  }
0xe7: {  	s21 =	rddreg [dreg:$0xa];
	[sflag:s6] =	ssyncadd.s32 $0xFFFFEC00  }
0xe8: {  	[tilespmem:s9], [sflag:$0x3] =	stream.linear.gather [hbm4b:s21+s19], $0x1400, $0x38;
	[tilespmem:$0x1E800] =	vst v63  }
0xe9: {  	_ =	swait.ge [sflag:s6], $0x1400  }
0xea: {  	[sflag:s6] =	ssyncset.done $0x0  }
0xeb: {  	[sflag:s6] =	ssyncadd.s32 $0xFFFFEC00  }
0xec: {  	[tilespmem:s7], [sflag:$0x1] =	stream.indirect.gather [spmem:s0], $0x40, s9, s10, $0xb8;
	[tilespmem:$0x1E800] =	vst v63  }
0xed: {  	_ =	swait.ge [sflag:s11], $0x2000  }
0xee: {  	[sflag:s11] =	ssyncset.done $0x0  }
0xef: {  	s20 =	simm.s32 $0x15480;
	[sflag:s11] =	ssyncadd.s32 $0xFFFFE000  }
0xf0: {  	[tilespmem:s5], [sflag:$0x2] =	stream.indirect.gather [spmem:s0], $0x40, s20, s10, $0xb8;
	[tilespmem:$0x1E800] =	vst v63  }
0xf1: {  	s21 =	simm.s32 $0x14000  }
0xf2: {  	[spmem:s18] =	stream.indirect.scatter.add.f32 [tilespmem:s7], [sflag:$0x3], $0x40, s21, s10, $0xb8;
	[tilespmem:$0x1E800] =	vst v63  }
0xf3: {  	_ =	swait.ge [sflag:s6], $0x2000  }
0xf4: {  	[sflag:s6] =	ssyncset.done $0x0  }
0xf5: {  	[sflag:s6] =	ssyncadd.s32 $0xFFFFE000  }
0xf6: {  	_ =	swait.ge [sflag:s12], $0x2000  }
0xf7: {  	[sflag:s12] =	ssyncset.done $0x0  }
0xf8: {  	s20 =	simm.s32 $0x15500;
	[sflag:s12] =	ssyncadd.s32 $0xFFFFE000  }
0xf9: {  	[tilespmem:s7], [sflag:$0x1] =	stream.indirect.gather [spmem:s0], $0x40, s20, s10, $0xb8;
	[tilespmem:$0x1E800] =	vst v63  }
0xfa: {  	s21 =	simm.s32 $0x14080  }
0xfb: {  	[spmem:s18] =	stream.indirect.scatter.add.f32 [tilespmem:s5], [sflag:$0x3], $0x40, s21, s10, $0xb8;
	[tilespmem:$0x1E800] =	vst v63  }
0xfc: {  	_ =	swait.ge [sflag:s6], $0x2000  }
0xfd: {  	s19 =	simm.s32 $0x400;
	[sflag:s6] =	ssyncset.done $0x0  }
.LBB2_6:
0xfe: {  	p0 =	sne.s32 s19, $0x4800  }
0xff: {  	[sflag:s6] =	ssyncadd.s32 $0xFFFFE000;
	s20 =	smov.u32 s19;
	s19 =	sadd.s32 $0x400, s19  }
0x100: {  	_ = 	snop  }
0x101: {  	_ =	swait.ge [sflag:s11], $0x2000  }
0x102: {  	s20 =	sshra.s32 s20, $0x2;
	[sflag:s11] =	ssyncset.done $0x0  }
0x103: {  	s21 =	sadd.s32 $0x15480, s20;
	[sflag:s11] =	ssyncadd.s32 $0xFFFFE000  }
0x104: {  	[tilespmem:s5], [sflag:$0x2] =	stream.indirect.gather [spmem:s0], $0x40, s21, s10, $0xb8;
	[tilespmem:$0x1E800] =	vst v63  }
0x105: {  	s21 =	sadd.s32 $0x14000, s20  }
0x106: {  	[spmem:s18] =	stream.indirect.scatter.add.f32 [tilespmem:s7], [sflag:$0x3], $0x40, s21, s10, $0xb8;
	[tilespmem:$0x1E800] =	vst v63  }
0x107: {  	_ =	swait.ge [sflag:s6], $0x2000  }
0x108: {  	[sflag:s6] =	ssyncset.done $0x0  }
0x109: {  	[sflag:s6] =	ssyncadd.s32 $0xFFFFE000  }
0x10a: {  	_ =	swait.ge [sflag:s12], $0x2000  }
0x10b: {  	[sflag:s12] =	ssyncset.done $0x0  }
0x10c: {  	s21 =	sadd.s32 $0x15500, s20;
	[sflag:s12] =	ssyncadd.s32 $0xFFFFE000  }
0x10d: {  	[tilespmem:s7], [sflag:$0x1] =	stream.indirect.gather [spmem:s0], $0x40, s21, s10, $0xb8;
	[tilespmem:$0x1E800] =	vst v63  }
.Ltmp2:
0x10e: {  	_ = 	snop;
	(pc) =	sbr.rel @p0 .LBB2_6-.Ltmp2, $4  }
0x10f: {  	s20 =	sadd.s32 $0x14080, s20  }
0x110: {  	[spmem:s18] =	stream.indirect.scatter.add.f32 [tilespmem:s5], [sflag:$0x3], $0x40, s20, s10, $0xb8;
	[tilespmem:$0x1E800] =	vst v63  }
0x111: {  	_ =	swait.ge [sflag:s6], $0x2000  }
0x112: {  	[sflag:s6] =	ssyncset.done $0x0  }
0x113: {  	[sflag:s6] =	ssyncadd.s32 $0xFFFFE000  }
0x114: {  	_ =	swait.ge [sflag:s11], $0x2000  }
0x115: {  	[sflag:s11] =	ssyncset.done $0x0  }
0x116: {  	[sflag:s11] =	ssyncadd.s32 $0xFFFFE000  }
0x117: {  	[tilespmem:s5], [sflag:$0x2] =	stream.indirect.gather [spmem:s0], $0x40, s13, s10, $0xb8;
	[tilespmem:$0x1E800] =	vst v63  }
0x118: {  	_ = 	snop  }
0x119: {  	[spmem:s18] =	stream.indirect.scatter.add.f32 [tilespmem:s7], [sflag:$0x3], $0x40, s15, s10, $0xb8;
	[tilespmem:$0x1E800] =	vst v63  }
0x11a: {  	_ =	swait.ge [sflag:s6], $0x2000  }
0x11b: {  	[sflag:s6] =	ssyncset.done $0x0  }
0x11c: {  	[sflag:s6] =	ssyncadd.s32 $0xFFFFE000  }
0x11d: {  	_ =	swait.ge [sflag:s12], $0x2000  }
0x11e: {  	[sflag:s12] =	ssyncset.done $0x0  }
0x11f: {  	[sflag:s12] =	ssyncadd.s32 $0xFFFFE000  }
0x120: {  	[spmem:s18] =	stream.indirect.scatter.add.f32 [tilespmem:s5], [sflag:$0x3], $0x40, s16, s10, $0xb8;
	[tilespmem:$0x1E800] =	vst v63  }
0x121: {  	_ =	swait.ge [sflag:s6], $0x2000  }
0x122: {  	[sflag:s6] =	ssyncset.done $0x0  }
0x123: {  	s19 =	simm.s32 $0x0;
	s20 =	rddreg [dreg:$0xb];
	[sflag:s6] =	ssyncadd.s32 $0xFFFFE000  }
0x124: {  	[tilespmem:s8], [sflag:$0x3] =	stream.linear.gather [hbm4b:s20+s19], $0x1400, $0x38;
	[tilespmem:$0x1E800] =	vst v63  }
0x125: {  	_ =	swait.ge [sflag:s6], $0x1400  }
0x126: {  	[sflag:s6] =	ssyncset.done $0x0  }
0x127: {  	s21 =	rddreg [dreg:$0xc];
	[sflag:s6] =	ssyncadd.s32 $0xFFFFEC00  }
0x128: {  	[tilespmem:s9], [sflag:$0x3] =	stream.linear.gather [hbm4b:s21+s19], $0x1400, $0x38;
	[tilespmem:$0x1E800] =	vst v63  }
0x129: {  	_ =	swait.ge [sflag:s6], $0x1400  }
0x12a: {  	[sflag:s6] =	ssyncset.done $0x0  }
0x12b: {  	[sflag:s6] =	ssyncadd.s32 $0xFFFFEC00  }
0x12c: {  	[tilespmem:s7], [sflag:$0x1] =	stream.indirect.gather [spmem:s0], $0x40, s9, s10, $0xb8;
	[tilespmem:$0x1E800] =	vst v63  }
0x12d: {  	_ =	swait.ge [sflag:s11], $0x2000  }
0x12e: {  	[sflag:s11] =	ssyncset.done $0x0  }
0x12f: {  	s20 =	simm.s32 $0x15480;
	[sflag:s11] =	ssyncadd.s32 $0xFFFFE000  }
0x130: {  	[tilespmem:s5], [sflag:$0x2] =	stream.indirect.gather [spmem:s0], $0x40, s20, s10, $0xb8;
	[tilespmem:$0x1E800] =	vst v63  }
0x131: {  	s21 =	simm.s32 $0x14000  }
0x132: {  	[spmem:s18] =	stream.indirect.scatter.add.f32 [tilespmem:s7], [sflag:$0x3], $0x40, s21, s10, $0xb8;
	[tilespmem:$0x1E800] =	vst v63  }
0x133: {  	_ =	swait.ge [sflag:s6], $0x2000  }
0x134: {  	[sflag:s6] =	ssyncset.done $0x0  }
0x135: {  	[sflag:s6] =	ssyncadd.s32 $0xFFFFE000  }
0x136: {  	_ =	swait.ge [sflag:s12], $0x2000  }
0x137: {  	[sflag:s12] =	ssyncset.done $0x0  }
0x138: {  	s20 =	simm.s32 $0x15500;
	[sflag:s12] =	ssyncadd.s32 $0xFFFFE000  }
0x139: {  	[tilespmem:s7], [sflag:$0x1] =	stream.indirect.gather [spmem:s0], $0x40, s20, s10, $0xb8;
	[tilespmem:$0x1E800] =	vst v63  }
0x13a: {  	s21 =	simm.s32 $0x14080  }
0x13b: {  	[spmem:s18] =	stream.indirect.scatter.add.f32 [tilespmem:s5], [sflag:$0x3], $0x40, s21, s10, $0xb8;
	[tilespmem:$0x1E800] =	vst v63  }
0x13c: {  	_ =	swait.ge [sflag:s6], $0x2000  }
0x13d: {  	s19 =	simm.s32 $0x400;
	[sflag:s6] =	ssyncset.done $0x0  }
.LBB2_8:
0x13e: {  	p0 =	sne.s32 s19, $0x4800  }
0x13f: {  	[sflag:s6] =	ssyncadd.s32 $0xFFFFE000;
	s20 =	smov.u32 s19;
	s19 =	sadd.s32 $0x400, s19  }
0x140: {  	_ = 	snop  }
0x141: {  	_ =	swait.ge [sflag:s11], $0x2000  }
0x142: {  	s20 =	sshra.s32 s20, $0x2;
	[sflag:s11] =	ssyncset.done $0x0  }
0x143: {  	s21 =	sadd.s32 $0x15480, s20;
	[sflag:s11] =	ssyncadd.s32 $0xFFFFE000  }
0x144: {  	[tilespmem:s5], [sflag:$0x2] =	stream.indirect.gather [spmem:s0], $0x40, s21, s10, $0xb8;
	[tilespmem:$0x1E800] =	vst v63  }
0x145: {  	s21 =	sadd.s32 $0x14000, s20  }
0x146: {  	[spmem:s18] =	stream.indirect.scatter.add.f32 [tilespmem:s7], [sflag:$0x3], $0x40, s21, s10, $0xb8;
	[tilespmem:$0x1E800] =	vst v63  }
0x147: {  	_ =	swait.ge [sflag:s6], $0x2000  }
0x148: {  	[sflag:s6] =	ssyncset.done $0x0  }
0x149: {  	[sflag:s6] =	ssyncadd.s32 $0xFFFFE000  }
0x14a: {  	_ =	swait.ge [sflag:s12], $0x2000  }
0x14b: {  	[sflag:s12] =	ssyncset.done $0x0  }
0x14c: {  	s21 =	sadd.s32 $0x15500, s20;
	[sflag:s12] =	ssyncadd.s32 $0xFFFFE000  }
0x14d: {  	[tilespmem:s7], [sflag:$0x1] =	stream.indirect.gather [spmem:s0], $0x40, s21, s10, $0xb8;
	[tilespmem:$0x1E800] =	vst v63  }
.Ltmp3:
0x14e: {  	_ = 	snop;
	(pc) =	sbr.rel @p0 .LBB2_8-.Ltmp3, $4  }
0x14f: {  	s20 =	sadd.s32 $0x14080, s20  }
0x150: {  	[spmem:s18] =	stream.indirect.scatter.add.f32 [tilespmem:s5], [sflag:$0x3], $0x40, s20, s10, $0xb8;
	[tilespmem:$0x1E800] =	vst v63  }
0x151: {  	_ =	swait.ge [sflag:s6], $0x2000  }
0x152: {  	[sflag:s6] =	ssyncset.done $0x0  }
0x153: {  	[sflag:s6] =	ssyncadd.s32 $0xFFFFE000  }
0x154: {  	_ =	swait.ge [sflag:s11], $0x2000  }
0x155: {  	[sflag:s11] =	ssyncset.done $0x0  }
0x156: {  	[sflag:s11] =	ssyncadd.s32 $0xFFFFE000  }
0x157: {  	[tilespmem:s5], [sflag:$0x2] =	stream.indirect.gather [spmem:s0], $0x40, s13, s10, $0xb8;
	[tilespmem:$0x1E800] =	vst v63  }
0x158: {  	_ = 	snop  }
0x159: {  	[spmem:s18] =	stream.indirect.scatter.add.f32 [tilespmem:s7], [sflag:$0x3], $0x40, s15, s10, $0xb8;
	[tilespmem:$0x1E800] =	vst v63  }
0x15a: {  	_ =	swait.ge [sflag:s6], $0x2000  }
0x15b: {  	[sflag:s6] =	ssyncset.done $0x0  }
0x15c: {  	[sflag:s6] =	ssyncadd.s32 $0xFFFFE000  }
0x15d: {  	_ =	swait.ge [sflag:s12], $0x2000  }
0x15e: {  	[sflag:s12] =	ssyncset.done $0x0  }
0x15f: {  	[sflag:s12] =	ssyncadd.s32 $0xFFFFE000  }
0x160: {  	[spmem:s18] =	stream.indirect.scatter.add.f32 [tilespmem:s5], [sflag:$0x3], $0x40, s16, s10, $0xb8;
	[tilespmem:$0x1E800] =	vst v63  }
0x161: {  	_ =	swait.ge [sflag:s6], $0x2000  }
0x162: {  	[sflag:s6] =	ssyncset.done $0x0  }
0x163: {  	[sflag:s6] =	ssyncadd.s32 $0xFFFFE000  }
0x164: {  	[bflag:$0x0] =	sbarrier.arrive $0xFFFF  }
0x165: {  	[tilespmem:s7], [sflag:$0x3] =	stream.linear.gather [spmem:s25], $0x4000, $0x38;
	[tilespmem:$0x1E800] =	vst v63  }
0x166: {  	_ =	swait.ge [sflag:s6], $0x4000  }
0x167: {  	[sflag:s6] =	ssyncset.done $0x0  }
0x168: {  	s19 =	rddreg [dreg:$0x11];
	[sflag:s6] =	ssyncadd.s32 $0xFFFFC000  }
0x169: {  	[hbm4b:s19+s2] =	stream.linear.scatter [tilespmem:s7], [sflag:$0x3], $0x4000, $0x38;
	[tilespmem:$0x1E800] =	vst v63  }
0x16a: {  	_ =	swait.ge [sflag:s6], $0x4000  }
0x16b: {  	[sflag:s6] =	ssyncset.done $0x0  }
0x16c: {  	[sflag:s6] =	ssyncadd.s32 $0xFFFFC000  }
0x16d: {  	[tilespmem:s7], [sflag:$0x3] =	stream.linear.gather [spmem:s28], $0x4000, $0x38;
	[tilespmem:$0x1E800] =	vst v63  }
0x16e: {  	_ =	swait.ge [sflag:s6], $0x4000  }
0x16f: {  	[sflag:s6] =	ssyncset.done $0x0  }
0x170: {  	s21 =	rddreg [dreg:$0x12];
	[sflag:s6] =	ssyncadd.s32 $0xFFFFC000  }
0x171: {  	[hbm4b:s21+s2] =	stream.linear.scatter [tilespmem:s7], [sflag:$0x3], $0x4000, $0x38;
	[tilespmem:$0x1E800] =	vst v63  }
0x172: {  	_ =	swait.ge [sflag:s6], $0x4000  }
0x173: {  	[sflag:s6] =	ssyncset.done $0x0  }
0x174: {  	[sflag:s6] =	ssyncadd.s32 $0xFFFFC000  }
0x175: {  	[tilespmem:s7], [sflag:$0x3] =	stream.linear.gather [spmem:s30], $0x4000, $0x38;
	[tilespmem:$0x1E800] =	vst v63  }
0x176: {  	_ =	swait.ge [sflag:s6], $0x4000  }
0x177: {  	[sflag:s6] =	ssyncset.done $0x0  }
0x178: {  	s20 =	rddreg [dreg:$0x13];
	[sflag:s6] =	ssyncadd.s32 $0xFFFFC000  }
0x179: {  	[hbm4b:s20+s2] =	stream.linear.scatter [tilespmem:s7], [sflag:$0x3], $0x4000, $0x38;
	[tilespmem:$0x1E800] =	vst v63  }
0x17a: {  	_ =	swait.ge [sflag:s6], $0x4000  }
0x17b: {  	[sflag:s6] =	ssyncset.done $0x0  }
0x17c: {  	[sflag:s6] =	ssyncadd.s32 $0xFFFFC000  }
0x17d: {  	[tilespmem:s7], [sflag:$0x3] =	stream.linear.gather [spmem:s14], $0x4000, $0x38;
	[tilespmem:$0x1E800] =	vst v63  }
0x17e: {  	_ =	swait.ge [sflag:s6], $0x4000  }
0x17f: {  	[sflag:s6] =	ssyncset.done $0x0  }
0x180: {  	s21 =	rddreg [dreg:$0x14];
	[sflag:s6] =	ssyncadd.s32 $0xFFFFC000  }
0x181: {  	[hbm4b:s21+s2] =	stream.linear.scatter [tilespmem:s7], [sflag:$0x3], $0x4000, $0x38;
	[tilespmem:$0x1E800] =	vst v63  }
0x182: {  	_ =	swait.ge [sflag:s6], $0x4000  }
0x183: {  	[sflag:s6] =	ssyncset.done $0x0  }
0x184: {  	[sflag:s6] =	ssyncadd.s32 $0xFFFFC000  }
0x185: {  	[tilespmem:s7], [sflag:$0x3] =	stream.linear.gather [spmem:s3], $0x4000, $0x38;
	[tilespmem:$0x1E800] =	vst v63  }
0x186: {  	s17 =	sadd.s32 $0x1, s17;
	_ =	swait.ge [sflag:s6], $0x4000  }
0x187: {  	p0 =	sne.s32 s17, s4;
	[sflag:s6] =	ssyncset.done $0x0  }
.Ltmp4:
0x188: {  	[sflag:s6] =	ssyncadd.s32 $0xFFFFC000;
	(pc) =	sbr.rel @p0 .LBB2_1-.Ltmp4, $4  }
0x189: {  	[hbm4b:s22+s2] =	stream.linear.scatter [tilespmem:s7], [sflag:$0x3], $0x4000, $0x38;
	[tilespmem:$0x1E800] =	vst v63  }
0x18a: {  	_ =	swait.ge [sflag:s6], $0x4000  }
0x18b: {  	[sflag:s6] =	ssyncset.done $0x0  }
0x18c: {  	[sflag:s6] =	ssyncadd.s32 $0xFFFFC000  }
0x18d: {  	_ =	sfence.sel $0x180000  }
0x18e: {  	[bflag:$0x0] =	sbarrier.arrive $0xFFFF  }
0x18f: {  	_ =	strace $0x9000004A  }
0x190: {  	s0 =	stileid.u32;
	[bflag:$0x2] =	sbarrier.arrive $0xFFFF  }
0x191: {  	p0 =	sne.s32 s0, $0x0;
	s0 =	rddreg [dreg:$0x3]  }
0x192: {  	s0 =	sadd.s32 @!p0 $0x100000, s0  }
0x193: {  	[sflag:s0] =	ssyncadd.tile.s32 @!p0 $0x1;
	_ =	shalt  }
.Lfunc_end2:
_tile_overlayer_lowered:
.L_overlay_start_2:
0x194: {  	(tag) =	ssettag $0x2  }
0x195: {  	s0 =	rddreg [dreg:$0x0];
	s2 =	stileid.u32  }
0x196: {  	s1 =	rddreg [dreg:$0x1];
	p0 =	sne.s32 s2, $0x0  }
0x197: {  	s3 =	rddreg [dreg:$0x2];
	[bflag:$0x3] =	sbarrier.arrive $0xFFFF;
	s2 =	simm.s32 @!p0 $0x1C03  }
0x198: {  	[timem:s3], [sflag:s2] =	dma.local @!p0 [hbm:s0], s1  }
0x199: {  	s0 =	simm.s32 @!p0 $0x3  }
0x19a: {  	_ =	swait.ge @!p0 [sflag:s0], s1  }
0x19b: {  	s1 =	ssub.s32 @!p0 $0x0, s1;
	[sflag:s0] =	ssyncset.done @!p0 $0x0  }
0x19c: {  	[sflag:s0] =	ssyncadd.s32 @!p0 s1  }
0x19d: {  	[bflag:$0x3] =	sbarrier.arrive $0xFFFF  }
0x19e: {  	_ =	shalt  }

// kernel: kernel.14.cloned.1.call-start
scs
__scs_entry_jumppad:
0x0: {  	(pc) =	sbr.rel $0x88, $3  }
0x1: {  	(tag) =	ssettag $0x0;
	lr =	simm.s32 $0x1  }
0x2: {  	[smem:$0x3F95] =	sst lr;
	_ =	strace $0xD0000000  }
0x3: {  	_ = 	snop  }
0x4: {  	_ = 	snop  }
0x5: {  	_ = 	snop  }
0x6: {  	_ = 	snop  }
0x7: {  	_ = 	snop  }
__scs_overlays_trampoline_lowered:
0x8: {  	[smem:$0x3FA4] =	sst s0  }
0x9: {  	[smem:$0x3FA5] =	sst s1  }
0xa: {  	[smem:$0x3FA6] =	sst s2  }
0xb: {  	[smem:$0x3FA7] =	sst s3  }
0xc: {  	[smem:$0x3FA8] =	sst s4  }
0xd: {  	[smem:$0x3FA9] =	sst s5  }
0xe: {  	[smem:$0x3FAA] =	sst s6  }
0xf: {  	[smem:$0x3FAB] =	sst s7  }
0x10: {  	[smem:$0x3FAC] =	sst s8  }
0x11: {  	[smem:$0x3FAD] =	sst s9;
	s0 =	simm.s32 @!p0 $0x0  }
0x12: {  	s1 =	sld [smem:$0x3F93];
	s0 =	simm.s32 @p0 $0x1  }
0x13: {  	[smem:$0x3FAE] =	sst s0;
	s0 =	simm.s32 @!p1 $0x0  }
0x14: {  	s2 =	sld [smem:$0x3F92];
	s0 =	simm.s32 @p1 $0x1  }
0x15: {  	[smem:$0x3FAF] =	sst s0;
	s0 =	simm.s32 @!p2 $0x0  }
0x16: {  	s3 =	sld [smem:$0x3FDB];
	s0 =	simm.s32 @p2 $0x1  }
0x17: {  	s4 =	simm.s32 $0x1BF5;
	[smem:$0x3FB1] =	sst s0  }
0x18: {  	s0 =	sld [smem:$0x3F94];
	_ =	swait.ge [sflag:s4], $0x0  }
0x19: {  	s7 =	sld [smem:$0x3F95]  }
0x1a: {  	s8 =	sadd.s32 $0xFFFFE003, lr  }
0x1b: {  	s9 =	sadd.s32 $0xFFFFFEF7, lr;
	s5 =	simm.s32 $0xFFFFFFFF;
	p2 =	slt.u32 s8, $0xFFFFF086  }
0x1c: {  	p1 =	slt.u32 s9, $0xF7A;
	s5 =	simm.s32 @!p2 $0x0  }
0x1d: {  	s5 =	simm.s32 @p1 $0x1;
	p0 =	seq.s32 s7, s2  }
0x1e: {  	s7 =	smul.u32 @!p0 $0xF7A, s2;
	p2 =	seq.s32 @!p0 s5, $0x0  }
0x1f: {  	s9 =	smul.u32 $0xF7A, s1;
	s8 =	simm.s32 @!p0 $0x1BF5;
	p2 =	por !p2, p0  }
0x20: {  	[sflag:s8] =	ssyncset.s32 @!p0 $0xFFFFF086;
	s6 =	sadd.s32 @!p0 s3, s7;
	s7 =	simm.s32 @!p0 $0x108  }
0x21: {  	s3 =	sadd.s32 s3, s9;
	s6 =	sadd.s32 @!p0 $0x88, s6;
	s7 =	simm.s32 @p2 $0x1082  }
0x22: {  	[simem:s7], [sflag:s8] =	dma.local @!p0 [hbm:s6], $0xF7A  }
0x23: {  	s9 =	sor.u32 $0xD0000000, s2;
	s6 =	simm.s32 $0x108;
	_ =	swait.ge @!p0 [sflag:s8], $0x0  }
0x24: {  	s3 =	sadd.s32 $0x88, s3;
	s6 =	simm.s32 @!p1 $0x1082;
	[sflag:s4] =	ssyncset.s32 $0xFFFFF086  }
0x25: {  	[simem:s6], [sflag:s4] =	dma.local [hbm:s3], $0xF7A  }
0x26: {  	[smem:$0x3F95] =	sst s1;
	(tag) =	ssettag s2;
	_ =	strace s9  }
0x27: {  	s1 =	sld [smem:$0x3FA5]  }
0x28: {  	s2 =	sld [smem:$0x3FA6]  }
0x29: {  	s4 =	sld [smem:$0x3FA8]  }
0x2a: {  	p0 =	seq.s32 s5, $0x0;
	s5 =	sld [smem:$0x3FA9]  }
0x2b: {  	s6 =	sld [smem:$0x3FAA]  }
0x2c: {  	s7 =	sld [smem:$0x3FAB]  }
0x2d: {  	s3 =	simm.s32 $0x108;
	s8 =	sld [smem:$0x3FAC]  }
0x2e: {  	s3 =	simm.s32 @!p0 $0x1082;
	s9 =	sld [smem:$0x3FAD]  }
0x2f: {  	lr =	sadd.s32 s0, s3;
	s0 =	sld [smem:$0x3FA4]  }
0x30: {  	s3 =	sld [smem:$0x3FA7]  }
0x31: {  	[smem:$0x3FB0] =	sst s10  }
0x32: {  	s10 =	sld [smem:$0x3FAE];
	_ =	sdelay $0x3  }
0x33: {  	p0 =	seq.s32 s10, $0x1;
	s10 =	sld [smem:$0x3FB0];
	_ =	sdelay $0x3  }
0x34: {  	[smem:$0x3FB0] =	sst s10  }
0x35: {  	s10 =	sld [smem:$0x3FAF];
	_ =	sdelay $0x3  }
0x36: {  	p1 =	seq.s32 s10, $0x1;
	s10 =	sld [smem:$0x3FB0];
	_ =	sdelay $0x3  }
0x37: {  	[smem:$0x3FB0] =	sst s10  }
0x38: {  	s10 =	sld [smem:$0x3FB1]  }
0x39: {  	_ = 	snop;
	(pc) =	sbr.ind lr, $3  }
0x3a: {  	_ = 	snop  }
0x3b: {  	_ = 	snop  }
0x3c: {  	p2 =	seq.s32 s10, $0x1;
	s10 =	sld [smem:$0x3FB0]  }
0x3d: {  	_ =	shalt  }
0x3e: {  	_ =	shalt  }
0x3f: {  	_ =	shalt  }
0x40: {  	_ =	shalt  }
0x41: {  	_ =	shalt  }
0x42: {  	_ =	shalt  }
0x43: {  	_ =	shalt  }
0x44: {  	_ =	shalt  }
0x45: {  	_ =	shalt  }
0x46: {  	_ =	shalt  }
0x47: {  	_ =	shalt  }
0x48: {  	_ =	shalt  }
0x49: {  	_ =	shalt  }
0x4a: {  	_ =	shalt  }
0x4b: {  	_ =	shalt  }
0x4c: {  	_ =	shalt  }
0x4d: {  	_ =	shalt  }
0x4e: {  	_ =	shalt  }
0x4f: {  	_ =	shalt  }
0x50: {  	_ =	shalt  }
0x51: {  	_ =	shalt  }
0x52: {  	_ =	shalt  }
0x53: {  	_ =	shalt  }
0x54: {  	_ =	shalt  }
0x55: {  	_ =	shalt  }
0x56: {  	_ =	shalt  }
0x57: {  	_ =	shalt  }
0x58: {  	_ =	shalt  }
0x59: {  	_ =	shalt  }
0x5a: {  	_ =	shalt  }
0x5b: {  	_ =	shalt  }
0x5c: {  	_ =	shalt  }
0x5d: {  	_ =	shalt  }
0x5e: {  	_ =	shalt  }
0x5f: {  	_ =	shalt  }
0x60: {  	_ =	shalt  }
0x61: {  	_ =	shalt  }
0x62: {  	_ =	shalt  }
0x63: {  	_ =	shalt  }
0x64: {  	_ =	shalt  }
0x65: {  	_ =	shalt  }
0x66: {  	_ =	shalt  }
0x67: {  	_ =	shalt  }
0x68: {  	_ =	shalt  }
0x69: {  	_ =	shalt  }
0x6a: {  	_ =	shalt  }
0x6b: {  	_ =	shalt  }
0x6c: {  	_ =	shalt  }
0x6d: {  	_ =	shalt  }
0x6e: {  	_ =	shalt  }
0x6f: {  	_ =	shalt  }
0x70: {  	_ =	shalt  }
0x71: {  	_ =	shalt  }
0x72: {  	_ =	shalt  }
0x73: {  	_ =	shalt  }
0x74: {  	_ =	shalt  }
0x75: {  	_ =	shalt  }
0x76: {  	_ =	shalt  }
0x77: {  	_ =	shalt  }
0x78: {  	_ =	shalt  }
0x79: {  	_ =	shalt  }
0x7a: {  	_ =	shalt  }
0x7b: {  	_ =	shalt  }
0x7c: {  	_ =	shalt  }
0x7d: {  	_ =	shalt  }
0x7e: {  	_ =	shalt  }
0x7f: {  	_ =	shalt  }
0x80: {  	_ =	shalt  }
0x81: {  	_ =	shalt  }
0x82: {  	_ =	shalt  }
0x83: {  	_ =	shalt  }
0x84: {  	_ =	shalt  }
0x85: {  	_ =	shalt  }
0x86: {  	_ =	shalt  }
0x87: {  	_ =	shalt  }
.Lfunc_end0:
.L_simem_size_0:
called_computation.2_lowered:
.L_overlay_start_0:
0x88: {  	s2 =	sld [smem:$0x3FD9]  }
0x89: {  	s3 =	sld [smem:$0x3FFE];
	_ =	sdelay $0x1  }
0x8a: {  	s1 =	srdreg.scid  }
0x8b: {  	s0 =	sand.u32 $0x1, s1  }
0x8c: {  	s17 =	sshll.u32 s0, $0xA;
	s2 =	sadd.s32 s3, s2  }
0x8d: {  	s2 =	sadd.s32 s2, s17  }
0x8e: {  	[smem:$0x3FBC] =	sst s2  }
0x8f: {  	_ = 	snop  }
0x90: {  	s2 =	sld [smem:$0x3FC8];
	(tm) =	ssettm $0x1  }
0x91: {  	s18 =	sld [smem:$0x3FFB];
	_ =	sdelay $0x3  }
0x92: {  	_ =	strace s18  }
0x93: {  	s3 =	sld [smem:$0x3FFC];
	_ =	sdelay $0x3  }
0x94: {  	_ =	strace s3  }
0x95: {  	s3 =	sld [smem:$0x3FFD];
	_ =	sdelay $0x3  }
0x96: {  	_ =	strace s3  }
0x97: {  	_ =	strace $0x8FFFFFFF  }
0x98: {  	s19 =	sld [smem:$0x3FDB];
	_ =	sdelay $0x1  }
0x99: {  	s4 =	simm.s32 $_scs_section_size  }
0x9a: {  	s5 =	simm.s32 $_size__tile_overlayer_lowered;
	s6 =	simm.s32 $_tile_overlayer_lowered  }
0x9b: {  	s22 =	simm.s32 $0x1BFF;
	s21 =	sshll.u32 s6, $0x1;
	s3 =	sadd.s32 s4, s19  }
0x9c: {  	s7 =	simm.s32 $0x0;
	s20 =	sshll.u32 s5, $0x1;
	s5 =	sadd.s32 s21, s3  }
0x9d: {  	[timem:s7], [sflag:s22] =	dma.local [hbm:s5], s20  }
0x9e: {  	_ =	swait.ge [sflag:s22], s20  }
0x9f: {  	s4 =	ssub.s32 $0x0, s20;
	[sflag:s22] =	ssyncset.done $0x0  }
0xa0: {  	[sflag:s22] =	ssyncadd.s32 s4;
	_ =	sdelay $0x1  }
0xa1: {  	s23 =	simm.s32 $0x1B8B  }
0xa2: {  	_ =	swait.ge [sflag:s23], $0x1  }
0xa3: {  	[sflag:s23] =	ssyncset.done $0x0  }
0xa4: {  	s25 =	simm.s32 $0x1B8E;
	s24 =	sld [smem:$0x3FFE];
	[sflag:s23] =	ssyncadd.s32 $0xFFFFFFFF  }
0xa5: {  	s26 =	simm.s32 $execute0_lowered;
	[smem:$0x3FD2] =	sst s25  }
0xa6: {  	s5 =	sshll.u32 s26, $0x1;
	_ =	strace $0x8000004C;
	[dreg:$0x1] =	wrdreg $0xFFFFFFFF  }
0xa7: {  	s28 =	simm.s32 $_size_execute0_lowered;
	s3 =	sadd.s32 s3, s5;
	[dreg:$0x0] =	wrdreg $0x0  }
0xa8: {  	s5 =	sshll.u32 s28, $0x1;
	[dreg:$0x2] =	wrdreg s3  }
0xa9: {  	[dreg:$0x3] =	wrdreg s5  }
0xaa: {  	[dreg:$0x4] =	wrdreg $0xC0  }
0xab: {  	_ =	task [dreg:s7], $0x5FFFF  }
0xac: {  	[dreg:$0x1] =	wrdreg $0xFFFFFFFF  }
0xad: {  	[dreg:$0x0] =	wrdreg $0x60  }
0xae: {  	[dreg:$0x2] =	wrdreg s24  }
0xaf: {  	[dreg:$0x3] =	wrdreg s2  }
0xb0: {  	[dreg:$0x4] =	wrdreg $0x0  }
0xb1: {  	[dreg:$0x5] =	wrdreg $0xA0000  }
0xb2: {  	[dreg:$0x6] =	wrdreg $0x9  }
0xb3: {  	_ =	task.clear_ibuf [dreg:s7], $0x7FFFF;
	_ =	strace $0x9000004C  }
0xb4: {  	s29 =	simm.s32 $0x9;
	_ =	strace $0x8000004E  }
0xb5: {  	_ =	swait.ge [sflag:s29], $0x1  }
0xb6: {  	[sflag:s29] =	ssyncadd.s32 $0xFFFFFFFF  }
0xb7: {  	_ =	strace $0x9000004E  }
0xb8: {  	_ =	sfence  }
0xb9: {  	s30 =	sld [smem:$0x0];
	_ =	sdelay $0x2  }
0xba: {  	s31 =	sshll.u32 s1, $0xD;
	s1 =	sshrl.u32 s1, $0x2  }
0xbb: {  	s3 =	sand.u32 $0x4000, s31;
	s1 =	sadd.s32 s1, s30  }
0xbc: {  	s0 =	sor.u32 s3, s0;
	s1 =	sshll.u32 s1, $0x11  }
0xbd: {  	s0 =	sor.u32 s1, s0  }
0xbe: {  	s0 =	sadd.s32 $0x8F2B, s0  }
0xbf: {  	[sflag:s0] =	ssyncadd.remote.s32 $0x1  }
0xc0: {  	_ =	sfence.sel $0xFFFF  }
0xc1: {  	[dreg:$0x0] =	wrdreg $0xFFFFFFFF;
	(pc) =	sbr.abs _section_cstart, $3  }
0xc2: {  	[dreg:$0x1] =	wrdreg $0xFFFFFFFF  }
0xc3: {  	_ =	task.clear_ibuf [dreg:s7], $0x2FFFF;
	_ =	strace $0x9FFFFFFF  }
0xc4: {  	(tm) =	ssettm $0x7FFFFFFF  }
0xc5: {  	_ =	shalt  }
tec
execute0_lowered:
.L_overlay_start_1:
0x0: {  	(tag) =	ssettag $0x1  }
0x1: {  	s2 =	rddreg [dreg:$0x0]  }
0x2: {  	s3 =	rddreg [dreg:$0x1]  }
0x3: {  	s0 =	rddreg [dreg:$0x2]  }
0x4: {  	s1 =	simm.s32 $0x0;
	s5 =	srdreg.scid;
	s18 =	stileid.u32  }
0x5: {  	[smem:$0x7FF] =	sst s1;
	s4 =	sadd.s32 $0xD600, s2;
	s6 =	sadd.s32 $0x2E00, s2  }
0x6: {  	s5 =	sand.u32 $0x1, s5;
	s9 =	smul.u32 $0x14000, s18;
	s10 =	sshll.u32 s18, $0xC  }
0x7: {  	s8 =	sshll.u32 s5, $0x10;
	s11 =	ssub.s32 $0x2, s5;
	s5 =	smul.u32 $0x140000, s5  }
0x8: {  	s7 =	sadd.s32 $0x7FE00, s2;
	s8 =	sor.u32 s10, s8;
	s15 =	sshrl.u32 s11, $0x1  }
0x9: {  	s12 =	sadd.s32 $0x4000, s9;
	s14 =	sadd.s32 $0x8000, s9;
	s16 =	sadd.s32 s9, s5  }
0xa: {  	s10 =	ssub.s32 s11, s15;
	s13 =	sadd.s32 s5, s12;
	s11 =	sshrl.u32 s16, $0x3  }
0xb: {  	s19 =	sadd.s32 s5, s14;
	s13 =	sshrl.u32 s13, $0x3;
	s11 =	sadd.s32 s4, s11  }
0xc: {  	s15 =	sadd.s32 $0x10000, s9;
	s17 =	sadd.s32 s4, s13;
	[dreg:$0x5] =	wrdreg s11  }
0xd: {  	s29 =	sadd.s32 s15, s0;
	s13 =	sadd.s32 $0xC000, s9;
	[dreg:$0x6] =	wrdreg s17  }
0xe: {  	s11 =	sshrl.u32 s19, $0x3;
	s16 =	sadd.s32 s5, s13;
	s5 =	sadd.s32 s5, s15  }
0xf: {  	s17 =	smul.u32 $0x5000, s18;
	s19 =	sshll.u32 s18, $0x5;
	s11 =	sadd.s32 s4, s11  }
0x10: {  	s20 =	sshrl.u32 s16, $0x3;
	s5 =	sshrl.u32 s5, $0x3;
	s3 =	sadd.s32 s3, s19  }
0x11: {  	[dreg:$0x7] =	wrdreg s11;
	s11 =	sadd.s32 s4, s20;
	s4 =	sadd.s32 s4, s5  }
0x12: {  	s21 =	sshrl.u32 s17, $0x3;
	[dreg:$0x12] =	wrdreg s3;
	s20 =	sadd.s32 s8, s2  }
0x13: {  	s2 =	sadd.s32 $0xCE00, s2;
	s3 =	simm.s32 $0x1A800;
	[dreg:$0x8] =	wrdreg s11  }
0x14: {  	s8 =	simm.s32 $0x80;
	[dreg:$0x9] =	wrdreg s4;
	s22 =	sadd.s32 s6, s21  }
0x15: {  	s23 =	sadd.s32 s7, s21;
	s24 =	sadd.s32 $0x280, s21;
	[dreg:$0xa] =	wrdreg s22  }
0x16: {  	s26 =	sadd.s32 $0x500, s21;
	[dreg:$0xb] =	wrdreg s23;
	s25 =	sadd.s32 s6, s24  }
0x17: {  	s4 =	sadd.s32 $0x780, s21;
	s5 =	sadd.s32 s7, s24;
	[dreg:$0xc] =	wrdreg s25  }
0x18: {  	s31 =	sadd.s32 $0x89E00, s20;
	s16 =	sadd.s32 s6, s26;
	[dreg:$0xd] =	wrdreg s5  }
0x19: {  	s11 =	simm.s32 $0x16780;
	s17 =	sadd.s32 s6, s4;
	[dreg:$0xe] =	wrdreg s16  }
0x1a: {  	s4 =	sadd.s32 s7, s4;
	s22 =	sadd.s32 s12, s0;
	[dreg:$0x10] =	wrdreg s17  }
0x1b: {  	s24 =	sadd.s32 s14, s0;
	s6 =	simm.s32 $0x14000;
	s16 =	rddreg [dreg:$0x3]  }
0x1c: {  	s5 =	sadd.s32 s7, s26;
	[dreg:$0x11] =	wrdreg s4;
	s26 =	sadd.s32 s9, s0  }
0x1d: {  	s4 =	simm.s32 $0x3;
	s7 =	simm.s32 $0x15400;
	s17 =	simm.s32 $0x0  }
0x1e: {  	[dreg:$0xf] =	wrdreg s5;
	s21 =	sadd.s32 s9, s16;
	s23 =	sadd.s32 s12, s16  }
0x1f: {  	s25 =	sadd.s32 s14, s16;
	s28 =	sadd.s32 s13, s16;
	s30 =	sadd.s32 s15, s16  }
0x20: {  	s14 =	sadd.s32 $0x8A600, s20;
	s5 =	simm.s32 $0x16800;
	s9 =	simm.s32 $0x1  }
0x21: {  	s12 =	simm.s32 $0x15300;
	_ =	strace $0x8000004D;
	[dreg:$0x13] =	wrdreg s2  }
0x22: {  	s15 =	simm.s32 $0x1E800;
	[dreg:$0x14] =	wrdreg s26;
	s26 =	sadd.s32 s13, s0  }
0x23: {  	s2 =	smax.u32 s10, $0x1;
	s10 =	simm.s32 $0x2;
	s13 =	simm.s32 $0x15380  }
.LBB2_1:
0x24: {  	s18 =	rddreg [dreg:$0x13]  }
0x25: {  	[tilespmem:s3], [sflag:$0x3] =	stream.linear.gather [hbm4b:s18+s1], $0x4000, $0x38;
	[tilespmem:$0x1E900] =	vst v63  }
0x26: {  	_ =	swait.ge [sflag:s4], $0x4000  }
0x27: {  	[sflag:s4] =	ssyncset.done $0x0  }
0x28: {  	s19 =	rddreg [dreg:$0x5];
	[sflag:s4] =	ssyncadd.s32 $0xFFFFC000  }
0x29: {  	[tilespmem:s5], [sflag:$0x3] =	stream.linear.gather [hbm4b:s19+s1], $0x4000, $0x38;
	[tilespmem:$0x1E900] =	vst v63  }
0x2a: {  	_ =	swait.ge [sflag:s4], $0x4000  }
0x2b: {  	[sflag:s4] =	ssyncset.done $0x0  }
0x2c: {  	s20 =	rddreg [dreg:$0x14];
	[sflag:s4] =	ssyncadd.s32 $0xFFFFC000  }
0x2d: {  	[spmem:s20] =	stream.linear.scatter [tilespmem:s5], [sflag:$0x3], $0x4000, $0x38;
	[tilespmem:$0x1E900] =	vst v63  }
0x2e: {  	_ =	swait.ge [sflag:s4], $0x4000  }
0x2f: {  	[sflag:s4] =	ssyncset.done $0x0  }
0x30: {  	[sflag:s4] =	ssyncadd.s32 $0xFFFFC000  }
0x31: {  	[spmem:s21] =	stream.linear.scatter [tilespmem:s3], [sflag:$0x3], $0x4000, $0x38;
	[tilespmem:$0x1E900] =	vst v63  }
0x32: {  	_ =	swait.ge [sflag:s4], $0x4000  }
0x33: {  	[sflag:s4] =	ssyncset.done $0x0  }
0x34: {  	s19 =	rddreg [dreg:$0x6];
	[sflag:s4] =	ssyncadd.s32 $0xFFFFC000  }
0x35: {  	[tilespmem:s5], [sflag:$0x3] =	stream.linear.gather [hbm4b:s19+s1], $0x4000, $0x38;
	[tilespmem:$0x1E900] =	vst v63  }
0x36: {  	_ =	swait.ge [sflag:s4], $0x4000  }
0x37: {  	[sflag:s4] =	ssyncset.done $0x0  }
0x38: {  	[sflag:s4] =	ssyncadd.s32 $0xFFFFC000  }
0x39: {  	[spmem:s22] =	stream.linear.scatter [tilespmem:s5], [sflag:$0x3], $0x4000, $0x38;
	[tilespmem:$0x1E900] =	vst v63  }
0x3a: {  	_ =	swait.ge [sflag:s4], $0x4000  }
0x3b: {  	[sflag:s4] =	ssyncset.done $0x0  }
0x3c: {  	[sflag:s4] =	ssyncadd.s32 $0xFFFFC000  }
0x3d: {  	[spmem:s23] =	stream.linear.scatter [tilespmem:s3], [sflag:$0x3], $0x4000, $0x38;
	[tilespmem:$0x1E900] =	vst v63  }
0x3e: {  	_ =	swait.ge [sflag:s4], $0x4000  }
0x3f: {  	[sflag:s4] =	ssyncset.done $0x0  }
0x40: {  	s20 =	rddreg [dreg:$0x7];
	[sflag:s4] =	ssyncadd.s32 $0xFFFFC000  }
0x41: {  	[tilespmem:s5], [sflag:$0x3] =	stream.linear.gather [hbm4b:s20+s1], $0x4000, $0x38;
	[tilespmem:$0x1E900] =	vst v63  }
0x42: {  	_ =	swait.ge [sflag:s4], $0x4000  }
0x43: {  	[sflag:s4] =	ssyncset.done $0x0  }
0x44: {  	[sflag:s4] =	ssyncadd.s32 $0xFFFFC000  }
0x45: {  	[spmem:s24] =	stream.linear.scatter [tilespmem:s5], [sflag:$0x3], $0x4000, $0x38;
	[tilespmem:$0x1E900] =	vst v63  }
0x46: {  	_ =	swait.ge [sflag:s4], $0x4000  }
0x47: {  	[sflag:s4] =	ssyncset.done $0x0  }
0x48: {  	[sflag:s4] =	ssyncadd.s32 $0xFFFFC000  }
0x49: {  	[spmem:s25] =	stream.linear.scatter [tilespmem:s3], [sflag:$0x3], $0x4000, $0x38;
	[tilespmem:$0x1E900] =	vst v63  }
0x4a: {  	_ =	swait.ge [sflag:s4], $0x4000  }
0x4b: {  	[sflag:s4] =	ssyncset.done $0x0  }
0x4c: {  	s19 =	rddreg [dreg:$0x8];
	[sflag:s4] =	ssyncadd.s32 $0xFFFFC000  }
0x4d: {  	[tilespmem:s5], [sflag:$0x3] =	stream.linear.gather [hbm4b:s19+s1], $0x4000, $0x38;
	[tilespmem:$0x1E900] =	vst v63  }
0x4e: {  	_ =	swait.ge [sflag:s4], $0x4000  }
0x4f: {  	[sflag:s4] =	ssyncset.done $0x0  }
0x50: {  	[sflag:s4] =	ssyncadd.s32 $0xFFFFC000  }
0x51: {  	[spmem:s26] =	stream.linear.scatter [tilespmem:s5], [sflag:$0x3], $0x4000, $0x38;
	[tilespmem:$0x1E900] =	vst v63  }
0x52: {  	_ =	swait.ge [sflag:s4], $0x4000  }
0x53: {  	[sflag:s4] =	ssyncset.done $0x0  }
0x54: {  	[sflag:s4] =	ssyncadd.s32 $0xFFFFC000  }
0x55: {  	[spmem:s28] =	stream.linear.scatter [tilespmem:s3], [sflag:$0x3], $0x4000, $0x38;
	[tilespmem:$0x1E900] =	vst v63  }
0x56: {  	_ =	swait.ge [sflag:s4], $0x4000  }
0x57: {  	[sflag:s4] =	ssyncset.done $0x0  }
0x58: {  	s20 =	rddreg [dreg:$0x9];
	[sflag:s4] =	ssyncadd.s32 $0xFFFFC000  }
0x59: {  	[tilespmem:s5], [sflag:$0x3] =	stream.linear.gather [hbm4b:s20+s1], $0x4000, $0x38;
	[tilespmem:$0x1E900] =	vst v63  }
0x5a: {  	_ =	swait.ge [sflag:s4], $0x4000  }
0x5b: {  	[sflag:s4] =	ssyncset.done $0x0  }
0x5c: {  	[sflag:s4] =	ssyncadd.s32 $0xFFFFC000  }
0x5d: {  	[spmem:s29] =	stream.linear.scatter [tilespmem:s5], [sflag:$0x3], $0x4000, $0x38;
	[tilespmem:$0x1E900] =	vst v63  }
0x5e: {  	_ =	swait.ge [sflag:s4], $0x4000  }
0x5f: {  	[sflag:s4] =	ssyncset.done $0x0  }
0x60: {  	[sflag:s4] =	ssyncadd.s32 $0xFFFFC000  }
0x61: {  	[spmem:s30] =	stream.linear.scatter [tilespmem:s3], [sflag:$0x3], $0x4000, $0x38;
	[tilespmem:$0x1E900] =	vst v63  }
0x62: {  	_ =	swait.ge [sflag:s4], $0x4000  }
0x63: {  	[sflag:s4] =	ssyncset.done $0x0  }
0x64: {  	[sflag:s4] =	ssyncadd.s32 $0xFFFFC000  }
0x65: {  	[bflag:$0x0] =	sbarrier.arrive $0xFFFF  }
0x66: {  	s19 =	rddreg [dreg:$0xa]  }
0x67: {  	[tilespmem:s6], [sflag:$0x3] =	stream.linear.gather [hbm4b:s19+s1], $0x1400, $0x38;
	[tilespmem:$0x1E900] =	vst v63  }
0x68: {  	_ =	swait.ge [sflag:s4], $0x1400  }
0x69: {  	[sflag:s4] =	ssyncset.done $0x0  }
0x6a: {  	s20 =	rddreg [dreg:$0xb];
	[sflag:s4] =	ssyncadd.s32 $0xFFFFEC00  }
0x6b: {  	[tilespmem:s7], [sflag:$0x3] =	stream.linear.gather [hbm4b:s20+s1], $0x1400, $0x38;
	[tilespmem:$0x1E900] =	vst v63  }
0x6c: {  	_ =	swait.ge [sflag:s4], $0x1400  }
0x6d: {  	[sflag:s4] =	ssyncset.done $0x0  }
0x6e: {  	[sflag:s4] =	ssyncadd.s32 $0xFFFFEC00  }
0x6f: {  	[tilespmem:s5], [sflag:$0x1] =	stream.indirect.gather [spmem:s0], $0x40, s7, s8, $0xb8;
	[tilespmem:$0x1E900] =	vst v63  }
0x70: {  	_ =	swait.ge [sflag:s9], $0x2000  }
0x71: {  	[sflag:s9] =	ssyncset.done $0x0  }
0x72: {  	s19 =	simm.s32 $0x15480;
	[sflag:s9] =	ssyncadd.s32 $0xFFFFE000  }
0x73: {  	[tilespmem:s3], [sflag:$0x2] =	stream.indirect.gather [spmem:s0], $0x40, s19, s8, $0xb8;
	[tilespmem:$0x1E900] =	vst v63  }
0x74: {  	s20 =	simm.s32 $0x14000  }
0x75: {  	[spmem:s16] =	stream.indirect.scatter.add.f32 [tilespmem:s5], [sflag:$0x3], $0x40, s20, s8, $0xb8;
	[tilespmem:$0x1E900] =	vst v63  }
0x76: {  	_ =	swait.ge [sflag:s4], $0x2000  }
0x77: {  	[sflag:s4] =	ssyncset.done $0x0  }
0x78: {  	[sflag:s4] =	ssyncadd.s32 $0xFFFFE000  }
0x79: {  	_ =	swait.ge [sflag:s10], $0x2000  }
0x7a: {  	[sflag:s10] =	ssyncset.done $0x0  }
0x7b: {  	s19 =	simm.s32 $0x15500;
	[sflag:s10] =	ssyncadd.s32 $0xFFFFE000  }
0x7c: {  	[tilespmem:s5], [sflag:$0x1] =	stream.indirect.gather [spmem:s0], $0x40, s19, s8, $0xb8;
	[tilespmem:$0x1E900] =	vst v63  }
0x7d: {  	s20 =	simm.s32 $0x14080  }
0x7e: {  	[spmem:s16] =	stream.indirect.scatter.add.f32 [tilespmem:s3], [sflag:$0x3], $0x40, s20, s8, $0xb8;
	[tilespmem:$0x1E900] =	vst v63  }
0x7f: {  	_ =	swait.ge [sflag:s4], $0x2000  }
0x80: {  	s18 =	simm.s32 $0x400;
	[sflag:s4] =	ssyncset.done $0x0  }
.LBB2_2:
0x81: {  	p0 =	sne.s32 s18, $0x4800  }
0x82: {  	[sflag:s4] =	ssyncadd.s32 $0xFFFFE000;
	s19 =	smov.u32 s18;
	s18 =	sadd.s32 $0x400, s18  }
0x83: {  	_ = 	snop  }
0x84: {  	_ =	swait.ge [sflag:s9], $0x2000  }
0x85: {  	s19 =	sshra.s32 s19, $0x2;
	[sflag:s9] =	ssyncset.done $0x0  }
0x86: {  	s20 =	sadd.s32 $0x15480, s19;
	[sflag:s9] =	ssyncadd.s32 $0xFFFFE000  }
0x87: {  	[tilespmem:s3], [sflag:$0x2] =	stream.indirect.gather [spmem:s0], $0x40, s20, s8, $0xb8;
	[tilespmem:$0x1E900] =	vst v63  }
0x88: {  	s20 =	sadd.s32 $0x14000, s19  }
0x89: {  	[spmem:s16] =	stream.indirect.scatter.add.f32 [tilespmem:s5], [sflag:$0x3], $0x40, s20, s8, $0xb8;
	[tilespmem:$0x1E900] =	vst v63  }
0x8a: {  	_ =	swait.ge [sflag:s4], $0x2000  }
0x8b: {  	[sflag:s4] =	ssyncset.done $0x0  }
0x8c: {  	[sflag:s4] =	ssyncadd.s32 $0xFFFFE000  }
0x8d: {  	_ =	swait.ge [sflag:s10], $0x2000  }
0x8e: {  	[sflag:s10] =	ssyncset.done $0x0  }
0x8f: {  	s20 =	sadd.s32 $0x15500, s19;
	[sflag:s10] =	ssyncadd.s32 $0xFFFFE000  }
0x90: {  	[tilespmem:s5], [sflag:$0x1] =	stream.indirect.gather [spmem:s0], $0x40, s20, s8, $0xb8;
	[tilespmem:$0x1E900] =	vst v63  }
.Ltmp0:
0x91: {  	_ = 	snop;
	(pc) =	sbr.rel @p0 .LBB2_2-.Ltmp0, $4  }
0x92: {  	s19 =	sadd.s32 $0x14080, s19  }
0x93: {  	[spmem:s16] =	stream.indirect.scatter.add.f32 [tilespmem:s3], [sflag:$0x3], $0x40, s19, s8, $0xb8;
	[tilespmem:$0x1E900] =	vst v63  }
0x94: {  	_ =	swait.ge [sflag:s4], $0x2000  }
0x95: {  	[sflag:s4] =	ssyncset.done $0x0  }
0x96: {  	[sflag:s4] =	ssyncadd.s32 $0xFFFFE000  }
0x97: {  	_ =	swait.ge [sflag:s9], $0x2000  }
0x98: {  	[sflag:s9] =	ssyncset.done $0x0  }
0x99: {  	[sflag:s9] =	ssyncadd.s32 $0xFFFFE000  }
0x9a: {  	[tilespmem:s3], [sflag:$0x2] =	stream.indirect.gather [spmem:s0], $0x40, s11, s8, $0xb8;
	[tilespmem:$0x1E900] =	vst v63  }
0x9b: {  	_ = 	snop  }
0x9c: {  	[spmem:s16] =	stream.indirect.scatter.add.f32 [tilespmem:s5], [sflag:$0x3], $0x40, s12, s8, $0xb8;
	[tilespmem:$0x1E900] =	vst v63  }
0x9d: {  	_ =	swait.ge [sflag:s4], $0x2000  }
0x9e: {  	[sflag:s4] =	ssyncset.done $0x0  }
0x9f: {  	[sflag:s4] =	ssyncadd.s32 $0xFFFFE000  }
0xa0: {  	_ =	swait.ge [sflag:s10], $0x2000  }
0xa1: {  	[sflag:s10] =	ssyncset.done $0x0  }
0xa2: {  	[sflag:s10] =	ssyncadd.s32 $0xFFFFE000  }
0xa3: {  	[spmem:s16] =	stream.indirect.scatter.add.f32 [tilespmem:s3], [sflag:$0x3], $0x40, s13, s8, $0xb8;
	[tilespmem:$0x1E900] =	vst v63  }
0xa4: {  	_ =	swait.ge [sflag:s4], $0x2000  }
0xa5: {  	[sflag:s4] =	ssyncset.done $0x0  }
0xa6: {  	s18 =	simm.s32 $0x0;
	s19 =	rddreg [dreg:$0xc];
	[sflag:s4] =	ssyncadd.s32 $0xFFFFE000  }
0xa7: {  	[tilespmem:s6], [sflag:$0x3] =	stream.linear.gather [hbm4b:s19+s18], $0x1400, $0x38;
	[tilespmem:$0x1E900] =	vst v63  }
0xa8: {  	_ =	swait.ge [sflag:s4], $0x1400  }
0xa9: {  	[sflag:s4] =	ssyncset.done $0x0  }
0xaa: {  	s20 =	rddreg [dreg:$0xd];
	[sflag:s4] =	ssyncadd.s32 $0xFFFFEC00  }
0xab: {  	[tilespmem:s7], [sflag:$0x3] =	stream.linear.gather [hbm4b:s20+s18], $0x1400, $0x38;
	[tilespmem:$0x1E900] =	vst v63  }
0xac: {  	_ =	swait.ge [sflag:s4], $0x1400  }
0xad: {  	[sflag:s4] =	ssyncset.done $0x0  }
0xae: {  	[sflag:s4] =	ssyncadd.s32 $0xFFFFEC00  }
0xaf: {  	[tilespmem:s5], [sflag:$0x1] =	stream.indirect.gather [spmem:s0], $0x40, s7, s8, $0xb8;
	[tilespmem:$0x1E900] =	vst v63  }
0xb0: {  	_ =	swait.ge [sflag:s9], $0x2000  }
0xb1: {  	[sflag:s9] =	ssyncset.done $0x0  }
0xb2: {  	s19 =	simm.s32 $0x15480;
	[sflag:s9] =	ssyncadd.s32 $0xFFFFE000  }
0xb3: {  	[tilespmem:s3], [sflag:$0x2] =	stream.indirect.gather [spmem:s0], $0x40, s19, s8, $0xb8;
	[tilespmem:$0x1E900] =	vst v63  }
0xb4: {  	s20 =	simm.s32 $0x14000  }
0xb5: {  	[spmem:s16] =	stream.indirect.scatter.add.f32 [tilespmem:s5], [sflag:$0x3], $0x40, s20, s8, $0xb8;
	[tilespmem:$0x1E900] =	vst v63  }
0xb6: {  	_ =	swait.ge [sflag:s4], $0x2000  }
0xb7: {  	[sflag:s4] =	ssyncset.done $0x0  }
0xb8: {  	[sflag:s4] =	ssyncadd.s32 $0xFFFFE000  }
0xb9: {  	_ =	swait.ge [sflag:s10], $0x2000  }
0xba: {  	[sflag:s10] =	ssyncset.done $0x0  }
0xbb: {  	s19 =	simm.s32 $0x15500;
	[sflag:s10] =	ssyncadd.s32 $0xFFFFE000  }
0xbc: {  	[tilespmem:s5], [sflag:$0x1] =	stream.indirect.gather [spmem:s0], $0x40, s19, s8, $0xb8;
	[tilespmem:$0x1E900] =	vst v63  }
0xbd: {  	s20 =	simm.s32 $0x14080  }
0xbe: {  	[spmem:s16] =	stream.indirect.scatter.add.f32 [tilespmem:s3], [sflag:$0x3], $0x40, s20, s8, $0xb8;
	[tilespmem:$0x1E900] =	vst v63  }
0xbf: {  	_ =	swait.ge [sflag:s4], $0x2000  }
0xc0: {  	s18 =	simm.s32 $0x400;
	[sflag:s4] =	ssyncset.done $0x0  }
.LBB2_4:
0xc1: {  	p0 =	sne.s32 s18, $0x4800  }
0xc2: {  	[sflag:s4] =	ssyncadd.s32 $0xFFFFE000;
	s19 =	smov.u32 s18;
	s18 =	sadd.s32 $0x400, s18  }
0xc3: {  	_ = 	snop  }
0xc4: {  	_ =	swait.ge [sflag:s9], $0x2000  }
0xc5: {  	s19 =	sshra.s32 s19, $0x2;
	[sflag:s9] =	ssyncset.done $0x0  }
0xc6: {  	s20 =	sadd.s32 $0x15480, s19;
	[sflag:s9] =	ssyncadd.s32 $0xFFFFE000  }
0xc7: {  	[tilespmem:s3], [sflag:$0x2] =	stream.indirect.gather [spmem:s0], $0x40, s20, s8, $0xb8;
	[tilespmem:$0x1E900] =	vst v63  }
0xc8: {  	s20 =	sadd.s32 $0x14000, s19  }
0xc9: {  	[spmem:s16] =	stream.indirect.scatter.add.f32 [tilespmem:s5], [sflag:$0x3], $0x40, s20, s8, $0xb8;
	[tilespmem:$0x1E900] =	vst v63  }
0xca: {  	_ =	swait.ge [sflag:s4], $0x2000  }
0xcb: {  	[sflag:s4] =	ssyncset.done $0x0  }
0xcc: {  	[sflag:s4] =	ssyncadd.s32 $0xFFFFE000  }
0xcd: {  	_ =	swait.ge [sflag:s10], $0x2000  }
0xce: {  	[sflag:s10] =	ssyncset.done $0x0  }
0xcf: {  	s20 =	sadd.s32 $0x15500, s19;
	[sflag:s10] =	ssyncadd.s32 $0xFFFFE000  }
0xd0: {  	[tilespmem:s5], [sflag:$0x1] =	stream.indirect.gather [spmem:s0], $0x40, s20, s8, $0xb8;
	[tilespmem:$0x1E900] =	vst v63  }
.Ltmp1:
0xd1: {  	_ = 	snop;
	(pc) =	sbr.rel @p0 .LBB2_4-.Ltmp1, $4  }
0xd2: {  	s19 =	sadd.s32 $0x14080, s19  }
0xd3: {  	[spmem:s16] =	stream.indirect.scatter.add.f32 [tilespmem:s3], [sflag:$0x3], $0x40, s19, s8, $0xb8;
	[tilespmem:$0x1E900] =	vst v63  }
0xd4: {  	_ =	swait.ge [sflag:s4], $0x2000  }
0xd5: {  	[sflag:s4] =	ssyncset.done $0x0  }
0xd6: {  	[sflag:s4] =	ssyncadd.s32 $0xFFFFE000  }
0xd7: {  	_ =	swait.ge [sflag:s9], $0x2000  }
0xd8: {  	[sflag:s9] =	ssyncset.done $0x0  }
0xd9: {  	[sflag:s9] =	ssyncadd.s32 $0xFFFFE000  }
0xda: {  	[tilespmem:s3], [sflag:$0x2] =	stream.indirect.gather [spmem:s0], $0x40, s11, s8, $0xb8;
	[tilespmem:$0x1E900] =	vst v63  }
0xdb: {  	_ = 	snop  }
0xdc: {  	[spmem:s16] =	stream.indirect.scatter.add.f32 [tilespmem:s5], [sflag:$0x3], $0x40, s12, s8, $0xb8;
	[tilespmem:$0x1E900] =	vst v63  }
0xdd: {  	_ =	swait.ge [sflag:s4], $0x2000  }
0xde: {  	[sflag:s4] =	ssyncset.done $0x0  }
0xdf: {  	[sflag:s4] =	ssyncadd.s32 $0xFFFFE000  }
0xe0: {  	_ =	swait.ge [sflag:s10], $0x2000  }
0xe1: {  	[sflag:s10] =	ssyncset.done $0x0  }
0xe2: {  	[sflag:s10] =	ssyncadd.s32 $0xFFFFE000  }
0xe3: {  	[spmem:s16] =	stream.indirect.scatter.add.f32 [tilespmem:s3], [sflag:$0x3], $0x40, s13, s8, $0xb8;
	[tilespmem:$0x1E900] =	vst v63  }
0xe4: {  	_ =	swait.ge [sflag:s4], $0x2000  }
0xe5: {  	[sflag:s4] =	ssyncset.done $0x0  }
0xe6: {  	s18 =	simm.s32 $0x0;
	s19 =	rddreg [dreg:$0xe];
	[sflag:s4] =	ssyncadd.s32 $0xFFFFE000  }
0xe7: {  	[tilespmem:s6], [sflag:$0x3] =	stream.linear.gather [hbm4b:s19+s18], $0x1400, $0x38;
	[tilespmem:$0x1E900] =	vst v63  }
0xe8: {  	_ =	swait.ge [sflag:s4], $0x1400  }
0xe9: {  	[sflag:s4] =	ssyncset.done $0x0  }
0xea: {  	s20 =	rddreg [dreg:$0xf];
	[sflag:s4] =	ssyncadd.s32 $0xFFFFEC00  }
0xeb: {  	[tilespmem:s7], [sflag:$0x3] =	stream.linear.gather [hbm4b:s20+s18], $0x1400, $0x38;
	[tilespmem:$0x1E900] =	vst v63  }
0xec: {  	_ =	swait.ge [sflag:s4], $0x1400  }
0xed: {  	[sflag:s4] =	ssyncset.done $0x0  }
0xee: {  	[sflag:s4] =	ssyncadd.s32 $0xFFFFEC00  }
0xef: {  	[tilespmem:s5], [sflag:$0x1] =	stream.indirect.gather [spmem:s0], $0x40, s7, s8, $0xb8;
	[tilespmem:$0x1E900] =	vst v63  }
0xf0: {  	_ =	swait.ge [sflag:s9], $0x2000  }
0xf1: {  	[sflag:s9] =	ssyncset.done $0x0  }
0xf2: {  	s19 =	simm.s32 $0x15480;
	[sflag:s9] =	ssyncadd.s32 $0xFFFFE000  }
0xf3: {  	[tilespmem:s3], [sflag:$0x2] =	stream.indirect.gather [spmem:s0], $0x40, s19, s8, $0xb8;
	[tilespmem:$0x1E900] =	vst v63  }
0xf4: {  	s20 =	simm.s32 $0x14000  }
0xf5: {  	[spmem:s16] =	stream.indirect.scatter.add.f32 [tilespmem:s5], [sflag:$0x3], $0x40, s20, s8, $0xb8;
	[tilespmem:$0x1E900] =	vst v63  }
0xf6: {  	_ =	swait.ge [sflag:s4], $0x2000  }
0xf7: {  	[sflag:s4] =	ssyncset.done $0x0  }
0xf8: {  	[sflag:s4] =	ssyncadd.s32 $0xFFFFE000  }
0xf9: {  	_ =	swait.ge [sflag:s10], $0x2000  }
0xfa: {  	[sflag:s10] =	ssyncset.done $0x0  }
0xfb: {  	s19 =	simm.s32 $0x15500;
	[sflag:s10] =	ssyncadd.s32 $0xFFFFE000  }
0xfc: {  	[tilespmem:s5], [sflag:$0x1] =	stream.indirect.gather [spmem:s0], $0x40, s19, s8, $0xb8;
	[tilespmem:$0x1E900] =	vst v63  }
0xfd: {  	s20 =	simm.s32 $0x14080  }
0xfe: {  	[spmem:s16] =	stream.indirect.scatter.add.f32 [tilespmem:s3], [sflag:$0x3], $0x40, s20, s8, $0xb8;
	[tilespmem:$0x1E900] =	vst v63  }
0xff: {  	_ =	swait.ge [sflag:s4], $0x2000  }
0x100: {  	s18 =	simm.s32 $0x400;
	[sflag:s4] =	ssyncset.done $0x0  }
.LBB2_6:
0x101: {  	p0 =	sne.s32 s18, $0x4800  }
0x102: {  	[sflag:s4] =	ssyncadd.s32 $0xFFFFE000;
	s19 =	smov.u32 s18;
	s18 =	sadd.s32 $0x400, s18  }
0x103: {  	_ = 	snop  }
0x104: {  	_ =	swait.ge [sflag:s9], $0x2000  }
0x105: {  	s19 =	sshra.s32 s19, $0x2;
	[sflag:s9] =	ssyncset.done $0x0  }
0x106: {  	s20 =	sadd.s32 $0x15480, s19;
	[sflag:s9] =	ssyncadd.s32 $0xFFFFE000  }
0x107: {  	[tilespmem:s3], [sflag:$0x2] =	stream.indirect.gather [spmem:s0], $0x40, s20, s8, $0xb8;
	[tilespmem:$0x1E900] =	vst v63  }
0x108: {  	s20 =	sadd.s32 $0x14000, s19  }
0x109: {  	[spmem:s16] =	stream.indirect.scatter.add.f32 [tilespmem:s5], [sflag:$0x3], $0x40, s20, s8, $0xb8;
	[tilespmem:$0x1E900] =	vst v63  }
0x10a: {  	_ =	swait.ge [sflag:s4], $0x2000  }
0x10b: {  	[sflag:s4] =	ssyncset.done $0x0  }
0x10c: {  	[sflag:s4] =	ssyncadd.s32 $0xFFFFE000  }
0x10d: {  	_ =	swait.ge [sflag:s10], $0x2000  }
0x10e: {  	[sflag:s10] =	ssyncset.done $0x0  }
0x10f: {  	s20 =	sadd.s32 $0x15500, s19;
	[sflag:s10] =	ssyncadd.s32 $0xFFFFE000  }
0x110: {  	[tilespmem:s5], [sflag:$0x1] =	stream.indirect.gather [spmem:s0], $0x40, s20, s8, $0xb8;
	[tilespmem:$0x1E900] =	vst v63  }
.Ltmp2:
0x111: {  	_ = 	snop;
	(pc) =	sbr.rel @p0 .LBB2_6-.Ltmp2, $4  }
0x112: {  	s19 =	sadd.s32 $0x14080, s19  }
0x113: {  	[spmem:s16] =	stream.indirect.scatter.add.f32 [tilespmem:s3], [sflag:$0x3], $0x40, s19, s8, $0xb8;
	[tilespmem:$0x1E900] =	vst v63  }
0x114: {  	_ =	swait.ge [sflag:s4], $0x2000  }
0x115: {  	[sflag:s4] =	ssyncset.done $0x0  }
0x116: {  	[sflag:s4] =	ssyncadd.s32 $0xFFFFE000  }
0x117: {  	_ =	swait.ge [sflag:s9], $0x2000  }
0x118: {  	[sflag:s9] =	ssyncset.done $0x0  }
0x119: {  	[sflag:s9] =	ssyncadd.s32 $0xFFFFE000  }
0x11a: {  	[tilespmem:s3], [sflag:$0x2] =	stream.indirect.gather [spmem:s0], $0x40, s11, s8, $0xb8;
	[tilespmem:$0x1E900] =	vst v63  }
0x11b: {  	_ = 	snop  }
0x11c: {  	[spmem:s16] =	stream.indirect.scatter.add.f32 [tilespmem:s5], [sflag:$0x3], $0x40, s12, s8, $0xb8;
	[tilespmem:$0x1E900] =	vst v63  }
0x11d: {  	_ =	swait.ge [sflag:s4], $0x2000  }
0x11e: {  	[sflag:s4] =	ssyncset.done $0x0  }
0x11f: {  	[sflag:s4] =	ssyncadd.s32 $0xFFFFE000  }
0x120: {  	_ =	swait.ge [sflag:s10], $0x2000  }
0x121: {  	[sflag:s10] =	ssyncset.done $0x0  }
0x122: {  	[sflag:s10] =	ssyncadd.s32 $0xFFFFE000  }
0x123: {  	[spmem:s16] =	stream.indirect.scatter.add.f32 [tilespmem:s3], [sflag:$0x3], $0x40, s13, s8, $0xb8;
	[tilespmem:$0x1E900] =	vst v63  }
0x124: {  	_ =	swait.ge [sflag:s4], $0x2000  }
0x125: {  	[sflag:s4] =	ssyncset.done $0x0  }
0x126: {  	s18 =	simm.s32 $0x0;
	s19 =	rddreg [dreg:$0x10];
	[sflag:s4] =	ssyncadd.s32 $0xFFFFE000  }
0x127: {  	[tilespmem:s6], [sflag:$0x3] =	stream.linear.gather [hbm4b:s19+s18], $0x1400, $0x38;
	[tilespmem:$0x1E900] =	vst v63  }
0x128: {  	_ =	swait.ge [sflag:s4], $0x1400  }
0x129: {  	[sflag:s4] =	ssyncset.done $0x0  }
0x12a: {  	s20 =	rddreg [dreg:$0x11];
	[sflag:s4] =	ssyncadd.s32 $0xFFFFEC00  }
0x12b: {  	[tilespmem:s7], [sflag:$0x3] =	stream.linear.gather [hbm4b:s20+s18], $0x1400, $0x38;
	[tilespmem:$0x1E900] =	vst v63  }
0x12c: {  	_ =	swait.ge [sflag:s4], $0x1400  }
0x12d: {  	[sflag:s4] =	ssyncset.done $0x0  }
0x12e: {  	[sflag:s4] =	ssyncadd.s32 $0xFFFFEC00  }
0x12f: {  	[tilespmem:s5], [sflag:$0x1] =	stream.indirect.gather [spmem:s0], $0x40, s7, s8, $0xb8;
	[tilespmem:$0x1E900] =	vst v63  }
0x130: {  	_ =	swait.ge [sflag:s9], $0x2000  }
0x131: {  	[sflag:s9] =	ssyncset.done $0x0  }
0x132: {  	s19 =	simm.s32 $0x15480;
	[sflag:s9] =	ssyncadd.s32 $0xFFFFE000  }
0x133: {  	[tilespmem:s3], [sflag:$0x2] =	stream.indirect.gather [spmem:s0], $0x40, s19, s8, $0xb8;
	[tilespmem:$0x1E900] =	vst v63  }
0x134: {  	s20 =	simm.s32 $0x14000  }
0x135: {  	[spmem:s16] =	stream.indirect.scatter.add.f32 [tilespmem:s5], [sflag:$0x3], $0x40, s20, s8, $0xb8;
	[tilespmem:$0x1E900] =	vst v63  }
0x136: {  	_ =	swait.ge [sflag:s4], $0x2000  }
0x137: {  	[sflag:s4] =	ssyncset.done $0x0  }
0x138: {  	[sflag:s4] =	ssyncadd.s32 $0xFFFFE000  }
0x139: {  	_ =	swait.ge [sflag:s10], $0x2000  }
0x13a: {  	[sflag:s10] =	ssyncset.done $0x0  }
0x13b: {  	s19 =	simm.s32 $0x15500;
	[sflag:s10] =	ssyncadd.s32 $0xFFFFE000  }
0x13c: {  	[tilespmem:s5], [sflag:$0x1] =	stream.indirect.gather [spmem:s0], $0x40, s19, s8, $0xb8;
	[tilespmem:$0x1E900] =	vst v63  }
0x13d: {  	s20 =	simm.s32 $0x14080  }
0x13e: {  	[spmem:s16] =	stream.indirect.scatter.add.f32 [tilespmem:s3], [sflag:$0x3], $0x40, s20, s8, $0xb8;
	[tilespmem:$0x1E900] =	vst v63  }
0x13f: {  	_ =	swait.ge [sflag:s4], $0x2000  }
0x140: {  	s18 =	simm.s32 $0x400;
	[sflag:s4] =	ssyncset.done $0x0  }
.LBB2_8:
0x141: {  	p0 =	sne.s32 s18, $0x4800  }
0x142: {  	[sflag:s4] =	ssyncadd.s32 $0xFFFFE000;
	s19 =	smov.u32 s18;
	s18 =	sadd.s32 $0x400, s18  }
0x143: {  	_ = 	snop  }
0x144: {  	_ =	swait.ge [sflag:s9], $0x2000  }
0x145: {  	s19 =	sshra.s32 s19, $0x2;
	[sflag:s9] =	ssyncset.done $0x0  }
0x146: {  	s20 =	sadd.s32 $0x15480, s19;
	[sflag:s9] =	ssyncadd.s32 $0xFFFFE000  }
0x147: {  	[tilespmem:s3], [sflag:$0x2] =	stream.indirect.gather [spmem:s0], $0x40, s20, s8, $0xb8;
	[tilespmem:$0x1E900] =	vst v63  }
0x148: {  	s20 =	sadd.s32 $0x14000, s19  }
0x149: {  	[spmem:s16] =	stream.indirect.scatter.add.f32 [tilespmem:s5], [sflag:$0x3], $0x40, s20, s8, $0xb8;
	[tilespmem:$0x1E900] =	vst v63  }
0x14a: {  	_ =	swait.ge [sflag:s4], $0x2000  }
0x14b: {  	[sflag:s4] =	ssyncset.done $0x0  }
0x14c: {  	[sflag:s4] =	ssyncadd.s32 $0xFFFFE000  }
0x14d: {  	_ =	swait.ge [sflag:s10], $0x2000  }
0x14e: {  	[sflag:s10] =	ssyncset.done $0x0  }
0x14f: {  	s20 =	sadd.s32 $0x15500, s19;
	[sflag:s10] =	ssyncadd.s32 $0xFFFFE000  }
0x150: {  	[tilespmem:s5], [sflag:$0x1] =	stream.indirect.gather [spmem:s0], $0x40, s20, s8, $0xb8;
	[tilespmem:$0x1E900] =	vst v63  }
.Ltmp3:
0x151: {  	_ = 	snop;
	(pc) =	sbr.rel @p0 .LBB2_8-.Ltmp3, $4  }
0x152: {  	s19 =	sadd.s32 $0x14080, s19  }
0x153: {  	[spmem:s16] =	stream.indirect.scatter.add.f32 [tilespmem:s3], [sflag:$0x3], $0x40, s19, s8, $0xb8;
	[tilespmem:$0x1E900] =	vst v63  }
0x154: {  	_ =	swait.ge [sflag:s4], $0x2000  }
0x155: {  	[sflag:s4] =	ssyncset.done $0x0  }
0x156: {  	[sflag:s4] =	ssyncadd.s32 $0xFFFFE000  }
0x157: {  	_ =	swait.ge [sflag:s9], $0x2000  }
0x158: {  	[sflag:s9] =	ssyncset.done $0x0  }
0x159: {  	[sflag:s9] =	ssyncadd.s32 $0xFFFFE000  }
0x15a: {  	[tilespmem:s3], [sflag:$0x2] =	stream.indirect.gather [spmem:s0], $0x40, s11, s8, $0xb8;
	[tilespmem:$0x1E900] =	vst v63  }
0x15b: {  	_ = 	snop  }
0x15c: {  	[spmem:s16] =	stream.indirect.scatter.add.f32 [tilespmem:s5], [sflag:$0x3], $0x40, s12, s8, $0xb8;
	[tilespmem:$0x1E900] =	vst v63  }
0x15d: {  	_ =	swait.ge [sflag:s4], $0x2000  }
0x15e: {  	[sflag:s4] =	ssyncset.done $0x0  }
0x15f: {  	[sflag:s4] =	ssyncadd.s32 $0xFFFFE000  }
0x160: {  	_ =	swait.ge [sflag:s10], $0x2000  }
0x161: {  	[sflag:s10] =	ssyncset.done $0x0  }
0x162: {  	[sflag:s10] =	ssyncadd.s32 $0xFFFFE000  }
0x163: {  	[spmem:s16] =	stream.indirect.scatter.add.f32 [tilespmem:s3], [sflag:$0x3], $0x40, s13, s8, $0xb8;
	[tilespmem:$0x1E900] =	vst v63  }
0x164: {  	_ =	swait.ge [sflag:s4], $0x2000  }
0x165: {  	[sflag:s4] =	ssyncset.done $0x0  }
0x166: {  	[sflag:s4] =	ssyncadd.s32 $0xFFFFE000  }
0x167: {  	[bflag:$0x0] =	sbarrier.arrive $0xFFFF  }
0x168: {  	s18 =	rddreg [dreg:$0x12]  }
0x169: {  	[tilespmem:s15], [sflag:$0x3] =	stream.linear.gather [hbm4b:s18+s1], $0x100, $0x38;
	[tilespmem:$0x1E900] =	vst v63  }
0x16a: {  	_ =	swait.ge [sflag:s4], $0x100  }
0x16b: {  	[sflag:s4] =	ssyncset.done $0x0  }
0x16c: {  	[sflag:s4] =	ssyncadd.s32 $0xFFFFFF00  }
0x16d: {  	[tilespmem:s5], [sflag:$0x1] =	stream.indirect.gather [spmem:s16], $0x40, s15, s8, $0xb8;
	[tilespmem:$0x1E900] =	vst v63  }
0x16e: {  	_ =	swait.ge [sflag:s9], $0x2000  }
0x16f: {  	[sflag:s9] =	ssyncset.done $0x0  }
0x170: {  	[sflag:s9] =	ssyncadd.s32 $0xFFFFE000  }
0x171: {  	[hbm4b:s31+s1] =	stream.linear.scatter [tilespmem:s5], [sflag:$0x3], $0x4000, $0x38;
	[tilespmem:$0x1E900] =	vst v63  }
0x172: {  	_ =	swait.ge [sflag:s4], $0x4000  }
0x173: {  	[sflag:s4] =	ssyncset.done $0x0  }
0x174: {  	s20 =	simm.s32 $0x1E880;
	[sflag:s4] =	ssyncadd.s32 $0xFFFFC000  }
0x175: {  	[tilespmem:s5], [sflag:$0x1] =	stream.indirect.gather [spmem:s16], $0x40, s20, s8, $0xb8;
	[tilespmem:$0x1E900] =	vst v63  }
0x176: {  	s17 =	sadd.s32 $0x1, s17;
	_ =	swait.ge [sflag:s9], $0x2000  }
0x177: {  	p0 =	sne.s32 s17, s2;
	[sflag:s9] =	ssyncset.done $0x0  }
.Ltmp4:
0x178: {  	[sflag:s9] =	ssyncadd.s32 $0xFFFFE000;
	(pc) =	sbr.rel @p0 .LBB2_1-.Ltmp4, $4  }
0x179: {  	[hbm4b:s14+s1] =	stream.linear.scatter [tilespmem:s5], [sflag:$0x3], $0x4000, $0x38;
	[tilespmem:$0x1E900] =	vst v63  }
0x17a: {  	_ =	swait.ge [sflag:s4], $0x4000  }
0x17b: {  	[sflag:s4] =	ssyncset.done $0x0  }
0x17c: {  	[sflag:s4] =	ssyncadd.s32 $0xFFFFC000  }
0x17d: {  	_ =	sfence.sel $0x180000  }
0x17e: {  	[bflag:$0x0] =	sbarrier.arrive $0xFFFF  }
0x17f: {  	_ =	strace $0x9000004D  }
0x180: {  	s0 =	stileid.u32;
	[bflag:$0x2] =	sbarrier.arrive $0xFFFF  }
0x181: {  	p0 =	sne.s32 s0, $0x0;
	s0 =	rddreg [dreg:$0x4]  }
0x182: {  	s0 =	sadd.s32 @!p0 $0x100000, s0  }
0x183: {  	[sflag:s0] =	ssyncadd.tile.s32 @!p0 $0x1;
	_ =	shalt  }
.Lfunc_end2:
_tile_overlayer_lowered:
.L_overlay_start_2:
0x184: {  	(tag) =	ssettag $0x2  }
0x185: {  	s0 =	rddreg [dreg:$0x0];
	s2 =	stileid.u32  }
0x186: {  	s1 =	rddreg [dreg:$0x1];
	p0 =	sne.s32 s2, $0x0  }
0x187: {  	s3 =	rddreg [dreg:$0x2];
	[bflag:$0x3] =	sbarrier.arrive $0xFFFF;
	s2 =	simm.s32 @!p0 $0x1C03  }
0x188: {  	[timem:s3], [sflag:s2] =	dma.local @!p0 [hbm:s0], s1  }
0x189: {  	s0 =	simm.s32 @!p0 $0x3  }
0x18a: {  	_ =	swait.ge @!p0 [sflag:s0], s1  }
0x18b: {  	s1 =	ssub.s32 @!p0 $0x0, s1;
	[sflag:s0] =	ssyncset.done @!p0 $0x0  }
0x18c: {  	[sflag:s0] =	ssyncadd.s32 @!p0 s1  }
0x18d: {  	[bflag:$0x3] =	sbarrier.arrive $0xFFFF  }
0x18e: {  	_ =	shalt  }

// kernel: kernel.8.cloned.1.call-start
scs
__scs_entry_jumppad:
0x0: {  	(pc) =	sbr.rel $0x88, $3  }
0x1: {  	(tag) =	ssettag $0x0;
	lr =	simm.s32 $0x1  }
0x2: {  	[smem:$0x3F95] =	sst lr;
	_ =	strace $0xD0000000  }
0x3: {  	_ = 	snop  }
0x4: {  	_ = 	snop  }
0x5: {  	_ = 	snop  }
0x6: {  	_ = 	snop  }
0x7: {  	_ = 	snop  }
__scs_overlays_trampoline_lowered:
0x8: {  	[smem:$0x3FA4] =	sst s0  }
0x9: {  	[smem:$0x3FA5] =	sst s1  }
0xa: {  	[smem:$0x3FA6] =	sst s2  }
0xb: {  	[smem:$0x3FA7] =	sst s3  }
0xc: {  	[smem:$0x3FA8] =	sst s4  }
0xd: {  	[smem:$0x3FA9] =	sst s5  }
0xe: {  	[smem:$0x3FAA] =	sst s6  }
0xf: {  	[smem:$0x3FAB] =	sst s7  }
0x10: {  	[smem:$0x3FAC] =	sst s8  }
0x11: {  	[smem:$0x3FAD] =	sst s9;
	s0 =	simm.s32 @!p0 $0x0  }
0x12: {  	s1 =	sld [smem:$0x3F93];
	s0 =	simm.s32 @p0 $0x1  }
0x13: {  	[smem:$0x3FAE] =	sst s0;
	s0 =	simm.s32 @!p1 $0x0  }
0x14: {  	s2 =	sld [smem:$0x3F92];
	s0 =	simm.s32 @p1 $0x1  }
0x15: {  	[smem:$0x3FAF] =	sst s0;
	s0 =	simm.s32 @!p2 $0x0  }
0x16: {  	s3 =	sld [smem:$0x3FDB];
	s0 =	simm.s32 @p2 $0x1  }
0x17: {  	s4 =	simm.s32 $0x1BF5;
	[smem:$0x3FB1] =	sst s0  }
0x18: {  	s0 =	sld [smem:$0x3F94];
	_ =	swait.ge [sflag:s4], $0x0  }
0x19: {  	s7 =	sld [smem:$0x3F95]  }
0x1a: {  	s8 =	sadd.s32 $0xFFFFE003, lr  }
0x1b: {  	s9 =	sadd.s32 $0xFFFFFEF7, lr;
	s5 =	simm.s32 $0xFFFFFFFF;
	p2 =	slt.u32 s8, $0xFFFFF086  }
0x1c: {  	p1 =	slt.u32 s9, $0xF7A;
	s5 =	simm.s32 @!p2 $0x0  }
0x1d: {  	s5 =	simm.s32 @p1 $0x1;
	p0 =	seq.s32 s7, s2  }
0x1e: {  	s7 =	smul.u32 @!p0 $0xF7A, s2;
	p2 =	seq.s32 @!p0 s5, $0x0  }
0x1f: {  	s9 =	smul.u32 $0xF7A, s1;
	s8 =	simm.s32 @!p0 $0x1BF5;
	p2 =	por !p2, p0  }
0x20: {  	[sflag:s8] =	ssyncset.s32 @!p0 $0xFFFFF086;
	s6 =	sadd.s32 @!p0 s3, s7;
	s7 =	simm.s32 @!p0 $0x108  }
0x21: {  	s3 =	sadd.s32 s3, s9;
	s6 =	sadd.s32 @!p0 $0x88, s6;
	s7 =	simm.s32 @p2 $0x1082  }
0x22: {  	[simem:s7], [sflag:s8] =	dma.local @!p0 [hbm:s6], $0xF7A  }
0x23: {  	s9 =	sor.u32 $0xD0000000, s2;
	s6 =	simm.s32 $0x108;
	_ =	swait.ge @!p0 [sflag:s8], $0x0  }
0x24: {  	s3 =	sadd.s32 $0x88, s3;
	s6 =	simm.s32 @!p1 $0x1082;
	[sflag:s4] =	ssyncset.s32 $0xFFFFF086  }
0x25: {  	[simem:s6], [sflag:s4] =	dma.local [hbm:s3], $0xF7A  }
0x26: {  	[smem:$0x3F95] =	sst s1;
	(tag) =	ssettag s2;
	_ =	strace s9  }
0x27: {  	s1 =	sld [smem:$0x3FA5]  }
0x28: {  	s2 =	sld [smem:$0x3FA6]  }
0x29: {  	s4 =	sld [smem:$0x3FA8]  }
0x2a: {  	p0 =	seq.s32 s5, $0x0;
	s5 =	sld [smem:$0x3FA9]  }
0x2b: {  	s6 =	sld [smem:$0x3FAA]  }
0x2c: {  	s7 =	sld [smem:$0x3FAB]  }
0x2d: {  	s3 =	simm.s32 $0x108;
	s8 =	sld [smem:$0x3FAC]  }
0x2e: {  	s3 =	simm.s32 @!p0 $0x1082;
	s9 =	sld [smem:$0x3FAD]  }
0x2f: {  	lr =	sadd.s32 s0, s3;
	s0 =	sld [smem:$0x3FA4]  }
0x30: {  	s3 =	sld [smem:$0x3FA7]  }
0x31: {  	[smem:$0x3FB0] =	sst s10  }
0x32: {  	s10 =	sld [smem:$0x3FAE];
	_ =	sdelay $0x3  }
0x33: {  	p0 =	seq.s32 s10, $0x1;
	s10 =	sld [smem:$0x3FB0];
	_ =	sdelay $0x3  }
0x34: {  	[smem:$0x3FB0] =	sst s10  }
0x35: {  	s10 =	sld [smem:$0x3FAF];
	_ =	sdelay $0x3  }
0x36: {  	p1 =	seq.s32 s10, $0x1;
	s10 =	sld [smem:$0x3FB0];
	_ =	sdelay $0x3  }
0x37: {  	[smem:$0x3FB0] =	sst s10  }
0x38: {  	s10 =	sld [smem:$0x3FB1]  }
0x39: {  	_ = 	snop;
	(pc) =	sbr.ind lr, $3  }
0x3a: {  	_ = 	snop  }
0x3b: {  	_ = 	snop  }
0x3c: {  	p2 =	seq.s32 s10, $0x1;
	s10 =	sld [smem:$0x3FB0]  }
0x3d: {  	_ =	shalt  }
0x3e: {  	_ =	shalt  }
0x3f: {  	_ =	shalt  }
0x40: {  	_ =	shalt  }
0x41: {  	_ =	shalt  }
0x42: {  	_ =	shalt  }
0x43: {  	_ =	shalt  }
0x44: {  	_ =	shalt  }
0x45: {  	_ =	shalt  }
0x46: {  	_ =	shalt  }
0x47: {  	_ =	shalt  }
0x48: {  	_ =	shalt  }
0x49: {  	_ =	shalt  }
0x4a: {  	_ =	shalt  }
0x4b: {  	_ =	shalt  }
0x4c: {  	_ =	shalt  }
0x4d: {  	_ =	shalt  }
0x4e: {  	_ =	shalt  }
0x4f: {  	_ =	shalt  }
0x50: {  	_ =	shalt  }
0x51: {  	_ =	shalt  }
0x52: {  	_ =	shalt  }
0x53: {  	_ =	shalt  }
0x54: {  	_ =	shalt  }
0x55: {  	_ =	shalt  }
0x56: {  	_ =	shalt  }
0x57: {  	_ =	shalt  }
0x58: {  	_ =	shalt  }
0x59: {  	_ =	shalt  }
0x5a: {  	_ =	shalt  }
0x5b: {  	_ =	shalt  }
0x5c: {  	_ =	shalt  }
0x5d: {  	_ =	shalt  }
0x5e: {  	_ =	shalt  }
0x5f: {  	_ =	shalt  }
0x60: {  	_ =	shalt  }
0x61: {  	_ =	shalt  }
0x62: {  	_ =	shalt  }
0x63: {  	_ =	shalt  }
0x64: {  	_ =	shalt  }
0x65: {  	_ =	shalt  }
0x66: {  	_ =	shalt  }
0x67: {  	_ =	shalt  }
0x68: {  	_ =	shalt  }
0x69: {  	_ =	shalt  }
0x6a: {  	_ =	shalt  }
0x6b: {  	_ =	shalt  }
0x6c: {  	_ =	shalt  }
0x6d: {  	_ =	shalt  }
0x6e: {  	_ =	shalt  }
0x6f: {  	_ =	shalt  }
0x70: {  	_ =	shalt  }
0x71: {  	_ =	shalt  }
0x72: {  	_ =	shalt  }
0x73: {  	_ =	shalt  }
0x74: {  	_ =	shalt  }
0x75: {  	_ =	shalt  }
0x76: {  	_ =	shalt  }
0x77: {  	_ =	shalt  }
0x78: {  	_ =	shalt  }
0x79: {  	_ =	shalt  }
0x7a: {  	_ =	shalt  }
0x7b: {  	_ =	shalt  }
0x7c: {  	_ =	shalt  }
0x7d: {  	_ =	shalt  }
0x7e: {  	_ =	shalt  }
0x7f: {  	_ =	shalt  }
0x80: {  	_ =	shalt  }
0x81: {  	_ =	shalt  }
0x82: {  	_ =	shalt  }
0x83: {  	_ =	shalt  }
0x84: {  	_ =	shalt  }
0x85: {  	_ =	shalt  }
0x86: {  	_ =	shalt  }
0x87: {  	_ =	shalt  }
.Lfunc_end0:
.L_simem_size_0:
called_computation_lowered:
.L_overlay_start_0:
0x88: {  	s2 =	sld [smem:$0x3FD9]  }
0x89: {  	s3 =	sld [smem:$0x3FFE];
	_ =	sdelay $0x1  }
0x8a: {  	s1 =	srdreg.scid  }
0x8b: {  	s0 =	sand.u32 $0x1, s1  }
0x8c: {  	s17 =	sshll.u32 s0, $0xA;
	s2 =	sadd.s32 s3, s2  }
0x8d: {  	s2 =	sadd.s32 s2, s17  }
0x8e: {  	[smem:$0x3FBC] =	sst s2  }
0x8f: {  	_ = 	snop  }
0x90: {  	s2 =	sld [smem:$0x3FC8];
	(tm) =	ssettm $0x1  }
0x91: {  	s18 =	sld [smem:$0x3FFB];
	_ =	sdelay $0x3  }
0x92: {  	_ =	strace s18  }
0x93: {  	s3 =	sld [smem:$0x3FFC];
	_ =	sdelay $0x3  }
0x94: {  	_ =	strace s3  }
0x95: {  	s3 =	sld [smem:$0x3FFD];
	_ =	sdelay $0x3  }
0x96: {  	_ =	strace s3  }
0x97: {  	_ =	strace $0x8FFFFFFF  }
0x98: {  	s19 =	sld [smem:$0x3FDB];
	_ =	sdelay $0x1  }
0x99: {  	s4 =	simm.s32 $_scs_section_size  }
0x9a: {  	s5 =	simm.s32 $_size__tile_overlayer_lowered;
	s6 =	simm.s32 $_tile_overlayer_lowered  }
0x9b: {  	s22 =	simm.s32 $0x1BFF;
	s21 =	sshll.u32 s6, $0x1;
	s3 =	sadd.s32 s4, s19  }
0x9c: {  	s7 =	simm.s32 $0x0;
	s20 =	sshll.u32 s5, $0x1;
	s5 =	sadd.s32 s21, s3  }
0x9d: {  	[timem:s7], [sflag:s22] =	dma.local [hbm:s5], s20  }
0x9e: {  	_ =	swait.ge [sflag:s22], s20  }
0x9f: {  	s4 =	ssub.s32 $0x0, s20;
	[sflag:s22] =	ssyncset.done $0x0  }
0xa0: {  	[sflag:s22] =	ssyncadd.s32 s4;
	_ =	sdelay $0x1  }
0xa1: {  	s23 =	simm.s32 $0x1B8B  }
0xa2: {  	_ =	swait.ge [sflag:s23], $0x1  }
0xa3: {  	[sflag:s23] =	ssyncset.done $0x0  }
0xa4: {  	s25 =	simm.s32 $0x1B8E;
	s24 =	sld [smem:$0x3FFE];
	[sflag:s23] =	ssyncadd.s32 $0xFFFFFFFF  }
0xa5: {  	s26 =	simm.s32 $execute0_lowered;
	[smem:$0x3FD2] =	sst s25  }
0xa6: {  	s5 =	sshll.u32 s26, $0x1;
	_ =	strace $0x80000046;
	[dreg:$0x1] =	wrdreg $0xFFFFFFFF  }
0xa7: {  	s28 =	simm.s32 $_size_execute0_lowered;
	s3 =	sadd.s32 s3, s5;
	[dreg:$0x0] =	wrdreg $0x0  }
0xa8: {  	s5 =	sshll.u32 s28, $0x1;
	[dreg:$0x2] =	wrdreg s3  }
0xa9: {  	[dreg:$0x3] =	wrdreg s5  }
0xaa: {  	[dreg:$0x4] =	wrdreg $0xC0  }
0xab: {  	_ =	task [dreg:s7], $0x5FFFF  }
0xac: {  	[dreg:$0x1] =	wrdreg $0xFFFFFFFF  }
0xad: {  	[dreg:$0x0] =	wrdreg $0x60  }
0xae: {  	[dreg:$0x2] =	wrdreg s24  }
0xaf: {  	[dreg:$0x3] =	wrdreg s2  }
0xb0: {  	[dreg:$0x4] =	wrdreg $0x0  }
0xb1: {  	[dreg:$0x5] =	wrdreg $0x9  }
0xb2: {  	_ =	task.clear_ibuf [dreg:s7], $0x6FFFF;
	_ =	strace $0x90000046  }
0xb3: {  	s29 =	simm.s32 $0x9;
	_ =	strace $0x80000048  }
0xb4: {  	_ =	swait.ge [sflag:s29], $0x1  }
0xb5: {  	[sflag:s29] =	ssyncadd.s32 $0xFFFFFFFF  }
0xb6: {  	_ =	strace $0x90000048  }
0xb7: {  	_ =	sfence  }
0xb8: {  	s30 =	sld [smem:$0x0];
	_ =	sdelay $0x2  }
0xb9: {  	s31 =	sshll.u32 s1, $0xD;
	s1 =	sshrl.u32 s1, $0x2  }
0xba: {  	s3 =	sand.u32 $0x4000, s31;
	s1 =	sadd.s32 s1, s30  }
0xbb: {  	s0 =	sor.u32 s3, s0;
	s1 =	sshll.u32 s1, $0x11  }
0xbc: {  	s0 =	sor.u32 s1, s0  }
0xbd: {  	s0 =	sadd.s32 $0x8F2B, s0  }
0xbe: {  	[sflag:s0] =	ssyncadd.remote.s32 $0x1  }
0xbf: {  	_ =	sfence.sel $0xFFFF  }
0xc0: {  	[dreg:$0x0] =	wrdreg $0xFFFFFFFF;
	(pc) =	sbr.abs _section_cstart, $3  }
0xc1: {  	[dreg:$0x1] =	wrdreg $0xFFFFFFFF  }
0xc2: {  	_ =	task.clear_ibuf [dreg:s7], $0x2FFFF;
	_ =	strace $0x9FFFFFFF  }
0xc3: {  	(tm) =	ssettm $0x7FFFFFFF  }
tec
execute0_lowered:
.L_overlay_start_1:
0x0: {  	(tag) =	ssettag $0x1  }
0x1: {  	s6 =	rddreg [dreg:$0x0]  }
0x2: {  	s1 =	srdreg.scid;
	s9 =	rddreg [dreg:$0x1]  }
0x3: {  	s0 =	stileid.u32;
	s2 =	rddreg [dreg:$0x2];
	s3 =	simm.s32 $0x0  }
0x4: {  	s14 =	simm.s32 $0x2;
	s15 =	simm.s32 $0x5000;
	s16 =	simm.s32 $0x2800  }
0x5: {  	s17 =	simm.s32 $0x80;
	s18 =	simm.s32 $0x1D000;
	s4 =	smul.u32 $0x5000, s0  }
0x6: {  	s19 =	simm.s32 $0x1;
	s20 =	simm.s32 $0x1D080;
	s26 =	smul.u32 $0x14000, s0  }
0x7: {  	s7 =	sand.u32 $0x1, s1;
	s1 =	rddreg [dreg:$0x3];
	s13 =	smul.u32 $0x50000, s0  }
0x8: {  	s21 =	simm.s32 $0x0;
	[smem:$0x7FF] =	sst s3;
	s5 =	smul.u32 $0x2800, s7  }
0x9: {  	s12 =	sshll.u32 s0, $0xC;
	s31 =	sshll.u32 s0, $0x5;
	s8 =	smul.u32 $0x140000, s7  }
0xa: {  	_ =	strace $0x80000047;
	s11 =	sshll.u32 s7, $0x10;
	s7 =	ssub.s32 $0x2, s7  }
0xb: {  	s9 =	sadd.s32 s9, s31;
	s11 =	sor.u32 s12, s11;
	s28 =	sshrl.u32 s7, $0x1  }
0xc: {  	s29 =	sshrl.u32 s13, $0x2;
	s13 =	simm.s32 $0x9000;
	s4 =	sadd.s32 s5, s4  }
0xd: {  	s8 =	sadd.s32 s26, s8;
	s5 =	sadd.s32 $0xF600, s6;
	s11 =	sadd.s32 s11, s6  }
0xe: {  	s30 =	ssub.s32 s7, s28;
	s4 =	sshrl.u32 s4, $0x3;
	s8 =	sshrl.u32 s8, $0x3  }
0xf: {  	s12 =	smax.u32 s30, $0x1;
	s10 =	sadd.s32 s4, s6;
	s4 =	sadd.s32 $0xCE00, s6  }
0x10: {  	s8 =	sadd.s32 s8, s6;
	s6 =	sadd.s32 s29, s2;
	s7 =	sadd.s32 $0x2E00, s10  }
0x11: {  	s8 =	sadd.s32 $0xFE00, s8;
	s10 =	sadd.s32 $0x5FE00, s11;
	s11 =	sadd.s32 $0x60600, s11  }
.LBB2_1:
0x12: {  	[tilespmem:s13], [sflag:$0x2] =	stream.linear.gather [hbm4b:s4+s3], $0x14000, $0x38;
	[tilespmem:$0x1D100] =	vst v63  }
0x13: {  	_ =	swait.ge [sflag:s14], $0x14000  }
0x14: {  	[sflag:s14] =	ssyncset.done $0x0  }
0x15: {  	[sflag:s14] =	ssyncadd.s32 $0xFFFEC000  }
0x16: {  	[spmem:s6] =	stream.linear.scatter [tilespmem:s13], [sflag:$0x2], $0x14000, $0x38;
	[tilespmem:$0x1D100] =	vst v63  }
0x17: {  	_ =	swait.ge [sflag:s14], $0x14000  }
0x18: {  	[sflag:s14] =	ssyncset.done $0x0  }
0x19: {  	[sflag:s14] =	ssyncadd.s32 $0xFFFEC000  }
0x1a: {  	[tilespmem:s15], [sflag:$0x2] =	stream.linear.gather [hbm4b:s5+s3], $0x4000, $0x38;
	[tilespmem:$0x1D100] =	vst v63  }
0x1b: {  	_ =	swait.ge [sflag:s14], $0x4000  }
0x1c: {  	[sflag:s14] =	ssyncset.done $0x0  }
0x1d: {  	[sflag:s14] =	ssyncadd.s32 $0xFFFFC000  }
0x1e: {  	[tilespmem:s16], [sflag:$0x2] =	stream.linear.gather [hbm4b:s7+s3], $0x2800, $0x38;
	[tilespmem:$0x1D100] =	vst v63  }
0x1f: {  	_ =	swait.ge [sflag:s14], $0x2800  }
0x20: {  	[sflag:s14] =	ssyncset.done $0x0  }
0x21: {  	[sflag:s14] =	ssyncadd.s32 $0xFFFFD800  }
0x22: {  	s22 =	simm.s32 $0x2800;
	[bflag:$0x0] =	sbarrier.arrive $0xFFFF  }
0x23: {  	[spmem:s2] =	stream.indirect.scatter.add.f32 [tilespmem:s15], [sflag:$0x2], $0x10, s22, s17, $0xb8;
	[tilespmem:$0x1D100] =	vst v63  }
0x24: {  	s22 =	simm.s32 $0x200;
	_ =	swait.ge [sflag:s14], $0x800  }
.LBB2_2:
0x25: {  	s23 =	sshra.s32 s22, $0x2;
	[sflag:s14] =	ssyncset.done $0x0;
	p0 =	sne.s32 s22, $0x9E00  }
.Ltmp0:
0x26: {  	s23 =	sadd.s32 $0x2800, s23;
	[sflag:s14] =	ssyncadd.s32 $0xFFFFF800;
	(pc) =	sbr.rel @p0 .LBB2_2-.Ltmp0, $3  }
0x27: {  	[spmem:s2] =	stream.indirect.scatter.add.f32 [tilespmem:s15], [sflag:$0x2], $0x10, s23, s17, $0xb8;
	[tilespmem:$0x1D100] =	vst v63  }
0x28: {  	s22 =	sadd.s32 $0x200, s22;
	_ =	sdelay $0x1  }
0x29: {  	_ =	swait.ge [sflag:s14], $0x800  }
0x2a: {  	[sflag:s14] =	ssyncset.done $0x0  }
0x2b: {  	[sflag:s14] =	ssyncadd.s32 $0xFFFFF800  }
0x2c: {  	[bflag:$0x0] =	sbarrier.arrive $0xFFFF  }
0x2d: {  	[tilespmem:s13], [sflag:$0x2] =	stream.linear.gather [spmem:s6], $0x14000, $0x38;
	[tilespmem:$0x1D100] =	vst v63  }
0x2e: {  	_ =	swait.ge [sflag:s14], $0x14000  }
0x2f: {  	[sflag:s14] =	ssyncset.done $0x0  }
0x30: {  	[sflag:s14] =	ssyncadd.s32 $0xFFFEC000  }
0x31: {  	[hbm4b:s8+s3] =	stream.linear.scatter [tilespmem:s13], [sflag:$0x2], $0x14000, $0x38;
	[tilespmem:$0x1D100] =	vst v63  }
0x32: {  	_ =	swait.ge [sflag:s14], $0x14000  }
0x33: {  	[sflag:s14] =	ssyncset.done $0x0  }
0x34: {  	[sflag:s14] =	ssyncadd.s32 $0xFFFEC000  }
0x35: {  	[tilespmem:s18], [sflag:$0x2] =	stream.linear.gather [hbm4b:s9+s3], $0x100, $0x38;
	[tilespmem:$0x1D100] =	vst v63  }
0x36: {  	_ =	swait.ge [sflag:s14], $0x100  }
0x37: {  	[sflag:s14] =	ssyncset.done $0x0  }
0x38: {  	[sflag:s14] =	ssyncadd.s32 $0xFFFFFF00  }
0x39: {  	[tilespmem:s15], [sflag:$0x1] =	stream.indirect.gather [spmem:s2], $0x10, s18, s17, $0xb8;
	[tilespmem:$0x1D100] =	vst v63  }
0x3a: {  	_ =	swait.ge [sflag:s19], $0x800  }
0x3b: {  	[sflag:s19] =	ssyncset.done $0x0  }
0x3c: {  	[sflag:s19] =	ssyncadd.s32 $0xFFFFF800  }
0x3d: {  	[hbm4b:s10+s3] =	stream.linear.scatter [tilespmem:s15], [sflag:$0x2], $0x4000, $0x38;
	[tilespmem:$0x1D100] =	vst v63  }
0x3e: {  	_ =	swait.ge [sflag:s14], $0x4000  }
0x3f: {  	[sflag:s14] =	ssyncset.done $0x0  }
0x40: {  	[sflag:s14] =	ssyncadd.s32 $0xFFFFC000  }
0x41: {  	[tilespmem:s15], [sflag:$0x1] =	stream.indirect.gather [spmem:s2], $0x10, s20, s17, $0xb8;
	[tilespmem:$0x1D100] =	vst v63  }
0x42: {  	s21 =	sadd.s32 $0x1, s21;
	_ =	swait.ge [sflag:s19], $0x800  }
0x43: {  	p0 =	sne.s32 s21, s12;
	[sflag:s19] =	ssyncset.done $0x0  }
.Ltmp1:
0x44: {  	[sflag:s19] =	ssyncadd.s32 $0xFFFFF800;
	(pc) =	sbr.rel @p0 .LBB2_1-.Ltmp1, $4  }
0x45: {  	[hbm4b:s11+s3] =	stream.linear.scatter [tilespmem:s15], [sflag:$0x2], $0x4000, $0x38;
	[tilespmem:$0x1D100] =	vst v63  }
0x46: {  	_ =	swait.ge [sflag:s14], $0x4000  }
0x47: {  	[sflag:s14] =	ssyncset.done $0x0  }
0x48: {  	[sflag:s14] =	ssyncadd.s32 $0xFFFFC000  }
0x49: {  	_ =	sfence.sel $0x180000  }
0x4a: {  	[bflag:$0x0] =	sbarrier.arrive $0xFFFF  }
0x4b: {  	p0 =	sne.s32 s0, $0x0;
	_ =	strace $0x90000047  }
0x4c: {  	s0 =	sadd.s32 @!p0 $0x100000, s1;
	[bflag:$0x2] =	sbarrier.arrive $0xFFFF  }
0x4d: {  	[sflag:s0] =	ssyncadd.tile.s32 @!p0 $0x1;
	_ =	shalt  }
.Lfunc_end2:
_tile_overlayer_lowered:
.L_overlay_start_2:
0x4e: {  	(tag) =	ssettag $0x2  }
0x4f: {  	s0 =	rddreg [dreg:$0x0];
	s2 =	stileid.u32  }
0x50: {  	s1 =	rddreg [dreg:$0x1];
	p0 =	sne.s32 s2, $0x0  }
0x51: {  	s3 =	rddreg [dreg:$0x2];
	[bflag:$0x3] =	sbarrier.arrive $0xFFFF;
	s2 =	simm.s32 @!p0 $0x1C02  }
0x52: {  	[timem:s3], [sflag:s2] =	dma.local @!p0 [hbm:s0], s1  }
0x53: {  	s0 =	simm.s32 @!p0 $0x2  }
0x54: {  	_ =	swait.ge @!p0 [sflag:s0], s1  }
0x55: {  	s1 =	ssub.s32 @!p0 $0x0, s1;
	[sflag:s0] =	ssyncset.done @!p0 $0x0  }
0x56: {  	[sflag:s0] =	ssyncadd.s32 @!p0 s1  }
0x57: {  	[bflag:$0x3] =	sbarrier.arrive $0xFFFF  }
0x58: {  	_ =	shalt  }

</sc_bundles>
